<compile_context>
chip_gen: v7x
topology: tpu7x:2x2x1
jax: 0.10.2.dev20260603
libtpu: 0.0.44.dev20260713+nightly
codegen_flags: <defaults>
</compile_context>

<pallas_src>
import functools

import jax
import jax.numpy as jnp
from jax import lax
from jax.experimental import pallas as pl
from jax.experimental.pallas import tpu as pltpu
from jax.experimental.pallas import tpu_sc as plsc

N = 10000
E = 320000
D_IN = 128
D_H = 128
D_OUT = 64

NC = 2
NS = 16
NW = NC * NS
CH = 80

EPTA = E // NW
NCHA = EPTA // CH

EPTD = E // NS
NCHD = EPTD // CH

NP = N
WR = 632
WR_LAST = N - (NS - 1) * WR
DEG_W = 16

_MESH = plsc.VectorSubcoreMesh(
    core_axis_name="c", subcore_axis_name="s", num_cores=NC, num_subcores=NS
)
_PARAMS = pltpu.CompilerParams(use_tc_tiling_on_sc=False)


@functools.partial(
    pl.kernel,
    out_type=(
        jax.ShapeDtypeStruct((N, DEG_W), jnp.float32),
        jax.ShapeDtypeStruct((N, DEG_W), jnp.float32),
    ),
    mesh=_MESH,
    compiler_params=_PARAMS,
    scratch_types=[
        pltpu.VMEM_SHARED((NP, DEG_W), jnp.float32),
        pltpu.VMEM((CH,), jnp.int32),
        pltpu.VMEM((CH,), jnp.int32),
        pltpu.VMEM((CH,), jnp.int32),
        pltpu.VMEM((CH,), jnp.int32),
        pltpu.VMEM((CH, DEG_W), jnp.float32),
        pltpu.SemaphoreType.DMA,
        pltpu.SemaphoreType.DMA,
        pltpu.SemaphoreType.DMA,
        pltpu.SemaphoreType.DMA,
        pltpu.SemaphoreType.DMA,
        pltpu.SemaphoreType.DMA,
        pltpu.SemaphoreType.DMA,
        pltpu.SemaphoreType.DMA,
    ],
)
def _deg_kernel(srcp, dstp, z16, ones, dout, din, acc,
                i0, i1, i2, i3, ones_v,
                semi0, semi1, semi2, semi3, semc0, semc1, semc2, semc3):
    c = lax.axis_index("c")
    s = lax.axis_index("s")
    ebase = s * EPTD
    pltpu.sync_copy(ones, ones_v)

    ibuf = (i0, i1, i2, i3)
    semi = (semi0, semi1, semi2, semi3)
    semc = (semc0, semc1, semc2, semc3)

    @pl.when(s == 0)
    def _():
        pltpu.sync_copy(z16, acc.at[pl.ds(0, N)])

    def run(arr, out):
        def load_idx(j, p):
            pltpu.async_copy(arr.at[pl.ds(ebase + j * CH, CH)], ibuf[p], semi[p])

        def wait_idx(j, p):
            pltpu.make_async_copy(
                arr.at[pl.ds(ebase + j * CH, CH)], ibuf[p], semi[p]
            ).wait()

        def scatter(p):
            pltpu.async_copy(ones_v, acc.at[ibuf[p]], semc[p], add=True)

        def wait_scatter(p):
            pltpu.make_async_copy(ones_v, acc.at[ibuf[p]], semc[p]).wait()

        load_idx(0, 0)
        load_idx(1, 1)
        plsc.subcore_barrier()

        def body(j, _):
            for p in range(4):
                @pl.when(j % 4 == p)
                def _():
                    wait_idx(j, p)
                    scatter(p)

                    @pl.when(j >= 2)
                    def _():
                        wait_scatter((p + 2) % 4)

                    @pl.when(j + 2 < NCHD)
                    def _():
                        load_idx(j + 2, (p + 2) % 4)

            return ()

        lax.fori_loop(0, NCHD, body, ())
        wait_scatter((NCHD - 2) % 4)
        wait_scatter((NCHD - 1) % 4)
        plsc.subcore_barrier()

        @pl.when(s < NS - 1)
        def _():
            sl = pl.ds(s * WR, WR)
            pltpu.sync_copy(acc.at[sl], out.at[sl])

        @pl.when(s == NS - 1)
        def _():
            sl = pl.ds(s * WR, WR_LAST)
            pltpu.sync_copy(acc.at[sl], out.at[sl])

    @pl.when(c == 0)
    def _():
        run(srcp, dout)

    @pl.when(c == 1)
    def _():
        run(dstp, din)


def _make_agg(D):

    @functools.partial(
        pl.kernel,
        out_type=jax.ShapeDtypeStruct((NC, N, D), jnp.float32),
        mesh=_MESH,
        compiler_params=_PARAMS,
        scratch_types=[
            pltpu.VMEM_SHARED((NP, D), jnp.float32),
            [pltpu.VMEM((CH,), jnp.int32)] * 8,
            [pltpu.VMEM((CH,), jnp.int32)] * 8,
            [pltpu.VMEM((CH, D), jnp.float32)] * 4,
            [pltpu.SemaphoreType.DMA] * 8,
            [pltpu.SemaphoreType.DMA] * 4,
            [pltpu.SemaphoreType.DMA] * 4,
        ],
    )
    def agg(h, srcp, dstp, zd, out, acc, isbuf, idbuf, rows, semi, semg, semc):
        c = lax.axis_index("c")
        s = lax.axis_index("s")
        wid = c * NS + s
        ebase = wid * EPTA

        def load_idx(j, p8):
            pltpu.async_copy(srcp.at[pl.ds(ebase + j * CH, CH)], isbuf[p8], semi[p8])
            pltpu.async_copy(dstp.at[pl.ds(ebase + j * CH, CH)], idbuf[p8], semi[p8])

        def wait_idx(j, p8):
            pltpu.make_async_copy(
                srcp.at[pl.ds(ebase + j * CH, CH)], isbuf[p8], semi[p8]
            ).wait()
            pltpu.make_async_copy(
                dstp.at[pl.ds(ebase + j * CH, CH)], idbuf[p8], semi[p8]
            ).wait()

        def gather(p8):
            pltpu.async_copy(h.at[isbuf[p8]], rows[p8 % 4], semg[p8 % 4])

        def wait_gather(p8):
            pltpu.make_async_copy(h.at[isbuf[p8]], rows[p8 % 4], semg[p8 % 4]).wait()

        def scatter(p8):
            pltpu.async_copy(rows[p8 % 4], acc.at[idbuf[p8]], semc[p8 % 4], add=True)

        def wait_scatter(p8):
            pltpu.make_async_copy(rows[p8 % 4], acc.at[idbuf[p8]], semc[p8 % 4]).wait()

        @pl.when(s == 0)
        def _():
            pltpu.sync_copy(zd, acc.at[pl.ds(0, N)])

        for j in range(4):
            load_idx(j, j)
        plsc.subcore_barrier()
        wait_idx(0, 0)
        gather(0)
        wait_idx(1, 1)
        gather(1)

        def body(j, _):
            for p in range(8):
                @pl.when(j % 8 == p)
                def _():
                    wait_gather(p)
                    scatter(p)
                    q = (p + 2) % 8

                    @pl.when(j + 2 < NCHA)
                    def _():
                        @pl.when(j >= 2)
                        def _():
                            wait_scatter((p + 6) % 8)

                        wait_idx(j + 2, q)
                        gather(q)

                    @pl.when(j + 4 < NCHA)
                    def _():
                        load_idx(j + 4, (p + 4) % 8)

            return ()

        lax.fori_loop(0, NCHA, body, ())
        for k in range(NCHA - 4, NCHA):
            wait_scatter(k % 8)
        plsc.subcore_barrier()

        @pl.when(s < NS - 1)
        def _():
            sl = pl.ds(s * WR, WR)
            pltpu.sync_copy(acc.at[sl], out.at[c, sl])

        @pl.when(s == NS - 1)
        def _():
            sl = pl.ds(s * WR, WR_LAST)
            pltpu.sync_copy(acc.at[sl], out.at[c, sl])

    return agg


_agg128 = _make_agg(D_H)
_agg64 = _make_agg(D_OUT)


_BLK = 1000


def _norm_from(dp):
    return lax.rsqrt(jnp.maximum(dp[:, 0], 1.0))


def _mm_scale(x, w, deg_out):
    m, k = x.shape
    d = w.shape[1]

    def body(x_ref, w_ref, dp_ref, o_ref):
        xw = jnp.dot(x_ref[...], w_ref[...], preferred_element_type=jnp.float32)
        o_ref[...] = xw * _norm_from(dp_ref[...])[:, None]

    return pl.pallas_call(
        body,
        grid=(m // _BLK,),
        in_specs=[
            pl.BlockSpec((_BLK, k), lambda i: (i, 0)),
            pl.BlockSpec((k, d), lambda i: (0, 0)),
            pl.BlockSpec((_BLK, DEG_W), lambda i: (i, 0)),
        ],
        out_specs=pl.BlockSpec((_BLK, d), lambda i: (i, 0)),
        out_shape=jax.ShapeDtypeStruct((m, d), jnp.float32),
    )(x, w, deg_out)


def _layer2_in(aggp, deg_in, deg_out, b1r, w2):
    d = w2.shape[1]

    def body(ap_ref, di_ref, do_ref, b_ref, w_ref, o_ref):
        ap = ap_ref[...]
        agg = ap[0] + ap[1]
        z = agg * _norm_from(di_ref[...])[:, None] + b_ref[...]
        z = jnp.maximum(z, 0.0)
        z = z * _norm_from(do_ref[...])[:, None]
        o_ref[...] = jnp.dot(z, w_ref[...], preferred_element_type=jnp.float32)

    return pl.pallas_call(
        body,
        grid=(N // _BLK,),
        in_specs=[
            pl.BlockSpec((NC, _BLK, D_H), lambda i: (0, i, 0)),
            pl.BlockSpec((_BLK, DEG_W), lambda i: (i, 0)),
            pl.BlockSpec((_BLK, DEG_W), lambda i: (i, 0)),
            pl.BlockSpec((1, D_H), lambda i: (0, 0)),
            pl.BlockSpec((D_H, d), lambda i: (0, 0)),
        ],
        out_specs=pl.BlockSpec((_BLK, d), lambda i: (i, 0)),
        out_shape=jax.ShapeDtypeStruct((N, d), jnp.float32),
    )(aggp, deg_in, deg_out, b1r, w2)


def _final(aggp, deg_in, b2r):

    def body(ap_ref, di_ref, b_ref, o_ref):
        ap = ap_ref[...]
        agg = ap[0] + ap[1]
        o_ref[...] = agg * _norm_from(di_ref[...])[:, None] + b_ref[...]

    return pl.pallas_call(
        body,
        grid=(N // _BLK,),
        in_specs=[
            pl.BlockSpec((NC, _BLK, D_OUT), lambda i: (0, i, 0)),
            pl.BlockSpec((_BLK, DEG_W), lambda i: (i, 0)),
            pl.BlockSpec((1, D_OUT), lambda i: (0, 0)),
        ],
        out_specs=pl.BlockSpec((_BLK, D_OUT), lambda i: (i, 0)),
        out_shape=jax.ShapeDtypeStruct((N, D_OUT), jnp.float32),
    )(aggp, deg_in, b2r)


def kernel(in_feat, edge_index, W1, b1, W2, b2):
    src, dst = edge_index[0], edge_index[1]
    src_a, dst_a = src, dst
    src_d, dst_d = src, dst

    z16 = jnp.zeros((N, DEG_W), jnp.float32)
    ones = jnp.ones((CH, DEG_W), jnp.float32)
    z128 = jnp.zeros((N, D_H), jnp.float32)
    z64 = jnp.zeros((N, D_OUT), jnp.float32)

    deg_out, deg_in = _deg_kernel(src_d, dst_d, z16, ones)
    h1 = _mm_scale(in_feat, W1, deg_out)
    agg1 = _agg128(h1, src_a, dst_a, z128)
    h2 = _layer2_in(agg1, deg_in, deg_out, b1.reshape(1, D_H), W2)
    agg2 = _agg64(h2, src_a, dst_a, z64)
    return _final(agg2, deg_in, b2.reshape(1, D_OUT))

# --- scband reference (transcript-rebuilt; emitter-appended) ---
"""Pipeline reference for scband-gcn-43585328119841 (READ-ONLY COPY).

The authoritative reference and input builder live on the scoring server;
editing this copy changes nothing except your own understanding.
"""

import jax, jax.numpy as jnp
import numpy as np

N_NODES = 10000
N_EDGES = 320000
D_IN = 128
D_H = 128
D_OUT = 64


def setup_inputs(seed: int = 0) -> dict:
    key = jax.random.key(seed)
    k0, k1, k2, k3, k4, k5 = jax.random.split(key, 6)
    in_feat = jax.random.normal(k0, (N_NODES, D_IN), dtype=jnp.float32)
    edge_index = jax.random.randint(k1, (2, N_EDGES), 0, N_NODES, dtype=jnp.int32)
    # Learned parameters (Glorot-like init as in DGL GraphConv)
    W1 = jax.random.normal(k2, (D_IN, D_H), dtype=jnp.float32) * (1.0 / np.sqrt(D_IN))
    b1 = jnp.zeros((D_H,), dtype=jnp.float32)
    W2 = jax.random.normal(k3, (D_H, D_OUT), dtype=jnp.float32) * (1.0 / np.sqrt(D_H))
    b2 = jnp.zeros((D_OUT,), dtype=jnp.float32)
    return {"in_feat": in_feat, "edge_index": edge_index, "W1": W1, "b1": b1, "W2": W2, "b2": b2}


def _graph_conv(x, edge_index, W, b):
    # Faithful DGL GraphConv with norm='both':
    #   h = D_in^{-1/2} * A^T * (D_out^{-1/2} * x) @ W + b
    # messages flow src -> dst; degrees clamped to min 1.
    src = edge_index[0]
    dst = edge_index[1]
    n = x.shape[0]
    ones = jnp.ones((src.shape[0],), dtype=x.dtype)
    deg_out = jax.ops.segment_sum(ones, src, num_segments=n)
    deg_in = jax.ops.segment_sum(ones, dst, num_segments=n)
    norm_src = jnp.power(jnp.maximum(deg_out, 1.0), -0.5)
    norm_dst = jnp.power(jnp.maximum(deg_in, 1.0), -0.5)
    h = x * norm_src[:, None]
    # in_feats >= out_feats: multiply by W before aggregation (DGL optimization)
    h = h @ W
    msg = jnp.take(h, src, axis=0)
    agg = jax.ops.segment_sum(msg, dst, num_segments=n)
    return agg * norm_dst[:, None] + b


def reference(in_feat, edge_index, W1, b1, W2, b2):
    h = _graph_conv(in_feat, edge_index, W1, b1)
    h = jax.nn.relu(h)
    h = _graph_conv(h, edge_index, W2, b2)
    return h

if __name__ == "__main__":
    import jax
    _d = setup_inputs()
    print(jax.jit(kernel)(*tuple(_d.values())))

</pallas_src>

<mosaic_0001>
#map = affine_map<(d0, d1) -> (0, 0)>
#map1 = affine_map<(d0, d1) -> (0)>
#map2 = affine_map<(d0, d1) -> (0, 0, 0)>
module attributes {stable_mosaic.version = 14 : i64} {
  func.func @agg(%arg0: i32, %arg1: i32, %arg2: memref<10000x128xf32, #tpu.memory_space<hbm>>, %arg3: memref<320000xi32, #tpu.memory_space<hbm>>, %arg4: memref<320000xi32, #tpu.memory_space<hbm>>, %arg5: memref<10000x128xf32, #tpu.memory_space<hbm>>, %arg6: memref<2x10000x128xf32, #tpu.memory_space<hbm>>, %arg7: memref<10000x128xf32, #tpu.memory_space<vmem_shared>>, %arg8: memref<80xi32, #tpu.memory_space<vmem>>, %arg9: memref<80xi32, #tpu.memory_space<vmem>>, %arg10: memref<80xi32, #tpu.memory_space<vmem>>, %arg11: memref<80xi32, #tpu.memory_space<vmem>>, %arg12: memref<80xi32, #tpu.memory_space<vmem>>, %arg13: memref<80xi32, #tpu.memory_space<vmem>>, %arg14: memref<80xi32, #tpu.memory_space<vmem>>, %arg15: memref<80xi32, #tpu.memory_space<vmem>>, %arg16: memref<80xi32, #tpu.memory_space<vmem>>, %arg17: memref<80xi32, #tpu.memory_space<vmem>>, %arg18: memref<80xi32, #tpu.memory_space<vmem>>, %arg19: memref<80xi32, #tpu.memory_space<vmem>>, %arg20: memref<80xi32, #tpu.memory_space<vmem>>, %arg21: memref<80xi32, #tpu.memory_space<vmem>>, %arg22: memref<80xi32, #tpu.memory_space<vmem>>, %arg23: memref<80xi32, #tpu.memory_space<vmem>>, %arg24: memref<80x128xf32, #tpu.memory_space<vmem>>, %arg25: memref<80x128xf32, #tpu.memory_space<vmem>>, %arg26: memref<80x128xf32, #tpu.memory_space<vmem>>, %arg27: memref<80x128xf32, #tpu.memory_space<vmem>>, %arg28: memref<!tpu.dma_semaphore, #tpu.memory_space<semaphore_mem>>, %arg29: memref<!tpu.dma_semaphore, #tpu.memory_space<semaphore_mem>>, %arg30: memref<!tpu.dma_semaphore, #tpu.memory_space<semaphore_mem>>, %arg31: memref<!tpu.dma_semaphore, #tpu.memory_space<semaphore_mem>>, %arg32: memref<!tpu.dma_semaphore, #tpu.memory_space<semaphore_mem>>, %arg33: memref<!tpu.dma_semaphore, #tpu.memory_space<semaphore_mem>>, %arg34: memref<!tpu.dma_semaphore, #tpu.memory_space<semaphore_mem>>, %arg35: memref<!tpu.dma_semaphore, #tpu.memory_space<semaphore_mem>>, %arg36: memref<!tpu.dma_semaphore, #tpu.memory_space<semaphore_mem>>, %arg37: memref<!tpu.dma_semaphore, #tpu.memory_space<semaphore_mem>>, %arg38: memref<!tpu.dma_semaphore, #tpu.memory_space<semaphore_mem>>, %arg39: memref<!tpu.dma_semaphore, #tpu.memory_space<semaphore_mem>>, %arg40: memref<!tpu.dma_semaphore, #tpu.memory_space<semaphore_mem>>, %arg41: memref<!tpu.dma_semaphore, #tpu.memory_space<semaphore_mem>>, %arg42: memref<!tpu.dma_semaphore, #tpu.memory_space<semaphore_mem>>, %arg43: memref<!tpu.dma_semaphore, #tpu.memory_space<semaphore_mem>>) attributes {dimension_semantics = [#tpu.dimension_semantics<core_parallel>, #tpu.dimension_semantics<subcore_parallel>], iteration_bounds = array<i64: 2, 16>, scalar_prefetch = 0 : i64, scratch_operands = 37 : i64, tpu.core_type = #tpu.core_type<sc_vector_subcore>, window_params = [{transform_indices = #map}, {transform_indices = #map1}, {transform_indices = #map1}, {transform_indices = #map}, {transform_indices = #map2}]} {
    %mul3A = arith.constant 16 : i32
    %mul3A_0 = arith.muli %arg0, %mul3A : i32
    %add3A = arith.addi %mul3A_0, %arg1 : i32
    %mul3A_1 = arith.constant 10000 : i32
    %mul3A_2 = arith.muli %add3A, %mul3A_1 : i32
    %eq3A = arith.constant 0 : i32
    %eq3A_3 = arith.cmpi eq, %arg1, %eq3A : i32
    %convert_element_type3A = arith.extui %eq3A_3 : i1 to i32
    %cond3A = arith.constant 0 : i32
    %cond3A_4 = arith.cmpi ne, %convert_element_type3A, %cond3A : i32
    scf.if %cond3A_4 {
      "tpu.region"() ({
        %run_scoped3A = tpu.sem_alloc : memref<!tpu.dma_semaphore, #tpu.memory_space<semaphore_mem>>
        %dma_start3A_83 = arith.constant 0 : i32
        %dma_start3A_84 = arith.constant 0 : i32
        %dma_start3A_85 = tpu.memref_slice %arg7[%dma_start3A_83, %dma_start3A_84] : memref<10000x128xf32, #tpu.memory_space<vmem_shared>> -> memref<10000x128xf32, #tpu.memory_space<vmem_shared>>
        tpu.enqueue_dma source(%arg5 : memref<10000x128xf32, #tpu.memory_space<hbm>>) target(%dma_start3A_85 : memref<10000x128xf32, #tpu.memory_space<vmem_shared>>) target_semaphore(%run_scoped3A : memref<!tpu.dma_semaphore, #tpu.memory_space<semaphore_mem>>)
        %dma_wait3A_86 = arith.constant 0 : i32
        %dma_wait3A_87 = arith.constant 0 : i32
        %dma_wait3A_88 = tpu.memref_slice %arg7[%dma_wait3A_86, %dma_wait3A_87] : memref<10000x128xf32, #tpu.memory_space<vmem_shared>> -> memref<10000x128xf32, #tpu.memory_space<vmem_shared>>
        tpu.wait_dma2 semaphore(%run_scoped3A : memref<!tpu.dma_semaphore, #tpu.memory_space<semaphore_mem>>) src(%arg5 : memref<10000x128xf32, #tpu.memory_space<hbm>>) dst(%dma_wait3A_88 : memref<10000x128xf32, #tpu.memory_space<vmem_shared>>)
        tpu.yield
      }) : () -> ()
    } else {
    }
    %add3A_5 = arith.constant 0 : i32
    %add3A_6 = arith.addi %mul3A_2, %add3A_5 : i32
    %dma_start3A = tpu.memref_slice %arg3[%add3A_6] : memref<320000xi32, #tpu.memory_space<hbm>> -> memref<80xi32, #tpu.memory_space<hbm>>
    %dma_start3A_7 = tpu.memref_slice %arg3[%add3A_6] : memref<320000xi32, #tpu.memory_space<hbm>> -> memref<80xi32, #tpu.memory_space<hbm>>
    tpu.enqueue_dma source(%dma_start3A_7 : memref<80xi32, #tpu.memory_space<hbm>>) target(%arg8 : memref<80xi32, #tpu.memory_space<vmem>>) target_semaphore(%arg28 : memref<!tpu.dma_semaphore, #tpu.memory_space<semaphore_mem>>)
    %add3A_8 = arith.constant 0 : i32
    %add3A_9 = arith.addi %mul3A_2, %add3A_8 : i32
    %dma_start3A_10 = tpu.memref_slice %arg4[%add3A_9] : memref<320000xi32, #tpu.memory_space<hbm>> -> memref<80xi32, #tpu.memory_space<hbm>>
    %dma_start3A_11 = tpu.memref_slice %arg4[%add3A_9] : memref<320000xi32, #tpu.memory_space<hbm>> -> memref<80xi32, #tpu.memory_space<hbm>>
    tpu.enqueue_dma source(%dma_start3A_11 : memref<80xi32, #tpu.memory_space<hbm>>) target(%arg16 : memref<80xi32, #tpu.memory_space<vmem>>) target_semaphore(%arg28 : memref<!tpu.dma_semaphore, #tpu.memory_space<semaphore_mem>>)
    %add3A_12 = arith.constant 80 : i32
    %add3A_13 = arith.addi %mul3A_2, %add3A_12 : i32
    %dma_start3A_14 = tpu.memref_slice %arg3[%add3A_13] : memref<320000xi32, #tpu.memory_space<hbm>> -> memref<80xi32, #tpu.memory_space<hbm>>
    %dma_start3A_15 = tpu.memref_slice %arg3[%add3A_13] : memref<320000xi32, #tpu.memory_space<hbm>> -> memref<80xi32, #tpu.memory_space<hbm>>
    tpu.enqueue_dma source(%dma_start3A_15 : memref<80xi32, #tpu.memory_space<hbm>>) target(%arg9 : memref<80xi32, #tpu.memory_space<vmem>>) target_semaphore(%arg29 : memref<!tpu.dma_semaphore, #tpu.memory_space<semaphore_mem>>)
    %add3A_16 = arith.constant 80 : i32
    %add3A_17 = arith.addi %mul3A_2, %add3A_16 : i32
    %dma_start3A_18 = tpu.memref_slice %arg4[%add3A_17] : memref<320000xi32, #tpu.memory_space<hbm>> -> memref<80xi32, #tpu.memory_space<hbm>>
    %dma_start3A_19 = tpu.memref_slice %arg4[%add3A_17] : memref<320000xi32, #tpu.memory_space<hbm>> -> memref<80xi32, #tpu.memory_space<hbm>>
    tpu.enqueue_dma source(%dma_start3A_19 : memref<80xi32, #tpu.memory_space<hbm>>) target(%arg17 : memref<80xi32, #tpu.memory_space<vmem>>) target_semaphore(%arg29 : memref<!tpu.dma_semaphore, #tpu.memory_space<semaphore_mem>>)
    %add3A_20 = arith.constant 160 : i32
    %add3A_21 = arith.addi %mul3A_2, %add3A_20 : i32
    %dma_start3A_22 = tpu.memref_slice %arg3[%add3A_21] : memref<320000xi32, #tpu.memory_space<hbm>> -> memref<80xi32, #tpu.memory_space<hbm>>
    %dma_start3A_23 = tpu.memref_slice %arg3[%add3A_21] : memref<320000xi32, #tpu.memory_space<hbm>> -> memref<80xi32, #tpu.memory_space<hbm>>
    tpu.enqueue_dma source(%dma_start3A_23 : memref<80xi32, #tpu.memory_space<hbm>>) target(%arg10 : memref<80xi32, #tpu.memory_space<vmem>>) target_semaphore(%arg30 : memref<!tpu.dma_semaphore, #tpu.memory_space<semaphore_mem>>)
    %add3A_24 = arith.constant 160 : i32
    %add3A_25 = arith.addi %mul3A_2, %add3A_24 : i32
    %dma_start3A_26 = tpu.memref_slice %arg4[%add3A_25] : memref<320000xi32, #tpu.memory_space<hbm>> -> memref<80xi32, #tpu.memory_space<hbm>>
    %dma_start3A_27 = tpu.memref_slice %arg4[%add3A_25] : memref<320000xi32, #tpu.memory_space<hbm>> -> memref<80xi32, #tpu.memory_space<hbm>>
    tpu.enqueue_dma source(%dma_start3A_27 : memref<80xi32, #tpu.memory_space<hbm>>) target(%arg18 : memref<80xi32, #tpu.memory_space<vmem>>) target_semaphore(%arg30 : memref<!tpu.dma_semaphore, #tpu.memory_space<semaphore_mem>>)
    %add3A_28 = arith.constant 240 : i32
    %add3A_29 = arith.addi %mul3A_2, %add3A_28 : i32
    %dma_start3A_30 = tpu.memref_slice %arg3[%add3A_29] : memref<320000xi32, #tpu.memory_space<hbm>> -> memref<80xi32, #tpu.memory_space<hbm>>
    %dma_start3A_31 = tpu.memref_slice %arg3[%add3A_29] : memref<320000xi32, #tpu.memory_space<hbm>> -> memref<80xi32, #tpu.memory_space<hbm>>
    tpu.enqueue_dma source(%dma_start3A_31 : memref<80xi32, #tpu.memory_space<hbm>>) target(%arg11 : memref<80xi32, #tpu.memory_space<vmem>>) target_semaphore(%arg31 : memref<!tpu.dma_semaphore, #tpu.memory_space<semaphore_mem>>)
    %add3A_32 = arith.constant 240 : i32
    %add3A_33 = arith.addi %mul3A_2, %add3A_32 : i32
    %dma_start3A_34 = tpu.memref_slice %arg4[%add3A_33] : memref<320000xi32, #tpu.memory_space<hbm>> -> memref<80xi32, #tpu.memory_space<hbm>>
    %dma_start3A_35 = tpu.memref_slice %arg4[%add3A_33] : memref<320000xi32, #tpu.memory_space<hbm>> -> memref<80xi32, #tpu.memory_space<hbm>>
    tpu.enqueue_dma source(%dma_start3A_35 : memref<80xi32, #tpu.memory_space<hbm>>) target(%arg19 : memref<80xi32, #tpu.memory_space<vmem>>) target_semaphore(%arg31 : memref<!tpu.dma_semaphore, #tpu.memory_space<semaphore_mem>>)
    %barrier3A = arith.constant 0 : index
    tpu.barrier barrier_id(%barrier3A)
    %add3A_36 = arith.constant 0 : i32
    %add3A_37 = arith.addi %mul3A_2, %add3A_36 : i32
    %dma_wait3A = tpu.memref_slice %arg3[%add3A_37] : memref<320000xi32, #tpu.memory_space<hbm>> -> memref<80xi32, #tpu.memory_space<hbm>>
    %dma_wait3A_38 = tpu.memref_slice %arg3[%add3A_37] : memref<320000xi32, #tpu.memory_space<hbm>> -> memref<80xi32, #tpu.memory_space<hbm>>
    tpu.wait_dma2 semaphore(%arg28 : memref<!tpu.dma_semaphore, #tpu.memory_space<semaphore_mem>>) src(%dma_wait3A_38 : memref<80xi32, #tpu.memory_space<hbm>>) dst(%arg8 : memref<80xi32, #tpu.memory_space<vmem>>)
    %add3A_39 = arith.constant 0 : i32
    %add3A_40 = arith.addi %mul3A_2, %add3A_39 : i32
    %dma_wait3A_41 = tpu.memref_slice %arg4[%add3A_40] : memref<320000xi32, #tpu.memory_space<hbm>> -> memref<80xi32, #tpu.memory_space<hbm>>
    %dma_wait3A_42 = tpu.memref_slice %arg4[%add3A_40] : memref<320000xi32, #tpu.memory_space<hbm>> -> memref<80xi32, #tpu.memory_space<hbm>>
    tpu.wait_dma2 semaphore(%arg28 : memref<!tpu.dma_semaphore, #tpu.memory_space<semaphore_mem>>) src(%dma_wait3A_42 : memref<80xi32, #tpu.memory_space<hbm>>) dst(%arg16 : memref<80xi32, #tpu.memory_space<vmem>>)
    %dma_start3A_43 = arith.constant 0 : i32
    %dma_start3A_44 = arith.constant 0 : i32
    %dma_start3A_45 = tpu.memref_slice %arg2[%dma_start3A_43, %dma_start3A_44] : memref<10000x128xf32, #tpu.memory_space<hbm>> -> memref<10000x128xf32, #tpu.memory_space<hbm>>
    tpu.enqueue_indirect_dma source(%dma_start3A_45 : memref<10000x128xf32, #tpu.memory_space<hbm>>) target(%arg24 : memref<80x128xf32, #tpu.memory_space<vmem>>) offsets(%arg8 : memref<80xi32, #tpu.memory_space<vmem>>) semaphore(%arg36 : memref<!tpu.dma_semaphore, #tpu.memory_space<semaphore_mem>>)
    %add3A_46 = arith.constant 80 : i32
    %add3A_47 = arith.addi %mul3A_2, %add3A_46 : i32
    %dma_wait3A_48 = tpu.memref_slice %arg3[%add3A_47] : memref<320000xi32, #tpu.memory_space<hbm>> -> memref<80xi32, #tpu.memory_space<hbm>>
    %dma_wait3A_49 = tpu.memref_slice %arg3[%add3A_47] : memref<320000xi32, #tpu.memory_space<hbm>> -> memref<80xi32, #tpu.memory_space<hbm>>
    tpu.wait_dma2 semaphore(%arg29 : memref<!tpu.dma_semaphore, #tpu.memory_space<semaphore_mem>>) src(%dma_wait3A_49 : memref<80xi32, #tpu.memory_space<hbm>>) dst(%arg9 : memref<80xi32, #tpu.memory_space<vmem>>)
    %add3A_50 = arith.constant 80 : i32
    %add3A_51 = arith.addi %mul3A_2, %add3A_50 : i32
    %dma_wait3A_52 = tpu.memref_slice %arg4[%add3A_51] : memref<320000xi32, #tpu.memory_space<hbm>> -> memref<80xi32, #tpu.memory_space<hbm>>
    %dma_wait3A_53 = tpu.memref_slice %arg4[%add3A_51] : memref<320000xi32, #tpu.memory_space<hbm>> -> memref<80xi32, #tpu.memory_space<hbm>>
    tpu.wait_dma2 semaphore(%arg29 : memref<!tpu.dma_semaphore, #tpu.memory_space<semaphore_mem>>) src(%dma_wait3A_53 : memref<80xi32, #tpu.memory_space<hbm>>) dst(%arg17 : memref<80xi32, #tpu.memory_space<vmem>>)
    %dma_start3A_54 = arith.constant 0 : i32
    %dma_start3A_55 = arith.constant 0 : i32
    %dma_start3A_56 = tpu.memref_slice %arg2[%dma_start3A_54, %dma_start3A_55] : memref<10000x128xf32, #tpu.memory_space<hbm>> -> memref<10000x128xf32, #tpu.memory_space<hbm>>
    tpu.enqueue_indirect_dma source(%dma_start3A_56 : memref<10000x128xf32, #tpu.memory_space<hbm>>) target(%arg25 : memref<80x128xf32, #tpu.memory_space<vmem>>) offsets(%arg9 : memref<80xi32, #tpu.memory_space<vmem>>) semaphore(%arg37 : memref<!tpu.dma_semaphore, #tpu.memory_space<semaphore_mem>>)
    %scan3A = arith.constant 0 : i32
    %scan3A_57 = arith.constant 125 : i32
    %scan3A_58 = arith.addi %scan3A, %scan3A_57 : i32
    %scan3A_59 = arith.constant 1 : i32
    scf.for %scan3A_83 = %scan3A to %scan3A_58 step %scan3A_59  : i32 {
      %jit3A = arith.constant 8 : i32
      %eq3A_84 = arith.constant 0 : i32
      %eq3A_85 = arith.cmpi eq, %jit3A, %eq3A_84 : i32
      %jit3A_86 = arith.constant 1 : i32
      %select_n3A = arith.select %eq3A_85, %jit3A_86, %jit3A : i32
      %rem3A = arith.remsi %scan3A_83, %select_n3A : i32
      %ne3A = arith.constant 0 : i32
      %ne3A_87 = arith.cmpi ne, %rem3A, %ne3A : i32
      %lt3A_88 = arith.constant 0 : i32
      %lt3A_89 = arith.cmpi slt, %rem3A, %lt3A_88 : i32
      %lt3A_90 = arith.constant 0 : i32
      %lt3A_91 = arith.cmpi slt, %select_n3A, %lt3A_90 : i32
      %ne3A_92 = arith.xori %lt3A_89, %lt3A_91 : i1
      %and3A = arith.andi %ne3A_92, %ne3A_87 : i1
      %add3A_93 = arith.addi %rem3A, %select_n3A : i32
      %select_n3A_94 = arith.select %and3A, %add3A_93, %rem3A : i32
      %eq3A_95 = arith.constant 0 : i32
      %eq3A_96 = arith.cmpi eq, %select_n3A_94, %eq3A_95 : i32
      %convert_element_type3A_97 = arith.extui %eq3A_96 : i1 to i32
      %cond3A_98 = arith.constant 0 : i32
      %cond3A_99 = arith.cmpi ne, %convert_element_type3A_97, %cond3A_98 : i32
      scf.if %cond3A_99 {
        %dma_wait3A_247 = arith.constant 0 : i32
        %dma_wait3A_248 = arith.constant 0 : i32
        %dma_wait3A_249 = tpu.memref_slice %arg2[%dma_wait3A_247, %dma_wait3A_248] : memref<10000x128xf32, #tpu.memory_space<hbm>> -> memref<10000x128xf32, #tpu.memory_space<hbm>>
        tpu.wait_indirect_dma semaphore(%arg36 : memref<!tpu.dma_semaphore, #tpu.memory_space<semaphore_mem>>) src(%dma_wait3A_249 : memref<10000x128xf32, #tpu.memory_space<hbm>>) dst(%arg24 : memref<80x128xf32, #tpu.memory_space<vmem>>)
        %dma_start3A_250 = arith.constant 0 : i32
        %dma_start3A_251 = arith.constant 0 : i32
        %dma_start3A_252 = tpu.memref_slice %arg7[%dma_start3A_250, %dma_start3A_251] : memref<10000x128xf32, #tpu.memory_space<vmem_shared>> -> memref<10000x128xf32, #tpu.memory_space<vmem_shared>>
        tpu.enqueue_indirect_dma source(%arg24 : memref<80x128xf32, #tpu.memory_space<vmem>>) target(%dma_start3A_252 : memref<10000x128xf32, #tpu.memory_space<vmem_shared>>) offsets(%arg16 : memref<80xi32, #tpu.memory_space<vmem>>) semaphore(%arg40 : memref<!tpu.dma_semaphore, #tpu.memory_space<semaphore_mem>>) {add = true}
        %add3A_253 = arith.constant 2 : i32
        %add3A_254 = arith.addi %scan3A_83, %add3A_253 : i32
        %lt3A_255 = arith.constant 125 : i32
        %lt3A_256 = arith.cmpi slt, %add3A_254, %lt3A_255 : i32
        %convert_element_type3A_257 = arith.extui %lt3A_256 : i1 to i32
        %cond3A_258 = arith.constant 0 : i32
        %cond3A_259 = arith.cmpi ne, %convert_element_type3A_257, %cond3A_258 : i32
        scf.if %cond3A_259 {
          %ge3A = arith.constant 2 : i32
          %ge3A_267 = arith.cmpi sge, %scan3A_83, %ge3A : i32
          %convert_element_type3A_268 = arith.extui %ge3A_267 : i1 to i32
          %cond3A_269 = arith.constant 0 : i32
          %cond3A_270 = arith.cmpi ne, %convert_element_type3A_268, %cond3A_269 : i32
          scf.if %cond3A_270 {
            %dma_wait3A_286 = arith.constant 0 : i32
            %dma_wait3A_287 = arith.constant 0 : i32
            %dma_wait3A_288 = tpu.memref_slice %arg7[%dma_wait3A_286, %dma_wait3A_287] : memref<10000x128xf32, #tpu.memory_space<vmem_shared>> -> memref<10000x128xf32, #tpu.memory_space<vmem_shared>>
            tpu.wait_indirect_dma semaphore(%arg42 : memref<!tpu.dma_semaphore, #tpu.memory_space<semaphore_mem>>) src(%arg26 : memref<80x128xf32, #tpu.memory_space<vmem>>) dst(%dma_wait3A_288 : memref<10000x128xf32, #tpu.memory_space<vmem_shared>>)
          } else {
          }
          %add3A_271 = arith.constant 2 : i32
          %add3A_272 = arith.addi %scan3A_83, %add3A_271 : i32
          %mul3A_273 = arith.constant 80 : i32
          %mul3A_274 = arith.muli %add3A_272, %mul3A_273 : i32
          %add3A_275 = arith.addi %mul3A_2, %mul3A_274 : i32
          %dma_wait3A_276 = tpu.memref_slice %arg3[%add3A_275] : memref<320000xi32, #tpu.memory_space<hbm>> -> memref<80xi32, #tpu.memory_space<hbm>>
          %dma_wait3A_277 = tpu.memref_slice %arg3[%add3A_275] : memref<320000xi32, #tpu.memory_space<hbm>> -> memref<80xi32, #tpu.memory_space<hbm>>
          tpu.wait_dma2 semaphore(%arg30 : memref<!tpu.dma_semaphore, #tpu.memory_space<semaphore_mem>>) src(%dma_wait3A_277 : memref<80xi32, #tpu.memory_space<hbm>>) dst(%arg10 : memref<80xi32, #tpu.memory_space<vmem>>)
          %mul3A_278 = arith.constant 80 : i32
          %mul3A_279 = arith.muli %add3A_272, %mul3A_278 : i32
          %add3A_280 = arith.addi %mul3A_2, %mul3A_279 : i32
          %dma_wait3A_281 = tpu.memref_slice %arg4[%add3A_280] : memref<320000xi32, #tpu.memory_space<hbm>> -> memref<80xi32, #tpu.memory_space<hbm>>
          %dma_wait3A_282 = tpu.memref_slice %arg4[%add3A_280] : memref<320000xi32, #tpu.memory_space<hbm>> -> memref<80xi32, #tpu.memory_space<hbm>>
          tpu.wait_dma2 semaphore(%arg30 : memref<!tpu.dma_semaphore, #tpu.memory_space<semaphore_mem>>) src(%dma_wait3A_282 : memref<80xi32, #tpu.memory_space<hbm>>) dst(%arg18 : memref<80xi32, #tpu.memory_space<vmem>>)
          %dma_start3A_283 = arith.constant 0 : i32
          %dma_start3A_284 = arith.constant 0 : i32
          %dma_start3A_285 = tpu.memref_slice %arg2[%dma_start3A_283, %dma_start3A_284] : memref<10000x128xf32, #tpu.memory_space<hbm>> -> memref<10000x128xf32, #tpu.memory_space<hbm>>
          tpu.enqueue_indirect_dma source(%dma_start3A_285 : memref<10000x128xf32, #tpu.memory_space<hbm>>) target(%arg26 : memref<80x128xf32, #tpu.memory_space<vmem>>) offsets(%arg10 : memref<80xi32, #tpu.memory_space<vmem>>) semaphore(%arg38 : memref<!tpu.dma_semaphore, #tpu.memory_space<semaphore_mem>>)
        } else {
        }
        %add3A_260 = arith.constant 4 : i32
        %add3A_261 = arith.addi %scan3A_83, %add3A_260 : i32
        %lt3A_262 = arith.constant 125 : i32
        %lt3A_263 = arith.cmpi slt, %add3A_261, %lt3A_262 : i32
        %convert_element_type3A_264 = arith.extui %lt3A_263 : i1 to i32
        %cond3A_265 = arith.constant 0 : i32
        %cond3A_266 = arith.cmpi ne, %convert_element_type3A_264, %cond3A_265 : i32
        scf.if %cond3A_266 {
          %add3A_267 = arith.constant 4 : i32
          %add3A_268 = arith.addi %scan3A_83, %add3A_267 : i32
          %mul3A_269 = arith.constant 80 : i32
          %mul3A_270 = arith.muli %add3A_268, %mul3A_269 : i32
          %add3A_271 = arith.addi %mul3A_2, %mul3A_270 : i32
          %dma_start3A_272 = tpu.memref_slice %arg3[%add3A_271] : memref<320000xi32, #tpu.memory_space<hbm>> -> memref<80xi32, #tpu.memory_space<hbm>>
          %dma_start3A_273 = tpu.memref_slice %arg3[%add3A_271] : memref<320000xi32, #tpu.memory_space<hbm>> -> memref<80xi32, #tpu.memory_space<hbm>>
          tpu.enqueue_dma source(%dma_start3A_273 : memref<80xi32, #tpu.memory_space<hbm>>) target(%arg12 : memref<80xi32, #tpu.memory_space<vmem>>) target_semaphore(%arg32 : memref<!tpu.dma_semaphore, #tpu.memory_space<semaphore_mem>>)
          %mul3A_274 = arith.constant 80 : i32
          %mul3A_275 = arith.muli %add3A_268, %mul3A_274 : i32
          %add3A_276 = arith.addi %mul3A_2, %mul3A_275 : i32
          %dma_start3A_277 = tpu.memref_slice %arg4[%add3A_276] : memref<320000xi32, #tpu.memory_space<hbm>> -> memref<80xi32, #tpu.memory_space<hbm>>
          %dma_start3A_278 = tpu.memref_slice %arg4[%add3A_276] : memref<320000xi32, #tpu.memory_space<hbm>> -> memref<80xi32, #tpu.memory_space<hbm>>
          tpu.enqueue_dma source(%dma_start3A_278 : memref<80xi32, #tpu.memory_space<hbm>>) target(%arg20 : memref<80xi32, #tpu.memory_space<vmem>>) target_semaphore(%arg32 : memref<!tpu.dma_semaphore, #tpu.memory_space<semaphore_mem>>)
        } else {
        }
      } else {
      }
      %jit3A_100 = arith.constant 8 : i32
      %eq3A_101 = arith.constant 0 : i32
      %eq3A_102 = arith.cmpi eq, %jit3A_100, %eq3A_101 : i32
      %jit3A_103 = arith.constant 1 : i32
      %select_n3A_104 = arith.select %eq3A_102, %jit3A_103, %jit3A_100 : i32
      %rem3A_105 = arith.remsi %scan3A_83, %select_n3A_104 : i32
      %ne3A_106 = arith.constant 0 : i32
      %ne3A_107 = arith.cmpi ne, %rem3A_105, %ne3A_106 : i32
      %lt3A_108 = arith.constant 0 : i32
      %lt3A_109 = arith.cmpi slt, %rem3A_105, %lt3A_108 : i32
      %lt3A_110 = arith.constant 0 : i32
      %lt3A_111 = arith.cmpi slt, %select_n3A_104, %lt3A_110 : i32
      %ne3A_112 = arith.xori %lt3A_109, %lt3A_111 : i1
      %and3A_113 = arith.andi %ne3A_112, %ne3A_107 : i1
      %add3A_114 = arith.addi %rem3A_105, %select_n3A_104 : i32
      %select_n3A_115 = arith.select %and3A_113, %add3A_114, %rem3A_105 : i32
      %eq3A_116 = arith.constant 1 : i32
      %eq3A_117 = arith.cmpi eq, %select_n3A_115, %eq3A_116 : i32
      %convert_element_type3A_118 = arith.extui %eq3A_117 : i1 to i32
      %cond3A_119 = arith.constant 0 : i32
      %cond3A_120 = arith.cmpi ne, %convert_element_type3A_118, %cond3A_119 : i32
      scf.if %cond3A_120 {
        %dma_wait3A_247 = arith.constant 0 : i32
        %dma_wait3A_248 = arith.constant 0 : i32
        %dma_wait3A_249 = tpu.memref_slice %arg2[%dma_wait3A_247, %dma_wait3A_248] : memref<10000x128xf32, #tpu.memory_space<hbm>> -> memref<10000x128xf32, #tpu.memory_space<hbm>>
        tpu.wait_indirect_dma semaphore(%arg37 : memref<!tpu.dma_semaphore, #tpu.memory_space<semaphore_mem>>) src(%dma_wait3A_249 : memref<10000x128xf32, #tpu.memory_space<hbm>>) dst(%arg25 : memref<80x128xf32, #tpu.memory_space<vmem>>)
        %dma_start3A_250 = arith.constant 0 : i32
        %dma_start3A_251 = arith.constant 0 : i32
        %dma_start3A_252 = tpu.memref_slice %arg7[%dma_start3A_250, %dma_start3A_251] : memref<10000x128xf32, #tpu.memory_space<vmem_shared>> -> memref<10000x128xf32, #tpu.memory_space<vmem_shared>>
        tpu.enqueue_indirect_dma source(%arg25 : memref<80x128xf32, #tpu.memory_space<vmem>>) target(%dma_start3A_252 : memref<10000x128xf32, #tpu.memory_space<vmem_shared>>) offsets(%arg17 : memref<80xi32, #tpu.memory_space<vmem>>) semaphore(%arg41 : memref<!tpu.dma_semaphore, #tpu.memory_space<semaphore_mem>>) {add = true}
        %add3A_253 = arith.constant 2 : i32
        %add3A_254 = arith.addi %scan3A_83, %add3A_253 : i32
        %lt3A_255 = arith.constant 125 : i32
        %lt3A_256 = arith.cmpi slt, %add3A_254, %lt3A_255 : i32
        %convert_element_type3A_257 = arith.extui %lt3A_256 : i1 to i32
        %cond3A_258 = arith.constant 0 : i32
        %cond3A_259 = arith.cmpi ne, %convert_element_type3A_257, %cond3A_258 : i32
        scf.if %cond3A_259 {
          %ge3A = arith.constant 2 : i32
          %ge3A_267 = arith.cmpi sge, %scan3A_83, %ge3A : i32
          %convert_element_type3A_268 = arith.extui %ge3A_267 : i1 to i32
          %cond3A_269 = arith.constant 0 : i32
          %cond3A_270 = arith.cmpi ne, %convert_element_type3A_268, %cond3A_269 : i32
          scf.if %cond3A_270 {
            %dma_wait3A_286 = arith.constant 0 : i32
            %dma_wait3A_287 = arith.constant 0 : i32
            %dma_wait3A_288 = tpu.memref_slice %arg7[%dma_wait3A_286, %dma_wait3A_287] : memref<10000x128xf32, #tpu.memory_space<vmem_shared>> -> memref<10000x128xf32, #tpu.memory_space<vmem_shared>>
            tpu.wait_indirect_dma semaphore(%arg43 : memref<!tpu.dma_semaphore, #tpu.memory_space<semaphore_mem>>) src(%arg27 : memref<80x128xf32, #tpu.memory_space<vmem>>) dst(%dma_wait3A_288 : memref<10000x128xf32, #tpu.memory_space<vmem_shared>>)
          } else {
          }
          %add3A_271 = arith.constant 2 : i32
          %add3A_272 = arith.addi %scan3A_83, %add3A_271 : i32
          %mul3A_273 = arith.constant 80 : i32
          %mul3A_274 = arith.muli %add3A_272, %mul3A_273 : i32
          %add3A_275 = arith.addi %mul3A_2, %mul3A_274 : i32
          %dma_wait3A_276 = tpu.memref_slice %arg3[%add3A_275] : memref<320000xi32, #tpu.memory_space<hbm>> -> memref<80xi32, #tpu.memory_space<hbm>>
          %dma_wait3A_277 = tpu.memref_slice %arg3[%add3A_275] : memref<320000xi32, #tpu.memory_space<hbm>> -> memref<80xi32, #tpu.memory_space<hbm>>
          tpu.wait_dma2 semaphore(%arg31 : memref<!tpu.dma_semaphore, #tpu.memory_space<semaphore_mem>>) src(%dma_wait3A_277 : memref<80xi32, #tpu.memory_space<hbm>>) dst(%arg11 : memref<80xi32, #tpu.memory_space<vmem>>)
          %mul3A_278 = arith.constant 80 : i32
          %mul3A_279 = arith.muli %add3A_272, %mul3A_278 : i32
          %add3A_280 = arith.addi %mul3A_2, %mul3A_279 : i32
          %dma_wait3A_281 = tpu.memref_slice %arg4[%add3A_280] : memref<320000xi32, #tpu.memory_space<hbm>> -> memref<80xi32, #tpu.memory_space<hbm>>
          %dma_wait3A_282 = tpu.memref_slice %arg4[%add3A_280] : memref<320000xi32, #tpu.memory_space<hbm>> -> memref<80xi32, #tpu.memory_space<hbm>>
          tpu.wait_dma2 semaphore(%arg31 : memref<!tpu.dma_semaphore, #tpu.memory_space<semaphore_mem>>) src(%dma_wait3A_282 : memref<80xi32, #tpu.memory_space<hbm>>) dst(%arg19 : memref<80xi32, #tpu.memory_space<vmem>>)
          %dma_start3A_283 = arith.constant 0 : i32
          %dma_start3A_284 = arith.constant 0 : i32
          %dma_start3A_285 = tpu.memref_slice %arg2[%dma_start3A_283, %dma_start3A_284] : memref<10000x128xf32, #tpu.memory_space<hbm>> -> memref<10000x128xf32, #tpu.memory_space<hbm>>
          tpu.enqueue_indirect_dma source(%dma_start3A_285 : memref<10000x128xf32, #tpu.memory_space<hbm>>) target(%arg27 : memref<80x128xf32, #tpu.memory_space<vmem>>) offsets(%arg11 : memref<80xi32, #tpu.memory_space<vmem>>) semaphore(%arg39 : memref<!tpu.dma_semaphore, #tpu.memory_space<semaphore_mem>>)
        } else {
        }
        %add3A_260 = arith.constant 4 : i32
        %add3A_261 = arith.addi %scan3A_83, %add3A_260 : i32
        %lt3A_262 = arith.constant 125 : i32
        %lt3A_263 = arith.cmpi slt, %add3A_261, %lt3A_262 : i32
        %convert_element_type3A_264 = arith.extui %lt3A_263 : i1 to i32
        %cond3A_265 = arith.constant 0 : i32
        %cond3A_266 = arith.cmpi ne, %convert_element_type3A_264, %cond3A_265 : i32
        scf.if %cond3A_266 {
          %add3A_267 = arith.constant 4 : i32
          %add3A_268 = arith.addi %scan3A_83, %add3A_267 : i32
          %mul3A_269 = arith.constant 80 : i32
          %mul3A_270 = arith.muli %add3A_268, %mul3A_269 : i32
          %add3A_271 = arith.addi %mul3A_2, %mul3A_270 : i32
          %dma_start3A_272 = tpu.memref_slice %arg3[%add3A_271] : memref<320000xi32, #tpu.memory_space<hbm>> -> memref<80xi32, #tpu.memory_space<hbm>>
          %dma_start3A_273 = tpu.memref_slice %arg3[%add3A_271] : memref<320000xi32, #tpu.memory_space<hbm>> -> memref<80xi32, #tpu.memory_space<hbm>>
          tpu.enqueue_dma source(%dma_start3A_273 : memref<80xi32, #tpu.memory_space<hbm>>) target(%arg13 : memref<80xi32, #tpu.memory_space<vmem>>) target_semaphore(%arg33 : memref<!tpu.dma_semaphore, #tpu.memory_space<semaphore_mem>>)
          %mul3A_274 = arith.constant 80 : i32
          %mul3A_275 = arith.muli %add3A_268, %mul3A_274 : i32
          %add3A_276 = arith.addi %mul3A_2, %mul3A_275 : i32
          %dma_start3A_277 = tpu.memref_slice %arg4[%add3A_276] : memref<320000xi32, #tpu.memory_space<hbm>> -> memref<80xi32, #tpu.memory_space<hbm>>
          %dma_start3A_278 = tpu.memref_slice %arg4[%add3A_276] : memref<320000xi32, #tpu.memory_space<hbm>> -> memref<80xi32, #tpu.memory_space<hbm>>
          tpu.enqueue_dma source(%dma_start3A_278 : memref<80xi32, #tpu.memory_space<hbm>>) target(%arg21 : memref<80xi32, #tpu.memory_space<vmem>>) target_semaphore(%arg33 : memref<!tpu.dma_semaphore, #tpu.memory_space<semaphore_mem>>)
        } else {
        }
      } else {
      }
      %jit3A_121 = arith.constant 8 : i32
      %eq3A_122 = arith.constant 0 : i32
      %eq3A_123 = arith.cmpi eq, %jit3A_121, %eq3A_122 : i32
      %jit3A_124 = arith.constant 1 : i32
      %select_n3A_125 = arith.select %eq3A_123, %jit3A_124, %jit3A_121 : i32
      %rem3A_126 = arith.remsi %scan3A_83, %select_n3A_125 : i32
      %ne3A_127 = arith.constant 0 : i32
      %ne3A_128 = arith.cmpi ne, %rem3A_126, %ne3A_127 : i32
      %lt3A_129 = arith.constant 0 : i32
      %lt3A_130 = arith.cmpi slt, %rem3A_126, %lt3A_129 : i32
      %lt3A_131 = arith.constant 0 : i32
      %lt3A_132 = arith.cmpi slt, %select_n3A_125, %lt3A_131 : i32
      %ne3A_133 = arith.xori %lt3A_130, %lt3A_132 : i1
      %and3A_134 = arith.andi %ne3A_133, %ne3A_128 : i1
      %add3A_135 = arith.addi %rem3A_126, %select_n3A_125 : i32
      %select_n3A_136 = arith.select %and3A_134, %add3A_135, %rem3A_126 : i32
      %eq3A_137 = arith.constant 2 : i32
      %eq3A_138 = arith.cmpi eq, %select_n3A_136, %eq3A_137 : i32
      %convert_element_type3A_139 = arith.extui %eq3A_138 : i1 to i32
      %cond3A_140 = arith.constant 0 : i32
      %cond3A_141 = arith.cmpi ne, %convert_element_type3A_139, %cond3A_140 : i32
      scf.if %cond3A_141 {
        %dma_wait3A_247 = arith.constant 0 : i32
        %dma_wait3A_248 = arith.constant 0 : i32
        %dma_wait3A_249 = tpu.memref_slice %arg2[%dma_wait3A_247, %dma_wait3A_248] : memref<10000x128xf32, #tpu.memory_space<hbm>> -> memref<10000x128xf32, #tpu.memory_space<hbm>>
        tpu.wait_indirect_dma semaphore(%arg38 : memref<!tpu.dma_semaphore, #tpu.memory_space<semaphore_mem>>) src(%dma_wait3A_249 : memref<10000x128xf32, #tpu.memory_space<hbm>>) dst(%arg26 : memref<80x128xf32, #tpu.memory_space<vmem>>)
        %dma_start3A_250 = arith.constant 0 : i32
        %dma_start3A_251 = arith.constant 0 : i32
        %dma_start3A_252 = tpu.memref_slice %arg7[%dma_start3A_250, %dma_start3A_251] : memref<10000x128xf32, #tpu.memory_space<vmem_shared>> -> memref<10000x128xf32, #tpu.memory_space<vmem_shared>>
        tpu.enqueue_indirect_dma source(%arg26 : memref<80x128xf32, #tpu.memory_space<vmem>>) target(%dma_start3A_252 : memref<10000x128xf32, #tpu.memory_space<vmem_shared>>) offsets(%arg18 : memref<80xi32, #tpu.memory_space<vmem>>) semaphore(%arg42 : memref<!tpu.dma_semaphore, #tpu.memory_space<semaphore_mem>>) {add = true}
        %add3A_253 = arith.constant 2 : i32
        %add3A_254 = arith.addi %scan3A_83, %add3A_253 : i32
        %lt3A_255 = arith.constant 125 : i32
        %lt3A_256 = arith.cmpi slt, %add3A_254, %lt3A_255 : i32
        %convert_element_type3A_257 = arith.extui %lt3A_256 : i1 to i32
        %cond3A_258 = arith.constant 0 : i32
        %cond3A_259 = arith.cmpi ne, %convert_element_type3A_257, %cond3A_258 : i32
        scf.if %cond3A_259 {
          %ge3A = arith.constant 2 : i32
          %ge3A_267 = arith.cmpi sge, %scan3A_83, %ge3A : i32
          %convert_element_type3A_268 = arith.extui %ge3A_267 : i1 to i32
          %cond3A_269 = arith.constant 0 : i32
          %cond3A_270 = arith.cmpi ne, %convert_element_type3A_268, %cond3A_269 : i32
          scf.if %cond3A_270 {
            %dma_wait3A_286 = arith.constant 0 : i32
            %dma_wait3A_287 = arith.constant 0 : i32
            %dma_wait3A_288 = tpu.memref_slice %arg7[%dma_wait3A_286, %dma_wait3A_287] : memref<10000x128xf32, #tpu.memory_space<vmem_shared>> -> memref<10000x128xf32, #tpu.memory_space<vmem_shared>>
            tpu.wait_indirect_dma semaphore(%arg40 : memref<!tpu.dma_semaphore, #tpu.memory_space<semaphore_mem>>) src(%arg24 : memref<80x128xf32, #tpu.memory_space<vmem>>) dst(%dma_wait3A_288 : memref<10000x128xf32, #tpu.memory_space<vmem_shared>>)
          } else {
          }
          %add3A_271 = arith.constant 2 : i32
          %add3A_272 = arith.addi %scan3A_83, %add3A_271 : i32
          %mul3A_273 = arith.constant 80 : i32
          %mul3A_274 = arith.muli %add3A_272, %mul3A_273 : i32
          %add3A_275 = arith.addi %mul3A_2, %mul3A_274 : i32
          %dma_wait3A_276 = tpu.memref_slice %arg3[%add3A_275] : memref<320000xi32, #tpu.memory_space<hbm>> -> memref<80xi32, #tpu.memory_space<hbm>>
          %dma_wait3A_277 = tpu.memref_slice %arg3[%add3A_275] : memref<320000xi32, #tpu.memory_space<hbm>> -> memref<80xi32, #tpu.memory_space<hbm>>
          tpu.wait_dma2 semaphore(%arg32 : memref<!tpu.dma_semaphore, #tpu.memory_space<semaphore_mem>>) src(%dma_wait3A_277 : memref<80xi32, #tpu.memory_space<hbm>>) dst(%arg12 : memref<80xi32, #tpu.memory_space<vmem>>)
          %mul3A_278 = arith.constant 80 : i32
          %mul3A_279 = arith.muli %add3A_272, %mul3A_278 : i32
          %add3A_280 = arith.addi %mul3A_2, %mul3A_279 : i32
          %dma_wait3A_281 = tpu.memref_slice %arg4[%add3A_280] : memref<320000xi32, #tpu.memory_space<hbm>> -> memref<80xi32, #tpu.memory_space<hbm>>
          %dma_wait3A_282 = tpu.memref_slice %arg4[%add3A_280] : memref<320000xi32, #tpu.memory_space<hbm>> -> memref<80xi32, #tpu.memory_space<hbm>>
          tpu.wait_dma2 semaphore(%arg32 : memref<!tpu.dma_semaphore, #tpu.memory_space<semaphore_mem>>) src(%dma_wait3A_282 : memref<80xi32, #tpu.memory_space<hbm>>) dst(%arg20 : memref<80xi32, #tpu.memory_space<vmem>>)
          %dma_start3A_283 = arith.constant 0 : i32
          %dma_start3A_284 = arith.constant 0 : i32
          %dma_start3A_285 = tpu.memref_slice %arg2[%dma_start3A_283, %dma_start3A_284] : memref<10000x128xf32, #tpu.memory_space<hbm>> -> memref<10000x128xf32, #tpu.memory_space<hbm>>
          tpu.enqueue_indirect_dma source(%dma_start3A_285 : memref<10000x128xf32, #tpu.memory_space<hbm>>) target(%arg24 : memref<80x128xf32, #tpu.memory_space<vmem>>) offsets(%arg12 : memref<80xi32, #tpu.memory_space<vmem>>) semaphore(%arg36 : memref<!tpu.dma_semaphore, #tpu.memory_space<semaphore_mem>>)
        } else {
        }
        %add3A_260 = arith.constant 4 : i32
        %add3A_261 = arith.addi %scan3A_83, %add3A_260 : i32
        %lt3A_262 = arith.constant 125 : i32
        %lt3A_263 = arith.cmpi slt, %add3A_261, %lt3A_262 : i32
        %convert_element_type3A_264 = arith.extui %lt3A_263 : i1 to i32
        %cond3A_265 = arith.constant 0 : i32
        %cond3A_266 = arith.cmpi ne, %convert_element_type3A_264, %cond3A_265 : i32
        scf.if %cond3A_266 {
          %add3A_267 = arith.constant 4 : i32
          %add3A_268 = arith.addi %scan3A_83, %add3A_267 : i32
          %mul3A_269 = arith.constant 80 : i32
          %mul3A_270 = arith.muli %add3A_268, %mul3A_269 : i32
          %add3A_271 = arith.addi %mul3A_2, %mul3A_270 : i32
          %dma_start3A_272 = tpu.memref_slice %arg3[%add3A_271] : memref<320000xi32, #tpu.memory_space<hbm>> -> memref<80xi32, #tpu.memory_space<hbm>>
          %dma_start3A_273 = tpu.memref_slice %arg3[%add3A_271] : memref<320000xi32, #tpu.memory_space<hbm>> -> memref<80xi32, #tpu.memory_space<hbm>>
          tpu.enqueue_dma source(%dma_start3A_273 : memref<80xi32, #tpu.memory_space<hbm>>) target(%arg14 : memref<80xi32, #tpu.memory_space<vmem>>) target_semaphore(%arg34 : memref<!tpu.dma_semaphore, #tpu.memory_space<semaphore_mem>>)
          %mul3A_274 = arith.constant 80 : i32
          %mul3A_275 = arith.muli %add3A_268, %mul3A_274 : i32
          %add3A_276 = arith.addi %mul3A_2, %mul3A_275 : i32
          %dma_start3A_277 = tpu.memref_slice %arg4[%add3A_276] : memref<320000xi32, #tpu.memory_space<hbm>> -> memref<80xi32, #tpu.memory_space<hbm>>
          %dma_start3A_278 = tpu.memref_slice %arg4[%add3A_276] : memref<320000xi32, #tpu.memory_space<hbm>> -> memref<80xi32, #tpu.memory_space<hbm>>
          tpu.enqueue_dma source(%dma_start3A_278 : memref<80xi32, #tpu.memory_space<hbm>>) target(%arg22 : memref<80xi32, #tpu.memory_space<vmem>>) target_semaphore(%arg34 : memref<!tpu.dma_semaphore, #tpu.memory_space<semaphore_mem>>)
        } else {
        }
      } else {
      }
      %jit3A_142 = arith.constant 8 : i32
      %eq3A_143 = arith.constant 0 : i32
      %eq3A_144 = arith.cmpi eq, %jit3A_142, %eq3A_143 : i32
      %jit3A_145 = arith.constant 1 : i32
      %select_n3A_146 = arith.select %eq3A_144, %jit3A_145, %jit3A_142 : i32
      %rem3A_147 = arith.remsi %scan3A_83, %select_n3A_146 : i32
      %ne3A_148 = arith.constant 0 : i32
      %ne3A_149 = arith.cmpi ne, %rem3A_147, %ne3A_148 : i32
      %lt3A_150 = arith.constant 0 : i32
      %lt3A_151 = arith.cmpi slt, %rem3A_147, %lt3A_150 : i32
      %lt3A_152 = arith.constant 0 : i32
      %lt3A_153 = arith.cmpi slt, %select_n3A_146, %lt3A_152 : i32
      %ne3A_154 = arith.xori %lt3A_151, %lt3A_153 : i1
      %and3A_155 = arith.andi %ne3A_154, %ne3A_149 : i1
      %add3A_156 = arith.addi %rem3A_147, %select_n3A_146 : i32
      %select_n3A_157 = arith.select %and3A_155, %add3A_156, %rem3A_147 : i32
      %eq3A_158 = arith.constant 3 : i32
      %eq3A_159 = arith.cmpi eq, %select_n3A_157, %eq3A_158 : i32
      %convert_element_type3A_160 = arith.extui %eq3A_159 : i1 to i32
      %cond3A_161 = arith.constant 0 : i32
      %cond3A_162 = arith.cmpi ne, %convert_element_type3A_160, %cond3A_161 : i32
      scf.if %cond3A_162 {
        %dma_wait3A_247 = arith.constant 0 : i32
        %dma_wait3A_248 = arith.constant 0 : i32
        %dma_wait3A_249 = tpu.memref_slice %arg2[%dma_wait3A_247, %dma_wait3A_248] : memref<10000x128xf32, #tpu.memory_space<hbm>> -> memref<10000x128xf32, #tpu.memory_space<hbm>>
        tpu.wait_indirect_dma semaphore(%arg39 : memref<!tpu.dma_semaphore, #tpu.memory_space<semaphore_mem>>) src(%dma_wait3A_249 : memref<10000x128xf32, #tpu.memory_space<hbm>>) dst(%arg27 : memref<80x128xf32, #tpu.memory_space<vmem>>)
        %dma_start3A_250 = arith.constant 0 : i32
        %dma_start3A_251 = arith.constant 0 : i32
        %dma_start3A_252 = tpu.memref_slice %arg7[%dma_start3A_250, %dma_start3A_251] : memref<10000x128xf32, #tpu.memory_space<vmem_shared>> -> memref<10000x128xf32, #tpu.memory_space<vmem_shared>>
        tpu.enqueue_indirect_dma source(%arg27 : memref<80x128xf32, #tpu.memory_space<vmem>>) target(%dma_start3A_252 : memref<10000x128xf32, #tpu.memory_space<vmem_shared>>) offsets(%arg19 : memref<80xi32, #tpu.memory_space<vmem>>) semaphore(%arg43 : memref<!tpu.dma_semaphore, #tpu.memory_space<semaphore_mem>>) {add = true}
        %add3A_253 = arith.constant 2 : i32
        %add3A_254 = arith.addi %scan3A_83, %add3A_253 : i32
        %lt3A_255 = arith.constant 125 : i32
        %lt3A_256 = arith.cmpi slt, %add3A_254, %lt3A_255 : i32
        %convert_element_type3A_257 = arith.extui %lt3A_256 : i1 to i32
        %cond3A_258 = arith.constant 0 : i32
        %cond3A_259 = arith.cmpi ne, %convert_element_type3A_257, %cond3A_258 : i32
        scf.if %cond3A_259 {
          %ge3A = arith.constant 2 : i32
          %ge3A_267 = arith.cmpi sge, %scan3A_83, %ge3A : i32
          %convert_element_type3A_268 = arith.extui %ge3A_267 : i1 to i32
          %cond3A_269 = arith.constant 0 : i32
          %cond3A_270 = arith.cmpi ne, %convert_element_type3A_268, %cond3A_269 : i32
          scf.if %cond3A_270 {
            %dma_wait3A_286 = arith.constant 0 : i32
            %dma_wait3A_287 = arith.constant 0 : i32
            %dma_wait3A_288 = tpu.memref_slice %arg7[%dma_wait3A_286, %dma_wait3A_287] : memref<10000x128xf32, #tpu.memory_space<vmem_shared>> -> memref<10000x128xf32, #tpu.memory_space<vmem_shared>>
            tpu.wait_indirect_dma semaphore(%arg41 : memref<!tpu.dma_semaphore, #tpu.memory_space<semaphore_mem>>) src(%arg25 : memref<80x128xf32, #tpu.memory_space<vmem>>) dst(%dma_wait3A_288 : memref<10000x128xf32, #tpu.memory_space<vmem_shared>>)
          } else {
          }
          %add3A_271 = arith.constant 2 : i32
          %add3A_272 = arith.addi %scan3A_83, %add3A_271 : i32
          %mul3A_273 = arith.constant 80 : i32
          %mul3A_274 = arith.muli %add3A_272, %mul3A_273 : i32
          %add3A_275 = arith.addi %mul3A_2, %mul3A_274 : i32
          %dma_wait3A_276 = tpu.memref_slice %arg3[%add3A_275] : memref<320000xi32, #tpu.memory_space<hbm>> -> memref<80xi32, #tpu.memory_space<hbm>>
          %dma_wait3A_277 = tpu.memref_slice %arg3[%add3A_275] : memref<320000xi32, #tpu.memory_space<hbm>> -> memref<80xi32, #tpu.memory_space<hbm>>
          tpu.wait_dma2 semaphore(%arg33 : memref<!tpu.dma_semaphore, #tpu.memory_space<semaphore_mem>>) src(%dma_wait3A_277 : memref<80xi32, #tpu.memory_space<hbm>>) dst(%arg13 : memref<80xi32, #tpu.memory_space<vmem>>)
          %mul3A_278 = arith.constant 80 : i32
          %mul3A_279 = arith.muli %add3A_272, %mul3A_278 : i32
          %add3A_280 = arith.addi %mul3A_2, %mul3A_279 : i32
          %dma_wait3A_281 = tpu.memref_slice %arg4[%add3A_280] : memref<320000xi32, #tpu.memory_space<hbm>> -> memref<80xi32, #tpu.memory_space<hbm>>
          %dma_wait3A_282 = tpu.memref_slice %arg4[%add3A_280] : memref<320000xi32, #tpu.memory_space<hbm>> -> memref<80xi32, #tpu.memory_space<hbm>>
          tpu.wait_dma2 semaphore(%arg33 : memref<!tpu.dma_semaphore, #tpu.memory_space<semaphore_mem>>) src(%dma_wait3A_282 : memref<80xi32, #tpu.memory_space<hbm>>) dst(%arg21 : memref<80xi32, #tpu.memory_space<vmem>>)
          %dma_start3A_283 = arith.constant 0 : i32
          %dma_start3A_284 = arith.constant 0 : i32
          %dma_start3A_285 = tpu.memref_slice %arg2[%dma_start3A_283, %dma_start3A_284] : memref<10000x128xf32, #tpu.memory_space<hbm>> -> memref<10000x128xf32, #tpu.memory_space<hbm>>
          tpu.enqueue_indirect_dma source(%dma_start3A_285 : memref<10000x128xf32, #tpu.memory_space<hbm>>) target(%arg25 : memref<80x128xf32, #tpu.memory_space<vmem>>) offsets(%arg13 : memref<80xi32, #tpu.memory_space<vmem>>) semaphore(%arg37 : memref<!tpu.dma_semaphore, #tpu.memory_space<semaphore_mem>>)
        } else {
        }
        %add3A_260 = arith.constant 4 : i32
        %add3A_261 = arith.addi %scan3A_83, %add3A_260 : i32
        %lt3A_262 = arith.constant 125 : i32
        %lt3A_263 = arith.cmpi slt, %add3A_261, %lt3A_262 : i32
        %convert_element_type3A_264 = arith.extui %lt3A_263 : i1 to i32
        %cond3A_265 = arith.constant 0 : i32
        %cond3A_266 = arith.cmpi ne, %convert_element_type3A_264, %cond3A_265 : i32
        scf.if %cond3A_266 {
          %add3A_267 = arith.constant 4 : i32
          %add3A_268 = arith.addi %scan3A_83, %add3A_267 : i32
          %mul3A_269 = arith.constant 80 : i32
          %mul3A_270 = arith.muli %add3A_268, %mul3A_269 : i32
          %add3A_271 = arith.addi %mul3A_2, %mul3A_270 : i32
          %dma_start3A_272 = tpu.memref_slice %arg3[%add3A_271] : memref<320000xi32, #tpu.memory_space<hbm>> -> memref<80xi32, #tpu.memory_space<hbm>>
          %dma_start3A_273 = tpu.memref_slice %arg3[%add3A_271] : memref<320000xi32, #tpu.memory_space<hbm>> -> memref<80xi32, #tpu.memory_space<hbm>>
          tpu.enqueue_dma source(%dma_start3A_273 : memref<80xi32, #tpu.memory_space<hbm>>) target(%arg15 : memref<80xi32, #tpu.memory_space<vmem>>) target_semaphore(%arg35 : memref<!tpu.dma_semaphore, #tpu.memory_space<semaphore_mem>>)
          %mul3A_274 = arith.constant 80 : i32
          %mul3A_275 = arith.muli %add3A_268, %mul3A_274 : i32
          %add3A_276 = arith.addi %mul3A_2, %mul3A_275 : i32
          %dma_start3A_277 = tpu.memref_slice %arg4[%add3A_276] : memref<320000xi32, #tpu.memory_space<hbm>> -> memref<80xi32, #tpu.memory_space<hbm>>
          %dma_start3A_278 = tpu.memref_slice %arg4[%add3A_276] : memref<320000xi32, #tpu.memory_space<hbm>> -> memref<80xi32, #tpu.memory_space<hbm>>
          tpu.enqueue_dma source(%dma_start3A_278 : memref<80xi32, #tpu.memory_space<hbm>>) target(%arg23 : memref<80xi32, #tpu.memory_space<vmem>>) target_semaphore(%arg35 : memref<!tpu.dma_semaphore, #tpu.memory_space<semaphore_mem>>)
        } else {
        }
      } else {
      }
      %jit3A_163 = arith.constant 8 : i32
      %eq3A_164 = arith.constant 0 : i32
      %eq3A_165 = arith.cmpi eq, %jit3A_163, %eq3A_164 : i32
      %jit3A_166 = arith.constant 1 : i32
      %select_n3A_167 = arith.select %eq3A_165, %jit3A_166, %jit3A_163 : i32
      %rem3A_168 = arith.remsi %scan3A_83, %select_n3A_167 : i32
      %ne3A_169 = arith.constant 0 : i32
      %ne3A_170 = arith.cmpi ne, %rem3A_168, %ne3A_169 : i32
      %lt3A_171 = arith.constant 0 : i32
      %lt3A_172 = arith.cmpi slt, %rem3A_168, %lt3A_171 : i32
      %lt3A_173 = arith.constant 0 : i32
      %lt3A_174 = arith.cmpi slt, %select_n3A_167, %lt3A_173 : i32
      %ne3A_175 = arith.xori %lt3A_172, %lt3A_174 : i1
      %and3A_176 = arith.andi %ne3A_175, %ne3A_170 : i1
      %add3A_177 = arith.addi %rem3A_168, %select_n3A_167 : i32
      %select_n3A_178 = arith.select %and3A_176, %add3A_177, %rem3A_168 : i32
      %eq3A_179 = arith.constant 4 : i32
      %eq3A_180 = arith.cmpi eq, %select_n3A_178, %eq3A_179 : i32
      %convert_element_type3A_181 = arith.extui %eq3A_180 : i1 to i32
      %cond3A_182 = arith.constant 0 : i32
      %cond3A_183 = arith.cmpi ne, %convert_element_type3A_181, %cond3A_182 : i32
      scf.if %cond3A_183 {
        %dma_wait3A_247 = arith.constant 0 : i32
        %dma_wait3A_248 = arith.constant 0 : i32
        %dma_wait3A_249 = tpu.memref_slice %arg2[%dma_wait3A_247, %dma_wait3A_248] : memref<10000x128xf32, #tpu.memory_space<hbm>> -> memref<10000x128xf32, #tpu.memory_space<hbm>>
        tpu.wait_indirect_dma semaphore(%arg36 : memref<!tpu.dma_semaphore, #tpu.memory_space<semaphore_mem>>) src(%dma_wait3A_249 : memref<10000x128xf32, #tpu.memory_space<hbm>>) dst(%arg24 : memref<80x128xf32, #tpu.memory_space<vmem>>)
        %dma_start3A_250 = arith.constant 0 : i32
        %dma_start3A_251 = arith.constant 0 : i32
        %dma_start3A_252 = tpu.memref_slice %arg7[%dma_start3A_250, %dma_start3A_251] : memref<10000x128xf32, #tpu.memory_space<vmem_shared>> -> memref<10000x128xf32, #tpu.memory_space<vmem_shared>>
        tpu.enqueue_indirect_dma source(%arg24 : memref<80x128xf32, #tpu.memory_space<vmem>>) target(%dma_start3A_252 : memref<10000x128xf32, #tpu.memory_space<vmem_shared>>) offsets(%arg20 : memref<80xi32, #tpu.memory_space<vmem>>) semaphore(%arg40 : memref<!tpu.dma_semaphore, #tpu.memory_space<semaphore_mem>>) {add = true}
        %add3A_253 = arith.constant 2 : i32
        %add3A_254 = arith.addi %scan3A_83, %add3A_253 : i32
        %lt3A_255 = arith.constant 125 : i32
        %lt3A_256 = arith.cmpi slt, %add3A_254, %lt3A_255 : i32
        %convert_element_type3A_257 = arith.extui %lt3A_256 : i1 to i32
        %cond3A_258 = arith.constant 0 : i32
        %cond3A_259 = arith.cmpi ne, %convert_element_type3A_257, %cond3A_258 : i32
        scf.if %cond3A_259 {
          %ge3A = arith.constant 2 : i32
          %ge3A_267 = arith.cmpi sge, %scan3A_83, %ge3A : i32
          %convert_element_type3A_268 = arith.extui %ge3A_267 : i1 to i32
          %cond3A_269 = arith.constant 0 : i32
          %cond3A_270 = arith.cmpi ne, %convert_element_type3A_268, %cond3A_269 : i32
          scf.if %cond3A_270 {
            %dma_wait3A_286 = arith.constant 0 : i32
            %dma_wait3A_287 = arith.constant 0 : i32
            %dma_wait3A_288 = tpu.memref_slice %arg7[%dma_wait3A_286, %dma_wait3A_287] : memref<10000x128xf32, #tpu.memory_space<vmem_shared>> -> memref<10000x128xf32, #tpu.memory_space<vmem_shared>>
            tpu.wait_indirect_dma semaphore(%arg42 : memref<!tpu.dma_semaphore, #tpu.memory_space<semaphore_mem>>) src(%arg26 : memref<80x128xf32, #tpu.memory_space<vmem>>) dst(%dma_wait3A_288 : memref<10000x128xf32, #tpu.memory_space<vmem_shared>>)
          } else {
          }
          %add3A_271 = arith.constant 2 : i32
          %add3A_272 = arith.addi %scan3A_83, %add3A_271 : i32
          %mul3A_273 = arith.constant 80 : i32
          %mul3A_274 = arith.muli %add3A_272, %mul3A_273 : i32
          %add3A_275 = arith.addi %mul3A_2, %mul3A_274 : i32
          %dma_wait3A_276 = tpu.memref_slice %arg3[%add3A_275] : memref<320000xi32, #tpu.memory_space<hbm>> -> memref<80xi32, #tpu.memory_space<hbm>>
          %dma_wait3A_277 = tpu.memref_slice %arg3[%add3A_275] : memref<320000xi32, #tpu.memory_space<hbm>> -> memref<80xi32, #tpu.memory_space<hbm>>
          tpu.wait_dma2 semaphore(%arg34 : memref<!tpu.dma_semaphore, #tpu.memory_space<semaphore_mem>>) src(%dma_wait3A_277 : memref<80xi32, #tpu.memory_space<hbm>>) dst(%arg14 : memref<80xi32, #tpu.memory_space<vmem>>)
          %mul3A_278 = arith.constant 80 : i32
          %mul3A_279 = arith.muli %add3A_272, %mul3A_278 : i32
          %add3A_280 = arith.addi %mul3A_2, %mul3A_279 : i32
          %dma_wait3A_281 = tpu.memref_slice %arg4[%add3A_280] : memref<320000xi32, #tpu.memory_space<hbm>> -> memref<80xi32, #tpu.memory_space<hbm>>
          %dma_wait3A_282 = tpu.memref_slice %arg4[%add3A_280] : memref<320000xi32, #tpu.memory_space<hbm>> -> memref<80xi32, #tpu.memory_space<hbm>>
          tpu.wait_dma2 semaphore(%arg34 : memref<!tpu.dma_semaphore, #tpu.memory_space<semaphore_mem>>) src(%dma_wait3A_282 : memref<80xi32, #tpu.memory_space<hbm>>) dst(%arg22 : memref<80xi32, #tpu.memory_space<vmem>>)
          %dma_start3A_283 = arith.constant 0 : i32
          %dma_start3A_284 = arith.constant 0 : i32
          %dma_start3A_285 = tpu.memref_slice %arg2[%dma_start3A_283, %dma_start3A_284] : memref<10000x128xf32, #tpu.memory_space<hbm>> -> memref<10000x128xf32, #tpu.memory_space<hbm>>
          tpu.enqueue_indirect_dma source(%dma_start3A_285 : memref<10000x128xf32, #tpu.memory_space<hbm>>) target(%arg26 : memref<80x128xf32, #tpu.memory_space<vmem>>) offsets(%arg14 : memref<80xi32, #tpu.memory_space<vmem>>) semaphore(%arg38 : memref<!tpu.dma_semaphore, #tpu.memory_space<semaphore_mem>>)
        } else {
        }
        %add3A_260 = arith.constant 4 : i32
        %add3A_261 = arith.addi %scan3A_83, %add3A_260 : i32
        %lt3A_262 = arith.constant 125 : i32
        %lt3A_263 = arith.cmpi slt, %add3A_261, %lt3A_262 : i32
        %convert_element_type3A_264 = arith.extui %lt3A_263 : i1 to i32
        %cond3A_265 = arith.constant 0 : i32
        %cond3A_266 = arith.cmpi ne, %convert_element_type3A_264, %cond3A_265 : i32
        scf.if %cond3A_266 {
          %add3A_267 = arith.constant 4 : i32
          %add3A_268 = arith.addi %scan3A_83, %add3A_267 : i32
          %mul3A_269 = arith.constant 80 : i32
          %mul3A_270 = arith.muli %add3A_268, %mul3A_269 : i32
          %add3A_271 = arith.addi %mul3A_2, %mul3A_270 : i32
          %dma_start3A_272 = tpu.memref_slice %arg3[%add3A_271] : memref<320000xi32, #tpu.memory_space<hbm>> -> memref<80xi32, #tpu.memory_space<hbm>>
          %dma_start3A_273 = tpu.memref_slice %arg3[%add3A_271] : memref<320000xi32, #tpu.memory_space<hbm>> -> memref<80xi32, #tpu.memory_space<hbm>>
          tpu.enqueue_dma source(%dma_start3A_273 : memref<80xi32, #tpu.memory_space<hbm>>) target(%arg8 : memref<80xi32, #tpu.memory_space<vmem>>) target_semaphore(%arg28 : memref<!tpu.dma_semaphore, #tpu.memory_space<semaphore_mem>>)
          %mul3A_274 = arith.constant 80 : i32
          %mul3A_275 = arith.muli %add3A_268, %mul3A_274 : i32
          %add3A_276 = arith.addi %mul3A_2, %mul3A_275 : i32
          %dma_start3A_277 = tpu.memref_slice %arg4[%add3A_276] : memref<320000xi32, #tpu.memory_space<hbm>> -> memref<80xi32, #tpu.memory_space<hbm>>
          %dma_start3A_278 = tpu.memref_slice %arg4[%add3A_276] : memref<320000xi32, #tpu.memory_space<hbm>> -> memref<80xi32, #tpu.memory_space<hbm>>
          tpu.enqueue_dma source(%dma_start3A_278 : memref<80xi32, #tpu.memory_space<hbm>>) target(%arg16 : memref<80xi32, #tpu.memory_space<vmem>>) target_semaphore(%arg28 : memref<!tpu.dma_semaphore, #tpu.memory_space<semaphore_mem>>)
        } else {
        }
      } else {
      }
      %jit3A_184 = arith.constant 8 : i32
      %eq3A_185 = arith.constant 0 : i32
      %eq3A_186 = arith.cmpi eq, %jit3A_184, %eq3A_185 : i32
      %jit3A_187 = arith.constant 1 : i32
      %select_n3A_188 = arith.select %eq3A_186, %jit3A_187, %jit3A_184 : i32
      %rem3A_189 = arith.remsi %scan3A_83, %select_n3A_188 : i32
      %ne3A_190 = arith.constant 0 : i32
      %ne3A_191 = arith.cmpi ne, %rem3A_189, %ne3A_190 : i32
      %lt3A_192 = arith.constant 0 : i32
      %lt3A_193 = arith.cmpi slt, %rem3A_189, %lt3A_192 : i32
      %lt3A_194 = arith.constant 0 : i32
      %lt3A_195 = arith.cmpi slt, %select_n3A_188, %lt3A_194 : i32
      %ne3A_196 = arith.xori %lt3A_193, %lt3A_195 : i1
      %and3A_197 = arith.andi %ne3A_196, %ne3A_191 : i1
      %add3A_198 = arith.addi %rem3A_189, %select_n3A_188 : i32
      %select_n3A_199 = arith.select %and3A_197, %add3A_198, %rem3A_189 : i32
      %eq3A_200 = arith.constant 5 : i32
      %eq3A_201 = arith.cmpi eq, %select_n3A_199, %eq3A_200 : i32
      %convert_element_type3A_202 = arith.extui %eq3A_201 : i1 to i32
      %cond3A_203 = arith.constant 0 : i32
      %cond3A_204 = arith.cmpi ne, %convert_element_type3A_202, %cond3A_203 : i32
      scf.if %cond3A_204 {
        %dma_wait3A_247 = arith.constant 0 : i32
        %dma_wait3A_248 = arith.constant 0 : i32
        %dma_wait3A_249 = tpu.memref_slice %arg2[%dma_wait3A_247, %dma_wait3A_248] : memref<10000x128xf32, #tpu.memory_space<hbm>> -> memref<10000x128xf32, #tpu.memory_space<hbm>>
        tpu.wait_indirect_dma semaphore(%arg37 : memref<!tpu.dma_semaphore, #tpu.memory_space<semaphore_mem>>) src(%dma_wait3A_249 : memref<10000x128xf32, #tpu.memory_space<hbm>>) dst(%arg25 : memref<80x128xf32, #tpu.memory_space<vmem>>)
        %dma_start3A_250 = arith.constant 0 : i32
        %dma_start3A_251 = arith.constant 0 : i32
        %dma_start3A_252 = tpu.memref_slice %arg7[%dma_start3A_250, %dma_start3A_251] : memref<10000x128xf32, #tpu.memory_space<vmem_shared>> -> memref<10000x128xf32, #tpu.memory_space<vmem_shared>>
        tpu.enqueue_indirect_dma source(%arg25 : memref<80x128xf32, #tpu.memory_space<vmem>>) target(%dma_start3A_252 : memref<10000x128xf32, #tpu.memory_space<vmem_shared>>) offsets(%arg21 : memref<80xi32, #tpu.memory_space<vmem>>) semaphore(%arg41 : memref<!tpu.dma_semaphore, #tpu.memory_space<semaphore_mem>>) {add = true}
        %add3A_253 = arith.constant 2 : i32
        %add3A_254 = arith.addi %scan3A_83, %add3A_253 : i32
        %lt3A_255 = arith.constant 125 : i32
        %lt3A_256 = arith.cmpi slt, %add3A_254, %lt3A_255 : i32
        %convert_element_type3A_257 = arith.extui %lt3A_256 : i1 to i32
        %cond3A_258 = arith.constant 0 : i32
        %cond3A_259 = arith.cmpi ne, %convert_element_type3A_257, %cond3A_258 : i32
        scf.if %cond3A_259 {
          %ge3A = arith.constant 2 : i32
          %ge3A_267 = arith.cmpi sge, %scan3A_83, %ge3A : i32
          %convert_element_type3A_268 = arith.extui %ge3A_267 : i1 to i32
          %cond3A_269 = arith.constant 0 : i32
          %cond3A_270 = arith.cmpi ne, %convert_element_type3A_268, %cond3A_269 : i32
          scf.if %cond3A_270 {
            %dma_wait3A_286 = arith.constant 0 : i32
            %dma_wait3A_287 = arith.constant 0 : i32
            %dma_wait3A_288 = tpu.memref_slice %arg7[%dma_wait3A_286, %dma_wait3A_287] : memref<10000x128xf32, #tpu.memory_space<vmem_shared>> -> memref<10000x128xf32, #tpu.memory_space<vmem_shared>>
            tpu.wait_indirect_dma semaphore(%arg43 : memref<!tpu.dma_semaphore, #tpu.memory_space<semaphore_mem>>) src(%arg27 : memref<80x128xf32, #tpu.memory_space<vmem>>) dst(%dma_wait3A_288 : memref<10000x128xf32, #tpu.memory_space<vmem_shared>>)
          } else {
          }
          %add3A_271 = arith.constant 2 : i32
          %add3A_272 = arith.addi %scan3A_83, %add3A_271 : i32
          %mul3A_273 = arith.constant 80 : i32
          %mul3A_274 = arith.muli %add3A_272, %mul3A_273 : i32
          %add3A_275 = arith.addi %mul3A_2, %mul3A_274 : i32
          %dma_wait3A_276 = tpu.memref_slice %arg3[%add3A_275] : memref<320000xi32, #tpu.memory_space<hbm>> -> memref<80xi32, #tpu.memory_space<hbm>>
          %dma_wait3A_277 = tpu.memref_slice %arg3[%add3A_275] : memref<320000xi32, #tpu.memory_space<hbm>> -> memref<80xi32, #tpu.memory_space<hbm>>
          tpu.wait_dma2 semaphore(%arg35 : memref<!tpu.dma_semaphore, #tpu.memory_space<semaphore_mem>>) src(%dma_wait3A_277 : memref<80xi32, #tpu.memory_space<hbm>>) dst(%arg15 : memref<80xi32, #tpu.memory_space<vmem>>)
          %mul3A_278 = arith.constant 80 : i32
          %mul3A_279 = arith.muli %add3A_272, %mul3A_278 : i32
          %add3A_280 = arith.addi %mul3A_2, %mul3A_279 : i32
          %dma_wait3A_281 = tpu.memref_slice %arg4[%add3A_280] : memref<320000xi32, #tpu.memory_space<hbm>> -> memref<80xi32, #tpu.memory_space<hbm>>
          %dma_wait3A_282 = tpu.memref_slice %arg4[%add3A_280] : memref<320000xi32, #tpu.memory_space<hbm>> -> memref<80xi32, #tpu.memory_space<hbm>>
          tpu.wait_dma2 semaphore(%arg35 : memref<!tpu.dma_semaphore, #tpu.memory_space<semaphore_mem>>) src(%dma_wait3A_282 : memref<80xi32, #tpu.memory_space<hbm>>) dst(%arg23 : memref<80xi32, #tpu.memory_space<vmem>>)
          %dma_start3A_283 = arith.constant 0 : i32
          %dma_start3A_284 = arith.constant 0 : i32
          %dma_start3A_285 = tpu.memref_slice %arg2[%dma_start3A_283, %dma_start3A_284] : memref<10000x128xf32, #tpu.memory_space<hbm>> -> memref<10000x128xf32, #tpu.memory_space<hbm>>
          tpu.enqueue_indirect_dma source(%dma_start3A_285 : memref<10000x128xf32, #tpu.memory_space<hbm>>) target(%arg27 : memref<80x128xf32, #tpu.memory_space<vmem>>) offsets(%arg15 : memref<80xi32, #tpu.memory_space<vmem>>) semaphore(%arg39 : memref<!tpu.dma_semaphore, #tpu.memory_space<semaphore_mem>>)
        } else {
        }
        %add3A_260 = arith.constant 4 : i32
        %add3A_261 = arith.addi %scan3A_83, %add3A_260 : i32
        %lt3A_262 = arith.constant 125 : i32
        %lt3A_263 = arith.cmpi slt, %add3A_261, %lt3A_262 : i32
        %convert_element_type3A_264 = arith.extui %lt3A_263 : i1 to i32
        %cond3A_265 = arith.constant 0 : i32
        %cond3A_266 = arith.cmpi ne, %convert_element_type3A_264, %cond3A_265 : i32
        scf.if %cond3A_266 {
          %add3A_267 = arith.constant 4 : i32
          %add3A_268 = arith.addi %scan3A_83, %add3A_267 : i32
          %mul3A_269 = arith.constant 80 : i32
          %mul3A_270 = arith.muli %add3A_268, %mul3A_269 : i32
          %add3A_271 = arith.addi %mul3A_2, %mul3A_270 : i32
          %dma_start3A_272 = tpu.memref_slice %arg3[%add3A_271] : memref<320000xi32, #tpu.memory_space<hbm>> -> memref<80xi32, #tpu.memory_space<hbm>>
          %dma_start3A_273 = tpu.memref_slice %arg3[%add3A_271] : memref<320000xi32, #tpu.memory_space<hbm>> -> memref<80xi32, #tpu.memory_space<hbm>>
          tpu.enqueue_dma source(%dma_start3A_273 : memref<80xi32, #tpu.memory_space<hbm>>) target(%arg9 : memref<80xi32, #tpu.memory_space<vmem>>) target_semaphore(%arg29 : memref<!tpu.dma_semaphore, #tpu.memory_space<semaphore_mem>>)
          %mul3A_274 = arith.constant 80 : i32
          %mul3A_275 = arith.muli %add3A_268, %mul3A_274 : i32
          %add3A_276 = arith.addi %mul3A_2, %mul3A_275 : i32
          %dma_start3A_277 = tpu.memref_slice %arg4[%add3A_276] : memref<320000xi32, #tpu.memory_space<hbm>> -> memref<80xi32, #tpu.memory_space<hbm>>
          %dma_start3A_278 = tpu.memref_slice %arg4[%add3A_276] : memref<320000xi32, #tpu.memory_space<hbm>> -> memref<80xi32, #tpu.memory_space<hbm>>
          tpu.enqueue_dma source(%dma_start3A_278 : memref<80xi32, #tpu.memory_space<hbm>>) target(%arg17 : memref<80xi32, #tpu.memory_space<vmem>>) target_semaphore(%arg29 : memref<!tpu.dma_semaphore, #tpu.memory_space<semaphore_mem>>)
        } else {
        }
      } else {
      }
      %jit3A_205 = arith.constant 8 : i32
      %eq3A_206 = arith.constant 0 : i32
      %eq3A_207 = arith.cmpi eq, %jit3A_205, %eq3A_206 : i32
      %jit3A_208 = arith.constant 1 : i32
      %select_n3A_209 = arith.select %eq3A_207, %jit3A_208, %jit3A_205 : i32
      %rem3A_210 = arith.remsi %scan3A_83, %select_n3A_209 : i32
      %ne3A_211 = arith.constant 0 : i32
      %ne3A_212 = arith.cmpi ne, %rem3A_210, %ne3A_211 : i32
      %lt3A_213 = arith.constant 0 : i32
      %lt3A_214 = arith.cmpi slt, %rem3A_210, %lt3A_213 : i32
      %lt3A_215 = arith.constant 0 : i32
      %lt3A_216 = arith.cmpi slt, %select_n3A_209, %lt3A_215 : i32
      %ne3A_217 = arith.xori %lt3A_214, %lt3A_216 : i1
      %and3A_218 = arith.andi %ne3A_217, %ne3A_212 : i1
      %add3A_219 = arith.addi %rem3A_210, %select_n3A_209 : i32
      %select_n3A_220 = arith.select %and3A_218, %add3A_219, %rem3A_210 : i32
      %eq3A_221 = arith.constant 6 : i32
      %eq3A_222 = arith.cmpi eq, %select_n3A_220, %eq3A_221 : i32
      %convert_element_type3A_223 = arith.extui %eq3A_222 : i1 to i32
      %cond3A_224 = arith.constant 0 : i32
      %cond3A_225 = arith.cmpi ne, %convert_element_type3A_223, %cond3A_224 : i32
      scf.if %cond3A_225 {
        %dma_wait3A_247 = arith.constant 0 : i32
        %dma_wait3A_248 = arith.constant 0 : i32
        %dma_wait3A_249 = tpu.memref_slice %arg2[%dma_wait3A_247, %dma_wait3A_248] : memref<10000x128xf32, #tpu.memory_space<hbm>> -> memref<10000x128xf32, #tpu.memory_space<hbm>>
        tpu.wait_indirect_dma semaphore(%arg38 : memref<!tpu.dma_semaphore, #tpu.memory_space<semaphore_mem>>) src(%dma_wait3A_249 : memref<10000x128xf32, #tpu.memory_space<hbm>>) dst(%arg26 : memref<80x128xf32, #tpu.memory_space<vmem>>)
        %dma_start3A_250 = arith.constant 0 : i32
        %dma_start3A_251 = arith.constant 0 : i32
        %dma_start3A_252 = tpu.memref_slice %arg7[%dma_start3A_250, %dma_start3A_251] : memref<10000x128xf32, #tpu.memory_space<vmem_shared>> -> memref<10000x128xf32, #tpu.memory_space<vmem_shared>>
        tpu.enqueue_indirect_dma source(%arg26 : memref<80x128xf32, #tpu.memory_space<vmem>>) target(%dma_start3A_252 : memref<10000x128xf32, #tpu.memory_space<vmem_shared>>) offsets(%arg22 : memref<80xi32, #tpu.memory_space<vmem>>) semaphore(%arg42 : memref<!tpu.dma_semaphore, #tpu.memory_space<semaphore_mem>>) {add = true}
        %add3A_253 = arith.constant 2 : i32
        %add3A_254 = arith.addi %scan3A_83, %add3A_253 : i32
        %lt3A_255 = arith.constant 125 : i32
        %lt3A_256 = arith.cmpi slt, %add3A_254, %lt3A_255 : i32
        %convert_element_type3A_257 = arith.extui %lt3A_256 : i1 to i32
        %cond3A_258 = arith.constant 0 : i32
        %cond3A_259 = arith.cmpi ne, %convert_element_type3A_257, %cond3A_258 : i32
        scf.if %cond3A_259 {
          %ge3A = arith.constant 2 : i32
          %ge3A_267 = arith.cmpi sge, %scan3A_83, %ge3A : i32
          %convert_element_type3A_268 = arith.extui %ge3A_267 : i1 to i32
          %cond3A_269 = arith.constant 0 : i32
          %cond3A_270 = arith.cmpi ne, %convert_element_type3A_268, %cond3A_269 : i32
          scf.if %cond3A_270 {
            %dma_wait3A_286 = arith.constant 0 : i32
            %dma_wait3A_287 = arith.constant 0 : i32
            %dma_wait3A_288 = tpu.memref_slice %arg7[%dma_wait3A_286, %dma_wait3A_287] : memref<10000x128xf32, #tpu.memory_space<vmem_shared>> -> memref<10000x128xf32, #tpu.memory_space<vmem_shared>>
            tpu.wait_indirect_dma semaphore(%arg40 : memref<!tpu.dma_semaphore, #tpu.memory_space<semaphore_mem>>) src(%arg24 : memref<80x128xf32, #tpu.memory_space<vmem>>) dst(%dma_wait3A_288 : memref<10000x128xf32, #tpu.memory_space<vmem_shared>>)
          } else {
          }
          %add3A_271 = arith.constant 2 : i32
          %add3A_272 = arith.addi %scan3A_83, %add3A_271 : i32
          %mul3A_273 = arith.constant 80 : i32
          %mul3A_274 = arith.muli %add3A_272, %mul3A_273 : i32
          %add3A_275 = arith.addi %mul3A_2, %mul3A_274 : i32
          %dma_wait3A_276 = tpu.memref_slice %arg3[%add3A_275] : memref<320000xi32, #tpu.memory_space<hbm>> -> memref<80xi32, #tpu.memory_space<hbm>>
          %dma_wait3A_277 = tpu.memref_slice %arg3[%add3A_275] : memref<320000xi32, #tpu.memory_space<hbm>> -> memref<80xi32, #tpu.memory_space<hbm>>
          tpu.wait_dma2 semaphore(%arg28 : memref<!tpu.dma_semaphore, #tpu.memory_space<semaphore_mem>>) src(%dma_wait3A_277 : memref<80xi32, #tpu.memory_space<hbm>>) dst(%arg8 : memref<80xi32, #tpu.memory_space<vmem>>)
          %mul3A_278 = arith.constant 80 : i32
          %mul3A_279 = arith.muli %add3A_272, %mul3A_278 : i32
          %add3A_280 = arith.addi %mul3A_2, %mul3A_279 : i32
          %dma_wait3A_281 = tpu.memref_slice %arg4[%add3A_280] : memref<320000xi32, #tpu.memory_space<hbm>> -> memref<80xi32, #tpu.memory_space<hbm>>
          %dma_wait3A_282 = tpu.memref_slice %arg4[%add3A_280] : memref<320000xi32, #tpu.memory_space<hbm>> -> memref<80xi32, #tpu.memory_space<hbm>>
          tpu.wait_dma2 semaphore(%arg28 : memref<!tpu.dma_semaphore, #tpu.memory_space<semaphore_mem>>) src(%dma_wait3A_282 : memref<80xi32, #tpu.memory_space<hbm>>) dst(%arg16 : memref<80xi32, #tpu.memory_space<vmem>>)
          %dma_start3A_283 = arith.constant 0 : i32
          %dma_start3A_284 = arith.constant 0 : i32
          %dma_start3A_285 = tpu.memref_slice %arg2[%dma_start3A_283, %dma_start3A_284] : memref<10000x128xf32, #tpu.memory_space<hbm>> -> memref<10000x128xf32, #tpu.memory_space<hbm>>
          tpu.enqueue_indirect_dma source(%dma_start3A_285 : memref<10000x128xf32, #tpu.memory_space<hbm>>) target(%arg24 : memref<80x128xf32, #tpu.memory_space<vmem>>) offsets(%arg8 : memref<80xi32, #tpu.memory_space<vmem>>) semaphore(%arg36 : memref<!tpu.dma_semaphore, #tpu.memory_space<semaphore_mem>>)
        } else {
        }
        %add3A_260 = arith.constant 4 : i32
        %add3A_261 = arith.addi %scan3A_83, %add3A_260 : i32
        %lt3A_262 = arith.constant 125 : i32
        %lt3A_263 = arith.cmpi slt, %add3A_261, %lt3A_262 : i32
        %convert_element_type3A_264 = arith.extui %lt3A_263 : i1 to i32
        %cond3A_265 = arith.constant 0 : i32
        %cond3A_266 = arith.cmpi ne, %convert_element_type3A_264, %cond3A_265 : i32
        scf.if %cond3A_266 {
          %add3A_267 = arith.constant 4 : i32
          %add3A_268 = arith.addi %scan3A_83, %add3A_267 : i32
          %mul3A_269 = arith.constant 80 : i32
          %mul3A_270 = arith.muli %add3A_268, %mul3A_269 : i32
          %add3A_271 = arith.addi %mul3A_2, %mul3A_270 : i32
          %dma_start3A_272 = tpu.memref_slice %arg3[%add3A_271] : memref<320000xi32, #tpu.memory_space<hbm>> -> memref<80xi32, #tpu.memory_space<hbm>>
          %dma_start3A_273 = tpu.memref_slice %arg3[%add3A_271] : memref<320000xi32, #tpu.memory_space<hbm>> -> memref<80xi32, #tpu.memory_space<hbm>>
          tpu.enqueue_dma source(%dma_start3A_273 : memref<80xi32, #tpu.memory_space<hbm>>) target(%arg10 : memref<80xi32, #tpu.memory_space<vmem>>) target_semaphore(%arg30 : memref<!tpu.dma_semaphore, #tpu.memory_space<semaphore_mem>>)
          %mul3A_274 = arith.constant 80 : i32
          %mul3A_275 = arith.muli %add3A_268, %mul3A_274 : i32
          %add3A_276 = arith.addi %mul3A_2, %mul3A_275 : i32
          %dma_start3A_277 = tpu.memref_slice %arg4[%add3A_276] : memref<320000xi32, #tpu.memory_space<hbm>> -> memref<80xi32, #tpu.memory_space<hbm>>
          %dma_start3A_278 = tpu.memref_slice %arg4[%add3A_276] : memref<320000xi32, #tpu.memory_space<hbm>> -> memref<80xi32, #tpu.memory_space<hbm>>
          tpu.enqueue_dma source(%dma_start3A_278 : memref<80xi32, #tpu.memory_space<hbm>>) target(%arg18 : memref<80xi32, #tpu.memory_space<vmem>>) target_semaphore(%arg30 : memref<!tpu.dma_semaphore, #tpu.memory_space<semaphore_mem>>)
        } else {
        }
      } else {
      }
      %jit3A_226 = arith.constant 8 : i32
      %eq3A_227 = arith.constant 0 : i32
      %eq3A_228 = arith.cmpi eq, %jit3A_226, %eq3A_227 : i32
      %jit3A_229 = arith.constant 1 : i32
      %select_n3A_230 = arith.select %eq3A_228, %jit3A_229, %jit3A_226 : i32
      %rem3A_231 = arith.remsi %scan3A_83, %select_n3A_230 : i32
      %ne3A_232 = arith.constant 0 : i32
      %ne3A_233 = arith.cmpi ne, %rem3A_231, %ne3A_232 : i32
      %lt3A_234 = arith.constant 0 : i32
      %lt3A_235 = arith.cmpi slt, %rem3A_231, %lt3A_234 : i32
      %lt3A_236 = arith.constant 0 : i32
      %lt3A_237 = arith.cmpi slt, %select_n3A_230, %lt3A_236 : i32
      %ne3A_238 = arith.xori %lt3A_235, %lt3A_237 : i1
      %and3A_239 = arith.andi %ne3A_238, %ne3A_233 : i1
      %add3A_240 = arith.addi %rem3A_231, %select_n3A_230 : i32
      %select_n3A_241 = arith.select %and3A_239, %add3A_240, %rem3A_231 : i32
      %eq3A_242 = arith.constant 7 : i32
      %eq3A_243 = arith.cmpi eq, %select_n3A_241, %eq3A_242 : i32
      %convert_element_type3A_244 = arith.extui %eq3A_243 : i1 to i32
      %cond3A_245 = arith.constant 0 : i32
      %cond3A_246 = arith.cmpi ne, %convert_element_type3A_244, %cond3A_245 : i32
      scf.if %cond3A_246 {
        %dma_wait3A_247 = arith.constant 0 : i32
        %dma_wait3A_248 = arith.constant 0 : i32
        %dma_wait3A_249 = tpu.memref_slice %arg2[%dma_wait3A_247, %dma_wait3A_248] : memref<10000x128xf32, #tpu.memory_space<hbm>> -> memref<10000x128xf32, #tpu.memory_space<hbm>>
        tpu.wait_indirect_dma semaphore(%arg39 : memref<!tpu.dma_semaphore, #tpu.memory_space<semaphore_mem>>) src(%dma_wait3A_249 : memref<10000x128xf32, #tpu.memory_space<hbm>>) dst(%arg27 : memref<80x128xf32, #tpu.memory_space<vmem>>)
        %dma_start3A_250 = arith.constant 0 : i32
        %dma_start3A_251 = arith.constant 0 : i32
        %dma_start3A_252 = tpu.memref_slice %arg7[%dma_start3A_250, %dma_start3A_251] : memref<10000x128xf32, #tpu.memory_space<vmem_shared>> -> memref<10000x128xf32, #tpu.memory_space<vmem_shared>>
        tpu.enqueue_indirect_dma source(%arg27 : memref<80x128xf32, #tpu.memory_space<vmem>>) target(%dma_start3A_252 : memref<10000x128xf32, #tpu.memory_space<vmem_shared>>) offsets(%arg23 : memref<80xi32, #tpu.memory_space<vmem>>) semaphore(%arg43 : memref<!tpu.dma_semaphore, #tpu.memory_space<semaphore_mem>>) {add = true}
        %add3A_253 = arith.constant 2 : i32
        %add3A_254 = arith.addi %scan3A_83, %add3A_253 : i32
        %lt3A_255 = arith.constant 125 : i32
        %lt3A_256 = arith.cmpi slt, %add3A_254, %lt3A_255 : i32
        %convert_element_type3A_257 = arith.extui %lt3A_256 : i1 to i32
        %cond3A_258 = arith.constant 0 : i32
        %cond3A_259 = arith.cmpi ne, %convert_element_type3A_257, %cond3A_258 : i32
        scf.if %cond3A_259 {
          %ge3A = arith.constant 2 : i32
          %ge3A_267 = arith.cmpi sge, %scan3A_83, %ge3A : i32
          %convert_element_type3A_268 = arith.extui %ge3A_267 : i1 to i32
          %cond3A_269 = arith.constant 0 : i32
          %cond3A_270 = arith.cmpi ne, %convert_element_type3A_268, %cond3A_269 : i32
          scf.if %cond3A_270 {
            %dma_wait3A_286 = arith.constant 0 : i32
            %dma_wait3A_287 = arith.constant 0 : i32
            %dma_wait3A_288 = tpu.memref_slice %arg7[%dma_wait3A_286, %dma_wait3A_287] : memref<10000x128xf32, #tpu.memory_space<vmem_shared>> -> memref<10000x128xf32, #tpu.memory_space<vmem_shared>>
            tpu.wait_indirect_dma semaphore(%arg41 : memref<!tpu.dma_semaphore, #tpu.memory_space<semaphore_mem>>) src(%arg25 : memref<80x128xf32, #tpu.memory_space<vmem>>) dst(%dma_wait3A_288 : memref<10000x128xf32, #tpu.memory_space<vmem_shared>>)
          } else {
          }
          %add3A_271 = arith.constant 2 : i32
          %add3A_272 = arith.addi %scan3A_83, %add3A_271 : i32
          %mul3A_273 = arith.constant 80 : i32
          %mul3A_274 = arith.muli %add3A_272, %mul3A_273 : i32
          %add3A_275 = arith.addi %mul3A_2, %mul3A_274 : i32
          %dma_wait3A_276 = tpu.memref_slice %arg3[%add3A_275] : memref<320000xi32, #tpu.memory_space<hbm>> -> memref<80xi32, #tpu.memory_space<hbm>>
          %dma_wait3A_277 = tpu.memref_slice %arg3[%add3A_275] : memref<320000xi32, #tpu.memory_space<hbm>> -> memref<80xi32, #tpu.memory_space<hbm>>
          tpu.wait_dma2 semaphore(%arg29 : memref<!tpu.dma_semaphore, #tpu.memory_space<semaphore_mem>>) src(%dma_wait3A_277 : memref<80xi32, #tpu.memory_space<hbm>>) dst(%arg9 : memref<80xi32, #tpu.memory_space<vmem>>)
          %mul3A_278 = arith.constant 80 : i32
          %mul3A_279 = arith.muli %add3A_272, %mul3A_278 : i32
          %add3A_280 = arith.addi %mul3A_2, %mul3A_279 : i32
          %dma_wait3A_281 = tpu.memref_slice %arg4[%add3A_280] : memref<320000xi32, #tpu.memory_space<hbm>> -> memref<80xi32, #tpu.memory_space<hbm>>
          %dma_wait3A_282 = tpu.memref_slice %arg4[%add3A_280] : memref<320000xi32, #tpu.memory_space<hbm>> -> memref<80xi32, #tpu.memory_space<hbm>>
          tpu.wait_dma2 semaphore(%arg29 : memref<!tpu.dma_semaphore, #tpu.memory_space<semaphore_mem>>) src(%dma_wait3A_282 : memref<80xi32, #tpu.memory_space<hbm>>) dst(%arg17 : memref<80xi32, #tpu.memory_space<vmem>>)
          %dma_start3A_283 = arith.constant 0 : i32
          %dma_start3A_284 = arith.constant 0 : i32
          %dma_start3A_285 = tpu.memref_slice %arg2[%dma_start3A_283, %dma_start3A_284] : memref<10000x128xf32, #tpu.memory_space<hbm>> -> memref<10000x128xf32, #tpu.memory_space<hbm>>
          tpu.enqueue_indirect_dma source(%dma_start3A_285 : memref<10000x128xf32, #tpu.memory_space<hbm>>) target(%arg25 : memref<80x128xf32, #tpu.memory_space<vmem>>) offsets(%arg9 : memref<80xi32, #tpu.memory_space<vmem>>) semaphore(%arg37 : memref<!tpu.dma_semaphore, #tpu.memory_space<semaphore_mem>>)
        } else {
        }
        %add3A_260 = arith.constant 4 : i32
        %add3A_261 = arith.addi %scan3A_83, %add3A_260 : i32
        %lt3A_262 = arith.constant 125 : i32
        %lt3A_263 = arith.cmpi slt, %add3A_261, %lt3A_262 : i32
        %convert_element_type3A_264 = arith.extui %lt3A_263 : i1 to i32
        %cond3A_265 = arith.constant 0 : i32
        %cond3A_266 = arith.cmpi ne, %convert_element_type3A_264, %cond3A_265 : i32
        scf.if %cond3A_266 {
          %add3A_267 = arith.constant 4 : i32
          %add3A_268 = arith.addi %scan3A_83, %add3A_267 : i32
          %mul3A_269 = arith.constant 80 : i32
          %mul3A_270 = arith.muli %add3A_268, %mul3A_269 : i32
          %add3A_271 = arith.addi %mul3A_2, %mul3A_270 : i32
          %dma_start3A_272 = tpu.memref_slice %arg3[%add3A_271] : memref<320000xi32, #tpu.memory_space<hbm>> -> memref<80xi32, #tpu.memory_space<hbm>>
          %dma_start3A_273 = tpu.memref_slice %arg3[%add3A_271] : memref<320000xi32, #tpu.memory_space<hbm>> -> memref<80xi32, #tpu.memory_space<hbm>>
          tpu.enqueue_dma source(%dma_start3A_273 : memref<80xi32, #tpu.memory_space<hbm>>) target(%arg11 : memref<80xi32, #tpu.memory_space<vmem>>) target_semaphore(%arg31 : memref<!tpu.dma_semaphore, #tpu.memory_space<semaphore_mem>>)
          %mul3A_274 = arith.constant 80 : i32
          %mul3A_275 = arith.muli %add3A_268, %mul3A_274 : i32
          %add3A_276 = arith.addi %mul3A_2, %mul3A_275 : i32
          %dma_start3A_277 = tpu.memref_slice %arg4[%add3A_276] : memref<320000xi32, #tpu.memory_space<hbm>> -> memref<80xi32, #tpu.memory_space<hbm>>
          %dma_start3A_278 = tpu.memref_slice %arg4[%add3A_276] : memref<320000xi32, #tpu.memory_space<hbm>> -> memref<80xi32, #tpu.memory_space<hbm>>
          tpu.enqueue_dma source(%dma_start3A_278 : memref<80xi32, #tpu.memory_space<hbm>>) target(%arg19 : memref<80xi32, #tpu.memory_space<vmem>>) target_semaphore(%arg31 : memref<!tpu.dma_semaphore, #tpu.memory_space<semaphore_mem>>)
        } else {
        }
      } else {
      }
    }
    %scan3A_60 = arith.constant 125 : i32
    %dma_wait3A_61 = arith.constant 0 : i32
    %dma_wait3A_62 = arith.constant 0 : i32
    %dma_wait3A_63 = tpu.memref_slice %arg7[%dma_wait3A_61, %dma_wait3A_62] : memref<10000x128xf32, #tpu.memory_space<vmem_shared>> -> memref<10000x128xf32, #tpu.memory_space<vmem_shared>>
    tpu.wait_indirect_dma semaphore(%arg41 : memref<!tpu.dma_semaphore, #tpu.memory_space<semaphore_mem>>) src(%arg25 : memref<80x128xf32, #tpu.memory_space<vmem>>) dst(%dma_wait3A_63 : memref<10000x128xf32, #tpu.memory_space<vmem_shared>>)
    %dma_wait3A_64 = arith.constant 0 : i32
    %dma_wait3A_65 = arith.constant 0 : i32
    %dma_wait3A_66 = tpu.memref_slice %arg7[%dma_wait3A_64, %dma_wait3A_65] : memref<10000x128xf32, #tpu.memory_space<vmem_shared>> -> memref<10000x128xf32, #tpu.memory_space<vmem_shared>>
    tpu.wait_indirect_dma semaphore(%arg42 : memref<!tpu.dma_semaphore, #tpu.memory_space<semaphore_mem>>) src(%arg26 : memref<80x128xf32, #tpu.memory_space<vmem>>) dst(%dma_wait3A_66 : memref<10000x128xf32, #tpu.memory_space<vmem_shared>>)
    %dma_wait3A_67 = arith.constant 0 : i32
    %dma_wait3A_68 = arith.constant 0 : i32
    %dma_wait3A_69 = tpu.memref_slice %arg7[%dma_wait3A_67, %dma_wait3A_68] : memref<10000x128xf32, #tpu.memory_space<vmem_shared>> -> memref<10000x128xf32, #tpu.memory_space<vmem_shared>>
    tpu.wait_indirect_dma semaphore(%arg43 : memref<!tpu.dma_semaphore, #tpu.memory_space<semaphore_mem>>) src(%arg27 : memref<80x128xf32, #tpu.memory_space<vmem>>) dst(%dma_wait3A_69 : memref<10000x128xf32, #tpu.memory_space<vmem_shared>>)
    %dma_wait3A_70 = arith.constant 0 : i32
    %dma_wait3A_71 = arith.constant 0 : i32
    %dma_wait3A_72 = tpu.memref_slice %arg7[%dma_wait3A_70, %dma_wait3A_71] : memref<10000x128xf32, #tpu.memory_space<vmem_shared>> -> memref<10000x128xf32, #tpu.memory_space<vmem_shared>>
    tpu.wait_indirect_dma semaphore(%arg40 : memref<!tpu.dma_semaphore, #tpu.memory_space<semaphore_mem>>) src(%arg24 : memref<80x128xf32, #tpu.memory_space<vmem>>) dst(%dma_wait3A_72 : memref<10000x128xf32, #tpu.memory_space<vmem_shared>>)
    %barrier3A_73 = arith.constant 0 : index
    tpu.barrier barrier_id(%barrier3A_73)
    %lt3A = arith.constant 15 : i32
    %lt3A_74 = arith.cmpi slt, %arg1, %lt3A : i32
    %convert_element_type3A_75 = arith.extui %lt3A_74 : i1 to i32
    %cond3A_76 = arith.constant 0 : i32
    %cond3A_77 = arith.cmpi ne, %convert_element_type3A_75, %cond3A_76 : i32
    scf.if %cond3A_77 {
      %mul3A_83 = arith.constant 632 : i32
      %mul3A_84 = arith.muli %arg1, %mul3A_83 : i32
      "tpu.region"() ({
        %run_scoped3A = tpu.sem_alloc : memref<!tpu.dma_semaphore, #tpu.memory_space<semaphore_mem>>
        %dma_start3A_85 = arith.constant 0 : i32
        %dma_start3A_86 = tpu.memref_slice %arg6[%arg0, %mul3A_84, %dma_start3A_85] : memref<2x10000x128xf32, #tpu.memory_space<hbm>> -> memref<1x632x128xf32, #tpu.memory_space<hbm>>
        %dma_start3A_87 = tpu.memref_squeeze %dma_start3A_86 : memref<1x632x128xf32, #tpu.memory_space<hbm>> -> memref<632x128xf32, #tpu.memory_space<hbm>>
        %dma_start3A_88 = arith.constant 0 : i32
        %dma_start3A_89 = tpu.memref_slice %arg7[%mul3A_84, %dma_start3A_88] : memref<10000x128xf32, #tpu.memory_space<vmem_shared>> -> memref<632x128xf32, #tpu.memory_space<vmem_shared>>
        tpu.enqueue_dma source(%dma_start3A_89 : memref<632x128xf32, #tpu.memory_space<vmem_shared>>) target(%dma_start3A_87 : memref<632x128xf32, #tpu.memory_space<hbm>>) target_semaphore(%run_scoped3A : memref<!tpu.dma_semaphore, #tpu.memory_space<semaphore_mem>>)
        %dma_wait3A_90 = arith.constant 0 : i32
        %dma_wait3A_91 = tpu.memref_slice %arg6[%arg0, %mul3A_84, %dma_wait3A_90] : memref<2x10000x128xf32, #tpu.memory_space<hbm>> -> memref<1x632x128xf32, #tpu.memory_space<hbm>>
        %dma_wait3A_92 = tpu.memref_squeeze %dma_wait3A_91 : memref<1x632x128xf32, #tpu.memory_space<hbm>> -> memref<632x128xf32, #tpu.memory_space<hbm>>
        %dma_wait3A_93 = arith.constant 0 : i32
        %dma_wait3A_94 = tpu.memref_slice %arg7[%mul3A_84, %dma_wait3A_93] : memref<10000x128xf32, #tpu.memory_space<vmem_shared>> -> memref<632x128xf32, #tpu.memory_space<vmem_shared>>
        tpu.wait_dma2 semaphore(%run_scoped3A : memref<!tpu.dma_semaphore, #tpu.memory_space<semaphore_mem>>) src(%dma_wait3A_94 : memref<632x128xf32, #tpu.memory_space<vmem_shared>>) dst(%dma_wait3A_92 : memref<632x128xf32, #tpu.memory_space<hbm>>)
        tpu.yield
      }) : () -> ()
    } else {
    }
    %eq3A_78 = arith.constant 15 : i32
    %eq3A_79 = arith.cmpi eq, %arg1, %eq3A_78 : i32
    %convert_element_type3A_80 = arith.extui %eq3A_79 : i1 to i32
    %cond3A_81 = arith.constant 0 : i32
    %cond3A_82 = arith.cmpi ne, %convert_element_type3A_80, %cond3A_81 : i32
    scf.if %cond3A_82 {
      %mul3A_83 = arith.constant 632 : i32
      %mul3A_84 = arith.muli %arg1, %mul3A_83 : i32
      "tpu.region"() ({
        %run_scoped3A = tpu.sem_alloc : memref<!tpu.dma_semaphore, #tpu.memory_space<semaphore_mem>>
        %dma_start3A_85 = arith.constant 0 : i32
        %dma_start3A_86 = tpu.memref_slice %arg6[%arg0, %mul3A_84, %dma_start3A_85] : memref<2x10000x128xf32, #tpu.memory_space<hbm>> -> memref<1x520x128xf32, #tpu.memory_space<hbm>>
        %dma_start3A_87 = tpu.memref_squeeze %dma_start3A_86 : memref<1x520x128xf32, #tpu.memory_space<hbm>> -> memref<520x128xf32, #tpu.memory_space<hbm>>
        %dma_start3A_88 = arith.constant 0 : i32
        %dma_start3A_89 = tpu.memref_slice %arg7[%mul3A_84, %dma_start3A_88] : memref<10000x128xf32, #tpu.memory_space<vmem_shared>> -> memref<520x128xf32, #tpu.memory_space<vmem_shared>>
        tpu.enqueue_dma source(%dma_start3A_89 : memref<520x128xf32, #tpu.memory_space<vmem_shared>>) target(%dma_start3A_87 : memref<520x128xf32, #tpu.memory_space<hbm>>) target_semaphore(%run_scoped3A : memref<!tpu.dma_semaphore, #tpu.memory_space<semaphore_mem>>)
        %dma_wait3A_90 = arith.constant 0 : i32
        %dma_wait3A_91 = tpu.memref_slice %arg6[%arg0, %mul3A_84, %dma_wait3A_90] : memref<2x10000x128xf32, #tpu.memory_space<hbm>> -> memref<1x520x128xf32, #tpu.memory_space<hbm>>
        %dma_wait3A_92 = tpu.memref_squeeze %dma_wait3A_91 : memref<1x520x128xf32, #tpu.memory_space<hbm>> -> memref<520x128xf32, #tpu.memory_space<hbm>>
        %dma_wait3A_93 = arith.constant 0 : i32
        %dma_wait3A_94 = tpu.memref_slice %arg7[%mul3A_84, %dma_wait3A_93] : memref<10000x128xf32, #tpu.memory_space<vmem_shared>> -> memref<520x128xf32, #tpu.memory_space<vmem_shared>>
        tpu.wait_dma2 semaphore(%run_scoped3A : memref<!tpu.dma_semaphore, #tpu.memory_space<semaphore_mem>>) src(%dma_wait3A_94 : memref<520x128xf32, #tpu.memory_space<vmem_shared>>) dst(%dma_wait3A_92 : memref<520x128xf32, #tpu.memory_space<hbm>>)
        tpu.yield
      }) : () -> ()
    } else {
    }
    return
  }
}

#map = affine_map<(d0, d1) -> (0, 0)>
#map1 = affine_map<(d0, d1) -> (0)>
#map2 = affine_map<(d0, d1) -> (0, 0, 0)>
module attributes {stable_mosaic.version = 14 : i64} {
  func.func @agg(%arg0: i32, %arg1: i32, %arg2: memref<10000x64xf32, #tpu.memory_space<hbm>>, %arg3: memref<320000xi32, #tpu.memory_space<hbm>>, %arg4: memref<320000xi32, #tpu.memory_space<hbm>>, %arg5: memref<10000x64xf32, #tpu.memory_space<hbm>>, %arg6: memref<2x10000x64xf32, #tpu.memory_space<hbm>>, %arg7: memref<10000x64xf32, #tpu.memory_space<vmem_shared>>, %arg8: memref<80xi32, #tpu.memory_space<vmem>>, %arg9: memref<80xi32, #tpu.memory_space<vmem>>, %arg10: memref<80xi32, #tpu.memory_space<vmem>>, %arg11: memref<80xi32, #tpu.memory_space<vmem>>, %arg12: memref<80xi32, #tpu.memory_space<vmem>>, %arg13: memref<80xi32, #tpu.memory_space<vmem>>, %arg14: memref<80xi32, #tpu.memory_space<vmem>>, %arg15: memref<80xi32, #tpu.memory_space<vmem>>, %arg16: memref<80xi32, #tpu.memory_space<vmem>>, %arg17: memref<80xi32, #tpu.memory_space<vmem>>, %arg18: memref<80xi32, #tpu.memory_space<vmem>>, %arg19: memref<80xi32, #tpu.memory_space<vmem>>, %arg20: memref<80xi32, #tpu.memory_space<vmem>>, %arg21: memref<80xi32, #tpu.memory_space<vmem>>, %arg22: memref<80xi32, #tpu.memory_space<vmem>>, %arg23: memref<80xi32, #tpu.memory_space<vmem>>, %arg24: memref<80x64xf32, #tpu.memory_space<vmem>>, %arg25: memref<80x64xf32, #tpu.memory_space<vmem>>, %arg26: memref<80x64xf32, #tpu.memory_space<vmem>>, %arg27: memref<80x64xf32, #tpu.memory_space<vmem>>, %arg28: memref<!tpu.dma_semaphore, #tpu.memory_space<semaphore_mem>>, %arg29: memref<!tpu.dma_semaphore, #tpu.memory_space<semaphore_mem>>, %arg30: memref<!tpu.dma_semaphore, #tpu.memory_space<semaphore_mem>>, %arg31: memref<!tpu.dma_semaphore, #tpu.memory_space<semaphore_mem>>, %arg32: memref<!tpu.dma_semaphore, #tpu.memory_space<semaphore_mem>>, %arg33: memref<!tpu.dma_semaphore, #tpu.memory_space<semaphore_mem>>, %arg34: memref<!tpu.dma_semaphore, #tpu.memory_space<semaphore_mem>>, %arg35: memref<!tpu.dma_semaphore, #tpu.memory_space<semaphore_mem>>, %arg36: memref<!tpu.dma_semaphore, #tpu.memory_space<semaphore_mem>>, %arg37: memref<!tpu.dma_semaphore, #tpu.memory_space<semaphore_mem>>, %arg38: memref<!tpu.dma_semaphore, #tpu.memory_space<semaphore_mem>>, %arg39: memref<!tpu.dma_semaphore, #tpu.memory_space<semaphore_mem>>, %arg40: memref<!tpu.dma_semaphore, #tpu.memory_space<semaphore_mem>>, %arg41: memref<!tpu.dma_semaphore, #tpu.memory_space<semaphore_mem>>, %arg42: memref<!tpu.dma_semaphore, #tpu.memory_space<semaphore_mem>>, %arg43: memref<!tpu.dma_semaphore, #tpu.memory_space<semaphore_mem>>) attributes {dimension_semantics = [#tpu.dimension_semantics<core_parallel>, #tpu.dimension_semantics<subcore_parallel>], iteration_bounds = array<i64: 2, 16>, scalar_prefetch = 0 : i64, scratch_operands = 37 : i64, tpu.core_type = #tpu.core_type<sc_vector_subcore>, window_params = [{transform_indices = #map}, {transform_indices = #map1}, {transform_indices = #map1}, {transform_indices = #map}, {transform_indices = #map2}]} {
    %mul3A = arith.constant 16 : i32
    %mul3A_0 = arith.muli %arg0, %mul3A : i32
    %add3A = arith.addi %mul3A_0, %arg1 : i32
    %mul3A_1 = arith.constant 10000 : i32
    %mul3A_2 = arith.muli %add3A, %mul3A_1 : i32
    %eq3A = arith.constant 0 : i32
    %eq3A_3 = arith.cmpi eq, %arg1, %eq3A : i32
    %convert_element_type3A = arith.extui %eq3A_3 : i1 to i32
    %cond3A = arith.constant 0 : i32
    %cond3A_4 = arith.cmpi ne, %convert_element_type3A, %cond3A : i32
    scf.if %cond3A_4 {
      "tpu.region"() ({
        %run_scoped3A = tpu.sem_alloc : memref<!tpu.dma_semaphore, #tpu.memory_space<semaphore_mem>>
        %dma_start3A_83 = arith.constant 0 : i32
        %dma_start3A_84 = arith.constant 0 : i32
        %dma_start3A_85 = tpu.memref_slice %arg7[%dma_start3A_83, %dma_start3A_84] : memref<10000x64xf32, #tpu.memory_space<vmem_shared>> -> memref<10000x64xf32, #tpu.memory_space<vmem_shared>>
        tpu.enqueue_dma source(%arg5 : memref<10000x64xf32, #tpu.memory_space<hbm>>) target(%dma_start3A_85 : memref<10000x64xf32, #tpu.memory_space<vmem_shared>>) target_semaphore(%run_scoped3A : memref<!tpu.dma_semaphore, #tpu.memory_space<semaphore_mem>>)
        %dma_wait3A_86 = arith.constant 0 : i32
        %dma_wait3A_87 = arith.constant 0 : i32
        %dma_wait3A_88 = tpu.memref_slice %arg7[%dma_wait3A_86, %dma_wait3A_87] : memref<10000x64xf32, #tpu.memory_space<vmem_shared>> -> memref<10000x64xf32, #tpu.memory_space<vmem_shared>>
        tpu.wait_dma2 semaphore(%run_scoped3A : memref<!tpu.dma_semaphore, #tpu.memory_space<semaphore_mem>>) src(%arg5 : memref<10000x64xf32, #tpu.memory_space<hbm>>) dst(%dma_wait3A_88 : memref<10000x64xf32, #tpu.memory_space<vmem_shared>>)
        tpu.yield
      }) : () -> ()
    } else {
    }
    %add3A_5 = arith.constant 0 : i32
    %add3A_6 = arith.addi %mul3A_2, %add3A_5 : i32
    %dma_start3A = tpu.memref_slice %arg3[%add3A_6] : memref<320000xi32, #tpu.memory_space<hbm>> -> memref<80xi32, #tpu.memory_space<hbm>>
    %dma_start3A_7 = tpu.memref_slice %arg3[%add3A_6] : memref<320000xi32, #tpu.memory_space<hbm>> -> memref<80xi32, #tpu.memory_space<hbm>>
    tpu.enqueue_dma source(%dma_start3A_7 : memref<80xi32, #tpu.memory_space<hbm>>) target(%arg8 : memref<80xi32, #tpu.memory_space<vmem>>) target_semaphore(%arg28 : memref<!tpu.dma_semaphore, #tpu.memory_space<semaphore_mem>>)
    %add3A_8 = arith.constant 0 : i32
    %add3A_9 = arith.addi %mul3A_2, %add3A_8 : i32
    %dma_start3A_10 = tpu.memref_slice %arg4[%add3A_9] : memref<320000xi32, #tpu.memory_space<hbm>> -> memref<80xi32, #tpu.memory_space<hbm>>
    %dma_start3A_11 = tpu.memref_slice %arg4[%add3A_9] : memref<320000xi32, #tpu.memory_space<hbm>> -> memref<80xi32, #tpu.memory_space<hbm>>
    tpu.enqueue_dma source(%dma_start3A_11 : memref<80xi32, #tpu.memory_space<hbm>>) target(%arg16 : memref<80xi32, #tpu.memory_space<vmem>>) target_semaphore(%arg28 : memref<!tpu.dma_semaphore, #tpu.memory_space<semaphore_mem>>)
    %add3A_12 = arith.constant 80 : i32
    %add3A_13 = arith.addi %mul3A_2, %add3A_12 : i32
    %dma_start3A_14 = tpu.memref_slice %arg3[%add3A_13] : memref<320000xi32, #tpu.memory_space<hbm>> -> memref<80xi32, #tpu.memory_space<hbm>>
    %dma_start3A_15 = tpu.memref_slice %arg3[%add3A_13] : memref<320000xi32, #tpu.memory_space<hbm>> -> memref<80xi32, #tpu.memory_space<hbm>>
    tpu.enqueue_dma source(%dma_start3A_15 : memref<80xi32, #tpu.memory_space<hbm>>) target(%arg9 : memref<80xi32, #tpu.memory_space<vmem>>) target_semaphore(%arg29 : memref<!tpu.dma_semaphore, #tpu.memory_space<semaphore_mem>>)
    %add3A_16 = arith.constant 80 : i32
    %add3A_17 = arith.addi %mul3A_2, %add3A_16 : i32
    %dma_start3A_18 = tpu.memref_slice %arg4[%add3A_17] : memref<320000xi32, #tpu.memory_space<hbm>> -> memref<80xi32, #tpu.memory_space<hbm>>
    %dma_start3A_19 = tpu.memref_slice %arg4[%add3A_17] : memref<320000xi32, #tpu.memory_space<hbm>> -> memref<80xi32, #tpu.memory_space<hbm>>
    tpu.enqueue_dma source(%dma_start3A_19 : memref<80xi32, #tpu.memory_space<hbm>>) target(%arg17 : memref<80xi32, #tpu.memory_space<vmem>>) target_semaphore(%arg29 : memref<!tpu.dma_semaphore, #tpu.memory_space<semaphore_mem>>)
    %add3A_20 = arith.constant 160 : i32
    %add3A_21 = arith.addi %mul3A_2, %add3A_20 : i32
    %dma_start3A_22 = tpu.memref_slice %arg3[%add3A_21] : memref<320000xi32, #tpu.memory_space<hbm>> -> memref<80xi32, #tpu.memory_space<hbm>>
    %dma_start3A_23 = tpu.memref_slice %arg3[%add3A_21] : memref<320000xi32, #tpu.memory_space<hbm>> -> memref<80xi32, #tpu.memory_space<hbm>>
    tpu.enqueue_dma source(%dma_start3A_23 : memref<80xi32, #tpu.memory_space<hbm>>) target(%arg10 : memref<80xi32, #tpu.memory_space<vmem>>) target_semaphore(%arg30 : memref<!tpu.dma_semaphore, #tpu.memory_space<semaphore_mem>>)
    %add3A_24 = arith.constant 160 : i32
    %add3A_25 = arith.addi %mul3A_2, %add3A_24 : i32
    %dma_start3A_26 = tpu.memref_slice %arg4[%add3A_25] : memref<320000xi32, #tpu.memory_space<hbm>> -> memref<80xi32, #tpu.memory_space<hbm>>
    %dma_start3A_27 = tpu.memref_slice %arg4[%add3A_25] : memref<320000xi32, #tpu.memory_space<hbm>> -> memref<80xi32, #tpu.memory_space<hbm>>
    tpu.enqueue_dma source(%dma_start3A_27 : memref<80xi32, #tpu.memory_space<hbm>>) target(%arg18 : memref<80xi32, #tpu.memory_space<vmem>>) target_semaphore(%arg30 : memref<!tpu.dma_semaphore, #tpu.memory_space<semaphore_mem>>)
    %add3A_28 = arith.constant 240 : i32
    %add3A_29 = arith.addi %mul3A_2, %add3A_28 : i32
    %dma_start3A_30 = tpu.memref_slice %arg3[%add3A_29] : memref<320000xi32, #tpu.memory_space<hbm>> -> memref<80xi32, #tpu.memory_space<hbm>>
    %dma_start3A_31 = tpu.memref_slice %arg3[%add3A_29] : memref<320000xi32, #tpu.memory_space<hbm>> -> memref<80xi32, #tpu.memory_space<hbm>>
    tpu.enqueue_dma source(%dma_start3A_31 : memref<80xi32, #tpu.memory_space<hbm>>) target(%arg11 : memref<80xi32, #tpu.memory_space<vmem>>) target_semaphore(%arg31 : memref<!tpu.dma_semaphore, #tpu.memory_space<semaphore_mem>>)
    %add3A_32 = arith.constant 240 : i32
    %add3A_33 = arith.addi %mul3A_2, %add3A_32 : i32
    %dma_start3A_34 = tpu.memref_slice %arg4[%add3A_33] : memref<320000xi32, #tpu.memory_space<hbm>> -> memref<80xi32, #tpu.memory_space<hbm>>
    %dma_start3A_35 = tpu.memref_slice %arg4[%add3A_33] : memref<320000xi32, #tpu.memory_space<hbm>> -> memref<80xi32, #tpu.memory_space<hbm>>
    tpu.enqueue_dma source(%dma_start3A_35 : memref<80xi32, #tpu.memory_space<hbm>>) target(%arg19 : memref<80xi32, #tpu.memory_space<vmem>>) target_semaphore(%arg31 : memref<!tpu.dma_semaphore, #tpu.memory_space<semaphore_mem>>)
    %barrier3A = arith.constant 0 : index
    tpu.barrier barrier_id(%barrier3A)
    %add3A_36 = arith.constant 0 : i32
    %add3A_37 = arith.addi %mul3A_2, %add3A_36 : i32
    %dma_wait3A = tpu.memref_slice %arg3[%add3A_37] : memref<320000xi32, #tpu.memory_space<hbm>> -> memref<80xi32, #tpu.memory_space<hbm>>
    %dma_wait3A_38 = tpu.memref_slice %arg3[%add3A_37] : memref<320000xi32, #tpu.memory_space<hbm>> -> memref<80xi32, #tpu.memory_space<hbm>>
    tpu.wait_dma2 semaphore(%arg28 : memref<!tpu.dma_semaphore, #tpu.memory_space<semaphore_mem>>) src(%dma_wait3A_38 : memref<80xi32, #tpu.memory_space<hbm>>) dst(%arg8 : memref<80xi32, #tpu.memory_space<vmem>>)
    %add3A_39 = arith.constant 0 : i32
    %add3A_40 = arith.addi %mul3A_2, %add3A_39 : i32
    %dma_wait3A_41 = tpu.memref_slice %arg4[%add3A_40] : memref<320000xi32, #tpu.memory_space<hbm>> -> memref<80xi32, #tpu.memory_space<hbm>>
    %dma_wait3A_42 = tpu.memref_slice %arg4[%add3A_40] : memref<320000xi32, #tpu.memory_space<hbm>> -> memref<80xi32, #tpu.memory_space<hbm>>
    tpu.wait_dma2 semaphore(%arg28 : memref<!tpu.dma_semaphore, #tpu.memory_space<semaphore_mem>>) src(%dma_wait3A_42 : memref<80xi32, #tpu.memory_space<hbm>>) dst(%arg16 : memref<80xi32, #tpu.memory_space<vmem>>)
    %dma_start3A_43 = arith.constant 0 : i32
    %dma_start3A_44 = arith.constant 0 : i32
    %dma_start3A_45 = tpu.memref_slice %arg2[%dma_start3A_43, %dma_start3A_44] : memref<10000x64xf32, #tpu.memory_space<hbm>> -> memref<10000x64xf32, #tpu.memory_space<hbm>>
    tpu.enqueue_indirect_dma source(%dma_start3A_45 : memref<10000x64xf32, #tpu.memory_space<hbm>>) target(%arg24 : memref<80x64xf32, #tpu.memory_space<vmem>>) offsets(%arg8 : memref<80xi32, #tpu.memory_space<vmem>>) semaphore(%arg36 : memref<!tpu.dma_semaphore, #tpu.memory_space<semaphore_mem>>)
    %add3A_46 = arith.constant 80 : i32
    %add3A_47 = arith.addi %mul3A_2, %add3A_46 : i32
    %dma_wait3A_48 = tpu.memref_slice %arg3[%add3A_47] : memref<320000xi32, #tpu.memory_space<hbm>> -> memref<80xi32, #tpu.memory_space<hbm>>
    %dma_wait3A_49 = tpu.memref_slice %arg3[%add3A_47] : memref<320000xi32, #tpu.memory_space<hbm>> -> memref<80xi32, #tpu.memory_space<hbm>>
    tpu.wait_dma2 semaphore(%arg29 : memref<!tpu.dma_semaphore, #tpu.memory_space<semaphore_mem>>) src(%dma_wait3A_49 : memref<80xi32, #tpu.memory_space<hbm>>) dst(%arg9 : memref<80xi32, #tpu.memory_space<vmem>>)
    %add3A_50 = arith.constant 80 : i32
    %add3A_51 = arith.addi %mul3A_2, %add3A_50 : i32
    %dma_wait3A_52 = tpu.memref_slice %arg4[%add3A_51] : memref<320000xi32, #tpu.memory_space<hbm>> -> memref<80xi32, #tpu.memory_space<hbm>>
    %dma_wait3A_53 = tpu.memref_slice %arg4[%add3A_51] : memref<320000xi32, #tpu.memory_space<hbm>> -> memref<80xi32, #tpu.memory_space<hbm>>
    tpu.wait_dma2 semaphore(%arg29 : memref<!tpu.dma_semaphore, #tpu.memory_space<semaphore_mem>>) src(%dma_wait3A_53 : memref<80xi32, #tpu.memory_space<hbm>>) dst(%arg17 : memref<80xi32, #tpu.memory_space<vmem>>)
    %dma_start3A_54 = arith.constant 0 : i32
    %dma_start3A_55 = arith.constant 0 : i32
    %dma_start3A_56 = tpu.memref_slice %arg2[%dma_start3A_54, %dma_start3A_55] : memref<10000x64xf32, #tpu.memory_space<hbm>> -> memref<10000x64xf32, #tpu.memory_space<hbm>>
    tpu.enqueue_indirect_dma source(%dma_start3A_56 : memref<10000x64xf32, #tpu.memory_space<hbm>>) target(%arg25 : memref<80x64xf32, #tpu.memory_space<vmem>>) offsets(%arg9 : memref<80xi32, #tpu.memory_space<vmem>>) semaphore(%arg37 : memref<!tpu.dma_semaphore, #tpu.memory_space<semaphore_mem>>)
    %scan3A = arith.constant 0 : i32
    %scan3A_57 = arith.constant 125 : i32
    %scan3A_58 = arith.addi %scan3A, %scan3A_57 : i32
    %scan3A_59 = arith.constant 1 : i32
    scf.for %scan3A_83 = %scan3A to %scan3A_58 step %scan3A_59  : i32 {
      %jit3A = arith.constant 8 : i32
      %eq3A_84 = arith.constant 0 : i32
      %eq3A_85 = arith.cmpi eq, %jit3A, %eq3A_84 : i32
      %jit3A_86 = arith.constant 1 : i32
      %select_n3A = arith.select %eq3A_85, %jit3A_86, %jit3A : i32
      %rem3A = arith.remsi %scan3A_83, %select_n3A : i32
      %ne3A = arith.constant 0 : i32
      %ne3A_87 = arith.cmpi ne, %rem3A, %ne3A : i32
      %lt3A_88 = arith.constant 0 : i32
      %lt3A_89 = arith.cmpi slt, %rem3A, %lt3A_88 : i32
      %lt3A_90 = arith.constant 0 : i32
      %lt3A_91 = arith.cmpi slt, %select_n3A, %lt3A_90 : i32
      %ne3A_92 = arith.xori %lt3A_89, %lt3A_91 : i1
      %and3A = arith.andi %ne3A_92, %ne3A_87 : i1
      %add3A_93 = arith.addi %rem3A, %select_n3A : i32
      %select_n3A_94 = arith.select %and3A, %add3A_93, %rem3A : i32
      %eq3A_95 = arith.constant 0 : i32
      %eq3A_96 = arith.cmpi eq, %select_n3A_94, %eq3A_95 : i32
      %convert_element_type3A_97 = arith.extui %eq3A_96 : i1 to i32
      %cond3A_98 = arith.constant 0 : i32
      %cond3A_99 = arith.cmpi ne, %convert_element_type3A_97, %cond3A_98 : i32
      scf.if %cond3A_99 {
        %dma_wait3A_247 = arith.constant 0 : i32
        %dma_wait3A_248 = arith.constant 0 : i32
        %dma_wait3A_249 = tpu.memref_slice %arg2[%dma_wait3A_247, %dma_wait3A_248] : memref<10000x64xf32, #tpu.memory_space<hbm>> -> memref<10000x64xf32, #tpu.memory_space<hbm>>
        tpu.wait_indirect_dma semaphore(%arg36 : memref<!tpu.dma_semaphore, #tpu.memory_space<semaphore_mem>>) src(%dma_wait3A_249 : memref<10000x64xf32, #tpu.memory_space<hbm>>) dst(%arg24 : memref<80x64xf32, #tpu.memory_space<vmem>>)
        %dma_start3A_250 = arith.constant 0 : i32
        %dma_start3A_251 = arith.constant 0 : i32
        %dma_start3A_252 = tpu.memref_slice %arg7[%dma_start3A_250, %dma_start3A_251] : memref<10000x64xf32, #tpu.memory_space<vmem_shared>> -> memref<10000x64xf32, #tpu.memory_space<vmem_shared>>
        tpu.enqueue_indirect_dma source(%arg24 : memref<80x64xf32, #tpu.memory_space<vmem>>) target(%dma_start3A_252 : memref<10000x64xf32, #tpu.memory_space<vmem_shared>>) offsets(%arg16 : memref<80xi32, #tpu.memory_space<vmem>>) semaphore(%arg40 : memref<!tpu.dma_semaphore, #tpu.memory_space<semaphore_mem>>) {add = true}
        %add3A_253 = arith.constant 2 : i32
        %add3A_254 = arith.addi %scan3A_83, %add3A_253 : i32
        %lt3A_255 = arith.constant 125 : i32
        %lt3A_256 = arith.cmpi slt, %add3A_254, %lt3A_255 : i32
        %convert_element_type3A_257 = arith.extui %lt3A_256 : i1 to i32
        %cond3A_258 = arith.constant 0 : i32
        %cond3A_259 = arith.cmpi ne, %convert_element_type3A_257, %cond3A_258 : i32
        scf.if %cond3A_259 {
          %ge3A = arith.constant 2 : i32
          %ge3A_267 = arith.cmpi sge, %scan3A_83, %ge3A : i32
          %convert_element_type3A_268 = arith.extui %ge3A_267 : i1 to i32
          %cond3A_269 = arith.constant 0 : i32
          %cond3A_270 = arith.cmpi ne, %convert_element_type3A_268, %cond3A_269 : i32
          scf.if %cond3A_270 {
            %dma_wait3A_286 = arith.constant 0 : i32
            %dma_wait3A_287 = arith.constant 0 : i32
            %dma_wait3A_288 = tpu.memref_slice %arg7[%dma_wait3A_286, %dma_wait3A_287] : memref<10000x64xf32, #tpu.memory_space<vmem_shared>> -> memref<10000x64xf32, #tpu.memory_space<vmem_shared>>
            tpu.wait_indirect_dma semaphore(%arg42 : memref<!tpu.dma_semaphore, #tpu.memory_space<semaphore_mem>>) src(%arg26 : memref<80x64xf32, #tpu.memory_space<vmem>>) dst(%dma_wait3A_288 : memref<10000x64xf32, #tpu.memory_space<vmem_shared>>)
          } else {
          }
          %add3A_271 = arith.constant 2 : i32
          %add3A_272 = arith.addi %scan3A_83, %add3A_271 : i32
          %mul3A_273 = arith.constant 80 : i32
          %mul3A_274 = arith.muli %add3A_272, %mul3A_273 : i32
          %add3A_275 = arith.addi %mul3A_2, %mul3A_274 : i32
          %dma_wait3A_276 = tpu.memref_slice %arg3[%add3A_275] : memref<320000xi32, #tpu.memory_space<hbm>> -> memref<80xi32, #tpu.memory_space<hbm>>
          %dma_wait3A_277 = tpu.memref_slice %arg3[%add3A_275] : memref<320000xi32, #tpu.memory_space<hbm>> -> memref<80xi32, #tpu.memory_space<hbm>>
          tpu.wait_dma2 semaphore(%arg30 : memref<!tpu.dma_semaphore, #tpu.memory_space<semaphore_mem>>) src(%dma_wait3A_277 : memref<80xi32, #tpu.memory_space<hbm>>) dst(%arg10 : memref<80xi32, #tpu.memory_space<vmem>>)
          %mul3A_278 = arith.constant 80 : i32
          %mul3A_279 = arith.muli %add3A_272, %mul3A_278 : i32
          %add3A_280 = arith.addi %mul3A_2, %mul3A_279 : i32
          %dma_wait3A_281 = tpu.memref_slice %arg4[%add3A_280] : memref<320000xi32, #tpu.memory_space<hbm>> -> memref<80xi32, #tpu.memory_space<hbm>>
          %dma_wait3A_282 = tpu.memref_slice %arg4[%add3A_280] : memref<320000xi32, #tpu.memory_space<hbm>> -> memref<80xi32, #tpu.memory_space<hbm>>
          tpu.wait_dma2 semaphore(%arg30 : memref<!tpu.dma_semaphore, #tpu.memory_space<semaphore_mem>>) src(%dma_wait3A_282 : memref<80xi32, #tpu.memory_space<hbm>>) dst(%arg18 : memref<80xi32, #tpu.memory_space<vmem>>)
          %dma_start3A_283 = arith.constant 0 : i32
          %dma_start3A_284 = arith.constant 0 : i32
          %dma_start3A_285 = tpu.memref_slice %arg2[%dma_start3A_283, %dma_start3A_284] : memref<10000x64xf32, #tpu.memory_space<hbm>> -> memref<10000x64xf32, #tpu.memory_space<hbm>>
          tpu.enqueue_indirect_dma source(%dma_start3A_285 : memref<10000x64xf32, #tpu.memory_space<hbm>>) target(%arg26 : memref<80x64xf32, #tpu.memory_space<vmem>>) offsets(%arg10 : memref<80xi32, #tpu.memory_space<vmem>>) semaphore(%arg38 : memref<!tpu.dma_semaphore, #tpu.memory_space<semaphore_mem>>)
        } else {
        }
        %add3A_260 = arith.constant 4 : i32
        %add3A_261 = arith.addi %scan3A_83, %add3A_260 : i32
        %lt3A_262 = arith.constant 125 : i32
        %lt3A_263 = arith.cmpi slt, %add3A_261, %lt3A_262 : i32
        %convert_element_type3A_264 = arith.extui %lt3A_263 : i1 to i32
        %cond3A_265 = arith.constant 0 : i32
        %cond3A_266 = arith.cmpi ne, %convert_element_type3A_264, %cond3A_265 : i32
        scf.if %cond3A_266 {
          %add3A_267 = arith.constant 4 : i32
          %add3A_268 = arith.addi %scan3A_83, %add3A_267 : i32
          %mul3A_269 = arith.constant 80 : i32
          %mul3A_270 = arith.muli %add3A_268, %mul3A_269 : i32
          %add3A_271 = arith.addi %mul3A_2, %mul3A_270 : i32
          %dma_start3A_272 = tpu.memref_slice %arg3[%add3A_271] : memref<320000xi32, #tpu.memory_space<hbm>> -> memref<80xi32, #tpu.memory_space<hbm>>
          %dma_start3A_273 = tpu.memref_slice %arg3[%add3A_271] : memref<320000xi32, #tpu.memory_space<hbm>> -> memref<80xi32, #tpu.memory_space<hbm>>
          tpu.enqueue_dma source(%dma_start3A_273 : memref<80xi32, #tpu.memory_space<hbm>>) target(%arg12 : memref<80xi32, #tpu.memory_space<vmem>>) target_semaphore(%arg32 : memref<!tpu.dma_semaphore, #tpu.memory_space<semaphore_mem>>)
          %mul3A_274 = arith.constant 80 : i32
          %mul3A_275 = arith.muli %add3A_268, %mul3A_274 : i32
          %add3A_276 = arith.addi %mul3A_2, %mul3A_275 : i32
          %dma_start3A_277 = tpu.memref_slice %arg4[%add3A_276] : memref<320000xi32, #tpu.memory_space<hbm>> -> memref<80xi32, #tpu.memory_space<hbm>>
          %dma_start3A_278 = tpu.memref_slice %arg4[%add3A_276] : memref<320000xi32, #tpu.memory_space<hbm>> -> memref<80xi32, #tpu.memory_space<hbm>>
          tpu.enqueue_dma source(%dma_start3A_278 : memref<80xi32, #tpu.memory_space<hbm>>) target(%arg20 : memref<80xi32, #tpu.memory_space<vmem>>) target_semaphore(%arg32 : memref<!tpu.dma_semaphore, #tpu.memory_space<semaphore_mem>>)
        } else {
        }
      } else {
      }
      %jit3A_100 = arith.constant 8 : i32
      %eq3A_101 = arith.constant 0 : i32
      %eq3A_102 = arith.cmpi eq, %jit3A_100, %eq3A_101 : i32
      %jit3A_103 = arith.constant 1 : i32
      %select_n3A_104 = arith.select %eq3A_102, %jit3A_103, %jit3A_100 : i32
      %rem3A_105 = arith.remsi %scan3A_83, %select_n3A_104 : i32
      %ne3A_106 = arith.constant 0 : i32
      %ne3A_107 = arith.cmpi ne, %rem3A_105, %ne3A_106 : i32
      %lt3A_108 = arith.constant 0 : i32
      %lt3A_109 = arith.cmpi slt, %rem3A_105, %lt3A_108 : i32
      %lt3A_110 = arith.constant 0 : i32
      %lt3A_111 = arith.cmpi slt, %select_n3A_104, %lt3A_110 : i32
      %ne3A_112 = arith.xori %lt3A_109, %lt3A_111 : i1
      %and3A_113 = arith.andi %ne3A_112, %ne3A_107 : i1
      %add3A_114 = arith.addi %rem3A_105, %select_n3A_104 : i32
      %select_n3A_115 = arith.select %and3A_113, %add3A_114, %rem3A_105 : i32
      %eq3A_116 = arith.constant 1 : i32
      %eq3A_117 = arith.cmpi eq, %select_n3A_115, %eq3A_116 : i32
      %convert_element_type3A_118 = arith.extui %eq3A_117 : i1 to i32
      %cond3A_119 = arith.constant 0 : i32
      %cond3A_120 = arith.cmpi ne, %convert_element_type3A_118, %cond3A_119 : i32
      scf.if %cond3A_120 {
        %dma_wait3A_247 = arith.constant 0 : i32
        %dma_wait3A_248 = arith.constant 0 : i32
        %dma_wait3A_249 = tpu.memref_slice %arg2[%dma_wait3A_247, %dma_wait3A_248] : memref<10000x64xf32, #tpu.memory_space<hbm>> -> memref<10000x64xf32, #tpu.memory_space<hbm>>
        tpu.wait_indirect_dma semaphore(%arg37 : memref<!tpu.dma_semaphore, #tpu.memory_space<semaphore_mem>>) src(%dma_wait3A_249 : memref<10000x64xf32, #tpu.memory_space<hbm>>) dst(%arg25 : memref<80x64xf32, #tpu.memory_space<vmem>>)
        %dma_start3A_250 = arith.constant 0 : i32
        %dma_start3A_251 = arith.constant 0 : i32
        %dma_start3A_252 = tpu.memref_slice %arg7[%dma_start3A_250, %dma_start3A_251] : memref<10000x64xf32, #tpu.memory_space<vmem_shared>> -> memref<10000x64xf32, #tpu.memory_space<vmem_shared>>
        tpu.enqueue_indirect_dma source(%arg25 : memref<80x64xf32, #tpu.memory_space<vmem>>) target(%dma_start3A_252 : memref<10000x64xf32, #tpu.memory_space<vmem_shared>>) offsets(%arg17 : memref<80xi32, #tpu.memory_space<vmem>>) semaphore(%arg41 : memref<!tpu.dma_semaphore, #tpu.memory_space<semaphore_mem>>) {add = true}
        %add3A_253 = arith.constant 2 : i32
        %add3A_254 = arith.addi %scan3A_83, %add3A_253 : i32
        %lt3A_255 = arith.constant 125 : i32
        %lt3A_256 = arith.cmpi slt, %add3A_254, %lt3A_255 : i32
        %convert_element_type3A_257 = arith.extui %lt3A_256 : i1 to i32
        %cond3A_258 = arith.constant 0 : i32
        %cond3A_259 = arith.cmpi ne, %convert_element_type3A_257, %cond3A_258 : i32
        scf.if %cond3A_259 {
          %ge3A = arith.constant 2 : i32
          %ge3A_267 = arith.cmpi sge, %scan3A_83, %ge3A : i32
          %convert_element_type3A_268 = arith.extui %ge3A_267 : i1 to i32
          %cond3A_269 = arith.constant 0 : i32
          %cond3A_270 = arith.cmpi ne, %convert_element_type3A_268, %cond3A_269 : i32
          scf.if %cond3A_270 {
            %dma_wait3A_286 = arith.constant 0 : i32
            %dma_wait3A_287 = arith.constant 0 : i32
            %dma_wait3A_288 = tpu.memref_slice %arg7[%dma_wait3A_286, %dma_wait3A_287] : memref<10000x64xf32, #tpu.memory_space<vmem_shared>> -> memref<10000x64xf32, #tpu.memory_space<vmem_shared>>
            tpu.wait_indirect_dma semaphore(%arg43 : memref<!tpu.dma_semaphore, #tpu.memory_space<semaphore_mem>>) src(%arg27 : memref<80x64xf32, #tpu.memory_space<vmem>>) dst(%dma_wait3A_288 : memref<10000x64xf32, #tpu.memory_space<vmem_shared>>)
          } else {
          }
          %add3A_271 = arith.constant 2 : i32
          %add3A_272 = arith.addi %scan3A_83, %add3A_271 : i32
          %mul3A_273 = arith.constant 80 : i32
          %mul3A_274 = arith.muli %add3A_272, %mul3A_273 : i32
          %add3A_275 = arith.addi %mul3A_2, %mul3A_274 : i32
          %dma_wait3A_276 = tpu.memref_slice %arg3[%add3A_275] : memref<320000xi32, #tpu.memory_space<hbm>> -> memref<80xi32, #tpu.memory_space<hbm>>
          %dma_wait3A_277 = tpu.memref_slice %arg3[%add3A_275] : memref<320000xi32, #tpu.memory_space<hbm>> -> memref<80xi32, #tpu.memory_space<hbm>>
          tpu.wait_dma2 semaphore(%arg31 : memref<!tpu.dma_semaphore, #tpu.memory_space<semaphore_mem>>) src(%dma_wait3A_277 : memref<80xi32, #tpu.memory_space<hbm>>) dst(%arg11 : memref<80xi32, #tpu.memory_space<vmem>>)
          %mul3A_278 = arith.constant 80 : i32
          %mul3A_279 = arith.muli %add3A_272, %mul3A_278 : i32
          %add3A_280 = arith.addi %mul3A_2, %mul3A_279 : i32
          %dma_wait3A_281 = tpu.memref_slice %arg4[%add3A_280] : memref<320000xi32, #tpu.memory_space<hbm>> -> memref<80xi32, #tpu.memory_space<hbm>>
          %dma_wait3A_282 = tpu.memref_slice %arg4[%add3A_280] : memref<320000xi32, #tpu.memory_space<hbm>> -> memref<80xi32, #tpu.memory_space<hbm>>
          tpu.wait_dma2 semaphore(%arg31 : memref<!tpu.dma_semaphore, #tpu.memory_space<semaphore_mem>>) src(%dma_wait3A_282 : memref<80xi32, #tpu.memory_space<hbm>>) dst(%arg19 : memref<80xi32, #tpu.memory_space<vmem>>)
          %dma_start3A_283 = arith.constant 0 : i32
          %dma_start3A_284 = arith.constant 0 : i32
          %dma_start3A_285 = tpu.memref_slice %arg2[%dma_start3A_283, %dma_start3A_284] : memref<10000x64xf32, #tpu.memory_space<hbm>> -> memref<10000x64xf32, #tpu.memory_space<hbm>>
          tpu.enqueue_indirect_dma source(%dma_start3A_285 : memref<10000x64xf32, #tpu.memory_space<hbm>>) target(%arg27 : memref<80x64xf32, #tpu.memory_space<vmem>>) offsets(%arg11 : memref<80xi32, #tpu.memory_space<vmem>>) semaphore(%arg39 : memref<!tpu.dma_semaphore, #tpu.memory_space<semaphore_mem>>)
        } else {
        }
        %add3A_260 = arith.constant 4 : i32
        %add3A_261 = arith.addi %scan3A_83, %add3A_260 : i32
        %lt3A_262 = arith.constant 125 : i32
        %lt3A_263 = arith.cmpi slt, %add3A_261, %lt3A_262 : i32
        %convert_element_type3A_264 = arith.extui %lt3A_263 : i1 to i32
        %cond3A_265 = arith.constant 0 : i32
        %cond3A_266 = arith.cmpi ne, %convert_element_type3A_264, %cond3A_265 : i32
        scf.if %cond3A_266 {
          %add3A_267 = arith.constant 4 : i32
          %add3A_268 = arith.addi %scan3A_83, %add3A_267 : i32
          %mul3A_269 = arith.constant 80 : i32
          %mul3A_270 = arith.muli %add3A_268, %mul3A_269 : i32
          %add3A_271 = arith.addi %mul3A_2, %mul3A_270 : i32
          %dma_start3A_272 = tpu.memref_slice %arg3[%add3A_271] : memref<320000xi32, #tpu.memory_space<hbm>> -> memref<80xi32, #tpu.memory_space<hbm>>
          %dma_start3A_273 = tpu.memref_slice %arg3[%add3A_271] : memref<320000xi32, #tpu.memory_space<hbm>> -> memref<80xi32, #tpu.memory_space<hbm>>
          tpu.enqueue_dma source(%dma_start3A_273 : memref<80xi32, #tpu.memory_space<hbm>>) target(%arg13 : memref<80xi32, #tpu.memory_space<vmem>>) target_semaphore(%arg33 : memref<!tpu.dma_semaphore, #tpu.memory_space<semaphore_mem>>)
          %mul3A_274 = arith.constant 80 : i32
          %mul3A_275 = arith.muli %add3A_268, %mul3A_274 : i32
          %add3A_276 = arith.addi %mul3A_2, %mul3A_275 : i32
          %dma_start3A_277 = tpu.memref_slice %arg4[%add3A_276] : memref<320000xi32, #tpu.memory_space<hbm>> -> memref<80xi32, #tpu.memory_space<hbm>>
          %dma_start3A_278 = tpu.memref_slice %arg4[%add3A_276] : memref<320000xi32, #tpu.memory_space<hbm>> -> memref<80xi32, #tpu.memory_space<hbm>>
          tpu.enqueue_dma source(%dma_start3A_278 : memref<80xi32, #tpu.memory_space<hbm>>) target(%arg21 : memref<80xi32, #tpu.memory_space<vmem>>) target_semaphore(%arg33 : memref<!tpu.dma_semaphore, #tpu.memory_space<semaphore_mem>>)
        } else {
        }
      } else {
      }
      %jit3A_121 = arith.constant 8 : i32
      %eq3A_122 = arith.constant 0 : i32
      %eq3A_123 = arith.cmpi eq, %jit3A_121, %eq3A_122 : i32
      %jit3A_124 = arith.constant 1 : i32
      %select_n3A_125 = arith.select %eq3A_123, %jit3A_124, %jit3A_121 : i32
      %rem3A_126 = arith.remsi %scan3A_83, %select_n3A_125 : i32
      %ne3A_127 = arith.constant 0 : i32
      %ne3A_128 = arith.cmpi ne, %rem3A_126, %ne3A_127 : i32
      %lt3A_129 = arith.constant 0 : i32
      %lt3A_130 = arith.cmpi slt, %rem3A_126, %lt3A_129 : i32
      %lt3A_131 = arith.constant 0 : i32
      %lt3A_132 = arith.cmpi slt, %select_n3A_125, %lt3A_131 : i32
      %ne3A_133 = arith.xori %lt3A_130, %lt3A_132 : i1
      %and3A_134 = arith.andi %ne3A_133, %ne3A_128 : i1
      %add3A_135 = arith.addi %rem3A_126, %select_n3A_125 : i32
      %select_n3A_136 = arith.select %and3A_134, %add3A_135, %rem3A_126 : i32
      %eq3A_137 = arith.constant 2 : i32
      %eq3A_138 = arith.cmpi eq, %select_n3A_136, %eq3A_137 : i32
      %convert_element_type3A_139 = arith.extui %eq3A_138 : i1 to i32
      %cond3A_140 = arith.constant 0 : i32
      %cond3A_141 = arith.cmpi ne, %convert_element_type3A_139, %cond3A_140 : i32
      scf.if %cond3A_141 {
        %dma_wait3A_247 = arith.constant 0 : i32
        %dma_wait3A_248 = arith.constant 0 : i32
        %dma_wait3A_249 = tpu.memref_slice %arg2[%dma_wait3A_247, %dma_wait3A_248] : memref<10000x64xf32, #tpu.memory_space<hbm>> -> memref<10000x64xf32, #tpu.memory_space<hbm>>
        tpu.wait_indirect_dma semaphore(%arg38 : memref<!tpu.dma_semaphore, #tpu.memory_space<semaphore_mem>>) src(%dma_wait3A_249 : memref<10000x64xf32, #tpu.memory_space<hbm>>) dst(%arg26 : memref<80x64xf32, #tpu.memory_space<vmem>>)
        %dma_start3A_250 = arith.constant 0 : i32
        %dma_start3A_251 = arith.constant 0 : i32
        %dma_start3A_252 = tpu.memref_slice %arg7[%dma_start3A_250, %dma_start3A_251] : memref<10000x64xf32, #tpu.memory_space<vmem_shared>> -> memref<10000x64xf32, #tpu.memory_space<vmem_shared>>
        tpu.enqueue_indirect_dma source(%arg26 : memref<80x64xf32, #tpu.memory_space<vmem>>) target(%dma_start3A_252 : memref<10000x64xf32, #tpu.memory_space<vmem_shared>>) offsets(%arg18 : memref<80xi32, #tpu.memory_space<vmem>>) semaphore(%arg42 : memref<!tpu.dma_semaphore, #tpu.memory_space<semaphore_mem>>) {add = true}
        %add3A_253 = arith.constant 2 : i32
        %add3A_254 = arith.addi %scan3A_83, %add3A_253 : i32
        %lt3A_255 = arith.constant 125 : i32
        %lt3A_256 = arith.cmpi slt, %add3A_254, %lt3A_255 : i32
        %convert_element_type3A_257 = arith.extui %lt3A_256 : i1 to i32
        %cond3A_258 = arith.constant 0 : i32
        %cond3A_259 = arith.cmpi ne, %convert_element_type3A_257, %cond3A_258 : i32
        scf.if %cond3A_259 {
          %ge3A = arith.constant 2 : i32
          %ge3A_267 = arith.cmpi sge, %scan3A_83, %ge3A : i32
          %convert_element_type3A_268 = arith.extui %ge3A_267 : i1 to i32
          %cond3A_269 = arith.constant 0 : i32
          %cond3A_270 = arith.cmpi ne, %convert_element_type3A_268, %cond3A_269 : i32
          scf.if %cond3A_270 {
            %dma_wait3A_286 = arith.constant 0 : i32
            %dma_wait3A_287 = arith.constant 0 : i32
            %dma_wait3A_288 = tpu.memref_slice %arg7[%dma_wait3A_286, %dma_wait3A_287] : memref<10000x64xf32, #tpu.memory_space<vmem_shared>> -> memref<10000x64xf32, #tpu.memory_space<vmem_shared>>
            tpu.wait_indirect_dma semaphore(%arg40 : memref<!tpu.dma_semaphore, #tpu.memory_space<semaphore_mem>>) src(%arg24 : memref<80x64xf32, #tpu.memory_space<vmem>>) dst(%dma_wait3A_288 : memref<10000x64xf32, #tpu.memory_space<vmem_shared>>)
          } else {
          }
          %add3A_271 = arith.constant 2 : i32
          %add3A_272 = arith.addi %scan3A_83, %add3A_271 : i32
          %mul3A_273 = arith.constant 80 : i32
          %mul3A_274 = arith.muli %add3A_272, %mul3A_273 : i32
          %add3A_275 = arith.addi %mul3A_2, %mul3A_274 : i32
          %dma_wait3A_276 = tpu.memref_slice %arg3[%add3A_275] : memref<320000xi32, #tpu.memory_space<hbm>> -> memref<80xi32, #tpu.memory_space<hbm>>
          %dma_wait3A_277 = tpu.memref_slice %arg3[%add3A_275] : memref<320000xi32, #tpu.memory_space<hbm>> -> memref<80xi32, #tpu.memory_space<hbm>>
          tpu.wait_dma2 semaphore(%arg32 : memref<!tpu.dma_semaphore, #tpu.memory_space<semaphore_mem>>) src(%dma_wait3A_277 : memref<80xi32, #tpu.memory_space<hbm>>) dst(%arg12 : memref<80xi32, #tpu.memory_space<vmem>>)
          %mul3A_278 = arith.constant 80 : i32
          %mul3A_279 = arith.muli %add3A_272, %mul3A_278 : i32
          %add3A_280 = arith.addi %mul3A_2, %mul3A_279 : i32
          %dma_wait3A_281 = tpu.memref_slice %arg4[%add3A_280] : memref<320000xi32, #tpu.memory_space<hbm>> -> memref<80xi32, #tpu.memory_space<hbm>>
          %dma_wait3A_282 = tpu.memref_slice %arg4[%add3A_280] : memref<320000xi32, #tpu.memory_space<hbm>> -> memref<80xi32, #tpu.memory_space<hbm>>
          tpu.wait_dma2 semaphore(%arg32 : memref<!tpu.dma_semaphore, #tpu.memory_space<semaphore_mem>>) src(%dma_wait3A_282 : memref<80xi32, #tpu.memory_space<hbm>>) dst(%arg20 : memref<80xi32, #tpu.memory_space<vmem>>)
          %dma_start3A_283 = arith.constant 0 : i32
          %dma_start3A_284 = arith.constant 0 : i32
          %dma_start3A_285 = tpu.memref_slice %arg2[%dma_start3A_283, %dma_start3A_284] : memref<10000x64xf32, #tpu.memory_space<hbm>> -> memref<10000x64xf32, #tpu.memory_space<hbm>>
          tpu.enqueue_indirect_dma source(%dma_start3A_285 : memref<10000x64xf32, #tpu.memory_space<hbm>>) target(%arg24 : memref<80x64xf32, #tpu.memory_space<vmem>>) offsets(%arg12 : memref<80xi32, #tpu.memory_space<vmem>>) semaphore(%arg36 : memref<!tpu.dma_semaphore, #tpu.memory_space<semaphore_mem>>)
        } else {
        }
        %add3A_260 = arith.constant 4 : i32
        %add3A_261 = arith.addi %scan3A_83, %add3A_260 : i32
        %lt3A_262 = arith.constant 125 : i32
        %lt3A_263 = arith.cmpi slt, %add3A_261, %lt3A_262 : i32
        %convert_element_type3A_264 = arith.extui %lt3A_263 : i1 to i32
        %cond3A_265 = arith.constant 0 : i32
        %cond3A_266 = arith.cmpi ne, %convert_element_type3A_264, %cond3A_265 : i32
        scf.if %cond3A_266 {
          %add3A_267 = arith.constant 4 : i32
          %add3A_268 = arith.addi %scan3A_83, %add3A_267 : i32
          %mul3A_269 = arith.constant 80 : i32
          %mul3A_270 = arith.muli %add3A_268, %mul3A_269 : i32
          %add3A_271 = arith.addi %mul3A_2, %mul3A_270 : i32
          %dma_start3A_272 = tpu.memref_slice %arg3[%add3A_271] : memref<320000xi32, #tpu.memory_space<hbm>> -> memref<80xi32, #tpu.memory_space<hbm>>
          %dma_start3A_273 = tpu.memref_slice %arg3[%add3A_271] : memref<320000xi32, #tpu.memory_space<hbm>> -> memref<80xi32, #tpu.memory_space<hbm>>
          tpu.enqueue_dma source(%dma_start3A_273 : memref<80xi32, #tpu.memory_space<hbm>>) target(%arg14 : memref<80xi32, #tpu.memory_space<vmem>>) target_semaphore(%arg34 : memref<!tpu.dma_semaphore, #tpu.memory_space<semaphore_mem>>)
          %mul3A_274 = arith.constant 80 : i32
          %mul3A_275 = arith.muli %add3A_268, %mul3A_274 : i32
          %add3A_276 = arith.addi %mul3A_2, %mul3A_275 : i32
          %dma_start3A_277 = tpu.memref_slice %arg4[%add3A_276] : memref<320000xi32, #tpu.memory_space<hbm>> -> memref<80xi32, #tpu.memory_space<hbm>>
          %dma_start3A_278 = tpu.memref_slice %arg4[%add3A_276] : memref<320000xi32, #tpu.memory_space<hbm>> -> memref<80xi32, #tpu.memory_space<hbm>>
          tpu.enqueue_dma source(%dma_start3A_278 : memref<80xi32, #tpu.memory_space<hbm>>) target(%arg22 : memref<80xi32, #tpu.memory_space<vmem>>) target_semaphore(%arg34 : memref<!tpu.dma_semaphore, #tpu.memory_space<semaphore_mem>>)
        } else {
        }
      } else {
      }
      %jit3A_142 = arith.constant 8 : i32
      %eq3A_143 = arith.constant 0 : i32
      %eq3A_144 = arith.cmpi eq, %jit3A_142, %eq3A_143 : i32
      %jit3A_145 = arith.constant 1 : i32
      %select_n3A_146 = arith.select %eq3A_144, %jit3A_145, %jit3A_142 : i32
      %rem3A_147 = arith.remsi %scan3A_83, %select_n3A_146 : i32
      %ne3A_148 = arith.constant 0 : i32
      %ne3A_149 = arith.cmpi ne, %rem3A_147, %ne3A_148 : i32
      %lt3A_150 = arith.constant 0 : i32
      %lt3A_151 = arith.cmpi slt, %rem3A_147, %lt3A_150 : i32
      %lt3A_152 = arith.constant 0 : i32
      %lt3A_153 = arith.cmpi slt, %select_n3A_146, %lt3A_152 : i32
      %ne3A_154 = arith.xori %lt3A_151, %lt3A_153 : i1
      %and3A_155 = arith.andi %ne3A_154, %ne3A_149 : i1
      %add3A_156 = arith.addi %rem3A_147, %select_n3A_146 : i32
      %select_n3A_157 = arith.select %and3A_155, %add3A_156, %rem3A_147 : i32
      %eq3A_158 = arith.constant 3 : i32
      %eq3A_159 = arith.cmpi eq, %select_n3A_157, %eq3A_158 : i32
      %convert_element_type3A_160 = arith.extui %eq3A_159 : i1 to i32
      %cond3A_161 = arith.constant 0 : i32
      %cond3A_162 = arith.cmpi ne, %convert_element_type3A_160, %cond3A_161 : i32
      scf.if %cond3A_162 {
        %dma_wait3A_247 = arith.constant 0 : i32
        %dma_wait3A_248 = arith.constant 0 : i32
        %dma_wait3A_249 = tpu.memref_slice %arg2[%dma_wait3A_247, %dma_wait3A_248] : memref<10000x64xf32, #tpu.memory_space<hbm>> -> memref<10000x64xf32, #tpu.memory_space<hbm>>
        tpu.wait_indirect_dma semaphore(%arg39 : memref<!tpu.dma_semaphore, #tpu.memory_space<semaphore_mem>>) src(%dma_wait3A_249 : memref<10000x64xf32, #tpu.memory_space<hbm>>) dst(%arg27 : memref<80x64xf32, #tpu.memory_space<vmem>>)
        %dma_start3A_250 = arith.constant 0 : i32
        %dma_start3A_251 = arith.constant 0 : i32
        %dma_start3A_252 = tpu.memref_slice %arg7[%dma_start3A_250, %dma_start3A_251] : memref<10000x64xf32, #tpu.memory_space<vmem_shared>> -> memref<10000x64xf32, #tpu.memory_space<vmem_shared>>
        tpu.enqueue_indirect_dma source(%arg27 : memref<80x64xf32, #tpu.memory_space<vmem>>) target(%dma_start3A_252 : memref<10000x64xf32, #tpu.memory_space<vmem_shared>>) offsets(%arg19 : memref<80xi32, #tpu.memory_space<vmem>>) semaphore(%arg43 : memref<!tpu.dma_semaphore, #tpu.memory_space<semaphore_mem>>) {add = true}
        %add3A_253 = arith.constant 2 : i32
        %add3A_254 = arith.addi %scan3A_83, %add3A_253 : i32
        %lt3A_255 = arith.constant 125 : i32
        %lt3A_256 = arith.cmpi slt, %add3A_254, %lt3A_255 : i32
        %convert_element_type3A_257 = arith.extui %lt3A_256 : i1 to i32
        %cond3A_258 = arith.constant 0 : i32
        %cond3A_259 = arith.cmpi ne, %convert_element_type3A_257, %cond3A_258 : i32
        scf.if %cond3A_259 {
          %ge3A = arith.constant 2 : i32
          %ge3A_267 = arith.cmpi sge, %scan3A_83, %ge3A : i32
          %convert_element_type3A_268 = arith.extui %ge3A_267 : i1 to i32
          %cond3A_269 = arith.constant 0 : i32
          %cond3A_270 = arith.cmpi ne, %convert_element_type3A_268, %cond3A_269 : i32
          scf.if %cond3A_270 {
            %dma_wait3A_286 = arith.constant 0 : i32
            %dma_wait3A_287 = arith.constant 0 : i32
            %dma_wait3A_288 = tpu.memref_slice %arg7[%dma_wait3A_286, %dma_wait3A_287] : memref<10000x64xf32, #tpu.memory_space<vmem_shared>> -> memref<10000x64xf32, #tpu.memory_space<vmem_shared>>
            tpu.wait_indirect_dma semaphore(%arg41 : memref<!tpu.dma_semaphore, #tpu.memory_space<semaphore_mem>>) src(%arg25 : memref<80x64xf32, #tpu.memory_space<vmem>>) dst(%dma_wait3A_288 : memref<10000x64xf32, #tpu.memory_space<vmem_shared>>)
          } else {
          }
          %add3A_271 = arith.constant 2 : i32
          %add3A_272 = arith.addi %scan3A_83, %add3A_271 : i32
          %mul3A_273 = arith.constant 80 : i32
          %mul3A_274 = arith.muli %add3A_272, %mul3A_273 : i32
          %add3A_275 = arith.addi %mul3A_2, %mul3A_274 : i32
          %dma_wait3A_276 = tpu.memref_slice %arg3[%add3A_275] : memref<320000xi32, #tpu.memory_space<hbm>> -> memref<80xi32, #tpu.memory_space<hbm>>
          %dma_wait3A_277 = tpu.memref_slice %arg3[%add3A_275] : memref<320000xi32, #tpu.memory_space<hbm>> -> memref<80xi32, #tpu.memory_space<hbm>>
          tpu.wait_dma2 semaphore(%arg33 : memref<!tpu.dma_semaphore, #tpu.memory_space<semaphore_mem>>) src(%dma_wait3A_277 : memref<80xi32, #tpu.memory_space<hbm>>) dst(%arg13 : memref<80xi32, #tpu.memory_space<vmem>>)
          %mul3A_278 = arith.constant 80 : i32
          %mul3A_279 = arith.muli %add3A_272, %mul3A_278 : i32
          %add3A_280 = arith.addi %mul3A_2, %mul3A_279 : i32
          %dma_wait3A_281 = tpu.memref_slice %arg4[%add3A_280] : memref<320000xi32, #tpu.memory_space<hbm>> -> memref<80xi32, #tpu.memory_space<hbm>>
          %dma_wait3A_282 = tpu.memref_slice %arg4[%add3A_280] : memref<320000xi32, #tpu.memory_space<hbm>> -> memref<80xi32, #tpu.memory_space<hbm>>
          tpu.wait_dma2 semaphore(%arg33 : memref<!tpu.dma_semaphore, #tpu.memory_space<semaphore_mem>>) src(%dma_wait3A_282 : memref<80xi32, #tpu.memory_space<hbm>>) dst(%arg21 : memref<80xi32, #tpu.memory_space<vmem>>)
          %dma_start3A_283 = arith.constant 0 : i32
          %dma_start3A_284 = arith.constant 0 : i32
          %dma_start3A_285 = tpu.memref_slice %arg2[%dma_start3A_283, %dma_start3A_284] : memref<10000x64xf32, #tpu.memory_space<hbm>> -> memref<10000x64xf32, #tpu.memory_space<hbm>>
          tpu.enqueue_indirect_dma source(%dma_start3A_285 : memref<10000x64xf32, #tpu.memory_space<hbm>>) target(%arg25 : memref<80x64xf32, #tpu.memory_space<vmem>>) offsets(%arg13 : memref<80xi32, #tpu.memory_space<vmem>>) semaphore(%arg37 : memref<!tpu.dma_semaphore, #tpu.memory_space<semaphore_mem>>)
        } else {
        }
        %add3A_260 = arith.constant 4 : i32
        %add3A_261 = arith.addi %scan3A_83, %add3A_260 : i32
        %lt3A_262 = arith.constant 125 : i32
        %lt3A_263 = arith.cmpi slt, %add3A_261, %lt3A_262 : i32
        %convert_element_type3A_264 = arith.extui %lt3A_263 : i1 to i32
        %cond3A_265 = arith.constant 0 : i32
        %cond3A_266 = arith.cmpi ne, %convert_element_type3A_264, %cond3A_265 : i32
        scf.if %cond3A_266 {
          %add3A_267 = arith.constant 4 : i32
          %add3A_268 = arith.addi %scan3A_83, %add3A_267 : i32
          %mul3A_269 = arith.constant 80 : i32
          %mul3A_270 = arith.muli %add3A_268, %mul3A_269 : i32
          %add3A_271 = arith.addi %mul3A_2, %mul3A_270 : i32
          %dma_start3A_272 = tpu.memref_slice %arg3[%add3A_271] : memref<320000xi32, #tpu.memory_space<hbm>> -> memref<80xi32, #tpu.memory_space<hbm>>
          %dma_start3A_273 = tpu.memref_slice %arg3[%add3A_271] : memref<320000xi32, #tpu.memory_space<hbm>> -> memref<80xi32, #tpu.memory_space<hbm>>
          tpu.enqueue_dma source(%dma_start3A_273 : memref<80xi32, #tpu.memory_space<hbm>>) target(%arg15 : memref<80xi32, #tpu.memory_space<vmem>>) target_semaphore(%arg35 : memref<!tpu.dma_semaphore, #tpu.memory_space<semaphore_mem>>)
          %mul3A_274 = arith.constant 80 : i32
          %mul3A_275 = arith.muli %add3A_268, %mul3A_274 : i32
          %add3A_276 = arith.addi %mul3A_2, %mul3A_275 : i32
          %dma_start3A_277 = tpu.memref_slice %arg4[%add3A_276] : memref<320000xi32, #tpu.memory_space<hbm>> -> memref<80xi32, #tpu.memory_space<hbm>>
          %dma_start3A_278 = tpu.memref_slice %arg4[%add3A_276] : memref<320000xi32, #tpu.memory_space<hbm>> -> memref<80xi32, #tpu.memory_space<hbm>>
          tpu.enqueue_dma source(%dma_start3A_278 : memref<80xi32, #tpu.memory_space<hbm>>) target(%arg23 : memref<80xi32, #tpu.memory_space<vmem>>) target_semaphore(%arg35 : memref<!tpu.dma_semaphore, #tpu.memory_space<semaphore_mem>>)
        } else {
        }
      } else {
      }
      %jit3A_163 = arith.constant 8 : i32
      %eq3A_164 = arith.constant 0 : i32
      %eq3A_165 = arith.cmpi eq, %jit3A_163, %eq3A_164 : i32
      %jit3A_166 = arith.constant 1 : i32
      %select_n3A_167 = arith.select %eq3A_165, %jit3A_166, %jit3A_163 : i32
      %rem3A_168 = arith.remsi %scan3A_83, %select_n3A_167 : i32
      %ne3A_169 = arith.constant 0 : i32
      %ne3A_170 = arith.cmpi ne, %rem3A_168, %ne3A_169 : i32
      %lt3A_171 = arith.constant 0 : i32
      %lt3A_172 = arith.cmpi slt, %rem3A_168, %lt3A_171 : i32
      %lt3A_173 = arith.constant 0 : i32
      %lt3A_174 = arith.cmpi slt, %select_n3A_167, %lt3A_173 : i32
      %ne3A_175 = arith.xori %lt3A_172, %lt3A_174 : i1
      %and3A_176 = arith.andi %ne3A_175, %ne3A_170 : i1
      %add3A_177 = arith.addi %rem3A_168, %select_n3A_167 : i32
      %select_n3A_178 = arith.select %and3A_176, %add3A_177, %rem3A_168 : i32
      %eq3A_179 = arith.constant 4 : i32
      %eq3A_180 = arith.cmpi eq, %select_n3A_178, %eq3A_179 : i32
      %convert_element_type3A_181 = arith.extui %eq3A_180 : i1 to i32
      %cond3A_182 = arith.constant 0 : i32
      %cond3A_183 = arith.cmpi ne, %convert_element_type3A_181, %cond3A_182 : i32
      scf.if %cond3A_183 {
        %dma_wait3A_247 = arith.constant 0 : i32
        %dma_wait3A_248 = arith.constant 0 : i32
        %dma_wait3A_249 = tpu.memref_slice %arg2[%dma_wait3A_247, %dma_wait3A_248] : memref<10000x64xf32, #tpu.memory_space<hbm>> -> memref<10000x64xf32, #tpu.memory_space<hbm>>
        tpu.wait_indirect_dma semaphore(%arg36 : memref<!tpu.dma_semaphore, #tpu.memory_space<semaphore_mem>>) src(%dma_wait3A_249 : memref<10000x64xf32, #tpu.memory_space<hbm>>) dst(%arg24 : memref<80x64xf32, #tpu.memory_space<vmem>>)
        %dma_start3A_250 = arith.constant 0 : i32
        %dma_start3A_251 = arith.constant 0 : i32
        %dma_start3A_252 = tpu.memref_slice %arg7[%dma_start3A_250, %dma_start3A_251] : memref<10000x64xf32, #tpu.memory_space<vmem_shared>> -> memref<10000x64xf32, #tpu.memory_space<vmem_shared>>
        tpu.enqueue_indirect_dma source(%arg24 : memref<80x64xf32, #tpu.memory_space<vmem>>) target(%dma_start3A_252 : memref<10000x64xf32, #tpu.memory_space<vmem_shared>>) offsets(%arg20 : memref<80xi32, #tpu.memory_space<vmem>>) semaphore(%arg40 : memref<!tpu.dma_semaphore, #tpu.memory_space<semaphore_mem>>) {add = true}
        %add3A_253 = arith.constant 2 : i32
        %add3A_254 = arith.addi %scan3A_83, %add3A_253 : i32
        %lt3A_255 = arith.constant 125 : i32
        %lt3A_256 = arith.cmpi slt, %add3A_254, %lt3A_255 : i32
        %convert_element_type3A_257 = arith.extui %lt3A_256 : i1 to i32
        %cond3A_258 = arith.constant 0 : i32
        %cond3A_259 = arith.cmpi ne, %convert_element_type3A_257, %cond3A_258 : i32
        scf.if %cond3A_259 {
          %ge3A = arith.constant 2 : i32
          %ge3A_267 = arith.cmpi sge, %scan3A_83, %ge3A : i32
          %convert_element_type3A_268 = arith.extui %ge3A_267 : i1 to i32
          %cond3A_269 = arith.constant 0 : i32
          %cond3A_270 = arith.cmpi ne, %convert_element_type3A_268, %cond3A_269 : i32
          scf.if %cond3A_270 {
            %dma_wait3A_286 = arith.constant 0 : i32
            %dma_wait3A_287 = arith.constant 0 : i32
            %dma_wait3A_288 = tpu.memref_slice %arg7[%dma_wait3A_286, %dma_wait3A_287] : memref<10000x64xf32, #tpu.memory_space<vmem_shared>> -> memref<10000x64xf32, #tpu.memory_space<vmem_shared>>
            tpu.wait_indirect_dma semaphore(%arg42 : memref<!tpu.dma_semaphore, #tpu.memory_space<semaphore_mem>>) src(%arg26 : memref<80x64xf32, #tpu.memory_space<vmem>>) dst(%dma_wait3A_288 : memref<10000x64xf32, #tpu.memory_space<vmem_shared>>)
          } else {
          }
          %add3A_271 = arith.constant 2 : i32
          %add3A_272 = arith.addi %scan3A_83, %add3A_271 : i32
          %mul3A_273 = arith.constant 80 : i32
          %mul3A_274 = arith.muli %add3A_272, %mul3A_273 : i32
          %add3A_275 = arith.addi %mul3A_2, %mul3A_274 : i32
          %dma_wait3A_276 = tpu.memref_slice %arg3[%add3A_275] : memref<320000xi32, #tpu.memory_space<hbm>> -> memref<80xi32, #tpu.memory_space<hbm>>
          %dma_wait3A_277 = tpu.memref_slice %arg3[%add3A_275] : memref<320000xi32, #tpu.memory_space<hbm>> -> memref<80xi32, #tpu.memory_space<hbm>>
          tpu.wait_dma2 semaphore(%arg34 : memref<!tpu.dma_semaphore, #tpu.memory_space<semaphore_mem>>) src(%dma_wait3A_277 : memref<80xi32, #tpu.memory_space<hbm>>) dst(%arg14 : memref<80xi32, #tpu.memory_space<vmem>>)
          %mul3A_278 = arith.constant 80 : i32
          %mul3A_279 = arith.muli %add3A_272, %mul3A_278 : i32
          %add3A_280 = arith.addi %mul3A_2, %mul3A_279 : i32
          %dma_wait3A_281 = tpu.memref_slice %arg4[%add3A_280] : memref<320000xi32, #tpu.memory_space<hbm>> -> memref<80xi32, #tpu.memory_space<hbm>>
          %dma_wait3A_282 = tpu.memref_slice %arg4[%add3A_280] : memref<320000xi32, #tpu.memory_space<hbm>> -> memref<80xi32, #tpu.memory_space<hbm>>
          tpu.wait_dma2 semaphore(%arg34 : memref<!tpu.dma_semaphore, #tpu.memory_space<semaphore_mem>>) src(%dma_wait3A_282 : memref<80xi32, #tpu.memory_space<hbm>>) dst(%arg22 : memref<80xi32, #tpu.memory_space<vmem>>)
          %dma_start3A_283 = arith.constant 0 : i32
          %dma_start3A_284 = arith.constant 0 : i32
          %dma_start3A_285 = tpu.memref_slice %arg2[%dma_start3A_283, %dma_start3A_284] : memref<10000x64xf32, #tpu.memory_space<hbm>> -> memref<10000x64xf32, #tpu.memory_space<hbm>>
          tpu.enqueue_indirect_dma source(%dma_start3A_285 : memref<10000x64xf32, #tpu.memory_space<hbm>>) target(%arg26 : memref<80x64xf32, #tpu.memory_space<vmem>>) offsets(%arg14 : memref<80xi32, #tpu.memory_space<vmem>>) semaphore(%arg38 : memref<!tpu.dma_semaphore, #tpu.memory_space<semaphore_mem>>)
        } else {
        }
        %add3A_260 = arith.constant 4 : i32
        %add3A_261 = arith.addi %scan3A_83, %add3A_260 : i32
        %lt3A_262 = arith.constant 125 : i32
        %lt3A_263 = arith.cmpi slt, %add3A_261, %lt3A_262 : i32
        %convert_element_type3A_264 = arith.extui %lt3A_263 : i1 to i32
        %cond3A_265 = arith.constant 0 : i32
        %cond3A_266 = arith.cmpi ne, %convert_element_type3A_264, %cond3A_265 : i32
        scf.if %cond3A_266 {
          %add3A_267 = arith.constant 4 : i32
          %add3A_268 = arith.addi %scan3A_83, %add3A_267 : i32
          %mul3A_269 = arith.constant 80 : i32
          %mul3A_270 = arith.muli %add3A_268, %mul3A_269 : i32
          %add3A_271 = arith.addi %mul3A_2, %mul3A_270 : i32
          %dma_start3A_272 = tpu.memref_slice %arg3[%add3A_271] : memref<320000xi32, #tpu.memory_space<hbm>> -> memref<80xi32, #tpu.memory_space<hbm>>
          %dma_start3A_273 = tpu.memref_slice %arg3[%add3A_271] : memref<320000xi32, #tpu.memory_space<hbm>> -> memref<80xi32, #tpu.memory_space<hbm>>
          tpu.enqueue_dma source(%dma_start3A_273 : memref<80xi32, #tpu.memory_space<hbm>>) target(%arg8 : memref<80xi32, #tpu.memory_space<vmem>>) target_semaphore(%arg28 : memref<!tpu.dma_semaphore, #tpu.memory_space<semaphore_mem>>)
          %mul3A_274 = arith.constant 80 : i32
          %mul3A_275 = arith.muli %add3A_268, %mul3A_274 : i32
          %add3A_276 = arith.addi %mul3A_2, %mul3A_275 : i32
          %dma_start3A_277 = tpu.memref_slice %arg4[%add3A_276] : memref<320000xi32, #tpu.memory_space<hbm>> -> memref<80xi32, #tpu.memory_space<hbm>>
          %dma_start3A_278 = tpu.memref_slice %arg4[%add3A_276] : memref<320000xi32, #tpu.memory_space<hbm>> -> memref<80xi32, #tpu.memory_space<hbm>>
          tpu.enqueue_dma source(%dma_start3A_278 : memref<80xi32, #tpu.memory_space<hbm>>) target(%arg16 : memref<80xi32, #tpu.memory_space<vmem>>) target_semaphore(%arg28 : memref<!tpu.dma_semaphore, #tpu.memory_space<semaphore_mem>>)
        } else {
        }
      } else {
      }
      %jit3A_184 = arith.constant 8 : i32
      %eq3A_185 = arith.constant 0 : i32
      %eq3A_186 = arith.cmpi eq, %jit3A_184, %eq3A_185 : i32
      %jit3A_187 = arith.constant 1 : i32
      %select_n3A_188 = arith.select %eq3A_186, %jit3A_187, %jit3A_184 : i32
      %rem3A_189 = arith.remsi %scan3A_83, %select_n3A_188 : i32
      %ne3A_190 = arith.constant 0 : i32
      %ne3A_191 = arith.cmpi ne, %rem3A_189, %ne3A_190 : i32
      %lt3A_192 = arith.constant 0 : i32
      %lt3A_193 = arith.cmpi slt, %rem3A_189, %lt3A_192 : i32
      %lt3A_194 = arith.constant 0 : i32
      %lt3A_195 = arith.cmpi slt, %select_n3A_188, %lt3A_194 : i32
      %ne3A_196 = arith.xori %lt3A_193, %lt3A_195 : i1
      %and3A_197 = arith.andi %ne3A_196, %ne3A_191 : i1
      %add3A_198 = arith.addi %rem3A_189, %select_n3A_188 : i32
      %select_n3A_199 = arith.select %and3A_197, %add3A_198, %rem3A_189 : i32
      %eq3A_200 = arith.constant 5 : i32
      %eq3A_201 = arith.cmpi eq, %select_n3A_199, %eq3A_200 : i32
      %convert_element_type3A_202 = arith.extui %eq3A_201 : i1 to i32
      %cond3A_203 = arith.constant 0 : i32
      %cond3A_204 = arith.cmpi ne, %convert_element_type3A_202, %cond3A_203 : i32
      scf.if %cond3A_204 {
        %dma_wait3A_247 = arith.constant 0 : i32
        %dma_wait3A_248 = arith.constant 0 : i32
        %dma_wait3A_249 = tpu.memref_slice %arg2[%dma_wait3A_247, %dma_wait3A_248] : memref<10000x64xf32, #tpu.memory_space<hbm>> -> memref<10000x64xf32, #tpu.memory_space<hbm>>
        tpu.wait_indirect_dma semaphore(%arg37 : memref<!tpu.dma_semaphore, #tpu.memory_space<semaphore_mem>>) src(%dma_wait3A_249 : memref<10000x64xf32, #tpu.memory_space<hbm>>) dst(%arg25 : memref<80x64xf32, #tpu.memory_space<vmem>>)
        %dma_start3A_250 = arith.constant 0 : i32
        %dma_start3A_251 = arith.constant 0 : i32
        %dma_start3A_252 = tpu.memref_slice %arg7[%dma_start3A_250, %dma_start3A_251] : memref<10000x64xf32, #tpu.memory_space<vmem_shared>> -> memref<10000x64xf32, #tpu.memory_space<vmem_shared>>
        tpu.enqueue_indirect_dma source(%arg25 : memref<80x64xf32, #tpu.memory_space<vmem>>) target(%dma_start3A_252 : memref<10000x64xf32, #tpu.memory_space<vmem_shared>>) offsets(%arg21 : memref<80xi32, #tpu.memory_space<vmem>>) semaphore(%arg41 : memref<!tpu.dma_semaphore, #tpu.memory_space<semaphore_mem>>) {add = true}
        %add3A_253 = arith.constant 2 : i32
        %add3A_254 = arith.addi %scan3A_83, %add3A_253 : i32
        %lt3A_255 = arith.constant 125 : i32
        %lt3A_256 = arith.cmpi slt, %add3A_254, %lt3A_255 : i32
        %convert_element_type3A_257 = arith.extui %lt3A_256 : i1 to i32
        %cond3A_258 = arith.constant 0 : i32
        %cond3A_259 = arith.cmpi ne, %convert_element_type3A_257, %cond3A_258 : i32
        scf.if %cond3A_259 {
          %ge3A = arith.constant 2 : i32
          %ge3A_267 = arith.cmpi sge, %scan3A_83, %ge3A : i32
          %convert_element_type3A_268 = arith.extui %ge3A_267 : i1 to i32
          %cond3A_269 = arith.constant 0 : i32
          %cond3A_270 = arith.cmpi ne, %convert_element_type3A_268, %cond3A_269 : i32
          scf.if %cond3A_270 {
            %dma_wait3A_286 = arith.constant 0 : i32
            %dma_wait3A_287 = arith.constant 0 : i32
            %dma_wait3A_288 = tpu.memref_slice %arg7[%dma_wait3A_286, %dma_wait3A_287] : memref<10000x64xf32, #tpu.memory_space<vmem_shared>> -> memref<10000x64xf32, #tpu.memory_space<vmem_shared>>
            tpu.wait_indirect_dma semaphore(%arg43 : memref<!tpu.dma_semaphore, #tpu.memory_space<semaphore_mem>>) src(%arg27 : memref<80x64xf32, #tpu.memory_space<vmem>>) dst(%dma_wait3A_288 : memref<10000x64xf32, #tpu.memory_space<vmem_shared>>)
          } else {
          }
          %add3A_271 = arith.constant 2 : i32
          %add3A_272 = arith.addi %scan3A_83, %add3A_271 : i32
          %mul3A_273 = arith.constant 80 : i32
          %mul3A_274 = arith.muli %add3A_272, %mul3A_273 : i32
          %add3A_275 = arith.addi %mul3A_2, %mul3A_274 : i32
          %dma_wait3A_276 = tpu.memref_slice %arg3[%add3A_275] : memref<320000xi32, #tpu.memory_space<hbm>> -> memref<80xi32, #tpu.memory_space<hbm>>
          %dma_wait3A_277 = tpu.memref_slice %arg3[%add3A_275] : memref<320000xi32, #tpu.memory_space<hbm>> -> memref<80xi32, #tpu.memory_space<hbm>>
          tpu.wait_dma2 semaphore(%arg35 : memref<!tpu.dma_semaphore, #tpu.memory_space<semaphore_mem>>) src(%dma_wait3A_277 : memref<80xi32, #tpu.memory_space<hbm>>) dst(%arg15 : memref<80xi32, #tpu.memory_space<vmem>>)
          %mul3A_278 = arith.constant 80 : i32
          %mul3A_279 = arith.muli %add3A_272, %mul3A_278 : i32
          %add3A_280 = arith.addi %mul3A_2, %mul3A_279 : i32
          %dma_wait3A_281 = tpu.memref_slice %arg4[%add3A_280] : memref<320000xi32, #tpu.memory_space<hbm>> -> memref<80xi32, #tpu.memory_space<hbm>>
          %dma_wait3A_282 = tpu.memref_slice %arg4[%add3A_280] : memref<320000xi32, #tpu.memory_space<hbm>> -> memref<80xi32, #tpu.memory_space<hbm>>
          tpu.wait_dma2 semaphore(%arg35 : memref<!tpu.dma_semaphore, #tpu.memory_space<semaphore_mem>>) src(%dma_wait3A_282 : memref<80xi32, #tpu.memory_space<hbm>>) dst(%arg23 : memref<80xi32, #tpu.memory_space<vmem>>)
          %dma_start3A_283 = arith.constant 0 : i32
          %dma_start3A_284 = arith.constant 0 : i32
          %dma_start3A_285 = tpu.memref_slice %arg2[%dma_start3A_283, %dma_start3A_284] : memref<10000x64xf32, #tpu.memory_space<hbm>> -> memref<10000x64xf32, #tpu.memory_space<hbm>>
          tpu.enqueue_indirect_dma source(%dma_start3A_285 : memref<10000x64xf32, #tpu.memory_space<hbm>>) target(%arg27 : memref<80x64xf32, #tpu.memory_space<vmem>>) offsets(%arg15 : memref<80xi32, #tpu.memory_space<vmem>>) semaphore(%arg39 : memref<!tpu.dma_semaphore, #tpu.memory_space<semaphore_mem>>)
        } else {
        }
        %add3A_260 = arith.constant 4 : i32
        %add3A_261 = arith.addi %scan3A_83, %add3A_260 : i32
        %lt3A_262 = arith.constant 125 : i32
        %lt3A_263 = arith.cmpi slt, %add3A_261, %lt3A_262 : i32
        %convert_element_type3A_264 = arith.extui %lt3A_263 : i1 to i32
        %cond3A_265 = arith.constant 0 : i32
        %cond3A_266 = arith.cmpi ne, %convert_element_type3A_264, %cond3A_265 : i32
        scf.if %cond3A_266 {
          %add3A_267 = arith.constant 4 : i32
          %add3A_268 = arith.addi %scan3A_83, %add3A_267 : i32
          %mul3A_269 = arith.constant 80 : i32
          %mul3A_270 = arith.muli %add3A_268, %mul3A_269 : i32
          %add3A_271 = arith.addi %mul3A_2, %mul3A_270 : i32
          %dma_start3A_272 = tpu.memref_slice %arg3[%add3A_271] : memref<320000xi32, #tpu.memory_space<hbm>> -> memref<80xi32, #tpu.memory_space<hbm>>
          %dma_start3A_273 = tpu.memref_slice %arg3[%add3A_271] : memref<320000xi32, #tpu.memory_space<hbm>> -> memref<80xi32, #tpu.memory_space<hbm>>
          tpu.enqueue_dma source(%dma_start3A_273 : memref<80xi32, #tpu.memory_space<hbm>>) target(%arg9 : memref<80xi32, #tpu.memory_space<vmem>>) target_semaphore(%arg29 : memref<!tpu.dma_semaphore, #tpu.memory_space<semaphore_mem>>)
          %mul3A_274 = arith.constant 80 : i32
          %mul3A_275 = arith.muli %add3A_268, %mul3A_274 : i32
          %add3A_276 = arith.addi %mul3A_2, %mul3A_275 : i32
          %dma_start3A_277 = tpu.memref_slice %arg4[%add3A_276] : memref<320000xi32, #tpu.memory_space<hbm>> -> memref<80xi32, #tpu.memory_space<hbm>>
          %dma_start3A_278 = tpu.memref_slice %arg4[%add3A_276] : memref<320000xi32, #tpu.memory_space<hbm>> -> memref<80xi32, #tpu.memory_space<hbm>>
          tpu.enqueue_dma source(%dma_start3A_278 : memref<80xi32, #tpu.memory_space<hbm>>) target(%arg17 : memref<80xi32, #tpu.memory_space<vmem>>) target_semaphore(%arg29 : memref<!tpu.dma_semaphore, #tpu.memory_space<semaphore_mem>>)
        } else {
        }
      } else {
      }
      %jit3A_205 = arith.constant 8 : i32
      %eq3A_206 = arith.constant 0 : i32
      %eq3A_207 = arith.cmpi eq, %jit3A_205, %eq3A_206 : i32
      %jit3A_208 = arith.constant 1 : i32
      %select_n3A_209 = arith.select %eq3A_207, %jit3A_208, %jit3A_205 : i32
      %rem3A_210 = arith.remsi %scan3A_83, %select_n3A_209 : i32
      %ne3A_211 = arith.constant 0 : i32
      %ne3A_212 = arith.cmpi ne, %rem3A_210, %ne3A_211 : i32
      %lt3A_213 = arith.constant 0 : i32
      %lt3A_214 = arith.cmpi slt, %rem3A_210, %lt3A_213 : i32
      %lt3A_215 = arith.constant 0 : i32
      %lt3A_216 = arith.cmpi slt, %select_n3A_209, %lt3A_215 : i32
      %ne3A_217 = arith.xori %lt3A_214, %lt3A_216 : i1
      %and3A_218 = arith.andi %ne3A_217, %ne3A_212 : i1
      %add3A_219 = arith.addi %rem3A_210, %select_n3A_209 : i32
      %select_n3A_220 = arith.select %and3A_218, %add3A_219, %rem3A_210 : i32
      %eq3A_221 = arith.constant 6 : i32
      %eq3A_222 = arith.cmpi eq, %select_n3A_220, %eq3A_221 : i32
      %convert_element_type3A_223 = arith.extui %eq3A_222 : i1 to i32
      %cond3A_224 = arith.constant 0 : i32
      %cond3A_225 = arith.cmpi ne, %convert_element_type3A_223, %cond3A_224 : i32
      scf.if %cond3A_225 {
        %dma_wait3A_247 = arith.constant 0 : i32
        %dma_wait3A_248 = arith.constant 0 : i32
        %dma_wait3A_249 = tpu.memref_slice %arg2[%dma_wait3A_247, %dma_wait3A_248] : memref<10000x64xf32, #tpu.memory_space<hbm>> -> memref<10000x64xf32, #tpu.memory_space<hbm>>
        tpu.wait_indirect_dma semaphore(%arg38 : memref<!tpu.dma_semaphore, #tpu.memory_space<semaphore_mem>>) src(%dma_wait3A_249 : memref<10000x64xf32, #tpu.memory_space<hbm>>) dst(%arg26 : memref<80x64xf32, #tpu.memory_space<vmem>>)
        %dma_start3A_250 = arith.constant 0 : i32
        %dma_start3A_251 = arith.constant 0 : i32
        %dma_start3A_252 = tpu.memref_slice %arg7[%dma_start3A_250, %dma_start3A_251] : memref<10000x64xf32, #tpu.memory_space<vmem_shared>> -> memref<10000x64xf32, #tpu.memory_space<vmem_shared>>
        tpu.enqueue_indirect_dma source(%arg26 : memref<80x64xf32, #tpu.memory_space<vmem>>) target(%dma_start3A_252 : memref<10000x64xf32, #tpu.memory_space<vmem_shared>>) offsets(%arg22 : memref<80xi32, #tpu.memory_space<vmem>>) semaphore(%arg42 : memref<!tpu.dma_semaphore, #tpu.memory_space<semaphore_mem>>) {add = true}
        %add3A_253 = arith.constant 2 : i32
        %add3A_254 = arith.addi %scan3A_83, %add3A_253 : i32
        %lt3A_255 = arith.constant 125 : i32
        %lt3A_256 = arith.cmpi slt, %add3A_254, %lt3A_255 : i32
        %convert_element_type3A_257 = arith.extui %lt3A_256 : i1 to i32
        %cond3A_258 = arith.constant 0 : i32
        %cond3A_259 = arith.cmpi ne, %convert_element_type3A_257, %cond3A_258 : i32
        scf.if %cond3A_259 {
          %ge3A = arith.constant 2 : i32
          %ge3A_267 = arith.cmpi sge, %scan3A_83, %ge3A : i32
          %convert_element_type3A_268 = arith.extui %ge3A_267 : i1 to i32
          %cond3A_269 = arith.constant 0 : i32
          %cond3A_270 = arith.cmpi ne, %convert_element_type3A_268, %cond3A_269 : i32
          scf.if %cond3A_270 {
            %dma_wait3A_286 = arith.constant 0 : i32
            %dma_wait3A_287 = arith.constant 0 : i32
            %dma_wait3A_288 = tpu.memref_slice %arg7[%dma_wait3A_286, %dma_wait3A_287] : memref<10000x64xf32, #tpu.memory_space<vmem_shared>> -> memref<10000x64xf32, #tpu.memory_space<vmem_shared>>
            tpu.wait_indirect_dma semaphore(%arg40 : memref<!tpu.dma_semaphore, #tpu.memory_space<semaphore_mem>>) src(%arg24 : memref<80x64xf32, #tpu.memory_space<vmem>>) dst(%dma_wait3A_288 : memref<10000x64xf32, #tpu.memory_space<vmem_shared>>)
          } else {
          }
          %add3A_271 = arith.constant 2 : i32
          %add3A_272 = arith.addi %scan3A_83, %add3A_271 : i32
          %mul3A_273 = arith.constant 80 : i32
          %mul3A_274 = arith.muli %add3A_272, %mul3A_273 : i32
          %add3A_275 = arith.addi %mul3A_2, %mul3A_274 : i32
          %dma_wait3A_276 = tpu.memref_slice %arg3[%add3A_275] : memref<320000xi32, #tpu.memory_space<hbm>> -> memref<80xi32, #tpu.memory_space<hbm>>
          %dma_wait3A_277 = tpu.memref_slice %arg3[%add3A_275] : memref<320000xi32, #tpu.memory_space<hbm>> -> memref<80xi32, #tpu.memory_space<hbm>>
          tpu.wait_dma2 semaphore(%arg28 : memref<!tpu.dma_semaphore, #tpu.memory_space<semaphore_mem>>) src(%dma_wait3A_277 : memref<80xi32, #tpu.memory_space<hbm>>) dst(%arg8 : memref<80xi32, #tpu.memory_space<vmem>>)
          %mul3A_278 = arith.constant 80 : i32
          %mul3A_279 = arith.muli %add3A_272, %mul3A_278 : i32
          %add3A_280 = arith.addi %mul3A_2, %mul3A_279 : i32
          %dma_wait3A_281 = tpu.memref_slice %arg4[%add3A_280] : memref<320000xi32, #tpu.memory_space<hbm>> -> memref<80xi32, #tpu.memory_space<hbm>>
          %dma_wait3A_282 = tpu.memref_slice %arg4[%add3A_280] : memref<320000xi32, #tpu.memory_space<hbm>> -> memref<80xi32, #tpu.memory_space<hbm>>
          tpu.wait_dma2 semaphore(%arg28 : memref<!tpu.dma_semaphore, #tpu.memory_space<semaphore_mem>>) src(%dma_wait3A_282 : memref<80xi32, #tpu.memory_space<hbm>>) dst(%arg16 : memref<80xi32, #tpu.memory_space<vmem>>)
          %dma_start3A_283 = arith.constant 0 : i32
          %dma_start3A_284 = arith.constant 0 : i32
          %dma_start3A_285 = tpu.memref_slice %arg2[%dma_start3A_283, %dma_start3A_284] : memref<10000x64xf32, #tpu.memory_space<hbm>> -> memref<10000x64xf32, #tpu.memory_space<hbm>>
          tpu.enqueue_indirect_dma source(%dma_start3A_285 : memref<10000x64xf32, #tpu.memory_space<hbm>>) target(%arg24 : memref<80x64xf32, #tpu.memory_space<vmem>>) offsets(%arg8 : memref<80xi32, #tpu.memory_space<vmem>>) semaphore(%arg36 : memref<!tpu.dma_semaphore, #tpu.memory_space<semaphore_mem>>)
        } else {
        }
        %add3A_260 = arith.constant 4 : i32
        %add3A_261 = arith.addi %scan3A_83, %add3A_260 : i32
        %lt3A_262 = arith.constant 125 : i32
        %lt3A_263 = arith.cmpi slt, %add3A_261, %lt3A_262 : i32
        %convert_element_type3A_264 = arith.extui %lt3A_263 : i1 to i32
        %cond3A_265 = arith.constant 0 : i32
        %cond3A_266 = arith.cmpi ne, %convert_element_type3A_264, %cond3A_265 : i32
        scf.if %cond3A_266 {
          %add3A_267 = arith.constant 4 : i32
          %add3A_268 = arith.addi %scan3A_83, %add3A_267 : i32
          %mul3A_269 = arith.constant 80 : i32
          %mul3A_270 = arith.muli %add3A_268, %mul3A_269 : i32
          %add3A_271 = arith.addi %mul3A_2, %mul3A_270 : i32
          %dma_start3A_272 = tpu.memref_slice %arg3[%add3A_271] : memref<320000xi32, #tpu.memory_space<hbm>> -> memref<80xi32, #tpu.memory_space<hbm>>
          %dma_start3A_273 = tpu.memref_slice %arg3[%add3A_271] : memref<320000xi32, #tpu.memory_space<hbm>> -> memref<80xi32, #tpu.memory_space<hbm>>
          tpu.enqueue_dma source(%dma_start3A_273 : memref<80xi32, #tpu.memory_space<hbm>>) target(%arg10 : memref<80xi32, #tpu.memory_space<vmem>>) target_semaphore(%arg30 : memref<!tpu.dma_semaphore, #tpu.memory_space<semaphore_mem>>)
          %mul3A_274 = arith.constant 80 : i32
          %mul3A_275 = arith.muli %add3A_268, %mul3A_274 : i32
          %add3A_276 = arith.addi %mul3A_2, %mul3A_275 : i32
          %dma_start3A_277 = tpu.memref_slice %arg4[%add3A_276] : memref<320000xi32, #tpu.memory_space<hbm>> -> memref<80xi32, #tpu.memory_space<hbm>>
          %dma_start3A_278 = tpu.memref_slice %arg4[%add3A_276] : memref<320000xi32, #tpu.memory_space<hbm>> -> memref<80xi32, #tpu.memory_space<hbm>>
          tpu.enqueue_dma source(%dma_start3A_278 : memref<80xi32, #tpu.memory_space<hbm>>) target(%arg18 : memref<80xi32, #tpu.memory_space<vmem>>) target_semaphore(%arg30 : memref<!tpu.dma_semaphore, #tpu.memory_space<semaphore_mem>>)
        } else {
        }
      } else {
      }
      %jit3A_226 = arith.constant 8 : i32
      %eq3A_227 = arith.constant 0 : i32
      %eq3A_228 = arith.cmpi eq, %jit3A_226, %eq3A_227 : i32
      %jit3A_229 = arith.constant 1 : i32
      %select_n3A_230 = arith.select %eq3A_228, %jit3A_229, %jit3A_226 : i32
      %rem3A_231 = arith.remsi %scan3A_83, %select_n3A_230 : i32
      %ne3A_232 = arith.constant 0 : i32
      %ne3A_233 = arith.cmpi ne, %rem3A_231, %ne3A_232 : i32
      %lt3A_234 = arith.constant 0 : i32
      %lt3A_235 = arith.cmpi slt, %rem3A_231, %lt3A_234 : i32
      %lt3A_236 = arith.constant 0 : i32
      %lt3A_237 = arith.cmpi slt, %select_n3A_230, %lt3A_236 : i32
      %ne3A_238 = arith.xori %lt3A_235, %lt3A_237 : i1
      %and3A_239 = arith.andi %ne3A_238, %ne3A_233 : i1
      %add3A_240 = arith.addi %rem3A_231, %select_n3A_230 : i32
      %select_n3A_241 = arith.select %and3A_239, %add3A_240, %rem3A_231 : i32
      %eq3A_242 = arith.constant 7 : i32
      %eq3A_243 = arith.cmpi eq, %select_n3A_241, %eq3A_242 : i32
      %convert_element_type3A_244 = arith.extui %eq3A_243 : i1 to i32
      %cond3A_245 = arith.constant 0 : i32
      %cond3A_246 = arith.cmpi ne, %convert_element_type3A_244, %cond3A_245 : i32
      scf.if %cond3A_246 {
        %dma_wait3A_247 = arith.constant 0 : i32
        %dma_wait3A_248 = arith.constant 0 : i32
        %dma_wait3A_249 = tpu.memref_slice %arg2[%dma_wait3A_247, %dma_wait3A_248] : memref<10000x64xf32, #tpu.memory_space<hbm>> -> memref<10000x64xf32, #tpu.memory_space<hbm>>
        tpu.wait_indirect_dma semaphore(%arg39 : memref<!tpu.dma_semaphore, #tpu.memory_space<semaphore_mem>>) src(%dma_wait3A_249 : memref<10000x64xf32, #tpu.memory_space<hbm>>) dst(%arg27 : memref<80x64xf32, #tpu.memory_space<vmem>>)
        %dma_start3A_250 = arith.constant 0 : i32
        %dma_start3A_251 = arith.constant 0 : i32
        %dma_start3A_252 = tpu.memref_slice %arg7[%dma_start3A_250, %dma_start3A_251] : memref<10000x64xf32, #tpu.memory_space<vmem_shared>> -> memref<10000x64xf32, #tpu.memory_space<vmem_shared>>
        tpu.enqueue_indirect_dma source(%arg27 : memref<80x64xf32, #tpu.memory_space<vmem>>) target(%dma_start3A_252 : memref<10000x64xf32, #tpu.memory_space<vmem_shared>>) offsets(%arg23 : memref<80xi32, #tpu.memory_space<vmem>>) semaphore(%arg43 : memref<!tpu.dma_semaphore, #tpu.memory_space<semaphore_mem>>) {add = true}
        %add3A_253 = arith.constant 2 : i32
        %add3A_254 = arith.addi %scan3A_83, %add3A_253 : i32
        %lt3A_255 = arith.constant 125 : i32
        %lt3A_256 = arith.cmpi slt, %add3A_254, %lt3A_255 : i32
        %convert_element_type3A_257 = arith.extui %lt3A_256 : i1 to i32
        %cond3A_258 = arith.constant 0 : i32
        %cond3A_259 = arith.cmpi ne, %convert_element_type3A_257, %cond3A_258 : i32
        scf.if %cond3A_259 {
          %ge3A = arith.constant 2 : i32
          %ge3A_267 = arith.cmpi sge, %scan3A_83, %ge3A : i32
          %convert_element_type3A_268 = arith.extui %ge3A_267 : i1 to i32
          %cond3A_269 = arith.constant 0 : i32
          %cond3A_270 = arith.cmpi ne, %convert_element_type3A_268, %cond3A_269 : i32
          scf.if %cond3A_270 {
            %dma_wait3A_286 = arith.constant 0 : i32
            %dma_wait3A_287 = arith.constant 0 : i32
            %dma_wait3A_288 = tpu.memref_slice %arg7[%dma_wait3A_286, %dma_wait3A_287] : memref<10000x64xf32, #tpu.memory_space<vmem_shared>> -> memref<10000x64xf32, #tpu.memory_space<vmem_shared>>
            tpu.wait_indirect_dma semaphore(%arg41 : memref<!tpu.dma_semaphore, #tpu.memory_space<semaphore_mem>>) src(%arg25 : memref<80x64xf32, #tpu.memory_space<vmem>>) dst(%dma_wait3A_288 : memref<10000x64xf32, #tpu.memory_space<vmem_shared>>)
          } else {
          }
          %add3A_271 = arith.constant 2 : i32
          %add3A_272 = arith.addi %scan3A_83, %add3A_271 : i32
          %mul3A_273 = arith.constant 80 : i32
          %mul3A_274 = arith.muli %add3A_272, %mul3A_273 : i32
          %add3A_275 = arith.addi %mul3A_2, %mul3A_274 : i32
          %dma_wait3A_276 = tpu.memref_slice %arg3[%add3A_275] : memref<320000xi32, #tpu.memory_space<hbm>> -> memref<80xi32, #tpu.memory_space<hbm>>
          %dma_wait3A_277 = tpu.memref_slice %arg3[%add3A_275] : memref<320000xi32, #tpu.memory_space<hbm>> -> memref<80xi32, #tpu.memory_space<hbm>>
          tpu.wait_dma2 semaphore(%arg29 : memref<!tpu.dma_semaphore, #tpu.memory_space<semaphore_mem>>) src(%dma_wait3A_277 : memref<80xi32, #tpu.memory_space<hbm>>) dst(%arg9 : memref<80xi32, #tpu.memory_space<vmem>>)
          %mul3A_278 = arith.constant 80 : i32
          %mul3A_279 = arith.muli %add3A_272, %mul3A_278 : i32
          %add3A_280 = arith.addi %mul3A_2, %mul3A_279 : i32
          %dma_wait3A_281 = tpu.memref_slice %arg4[%add3A_280] : memref<320000xi32, #tpu.memory_space<hbm>> -> memref<80xi32, #tpu.memory_space<hbm>>
          %dma_wait3A_282 = tpu.memref_slice %arg4[%add3A_280] : memref<320000xi32, #tpu.memory_space<hbm>> -> memref<80xi32, #tpu.memory_space<hbm>>
          tpu.wait_dma2 semaphore(%arg29 : memref<!tpu.dma_semaphore, #tpu.memory_space<semaphore_mem>>) src(%dma_wait3A_282 : memref<80xi32, #tpu.memory_space<hbm>>) dst(%arg17 : memref<80xi32, #tpu.memory_space<vmem>>)
          %dma_start3A_283 = arith.constant 0 : i32
          %dma_start3A_284 = arith.constant 0 : i32
          %dma_start3A_285 = tpu.memref_slice %arg2[%dma_start3A_283, %dma_start3A_284] : memref<10000x64xf32, #tpu.memory_space<hbm>> -> memref<10000x64xf32, #tpu.memory_space<hbm>>
          tpu.enqueue_indirect_dma source(%dma_start3A_285 : memref<10000x64xf32, #tpu.memory_space<hbm>>) target(%arg25 : memref<80x64xf32, #tpu.memory_space<vmem>>) offsets(%arg9 : memref<80xi32, #tpu.memory_space<vmem>>) semaphore(%arg37 : memref<!tpu.dma_semaphore, #tpu.memory_space<semaphore_mem>>)
        } else {
        }
        %add3A_260 = arith.constant 4 : i32
        %add3A_261 = arith.addi %scan3A_83, %add3A_260 : i32
        %lt3A_262 = arith.constant 125 : i32
        %lt3A_263 = arith.cmpi slt, %add3A_261, %lt3A_262 : i32
        %convert_element_type3A_264 = arith.extui %lt3A_263 : i1 to i32
        %cond3A_265 = arith.constant 0 : i32
        %cond3A_266 = arith.cmpi ne, %convert_element_type3A_264, %cond3A_265 : i32
        scf.if %cond3A_266 {
          %add3A_267 = arith.constant 4 : i32
          %add3A_268 = arith.addi %scan3A_83, %add3A_267 : i32
          %mul3A_269 = arith.constant 80 : i32
          %mul3A_270 = arith.muli %add3A_268, %mul3A_269 : i32
          %add3A_271 = arith.addi %mul3A_2, %mul3A_270 : i32
          %dma_start3A_272 = tpu.memref_slice %arg3[%add3A_271] : memref<320000xi32, #tpu.memory_space<hbm>> -> memref<80xi32, #tpu.memory_space<hbm>>
          %dma_start3A_273 = tpu.memref_slice %arg3[%add3A_271] : memref<320000xi32, #tpu.memory_space<hbm>> -> memref<80xi32, #tpu.memory_space<hbm>>
          tpu.enqueue_dma source(%dma_start3A_273 : memref<80xi32, #tpu.memory_space<hbm>>) target(%arg11 : memref<80xi32, #tpu.memory_space<vmem>>) target_semaphore(%arg31 : memref<!tpu.dma_semaphore, #tpu.memory_space<semaphore_mem>>)
          %mul3A_274 = arith.constant 80 : i32
          %mul3A_275 = arith.muli %add3A_268, %mul3A_274 : i32
          %add3A_276 = arith.addi %mul3A_2, %mul3A_275 : i32
          %dma_start3A_277 = tpu.memref_slice %arg4[%add3A_276] : memref<320000xi32, #tpu.memory_space<hbm>> -> memref<80xi32, #tpu.memory_space<hbm>>
          %dma_start3A_278 = tpu.memref_slice %arg4[%add3A_276] : memref<320000xi32, #tpu.memory_space<hbm>> -> memref<80xi32, #tpu.memory_space<hbm>>
          tpu.enqueue_dma source(%dma_start3A_278 : memref<80xi32, #tpu.memory_space<hbm>>) target(%arg19 : memref<80xi32, #tpu.memory_space<vmem>>) target_semaphore(%arg31 : memref<!tpu.dma_semaphore, #tpu.memory_space<semaphore_mem>>)
        } else {
        }
      } else {
      }
    }
    %scan3A_60 = arith.constant 125 : i32
    %dma_wait3A_61 = arith.constant 0 : i32
    %dma_wait3A_62 = arith.constant 0 : i32
    %dma_wait3A_63 = tpu.memref_slice %arg7[%dma_wait3A_61, %dma_wait3A_62] : memref<10000x64xf32, #tpu.memory_space<vmem_shared>> -> memref<10000x64xf32, #tpu.memory_space<vmem_shared>>
    tpu.wait_indirect_dma semaphore(%arg41 : memref<!tpu.dma_semaphore, #tpu.memory_space<semaphore_mem>>) src(%arg25 : memref<80x64xf32, #tpu.memory_space<vmem>>) dst(%dma_wait3A_63 : memref<10000x64xf32, #tpu.memory_space<vmem_shared>>)
    %dma_wait3A_64 = arith.constant 0 : i32
    %dma_wait3A_65 = arith.constant 0 : i32
    %dma_wait3A_66 = tpu.memref_slice %arg7[%dma_wait3A_64, %dma_wait3A_65] : memref<10000x64xf32, #tpu.memory_space<vmem_shared>> -> memref<10000x64xf32, #tpu.memory_space<vmem_shared>>
    tpu.wait_indirect_dma semaphore(%arg42 : memref<!tpu.dma_semaphore, #tpu.memory_space<semaphore_mem>>) src(%arg26 : memref<80x64xf32, #tpu.memory_space<vmem>>) dst(%dma_wait3A_66 : memref<10000x64xf32, #tpu.memory_space<vmem_shared>>)
    %dma_wait3A_67 = arith.constant 0 : i32
    %dma_wait3A_68 = arith.constant 0 : i32
    %dma_wait3A_69 = tpu.memref_slice %arg7[%dma_wait3A_67, %dma_wait3A_68] : memref<10000x64xf32, #tpu.memory_space<vmem_shared>> -> memref<10000x64xf32, #tpu.memory_space<vmem_shared>>
    tpu.wait_indirect_dma semaphore(%arg43 : memref<!tpu.dma_semaphore, #tpu.memory_space<semaphore_mem>>) src(%arg27 : memref<80x64xf32, #tpu.memory_space<vmem>>) dst(%dma_wait3A_69 : memref<10000x64xf32, #tpu.memory_space<vmem_shared>>)
    %dma_wait3A_70 = arith.constant 0 : i32
    %dma_wait3A_71 = arith.constant 0 : i32
    %dma_wait3A_72 = tpu.memref_slice %arg7[%dma_wait3A_70, %dma_wait3A_71] : memref<10000x64xf32, #tpu.memory_space<vmem_shared>> -> memref<10000x64xf32, #tpu.memory_space<vmem_shared>>
    tpu.wait_indirect_dma semaphore(%arg40 : memref<!tpu.dma_semaphore, #tpu.memory_space<semaphore_mem>>) src(%arg24 : memref<80x64xf32, #tpu.memory_space<vmem>>) dst(%dma_wait3A_72 : memref<10000x64xf32, #tpu.memory_space<vmem_shared>>)
    %barrier3A_73 = arith.constant 0 : index
    tpu.barrier barrier_id(%barrier3A_73)
    %lt3A = arith.constant 15 : i32
    %lt3A_74 = arith.cmpi slt, %arg1, %lt3A : i32
    %convert_element_type3A_75 = arith.extui %lt3A_74 : i1 to i32
    %cond3A_76 = arith.constant 0 : i32
    %cond3A_77 = arith.cmpi ne, %convert_element_type3A_75, %cond3A_76 : i32
    scf.if %cond3A_77 {
      %mul3A_83 = arith.constant 632 : i32
      %mul3A_84 = arith.muli %arg1, %mul3A_83 : i32
      "tpu.region"() ({
        %run_scoped3A = tpu.sem_alloc : memref<!tpu.dma_semaphore, #tpu.memory_space<semaphore_mem>>
        %dma_start3A_85 = arith.constant 0 : i32
        %dma_start3A_86 = tpu.memref_slice %arg6[%arg0, %mul3A_84, %dma_start3A_85] : memref<2x10000x64xf32, #tpu.memory_space<hbm>> -> memref<1x632x64xf32, #tpu.memory_space<hbm>>
        %dma_start3A_87 = tpu.memref_squeeze %dma_start3A_86 : memref<1x632x64xf32, #tpu.memory_space<hbm>> -> memref<632x64xf32, #tpu.memory_space<hbm>>
        %dma_start3A_88 = arith.constant 0 : i32
        %dma_start3A_89 = tpu.memref_slice %arg7[%mul3A_84, %dma_start3A_88] : memref<10000x64xf32, #tpu.memory_space<vmem_shared>> -> memref<632x64xf32, #tpu.memory_space<vmem_shared>>
        tpu.enqueue_dma source(%dma_start3A_89 : memref<632x64xf32, #tpu.memory_space<vmem_shared>>) target(%dma_start3A_87 : memref<632x64xf32, #tpu.memory_space<hbm>>) target_semaphore(%run_scoped3A : memref<!tpu.dma_semaphore, #tpu.memory_space<semaphore_mem>>)
        %dma_wait3A_90 = arith.constant 0 : i32
        %dma_wait3A_91 = tpu.memref_slice %arg6[%arg0, %mul3A_84, %dma_wait3A_90] : memref<2x10000x64xf32, #tpu.memory_space<hbm>> -> memref<1x632x64xf32, #tpu.memory_space<hbm>>
        %dma_wait3A_92 = tpu.memref_squeeze %dma_wait3A_91 : memref<1x632x64xf32, #tpu.memory_space<hbm>> -> memref<632x64xf32, #tpu.memory_space<hbm>>
        %dma_wait3A_93 = arith.constant 0 : i32
        %dma_wait3A_94 = tpu.memref_slice %arg7[%mul3A_84, %dma_wait3A_93] : memref<10000x64xf32, #tpu.memory_space<vmem_shared>> -> memref<632x64xf32, #tpu.memory_space<vmem_shared>>
        tpu.wait_dma2 semaphore(%run_scoped3A : memref<!tpu.dma_semaphore, #tpu.memory_space<semaphore_mem>>) src(%dma_wait3A_94 : memref<632x64xf32, #tpu.memory_space<vmem_shared>>) dst(%dma_wait3A_92 : memref<632x64xf32, #tpu.memory_space<hbm>>)
        tpu.yield
      }) : () -> ()
    } else {
    }
    %eq3A_78 = arith.constant 15 : i32
    %eq3A_79 = arith.cmpi eq, %arg1, %eq3A_78 : i32
    %convert_element_type3A_80 = arith.extui %eq3A_79 : i1 to i32
    %cond3A_81 = arith.constant 0 : i32
    %cond3A_82 = arith.cmpi ne, %convert_element_type3A_80, %cond3A_81 : i32
    scf.if %cond3A_82 {
      %mul3A_83 = arith.constant 632 : i32
      %mul3A_84 = arith.muli %arg1, %mul3A_83 : i32
      "tpu.region"() ({
        %run_scoped3A = tpu.sem_alloc : memref<!tpu.dma_semaphore, #tpu.memory_space<semaphore_mem>>
        %dma_start3A_85 = arith.constant 0 : i32
        %dma_start3A_86 = tpu.memref_slice %arg6[%arg0, %mul3A_84, %dma_start3A_85] : memref<2x10000x64xf32, #tpu.memory_space<hbm>> -> memref<1x520x64xf32, #tpu.memory_space<hbm>>
        %dma_start3A_87 = tpu.memref_squeeze %dma_start3A_86 : memref<1x520x64xf32, #tpu.memory_space<hbm>> -> memref<520x64xf32, #tpu.memory_space<hbm>>
        %dma_start3A_88 = arith.constant 0 : i32
        %dma_start3A_89 = tpu.memref_slice %arg7[%mul3A_84, %dma_start3A_88] : memref<10000x64xf32, #tpu.memory_space<vmem_shared>> -> memref<520x64xf32, #tpu.memory_space<vmem_shared>>
        tpu.enqueue_dma source(%dma_start3A_89 : memref<520x64xf32, #tpu.memory_space<vmem_shared>>) target(%dma_start3A_87 : memref<520x64xf32, #tpu.memory_space<hbm>>) target_semaphore(%run_scoped3A : memref<!tpu.dma_semaphore, #tpu.memory_space<semaphore_mem>>)
        %dma_wait3A_90 = arith.constant 0 : i32
        %dma_wait3A_91 = tpu.memref_slice %arg6[%arg0, %mul3A_84, %dma_wait3A_90] : memref<2x10000x64xf32, #tpu.memory_space<hbm>> -> memref<1x520x64xf32, #tpu.memory_space<hbm>>
        %dma_wait3A_92 = tpu.memref_squeeze %dma_wait3A_91 : memref<1x520x64xf32, #tpu.memory_space<hbm>> -> memref<520x64xf32, #tpu.memory_space<hbm>>
        %dma_wait3A_93 = arith.constant 0 : i32
        %dma_wait3A_94 = tpu.memref_slice %arg7[%mul3A_84, %dma_wait3A_93] : memref<10000x64xf32, #tpu.memory_space<vmem_shared>> -> memref<520x64xf32, #tpu.memory_space<vmem_shared>>
        tpu.wait_dma2 semaphore(%run_scoped3A : memref<!tpu.dma_semaphore, #tpu.memory_space<semaphore_mem>>) src(%dma_wait3A_94 : memref<520x64xf32, #tpu.memory_space<vmem_shared>>) dst(%dma_wait3A_92 : memref<520x64xf32, #tpu.memory_space<hbm>>)
        tpu.yield
      }) : () -> ()
    } else {
    }
    return
  }
}

#map = affine_map<(d0, d1) -> (0)>
#map1 = affine_map<(d0, d1) -> (0, 0)>
module attributes {stable_mosaic.version = 14 : i64} {
  func.func @_deg_kernel(%arg0: i32, %arg1: i32, %arg2: memref<320000xi32, #tpu.memory_space<hbm>>, %arg3: memref<320000xi32, #tpu.memory_space<hbm>>, %arg4: memref<10000x16xf32, #tpu.memory_space<hbm>>, %arg5: memref<80x16xf32, #tpu.memory_space<hbm>>, %arg6: memref<10000x16xf32, #tpu.memory_space<hbm>>, %arg7: memref<10000x16xf32, #tpu.memory_space<hbm>>, %arg8: memref<10000x16xf32, #tpu.memory_space<vmem_shared>>, %arg9: memref<80xi32, #tpu.memory_space<vmem>>, %arg10: memref<80xi32, #tpu.memory_space<vmem>>, %arg11: memref<80xi32, #tpu.memory_space<vmem>>, %arg12: memref<80xi32, #tpu.memory_space<vmem>>, %arg13: memref<80x16xf32, #tpu.memory_space<vmem>>, %arg14: memref<!tpu.dma_semaphore, #tpu.memory_space<semaphore_mem>>, %arg15: memref<!tpu.dma_semaphore, #tpu.memory_space<semaphore_mem>>, %arg16: memref<!tpu.dma_semaphore, #tpu.memory_space<semaphore_mem>>, %arg17: memref<!tpu.dma_semaphore, #tpu.memory_space<semaphore_mem>>, %arg18: memref<!tpu.dma_semaphore, #tpu.memory_space<semaphore_mem>>, %arg19: memref<!tpu.dma_semaphore, #tpu.memory_space<semaphore_mem>>, %arg20: memref<!tpu.dma_semaphore, #tpu.memory_space<semaphore_mem>>, %arg21: memref<!tpu.dma_semaphore, #tpu.memory_space<semaphore_mem>>) attributes {dimension_semantics = [#tpu.dimension_semantics<core_parallel>, #tpu.dimension_semantics<subcore_parallel>], iteration_bounds = array<i64: 2, 16>, scalar_prefetch = 0 : i64, scratch_operands = 14 : i64, tpu.core_type = #tpu.core_type<sc_vector_subcore>, window_params = [{transform_indices = #map}, {transform_indices = #map}, {transform_indices = #map1}, {transform_indices = #map1}, {transform_indices = #map1}, {transform_indices = #map1}]} {
    %mul3A = arith.constant 20000 : i32
    %mul3A_0 = arith.muli %arg1, %mul3A : i32
    "tpu.region"() ({
      %run_scoped3A = tpu.sem_alloc : memref<!tpu.dma_semaphore, #tpu.memory_space<semaphore_mem>>
      tpu.enqueue_dma source(%arg5 : memref<80x16xf32, #tpu.memory_space<hbm>>) target(%arg13 : memref<80x16xf32, #tpu.memory_space<vmem>>) target_semaphore(%run_scoped3A : memref<!tpu.dma_semaphore, #tpu.memory_space<semaphore_mem>>)
      tpu.wait_dma2 semaphore(%run_scoped3A : memref<!tpu.dma_semaphore, #tpu.memory_space<semaphore_mem>>) src(%arg5 : memref<80x16xf32, #tpu.memory_space<hbm>>) dst(%arg13 : memref<80x16xf32, #tpu.memory_space<vmem>>)
      tpu.yield
    }) : () -> ()
    %eq3A = arith.constant 0 : i32
    %eq3A_1 = arith.cmpi eq, %arg1, %eq3A : i32
    %convert_element_type3A = arith.extui %eq3A_1 : i1 to i32
    %cond3A = arith.constant 0 : i32
    %cond3A_2 = arith.cmpi ne, %convert_element_type3A, %cond3A : i32
    scf.if %cond3A_2 {
      "tpu.region"() ({
        %run_scoped3A = tpu.sem_alloc : memref<!tpu.dma_semaphore, #tpu.memory_space<semaphore_mem>>
        %dma_start3A = arith.constant 0 : i32
        %dma_start3A_13 = arith.constant 0 : i32
        %dma_start3A_14 = tpu.memref_slice %arg8[%dma_start3A, %dma_start3A_13] : memref<10000x16xf32, #tpu.memory_space<vmem_shared>> -> memref<10000x16xf32, #tpu.memory_space<vmem_shared>>
        tpu.enqueue_dma source(%arg4 : memref<10000x16xf32, #tpu.memory_space<hbm>>) target(%dma_start3A_14 : memref<10000x16xf32, #tpu.memory_space<vmem_shared>>) target_semaphore(%run_scoped3A : memref<!tpu.dma_semaphore, #tpu.memory_space<semaphore_mem>>)
        %dma_wait3A = arith.constant 0 : i32
        %dma_wait3A_15 = arith.constant 0 : i32
        %dma_wait3A_16 = tpu.memref_slice %arg8[%dma_wait3A, %dma_wait3A_15] : memref<10000x16xf32, #tpu.memory_space<vmem_shared>> -> memref<10000x16xf32, #tpu.memory_space<vmem_shared>>
        tpu.wait_dma2 semaphore(%run_scoped3A : memref<!tpu.dma_semaphore, #tpu.memory_space<semaphore_mem>>) src(%arg4 : memref<10000x16xf32, #tpu.memory_space<hbm>>) dst(%dma_wait3A_16 : memref<10000x16xf32, #tpu.memory_space<vmem_shared>>)
        tpu.yield
      }) : () -> ()
    } else {
    }
    %eq3A_3 = arith.constant 0 : i32
    %eq3A_4 = arith.cmpi eq, %arg0, %eq3A_3 : i32
    %convert_element_type3A_5 = arith.extui %eq3A_4 : i1 to i32
    %cond3A_6 = arith.constant 0 : i32
    %cond3A_7 = arith.cmpi ne, %convert_element_type3A_5, %cond3A_6 : i32
    scf.if %cond3A_7 {
      %add3A = arith.constant 0 : i32
      %add3A_13 = arith.addi %mul3A_0, %add3A : i32
      %dma_start3A = tpu.memref_slice %arg2[%add3A_13] : memref<320000xi32, #tpu.memory_space<hbm>> -> memref<80xi32, #tpu.memory_space<hbm>>
      %dma_start3A_14 = tpu.memref_slice %arg2[%add3A_13] : memref<320000xi32, #tpu.memory_space<hbm>> -> memref<80xi32, #tpu.memory_space<hbm>>
      tpu.enqueue_dma source(%dma_start3A_14 : memref<80xi32, #tpu.memory_space<hbm>>) target(%arg9 : memref<80xi32, #tpu.memory_space<vmem>>) target_semaphore(%arg14 : memref<!tpu.dma_semaphore, #tpu.memory_space<semaphore_mem>>)
      %add3A_15 = arith.constant 80 : i32
      %add3A_16 = arith.addi %mul3A_0, %add3A_15 : i32
      %dma_start3A_17 = tpu.memref_slice %arg2[%add3A_16] : memref<320000xi32, #tpu.memory_space<hbm>> -> memref<80xi32, #tpu.memory_space<hbm>>
      %dma_start3A_18 = tpu.memref_slice %arg2[%add3A_16] : memref<320000xi32, #tpu.memory_space<hbm>> -> memref<80xi32, #tpu.memory_space<hbm>>
      tpu.enqueue_dma source(%dma_start3A_18 : memref<80xi32, #tpu.memory_space<hbm>>) target(%arg10 : memref<80xi32, #tpu.memory_space<vmem>>) target_semaphore(%arg15 : memref<!tpu.dma_semaphore, #tpu.memory_space<semaphore_mem>>)
      %barrier3A = arith.constant 0 : index
      tpu.barrier barrier_id(%barrier3A)
      %scan3A = arith.constant 0 : i32
      %scan3A_19 = arith.constant 250 : i32
      %scan3A_20 = arith.addi %scan3A, %scan3A_19 : i32
      %scan3A_21 = arith.constant 1 : i32
      scf.for %scan3A_38 = %scan3A to %scan3A_20 step %scan3A_21  : i32 {
        %jit3A = arith.constant 4 : i32
        %eq3A_39 = arith.constant 0 : i32
        %eq3A_40 = arith.cmpi eq, %jit3A, %eq3A_39 : i32
        %jit3A_41 = arith.constant 1 : i32
        %select_n3A = arith.select %eq3A_40, %jit3A_41, %jit3A : i32
        %rem3A = arith.remsi %scan3A_38, %select_n3A : i32
        %ne3A = arith.constant 0 : i32
        %ne3A_42 = arith.cmpi ne, %rem3A, %ne3A : i32
        %lt3A_43 = arith.constant 0 : i32
        %lt3A_44 = arith.cmpi slt, %rem3A, %lt3A_43 : i32
        %lt3A_45 = arith.constant 0 : i32
        %lt3A_46 = arith.cmpi slt, %select_n3A, %lt3A_45 : i32
        %ne3A_47 = arith.xori %lt3A_44, %lt3A_46 : i1
        %and3A = arith.andi %ne3A_47, %ne3A_42 : i1
        %add3A_48 = arith.addi %rem3A, %select_n3A : i32
        %select_n3A_49 = arith.select %and3A, %add3A_48, %rem3A : i32
        %eq3A_50 = arith.constant 0 : i32
        %eq3A_51 = arith.cmpi eq, %select_n3A_49, %eq3A_50 : i32
        %convert_element_type3A_52 = arith.extui %eq3A_51 : i1 to i32
        %cond3A_53 = arith.constant 0 : i32
        %cond3A_54 = arith.cmpi ne, %convert_element_type3A_52, %cond3A_53 : i32
        scf.if %cond3A_54 {
          %mul3A_118 = arith.constant 80 : i32
          %mul3A_119 = arith.muli %scan3A_38, %mul3A_118 : i32
          %add3A_120 = arith.addi %mul3A_0, %mul3A_119 : i32
          %dma_wait3A_121 = tpu.memref_slice %arg2[%add3A_120] : memref<320000xi32, #tpu.memory_space<hbm>> -> memref<80xi32, #tpu.memory_space<hbm>>
          %dma_wait3A_122 = tpu.memref_slice %arg2[%add3A_120] : memref<320000xi32, #tpu.memory_space<hbm>> -> memref<80xi32, #tpu.memory_space<hbm>>
          tpu.wait_dma2 semaphore(%arg14 : memref<!tpu.dma_semaphore, #tpu.memory_space<semaphore_mem>>) src(%dma_wait3A_122 : memref<80xi32, #tpu.memory_space<hbm>>) dst(%arg9 : memref<80xi32, #tpu.memory_space<vmem>>)
          %dma_start3A_123 = arith.constant 0 : i32
          %dma_start3A_124 = arith.constant 0 : i32
          %dma_start3A_125 = tpu.memref_slice %arg8[%dma_start3A_123, %dma_start3A_124] : memref<10000x16xf32, #tpu.memory_space<vmem_shared>> -> memref<10000x16xf32, #tpu.memory_space<vmem_shared>>
          tpu.enqueue_indirect_dma source(%arg13 : memref<80x16xf32, #tpu.memory_space<vmem>>) target(%dma_start3A_125 : memref<10000x16xf32, #tpu.memory_space<vmem_shared>>) offsets(%arg9 : memref<80xi32, #tpu.memory_space<vmem>>) semaphore(%arg18 : memref<!tpu.dma_semaphore, #tpu.memory_space<semaphore_mem>>) {add = true}
          %ge3A = arith.constant 2 : i32
          %ge3A_126 = arith.cmpi sge, %scan3A_38, %ge3A : i32
          %convert_element_type3A_127 = arith.extui %ge3A_126 : i1 to i32
          %cond3A_128 = arith.constant 0 : i32
          %cond3A_129 = arith.cmpi ne, %convert_element_type3A_127, %cond3A_128 : i32
          scf.if %cond3A_129 {
            %dma_wait3A_137 = arith.constant 0 : i32
            %dma_wait3A_138 = arith.constant 0 : i32
            %dma_wait3A_139 = tpu.memref_slice %arg8[%dma_wait3A_137, %dma_wait3A_138] : memref<10000x16xf32, #tpu.memory_space<vmem_shared>> -> memref<10000x16xf32, #tpu.memory_space<vmem_shared>>
            tpu.wait_indirect_dma semaphore(%arg20 : memref<!tpu.dma_semaphore, #tpu.memory_space<semaphore_mem>>) src(%arg13 : memref<80x16xf32, #tpu.memory_space<vmem>>) dst(%dma_wait3A_139 : memref<10000x16xf32, #tpu.memory_space<vmem_shared>>)
          } else {
          }
          %add3A_130 = arith.constant 2 : i32
          %add3A_131 = arith.addi %scan3A_38, %add3A_130 : i32
          %lt3A_132 = arith.constant 250 : i32
          %lt3A_133 = arith.cmpi slt, %add3A_131, %lt3A_132 : i32
          %convert_element_type3A_134 = arith.extui %lt3A_133 : i1 to i32
          %cond3A_135 = arith.constant 0 : i32
          %cond3A_136 = arith.cmpi ne, %convert_element_type3A_134, %cond3A_135 : i32
          scf.if %cond3A_136 {
            %add3A_137 = arith.constant 2 : i32
            %add3A_138 = arith.addi %scan3A_38, %add3A_137 : i32
            %mul3A_139 = arith.constant 80 : i32
            %mul3A_140 = arith.muli %add3A_138, %mul3A_139 : i32
            %add3A_141 = arith.addi %mul3A_0, %mul3A_140 : i32
            %dma_start3A_142 = tpu.memref_slice %arg2[%add3A_141] : memref<320000xi32, #tpu.memory_space<hbm>> -> memref<80xi32, #tpu.memory_space<hbm>>
            %dma_start3A_143 = tpu.memref_slice %arg2[%add3A_141] : memref<320000xi32, #tpu.memory_space<hbm>> -> memref<80xi32, #tpu.memory_space<hbm>>
            tpu.enqueue_dma source(%dma_start3A_143 : memref<80xi32, #tpu.memory_space<hbm>>) target(%arg11 : memref<80xi32, #tpu.memory_space<vmem>>) target_semaphore(%arg16 : memref<!tpu.dma_semaphore, #tpu.memory_space<semaphore_mem>>)
          } else {
          }
        } else {
        }
        %jit3A_55 = arith.constant 4 : i32
        %eq3A_56 = arith.constant 0 : i32
        %eq3A_57 = arith.cmpi eq, %jit3A_55, %eq3A_56 : i32
        %jit3A_58 = arith.constant 1 : i32
        %select_n3A_59 = arith.select %eq3A_57, %jit3A_58, %jit3A_55 : i32
        %rem3A_60 = arith.remsi %scan3A_38, %select_n3A_59 : i32
        %ne3A_61 = arith.constant 0 : i32
        %ne3A_62 = arith.cmpi ne, %rem3A_60, %ne3A_61 : i32
        %lt3A_63 = arith.constant 0 : i32
        %lt3A_64 = arith.cmpi slt, %rem3A_60, %lt3A_63 : i32
        %lt3A_65 = arith.constant 0 : i32
        %lt3A_66 = arith.cmpi slt, %select_n3A_59, %lt3A_65 : i32
        %ne3A_67 = arith.xori %lt3A_64, %lt3A_66 : i1
        %and3A_68 = arith.andi %ne3A_67, %ne3A_62 : i1
        %add3A_69 = arith.addi %rem3A_60, %select_n3A_59 : i32
        %select_n3A_70 = arith.select %and3A_68, %add3A_69, %rem3A_60 : i32
        %eq3A_71 = arith.constant 1 : i32
        %eq3A_72 = arith.cmpi eq, %select_n3A_70, %eq3A_71 : i32
        %convert_element_type3A_73 = arith.extui %eq3A_72 : i1 to i32
        %cond3A_74 = arith.constant 0 : i32
        %cond3A_75 = arith.cmpi ne, %convert_element_type3A_73, %cond3A_74 : i32
        scf.if %cond3A_75 {
          %mul3A_118 = arith.constant 80 : i32
          %mul3A_119 = arith.muli %scan3A_38, %mul3A_118 : i32
          %add3A_120 = arith.addi %mul3A_0, %mul3A_119 : i32
          %dma_wait3A_121 = tpu.memref_slice %arg2[%add3A_120] : memref<320000xi32, #tpu.memory_space<hbm>> -> memref<80xi32, #tpu.memory_space<hbm>>
          %dma_wait3A_122 = tpu.memref_slice %arg2[%add3A_120] : memref<320000xi32, #tpu.memory_space<hbm>> -> memref<80xi32, #tpu.memory_space<hbm>>
          tpu.wait_dma2 semaphore(%arg15 : memref<!tpu.dma_semaphore, #tpu.memory_space<semaphore_mem>>) src(%dma_wait3A_122 : memref<80xi32, #tpu.memory_space<hbm>>) dst(%arg10 : memref<80xi32, #tpu.memory_space<vmem>>)
          %dma_start3A_123 = arith.constant 0 : i32
          %dma_start3A_124 = arith.constant 0 : i32
          %dma_start3A_125 = tpu.memref_slice %arg8[%dma_start3A_123, %dma_start3A_124] : memref<10000x16xf32, #tpu.memory_space<vmem_shared>> -> memref<10000x16xf32, #tpu.memory_space<vmem_shared>>
          tpu.enqueue_indirect_dma source(%arg13 : memref<80x16xf32, #tpu.memory_space<vmem>>) target(%dma_start3A_125 : memref<10000x16xf32, #tpu.memory_space<vmem_shared>>) offsets(%arg10 : memref<80xi32, #tpu.memory_space<vmem>>) semaphore(%arg19 : memref<!tpu.dma_semaphore, #tpu.memory_space<semaphore_mem>>) {add = true}
          %ge3A = arith.constant 2 : i32
          %ge3A_126 = arith.cmpi sge, %scan3A_38, %ge3A : i32
          %convert_element_type3A_127 = arith.extui %ge3A_126 : i1 to i32
          %cond3A_128 = arith.constant 0 : i32
          %cond3A_129 = arith.cmpi ne, %convert_element_type3A_127, %cond3A_128 : i32
          scf.if %cond3A_129 {
            %dma_wait3A_137 = arith.constant 0 : i32
            %dma_wait3A_138 = arith.constant 0 : i32
            %dma_wait3A_139 = tpu.memref_slice %arg8[%dma_wait3A_137, %dma_wait3A_138] : memref<10000x16xf32, #tpu.memory_space<vmem_shared>> -> memref<10000x16xf32, #tpu.memory_space<vmem_shared>>
            tpu.wait_indirect_dma semaphore(%arg21 : memref<!tpu.dma_semaphore, #tpu.memory_space<semaphore_mem>>) src(%arg13 : memref<80x16xf32, #tpu.memory_space<vmem>>) dst(%dma_wait3A_139 : memref<10000x16xf32, #tpu.memory_space<vmem_shared>>)
          } else {
          }
          %add3A_130 = arith.constant 2 : i32
          %add3A_131 = arith.addi %scan3A_38, %add3A_130 : i32
          %lt3A_132 = arith.constant 250 : i32
          %lt3A_133 = arith.cmpi slt, %add3A_131, %lt3A_132 : i32
          %convert_element_type3A_134 = arith.extui %lt3A_133 : i1 to i32
          %cond3A_135 = arith.constant 0 : i32
          %cond3A_136 = arith.cmpi ne, %convert_element_type3A_134, %cond3A_135 : i32
          scf.if %cond3A_136 {
            %add3A_137 = arith.constant 2 : i32
            %add3A_138 = arith.addi %scan3A_38, %add3A_137 : i32
            %mul3A_139 = arith.constant 80 : i32
            %mul3A_140 = arith.muli %add3A_138, %mul3A_139 : i32
            %add3A_141 = arith.addi %mul3A_0, %mul3A_140 : i32
            %dma_start3A_142 = tpu.memref_slice %arg2[%add3A_141] : memref<320000xi32, #tpu.memory_space<hbm>> -> memref<80xi32, #tpu.memory_space<hbm>>
            %dma_start3A_143 = tpu.memref_slice %arg2[%add3A_141] : memref<320000xi32, #tpu.memory_space<hbm>> -> memref<80xi32, #tpu.memory_space<hbm>>
            tpu.enqueue_dma source(%dma_start3A_143 : memref<80xi32, #tpu.memory_space<hbm>>) target(%arg12 : memref<80xi32, #tpu.memory_space<vmem>>) target_semaphore(%arg17 : memref<!tpu.dma_semaphore, #tpu.memory_space<semaphore_mem>>)
          } else {
          }
        } else {
        }
        %jit3A_76 = arith.constant 4 : i32
        %eq3A_77 = arith.constant 0 : i32
        %eq3A_78 = arith.cmpi eq, %jit3A_76, %eq3A_77 : i32
        %jit3A_79 = arith.constant 1 : i32
        %select_n3A_80 = arith.select %eq3A_78, %jit3A_79, %jit3A_76 : i32
        %rem3A_81 = arith.remsi %scan3A_38, %select_n3A_80 : i32
        %ne3A_82 = arith.constant 0 : i32
        %ne3A_83 = arith.cmpi ne, %rem3A_81, %ne3A_82 : i32
        %lt3A_84 = arith.constant 0 : i32
        %lt3A_85 = arith.cmpi slt, %rem3A_81, %lt3A_84 : i32
        %lt3A_86 = arith.constant 0 : i32
        %lt3A_87 = arith.cmpi slt, %select_n3A_80, %lt3A_86 : i32
        %ne3A_88 = arith.xori %lt3A_85, %lt3A_87 : i1
        %and3A_89 = arith.andi %ne3A_88, %ne3A_83 : i1
        %add3A_90 = arith.addi %rem3A_81, %select_n3A_80 : i32
        %select_n3A_91 = arith.select %and3A_89, %add3A_90, %rem3A_81 : i32
        %eq3A_92 = arith.constant 2 : i32
        %eq3A_93 = arith.cmpi eq, %select_n3A_91, %eq3A_92 : i32
        %convert_element_type3A_94 = arith.extui %eq3A_93 : i1 to i32
        %cond3A_95 = arith.constant 0 : i32
        %cond3A_96 = arith.cmpi ne, %convert_element_type3A_94, %cond3A_95 : i32
        scf.if %cond3A_96 {
          %mul3A_118 = arith.constant 80 : i32
          %mul3A_119 = arith.muli %scan3A_38, %mul3A_118 : i32
          %add3A_120 = arith.addi %mul3A_0, %mul3A_119 : i32
          %dma_wait3A_121 = tpu.memref_slice %arg2[%add3A_120] : memref<320000xi32, #tpu.memory_space<hbm>> -> memref<80xi32, #tpu.memory_space<hbm>>
          %dma_wait3A_122 = tpu.memref_slice %arg2[%add3A_120] : memref<320000xi32, #tpu.memory_space<hbm>> -> memref<80xi32, #tpu.memory_space<hbm>>
          tpu.wait_dma2 semaphore(%arg16 : memref<!tpu.dma_semaphore, #tpu.memory_space<semaphore_mem>>) src(%dma_wait3A_122 : memref<80xi32, #tpu.memory_space<hbm>>) dst(%arg11 : memref<80xi32, #tpu.memory_space<vmem>>)
          %dma_start3A_123 = arith.constant 0 : i32
          %dma_start3A_124 = arith.constant 0 : i32
          %dma_start3A_125 = tpu.memref_slice %arg8[%dma_start3A_123, %dma_start3A_124] : memref<10000x16xf32, #tpu.memory_space<vmem_shared>> -> memref<10000x16xf32, #tpu.memory_space<vmem_shared>>
          tpu.enqueue_indirect_dma source(%arg13 : memref<80x16xf32, #tpu.memory_space<vmem>>) target(%dma_start3A_125 : memref<10000x16xf32, #tpu.memory_space<vmem_shared>>) offsets(%arg11 : memref<80xi32, #tpu.memory_space<vmem>>) semaphore(%arg20 : memref<!tpu.dma_semaphore, #tpu.memory_space<semaphore_mem>>) {add = true}
          %ge3A = arith.constant 2 : i32
          %ge3A_126 = arith.cmpi sge, %scan3A_38, %ge3A : i32
          %convert_element_type3A_127 = arith.extui %ge3A_126 : i1 to i32
          %cond3A_128 = arith.constant 0 : i32
          %cond3A_129 = arith.cmpi ne, %convert_element_type3A_127, %cond3A_128 : i32
          scf.if %cond3A_129 {
            %dma_wait3A_137 = arith.constant 0 : i32
            %dma_wait3A_138 = arith.constant 0 : i32
            %dma_wait3A_139 = tpu.memref_slice %arg8[%dma_wait3A_137, %dma_wait3A_138] : memref<10000x16xf32, #tpu.memory_space<vmem_shared>> -> memref<10000x16xf32, #tpu.memory_space<vmem_shared>>
            tpu.wait_indirect_dma semaphore(%arg18 : memref<!tpu.dma_semaphore, #tpu.memory_space<semaphore_mem>>) src(%arg13 : memref<80x16xf32, #tpu.memory_space<vmem>>) dst(%dma_wait3A_139 : memref<10000x16xf32, #tpu.memory_space<vmem_shared>>)
          } else {
          }
          %add3A_130 = arith.constant 2 : i32
          %add3A_131 = arith.addi %scan3A_38, %add3A_130 : i32
          %lt3A_132 = arith.constant 250 : i32
          %lt3A_133 = arith.cmpi slt, %add3A_131, %lt3A_132 : i32
          %convert_element_type3A_134 = arith.extui %lt3A_133 : i1 to i32
          %cond3A_135 = arith.constant 0 : i32
          %cond3A_136 = arith.cmpi ne, %convert_element_type3A_134, %cond3A_135 : i32
          scf.if %cond3A_136 {
            %add3A_137 = arith.constant 2 : i32
            %add3A_138 = arith.addi %scan3A_38, %add3A_137 : i32
            %mul3A_139 = arith.constant 80 : i32
            %mul3A_140 = arith.muli %add3A_138, %mul3A_139 : i32
            %add3A_141 = arith.addi %mul3A_0, %mul3A_140 : i32
            %dma_start3A_142 = tpu.memref_slice %arg2[%add3A_141] : memref<320000xi32, #tpu.memory_space<hbm>> -> memref<80xi32, #tpu.memory_space<hbm>>
            %dma_start3A_143 = tpu.memref_slice %arg2[%add3A_141] : memref<320000xi32, #tpu.memory_space<hbm>> -> memref<80xi32, #tpu.memory_space<hbm>>
            tpu.enqueue_dma source(%dma_start3A_143 : memref<80xi32, #tpu.memory_space<hbm>>) target(%arg9 : memref<80xi32, #tpu.memory_space<vmem>>) target_semaphore(%arg14 : memref<!tpu.dma_semaphore, #tpu.memory_space<semaphore_mem>>)
          } else {
          }
        } else {
        }
        %jit3A_97 = arith.constant 4 : i32
        %eq3A_98 = arith.constant 0 : i32
        %eq3A_99 = arith.cmpi eq, %jit3A_97, %eq3A_98 : i32
        %jit3A_100 = arith.constant 1 : i32
        %select_n3A_101 = arith.select %eq3A_99, %jit3A_100, %jit3A_97 : i32
        %rem3A_102 = arith.remsi %scan3A_38, %select_n3A_101 : i32
        %ne3A_103 = arith.constant 0 : i32
        %ne3A_104 = arith.cmpi ne, %rem3A_102, %ne3A_103 : i32
        %lt3A_105 = arith.constant 0 : i32
        %lt3A_106 = arith.cmpi slt, %rem3A_102, %lt3A_105 : i32
        %lt3A_107 = arith.constant 0 : i32
        %lt3A_108 = arith.cmpi slt, %select_n3A_101, %lt3A_107 : i32
        %ne3A_109 = arith.xori %lt3A_106, %lt3A_108 : i1
        %and3A_110 = arith.andi %ne3A_109, %ne3A_104 : i1
        %add3A_111 = arith.addi %rem3A_102, %select_n3A_101 : i32
        %select_n3A_112 = arith.select %and3A_110, %add3A_111, %rem3A_102 : i32
        %eq3A_113 = arith.constant 3 : i32
        %eq3A_114 = arith.cmpi eq, %select_n3A_112, %eq3A_113 : i32
        %convert_element_type3A_115 = arith.extui %eq3A_114 : i1 to i32
        %cond3A_116 = arith.constant 0 : i32
        %cond3A_117 = arith.cmpi ne, %convert_element_type3A_115, %cond3A_116 : i32
        scf.if %cond3A_117 {
          %mul3A_118 = arith.constant 80 : i32
          %mul3A_119 = arith.muli %scan3A_38, %mul3A_118 : i32
          %add3A_120 = arith.addi %mul3A_0, %mul3A_119 : i32
          %dma_wait3A_121 = tpu.memref_slice %arg2[%add3A_120] : memref<320000xi32, #tpu.memory_space<hbm>> -> memref<80xi32, #tpu.memory_space<hbm>>
          %dma_wait3A_122 = tpu.memref_slice %arg2[%add3A_120] : memref<320000xi32, #tpu.memory_space<hbm>> -> memref<80xi32, #tpu.memory_space<hbm>>
          tpu.wait_dma2 semaphore(%arg17 : memref<!tpu.dma_semaphore, #tpu.memory_space<semaphore_mem>>) src(%dma_wait3A_122 : memref<80xi32, #tpu.memory_space<hbm>>) dst(%arg12 : memref<80xi32, #tpu.memory_space<vmem>>)
          %dma_start3A_123 = arith.constant 0 : i32
          %dma_start3A_124 = arith.constant 0 : i32
          %dma_start3A_125 = tpu.memref_slice %arg8[%dma_start3A_123, %dma_start3A_124] : memref<10000x16xf32, #tpu.memory_space<vmem_shared>> -> memref<10000x16xf32, #tpu.memory_space<vmem_shared>>
          tpu.enqueue_indirect_dma source(%arg13 : memref<80x16xf32, #tpu.memory_space<vmem>>) target(%dma_start3A_125 : memref<10000x16xf32, #tpu.memory_space<vmem_shared>>) offsets(%arg12 : memref<80xi32, #tpu.memory_space<vmem>>) semaphore(%arg21 : memref<!tpu.dma_semaphore, #tpu.memory_space<semaphore_mem>>) {add = true}
          %ge3A = arith.constant 2 : i32
          %ge3A_126 = arith.cmpi sge, %scan3A_38, %ge3A : i32
          %convert_element_type3A_127 = arith.extui %ge3A_126 : i1 to i32
          %cond3A_128 = arith.constant 0 : i32
          %cond3A_129 = arith.cmpi ne, %convert_element_type3A_127, %cond3A_128 : i32
          scf.if %cond3A_129 {
            %dma_wait3A_137 = arith.constant 0 : i32
            %dma_wait3A_138 = arith.constant 0 : i32
            %dma_wait3A_139 = tpu.memref_slice %arg8[%dma_wait3A_137, %dma_wait3A_138] : memref<10000x16xf32, #tpu.memory_space<vmem_shared>> -> memref<10000x16xf32, #tpu.memory_space<vmem_shared>>
            tpu.wait_indirect_dma semaphore(%arg19 : memref<!tpu.dma_semaphore, #tpu.memory_space<semaphore_mem>>) src(%arg13 : memref<80x16xf32, #tpu.memory_space<vmem>>) dst(%dma_wait3A_139 : memref<10000x16xf32, #tpu.memory_space<vmem_shared>>)
          } else {
          }
          %add3A_130 = arith.constant 2 : i32
          %add3A_131 = arith.addi %scan3A_38, %add3A_130 : i32
          %lt3A_132 = arith.constant 250 : i32
          %lt3A_133 = arith.cmpi slt, %add3A_131, %lt3A_132 : i32
          %convert_element_type3A_134 = arith.extui %lt3A_133 : i1 to i32
          %cond3A_135 = arith.constant 0 : i32
          %cond3A_136 = arith.cmpi ne, %convert_element_type3A_134, %cond3A_135 : i32
          scf.if %cond3A_136 {
            %add3A_137 = arith.constant 2 : i32
            %add3A_138 = arith.addi %scan3A_38, %add3A_137 : i32
            %mul3A_139 = arith.constant 80 : i32
            %mul3A_140 = arith.muli %add3A_138, %mul3A_139 : i32
            %add3A_141 = arith.addi %mul3A_0, %mul3A_140 : i32
            %dma_start3A_142 = tpu.memref_slice %arg2[%add3A_141] : memref<320000xi32, #tpu.memory_space<hbm>> -> memref<80xi32, #tpu.memory_space<hbm>>
            %dma_start3A_143 = tpu.memref_slice %arg2[%add3A_141] : memref<320000xi32, #tpu.memory_space<hbm>> -> memref<80xi32, #tpu.memory_space<hbm>>
            tpu.enqueue_dma source(%dma_start3A_143 : memref<80xi32, #tpu.memory_space<hbm>>) target(%arg10 : memref<80xi32, #tpu.memory_space<vmem>>) target_semaphore(%arg15 : memref<!tpu.dma_semaphore, #tpu.memory_space<semaphore_mem>>)
          } else {
          }
        } else {
        }
      }
      %scan3A_22 = arith.constant 250 : i32
      %dma_wait3A = arith.constant 0 : i32
      %dma_wait3A_23 = arith.constant 0 : i32
      %dma_wait3A_24 = tpu.memref_slice %arg8[%dma_wait3A, %dma_wait3A_23] : memref<10000x16xf32, #tpu.memory_space<vmem_shared>> -> memref<10000x16xf32, #tpu.memory_space<vmem_shared>>
      tpu.wait_indirect_dma semaphore(%arg18 : memref<!tpu.dma_semaphore, #tpu.memory_space<semaphore_mem>>) src(%arg13 : memref<80x16xf32, #tpu.memory_space<vmem>>) dst(%dma_wait3A_24 : memref<10000x16xf32, #tpu.memory_space<vmem_shared>>)
      %dma_wait3A_25 = arith.constant 0 : i32
      %dma_wait3A_26 = arith.constant 0 : i32
      %dma_wait3A_27 = tpu.memref_slice %arg8[%dma_wait3A_25, %dma_wait3A_26] : memref<10000x16xf32, #tpu.memory_space<vmem_shared>> -> memref<10000x16xf32, #tpu.memory_space<vmem_shared>>
      tpu.wait_indirect_dma semaphore(%arg19 : memref<!tpu.dma_semaphore, #tpu.memory_space<semaphore_mem>>) src(%arg13 : memref<80x16xf32, #tpu.memory_space<vmem>>) dst(%dma_wait3A_27 : memref<10000x16xf32, #tpu.memory_space<vmem_shared>>)
      %barrier3A_28 = arith.constant 0 : index
      tpu.barrier barrier_id(%barrier3A_28)
      %lt3A = arith.constant 15 : i32
      %lt3A_29 = arith.cmpi slt, %arg1, %lt3A : i32
      %convert_element_type3A_30 = arith.extui %lt3A_29 : i1 to i32
      %cond3A_31 = arith.constant 0 : i32
      %cond3A_32 = arith.cmpi ne, %convert_element_type3A_30, %cond3A_31 : i32
      scf.if %cond3A_32 {
        %mul3A_38 = arith.constant 632 : i32
        %mul3A_39 = arith.muli %arg1, %mul3A_38 : i32
        "tpu.region"() ({
          %run_scoped3A = tpu.sem_alloc : memref<!tpu.dma_semaphore, #tpu.memory_space<semaphore_mem>>
          %dma_start3A_40 = arith.constant 0 : i32
          %dma_start3A_41 = tpu.memref_slice %arg6[%mul3A_39, %dma_start3A_40] : memref<10000x16xf32, #tpu.memory_space<hbm>> -> memref<632x16xf32, #tpu.memory_space<hbm>>
          %dma_start3A_42 = arith.constant 0 : i32
          %dma_start3A_43 = tpu.memref_slice %arg8[%mul3A_39, %dma_start3A_42] : memref<10000x16xf32, #tpu.memory_space<vmem_shared>> -> memref<632x16xf32, #tpu.memory_space<vmem_shared>>
          tpu.enqueue_dma source(%dma_start3A_43 : memref<632x16xf32, #tpu.memory_space<vmem_shared>>) target(%dma_start3A_41 : memref<632x16xf32, #tpu.memory_space<hbm>>) target_semaphore(%run_scoped3A : memref<!tpu.dma_semaphore, #tpu.memory_space<semaphore_mem>>)
          %dma_wait3A_44 = arith.constant 0 : i32
          %dma_wait3A_45 = tpu.memref_slice %arg6[%mul3A_39, %dma_wait3A_44] : memref<10000x16xf32, #tpu.memory_space<hbm>> -> memref<632x16xf32, #tpu.memory_space<hbm>>
          %dma_wait3A_46 = arith.constant 0 : i32
          %dma_wait3A_47 = tpu.memref_slice %arg8[%mul3A_39, %dma_wait3A_46] : memref<10000x16xf32, #tpu.memory_space<vmem_shared>> -> memref<632x16xf32, #tpu.memory_space<vmem_shared>>
          tpu.wait_dma2 semaphore(%run_scoped3A : memref<!tpu.dma_semaphore, #tpu.memory_space<semaphore_mem>>) src(%dma_wait3A_47 : memref<632x16xf32, #tpu.memory_space<vmem_shared>>) dst(%dma_wait3A_45 : memref<632x16xf32, #tpu.memory_space<hbm>>)
          tpu.yield
        }) : () -> ()
      } else {
      }
      %eq3A_33 = arith.constant 15 : i32
      %eq3A_34 = arith.cmpi eq, %arg1, %eq3A_33 : i32
      %convert_element_type3A_35 = arith.extui %eq3A_34 : i1 to i32
      %cond3A_36 = arith.constant 0 : i32
      %cond3A_37 = arith.cmpi ne, %convert_element_type3A_35, %cond3A_36 : i32
      scf.if %cond3A_37 {
        %mul3A_38 = arith.constant 632 : i32
        %mul3A_39 = arith.muli %arg1, %mul3A_38 : i32
        "tpu.region"() ({
          %run_scoped3A = tpu.sem_alloc : memref<!tpu.dma_semaphore, #tpu.memory_space<semaphore_mem>>
          %dma_start3A_40 = arith.constant 0 : i32
          %dma_start3A_41 = tpu.memref_slice %arg6[%mul3A_39, %dma_start3A_40] : memref<10000x16xf32, #tpu.memory_space<hbm>> -> memref<520x16xf32, #tpu.memory_space<hbm>>
          %dma_start3A_42 = arith.constant 0 : i32
          %dma_start3A_43 = tpu.memref_slice %arg8[%mul3A_39, %dma_start3A_42] : memref<10000x16xf32, #tpu.memory_space<vmem_shared>> -> memref<520x16xf32, #tpu.memory_space<vmem_shared>>
          tpu.enqueue_dma source(%dma_start3A_43 : memref<520x16xf32, #tpu.memory_space<vmem_shared>>) target(%dma_start3A_41 : memref<520x16xf32, #tpu.memory_space<hbm>>) target_semaphore(%run_scoped3A : memref<!tpu.dma_semaphore, #tpu.memory_space<semaphore_mem>>)
          %dma_wait3A_44 = arith.constant 0 : i32
          %dma_wait3A_45 = tpu.memref_slice %arg6[%mul3A_39, %dma_wait3A_44] : memref<10000x16xf32, #tpu.memory_space<hbm>> -> memref<520x16xf32, #tpu.memory_space<hbm>>
          %dma_wait3A_46 = arith.constant 0 : i32
          %dma_wait3A_47 = tpu.memref_slice %arg8[%mul3A_39, %dma_wait3A_46] : memref<10000x16xf32, #tpu.memory_space<vmem_shared>> -> memref<520x16xf32, #tpu.memory_space<vmem_shared>>
          tpu.wait_dma2 semaphore(%run_scoped3A : memref<!tpu.dma_semaphore, #tpu.memory_space<semaphore_mem>>) src(%dma_wait3A_47 : memref<520x16xf32, #tpu.memory_space<vmem_shared>>) dst(%dma_wait3A_45 : memref<520x16xf32, #tpu.memory_space<hbm>>)
          tpu.yield
        }) : () -> ()
      } else {
      }
    } else {
    }
    %eq3A_8 = arith.constant 1 : i32
    %eq3A_9 = arith.cmpi eq, %arg0, %eq3A_8 : i32
    %convert_element_type3A_10 = arith.extui %eq3A_9 : i1 to i32
    %cond3A_11 = arith.constant 0 : i32
    %cond3A_12 = arith.cmpi ne, %convert_element_type3A_10, %cond3A_11 : i32
    scf.if %cond3A_12 {
      %add3A = arith.constant 0 : i32
      %add3A_13 = arith.addi %mul3A_0, %add3A : i32
      %dma_start3A = tpu.memref_slice %arg3[%add3A_13] : memref<320000xi32, #tpu.memory_space<hbm>> -> memref<80xi32, #tpu.memory_space<hbm>>
      %dma_start3A_14 = tpu.memref_slice %arg3[%add3A_13] : memref<320000xi32, #tpu.memory_space<hbm>> -> memref<80xi32, #tpu.memory_space<hbm>>
      tpu.enqueue_dma source(%dma_start3A_14 : memref<80xi32, #tpu.memory_space<hbm>>) target(%arg9 : memref<80xi32, #tpu.memory_space<vmem>>) target_semaphore(%arg14 : memref<!tpu.dma_semaphore, #tpu.memory_space<semaphore_mem>>)
      %add3A_15 = arith.constant 80 : i32
      %add3A_16 = arith.addi %mul3A_0, %add3A_15 : i32
      %dma_start3A_17 = tpu.memref_slice %arg3[%add3A_16] : memref<320000xi32, #tpu.memory_space<hbm>> -> memref<80xi32, #tpu.memory_space<hbm>>
      %dma_start3A_18 = tpu.memref_slice %arg3[%add3A_16] : memref<320000xi32, #tpu.memory_space<hbm>> -> memref<80xi32, #tpu.memory_space<hbm>>
      tpu.enqueue_dma source(%dma_start3A_18 : memref<80xi32, #tpu.memory_space<hbm>>) target(%arg10 : memref<80xi32, #tpu.memory_space<vmem>>) target_semaphore(%arg15 : memref<!tpu.dma_semaphore, #tpu.memory_space<semaphore_mem>>)
      %barrier3A = arith.constant 0 : index
      tpu.barrier barrier_id(%barrier3A)
      %scan3A = arith.constant 0 : i32
      %scan3A_19 = arith.constant 250 : i32
      %scan3A_20 = arith.addi %scan3A, %scan3A_19 : i32
      %scan3A_21 = arith.constant 1 : i32
      scf.for %scan3A_38 = %scan3A to %scan3A_20 step %scan3A_21  : i32 {
        %jit3A = arith.constant 4 : i32
        %eq3A_39 = arith.constant 0 : i32
        %eq3A_40 = arith.cmpi eq, %jit3A, %eq3A_39 : i32
        %jit3A_41 = arith.constant 1 : i32
        %select_n3A = arith.select %eq3A_40, %jit3A_41, %jit3A : i32
        %rem3A = arith.remsi %scan3A_38, %select_n3A : i32
        %ne3A = arith.constant 0 : i32
        %ne3A_42 = arith.cmpi ne, %rem3A, %ne3A : i32
        %lt3A_43 = arith.constant 0 : i32
        %lt3A_44 = arith.cmpi slt, %rem3A, %lt3A_43 : i32
        %lt3A_45 = arith.constant 0 : i32
        %lt3A_46 = arith.cmpi slt, %select_n3A, %lt3A_45 : i32
        %ne3A_47 = arith.xori %lt3A_44, %lt3A_46 : i1
        %and3A = arith.andi %ne3A_47, %ne3A_42 : i1
        %add3A_48 = arith.addi %rem3A, %select_n3A : i32
        %select_n3A_49 = arith.select %and3A, %add3A_48, %rem3A : i32
        %eq3A_50 = arith.constant 0 : i32
        %eq3A_51 = arith.cmpi eq, %select_n3A_49, %eq3A_50 : i32
        %convert_element_type3A_52 = arith.extui %eq3A_51 : i1 to i32
        %cond3A_53 = arith.constant 0 : i32
        %cond3A_54 = arith.cmpi ne, %convert_element_type3A_52, %cond3A_53 : i32
        scf.if %cond3A_54 {
          %mul3A_118 = arith.constant 80 : i32
          %mul3A_119 = arith.muli %scan3A_38, %mul3A_118 : i32
          %add3A_120 = arith.addi %mul3A_0, %mul3A_119 : i32
          %dma_wait3A_121 = tpu.memref_slice %arg3[%add3A_120] : memref<320000xi32, #tpu.memory_space<hbm>> -> memref<80xi32, #tpu.memory_space<hbm>>
          %dma_wait3A_122 = tpu.memref_slice %arg3[%add3A_120] : memref<320000xi32, #tpu.memory_space<hbm>> -> memref<80xi32, #tpu.memory_space<hbm>>
          tpu.wait_dma2 semaphore(%arg14 : memref<!tpu.dma_semaphore, #tpu.memory_space<semaphore_mem>>) src(%dma_wait3A_122 : memref<80xi32, #tpu.memory_space<hbm>>) dst(%arg9 : memref<80xi32, #tpu.memory_space<vmem>>)
          %dma_start3A_123 = arith.constant 0 : i32
          %dma_start3A_124 = arith.constant 0 : i32
          %dma_start3A_125 = tpu.memref_slice %arg8[%dma_start3A_123, %dma_start3A_124] : memref<10000x16xf32, #tpu.memory_space<vmem_shared>> -> memref<10000x16xf32, #tpu.memory_space<vmem_shared>>
          tpu.enqueue_indirect_dma source(%arg13 : memref<80x16xf32, #tpu.memory_space<vmem>>) target(%dma_start3A_125 : memref<10000x16xf32, #tpu.memory_space<vmem_shared>>) offsets(%arg9 : memref<80xi32, #tpu.memory_space<vmem>>) semaphore(%arg18 : memref<!tpu.dma_semaphore, #tpu.memory_space<semaphore_mem>>) {add = true}
          %ge3A = arith.constant 2 : i32
          %ge3A_126 = arith.cmpi sge, %scan3A_38, %ge3A : i32
          %convert_element_type3A_127 = arith.extui %ge3A_126 : i1 to i32
          %cond3A_128 = arith.constant 0 : i32
          %cond3A_129 = arith.cmpi ne, %convert_element_type3A_127, %cond3A_128 : i32
          scf.if %cond3A_129 {
            %dma_wait3A_137 = arith.constant 0 : i32
            %dma_wait3A_138 = arith.constant 0 : i32
            %dma_wait3A_139 = tpu.memref_slice %arg8[%dma_wait3A_137, %dma_wait3A_138] : memref<10000x16xf32, #tpu.memory_space<vmem_shared>> -> memref<10000x16xf32, #tpu.memory_space<vmem_shared>>
            tpu.wait_indirect_dma semaphore(%arg20 : memref<!tpu.dma_semaphore, #tpu.memory_space<semaphore_mem>>) src(%arg13 : memref<80x16xf32, #tpu.memory_space<vmem>>) dst(%dma_wait3A_139 : memref<10000x16xf32, #tpu.memory_space<vmem_shared>>)
          } else {
          }
          %add3A_130 = arith.constant 2 : i32
          %add3A_131 = arith.addi %scan3A_38, %add3A_130 : i32
          %lt3A_132 = arith.constant 250 : i32
          %lt3A_133 = arith.cmpi slt, %add3A_131, %lt3A_132 : i32
          %convert_element_type3A_134 = arith.extui %lt3A_133 : i1 to i32
          %cond3A_135 = arith.constant 0 : i32
          %cond3A_136 = arith.cmpi ne, %convert_element_type3A_134, %cond3A_135 : i32
          scf.if %cond3A_136 {
            %add3A_137 = arith.constant 2 : i32
            %add3A_138 = arith.addi %scan3A_38, %add3A_137 : i32
            %mul3A_139 = arith.constant 80 : i32
            %mul3A_140 = arith.muli %add3A_138, %mul3A_139 : i32
            %add3A_141 = arith.addi %mul3A_0, %mul3A_140 : i32
            %dma_start3A_142 = tpu.memref_slice %arg3[%add3A_141] : memref<320000xi32, #tpu.memory_space<hbm>> -> memref<80xi32, #tpu.memory_space<hbm>>
            %dma_start3A_143 = tpu.memref_slice %arg3[%add3A_141] : memref<320000xi32, #tpu.memory_space<hbm>> -> memref<80xi32, #tpu.memory_space<hbm>>
            tpu.enqueue_dma source(%dma_start3A_143 : memref<80xi32, #tpu.memory_space<hbm>>) target(%arg11 : memref<80xi32, #tpu.memory_space<vmem>>) target_semaphore(%arg16 : memref<!tpu.dma_semaphore, #tpu.memory_space<semaphore_mem>>)
          } else {
          }
        } else {
        }
        %jit3A_55 = arith.constant 4 : i32
        %eq3A_56 = arith.constant 0 : i32
        %eq3A_57 = arith.cmpi eq, %jit3A_55, %eq3A_56 : i32
        %jit3A_58 = arith.constant 1 : i32
        %select_n3A_59 = arith.select %eq3A_57, %jit3A_58, %jit3A_55 : i32
        %rem3A_60 = arith.remsi %scan3A_38, %select_n3A_59 : i32
        %ne3A_61 = arith.constant 0 : i32
        %ne3A_62 = arith.cmpi ne, %rem3A_60, %ne3A_61 : i32
        %lt3A_63 = arith.constant 0 : i32
        %lt3A_64 = arith.cmpi slt, %rem3A_60, %lt3A_63 : i32
        %lt3A_65 = arith.constant 0 : i32
        %lt3A_66 = arith.cmpi slt, %select_n3A_59, %lt3A_65 : i32
        %ne3A_67 = arith.xori %lt3A_64, %lt3A_66 : i1
        %and3A_68 = arith.andi %ne3A_67, %ne3A_62 : i1
        %add3A_69 = arith.addi %rem3A_60, %select_n3A_59 : i32
        %select_n3A_70 = arith.select %and3A_68, %add3A_69, %rem3A_60 : i32
        %eq3A_71 = arith.constant 1 : i32
        %eq3A_72 = arith.cmpi eq, %select_n3A_70, %eq3A_71 : i32
        %convert_element_type3A_73 = arith.extui %eq3A_72 : i1 to i32
        %cond3A_74 = arith.constant 0 : i32
        %cond3A_75 = arith.cmpi ne, %convert_element_type3A_73, %cond3A_74 : i32
        scf.if %cond3A_75 {
          %mul3A_118 = arith.constant 80 : i32
          %mul3A_119 = arith.muli %scan3A_38, %mul3A_118 : i32
          %add3A_120 = arith.addi %mul3A_0, %mul3A_119 : i32
          %dma_wait3A_121 = tpu.memref_slice %arg3[%add3A_120] : memref<320000xi32, #tpu.memory_space<hbm>> -> memref<80xi32, #tpu.memory_space<hbm>>
          %dma_wait3A_122 = tpu.memref_slice %arg3[%add3A_120] : memref<320000xi32, #tpu.memory_space<hbm>> -> memref<80xi32, #tpu.memory_space<hbm>>
          tpu.wait_dma2 semaphore(%arg15 : memref<!tpu.dma_semaphore, #tpu.memory_space<semaphore_mem>>) src(%dma_wait3A_122 : memref<80xi32, #tpu.memory_space<hbm>>) dst(%arg10 : memref<80xi32, #tpu.memory_space<vmem>>)
          %dma_start3A_123 = arith.constant 0 : i32
          %dma_start3A_124 = arith.constant 0 : i32
          %dma_start3A_125 = tpu.memref_slice %arg8[%dma_start3A_123, %dma_start3A_124] : memref<10000x16xf32, #tpu.memory_space<vmem_shared>> -> memref<10000x16xf32, #tpu.memory_space<vmem_shared>>
          tpu.enqueue_indirect_dma source(%arg13 : memref<80x16xf32, #tpu.memory_space<vmem>>) target(%dma_start3A_125 : memref<10000x16xf32, #tpu.memory_space<vmem_shared>>) offsets(%arg10 : memref<80xi32, #tpu.memory_space<vmem>>) semaphore(%arg19 : memref<!tpu.dma_semaphore, #tpu.memory_space<semaphore_mem>>) {add = true}
          %ge3A = arith.constant 2 : i32
          %ge3A_126 = arith.cmpi sge, %scan3A_38, %ge3A : i32
          %convert_element_type3A_127 = arith.extui %ge3A_126 : i1 to i32
          %cond3A_128 = arith.constant 0 : i32
          %cond3A_129 = arith.cmpi ne, %convert_element_type3A_127, %cond3A_128 : i32
          scf.if %cond3A_129 {
            %dma_wait3A_137 = arith.constant 0 : i32
            %dma_wait3A_138 = arith.constant 0 : i32
            %dma_wait3A_139 = tpu.memref_slice %arg8[%dma_wait3A_137, %dma_wait3A_138] : memref<10000x16xf32, #tpu.memory_space<vmem_shared>> -> memref<10000x16xf32, #tpu.memory_space<vmem_shared>>
            tpu.wait_indirect_dma semaphore(%arg21 : memref<!tpu.dma_semaphore, #tpu.memory_space<semaphore_mem>>) src(%arg13 : memref<80x16xf32, #tpu.memory_space<vmem>>) dst(%dma_wait3A_139 : memref<10000x16xf32, #tpu.memory_space<vmem_shared>>)
          } else {
          }
          %add3A_130 = arith.constant 2 : i32
          %add3A_131 = arith.addi %scan3A_38, %add3A_130 : i32
          %lt3A_132 = arith.constant 250 : i32
          %lt3A_133 = arith.cmpi slt, %add3A_131, %lt3A_132 : i32
          %convert_element_type3A_134 = arith.extui %lt3A_133 : i1 to i32
          %cond3A_135 = arith.constant 0 : i32
          %cond3A_136 = arith.cmpi ne, %convert_element_type3A_134, %cond3A_135 : i32
          scf.if %cond3A_136 {
            %add3A_137 = arith.constant 2 : i32
            %add3A_138 = arith.addi %scan3A_38, %add3A_137 : i32
            %mul3A_139 = arith.constant 80 : i32
            %mul3A_140 = arith.muli %add3A_138, %mul3A_139 : i32
            %add3A_141 = arith.addi %mul3A_0, %mul3A_140 : i32
            %dma_start3A_142 = tpu.memref_slice %arg3[%add3A_141] : memref<320000xi32, #tpu.memory_space<hbm>> -> memref<80xi32, #tpu.memory_space<hbm>>
            %dma_start3A_143 = tpu.memref_slice %arg3[%add3A_141] : memref<320000xi32, #tpu.memory_space<hbm>> -> memref<80xi32, #tpu.memory_space<hbm>>
            tpu.enqueue_dma source(%dma_start3A_143 : memref<80xi32, #tpu.memory_space<hbm>>) target(%arg12 : memref<80xi32, #tpu.memory_space<vmem>>) target_semaphore(%arg17 : memref<!tpu.dma_semaphore, #tpu.memory_space<semaphore_mem>>)
          } else {
          }
        } else {
        }
        %jit3A_76 = arith.constant 4 : i32
        %eq3A_77 = arith.constant 0 : i32
        %eq3A_78 = arith.cmpi eq, %jit3A_76, %eq3A_77 : i32
        %jit3A_79 = arith.constant 1 : i32
        %select_n3A_80 = arith.select %eq3A_78, %jit3A_79, %jit3A_76 : i32
        %rem3A_81 = arith.remsi %scan3A_38, %select_n3A_80 : i32
        %ne3A_82 = arith.constant 0 : i32
        %ne3A_83 = arith.cmpi ne, %rem3A_81, %ne3A_82 : i32
        %lt3A_84 = arith.constant 0 : i32
        %lt3A_85 = arith.cmpi slt, %rem3A_81, %lt3A_84 : i32
        %lt3A_86 = arith.constant 0 : i32
        %lt3A_87 = arith.cmpi slt, %select_n3A_80, %lt3A_86 : i32
        %ne3A_88 = arith.xori %lt3A_85, %lt3A_87 : i1
        %and3A_89 = arith.andi %ne3A_88, %ne3A_83 : i1
        %add3A_90 = arith.addi %rem3A_81, %select_n3A_80 : i32
        %select_n3A_91 = arith.select %and3A_89, %add3A_90, %rem3A_81 : i32
        %eq3A_92 = arith.constant 2 : i32
        %eq3A_93 = arith.cmpi eq, %select_n3A_91, %eq3A_92 : i32
        %convert_element_type3A_94 = arith.extui %eq3A_93 : i1 to i32
        %cond3A_95 = arith.constant 0 : i32
        %cond3A_96 = arith.cmpi ne, %convert_element_type3A_94, %cond3A_95 : i32
        scf.if %cond3A_96 {
          %mul3A_118 = arith.constant 80 : i32
          %mul3A_119 = arith.muli %scan3A_38, %mul3A_118 : i32
          %add3A_120 = arith.addi %mul3A_0, %mul3A_119 : i32
          %dma_wait3A_121 = tpu.memref_slice %arg3[%add3A_120] : memref<320000xi32, #tpu.memory_space<hbm>> -> memref<80xi32, #tpu.memory_space<hbm>>
          %dma_wait3A_122 = tpu.memref_slice %arg3[%add3A_120] : memref<320000xi32, #tpu.memory_space<hbm>> -> memref<80xi32, #tpu.memory_space<hbm>>
          tpu.wait_dma2 semaphore(%arg16 : memref<!tpu.dma_semaphore, #tpu.memory_space<semaphore_mem>>) src(%dma_wait3A_122 : memref<80xi32, #tpu.memory_space<hbm>>) dst(%arg11 : memref<80xi32, #tpu.memory_space<vmem>>)
          %dma_start3A_123 = arith.constant 0 : i32
          %dma_start3A_124 = arith.constant 0 : i32
          %dma_start3A_125 = tpu.memref_slice %arg8[%dma_start3A_123, %dma_start3A_124] : memref<10000x16xf32, #tpu.memory_space<vmem_shared>> -> memref<10000x16xf32, #tpu.memory_space<vmem_shared>>
          tpu.enqueue_indirect_dma source(%arg13 : memref<80x16xf32, #tpu.memory_space<vmem>>) target(%dma_start3A_125 : memref<10000x16xf32, #tpu.memory_space<vmem_shared>>) offsets(%arg11 : memref<80xi32, #tpu.memory_space<vmem>>) semaphore(%arg20 : memref<!tpu.dma_semaphore, #tpu.memory_space<semaphore_mem>>) {add = true}
          %ge3A = arith.constant 2 : i32
          %ge3A_126 = arith.cmpi sge, %scan3A_38, %ge3A : i32
          %convert_element_type3A_127 = arith.extui %ge3A_126 : i1 to i32
          %cond3A_128 = arith.constant 0 : i32
          %cond3A_129 = arith.cmpi ne, %convert_element_type3A_127, %cond3A_128 : i32
          scf.if %cond3A_129 {
            %dma_wait3A_137 = arith.constant 0 : i32
            %dma_wait3A_138 = arith.constant 0 : i32
            %dma_wait3A_139 = tpu.memref_slice %arg8[%dma_wait3A_137, %dma_wait3A_138] : memref<10000x16xf32, #tpu.memory_space<vmem_shared>> -> memref<10000x16xf32, #tpu.memory_space<vmem_shared>>
            tpu.wait_indirect_dma semaphore(%arg18 : memref<!tpu.dma_semaphore, #tpu.memory_space<semaphore_mem>>) src(%arg13 : memref<80x16xf32, #tpu.memory_space<vmem>>) dst(%dma_wait3A_139 : memref<10000x16xf32, #tpu.memory_space<vmem_shared>>)
          } else {
          }
          %add3A_130 = arith.constant 2 : i32
          %add3A_131 = arith.addi %scan3A_38, %add3A_130 : i32
          %lt3A_132 = arith.constant 250 : i32
          %lt3A_133 = arith.cmpi slt, %add3A_131, %lt3A_132 : i32
          %convert_element_type3A_134 = arith.extui %lt3A_133 : i1 to i32
          %cond3A_135 = arith.constant 0 : i32
          %cond3A_136 = arith.cmpi ne, %convert_element_type3A_134, %cond3A_135 : i32
          scf.if %cond3A_136 {
            %add3A_137 = arith.constant 2 : i32
            %add3A_138 = arith.addi %scan3A_38, %add3A_137 : i32
            %mul3A_139 = arith.constant 80 : i32
            %mul3A_140 = arith.muli %add3A_138, %mul3A_139 : i32
            %add3A_141 = arith.addi %mul3A_0, %mul3A_140 : i32
            %dma_start3A_142 = tpu.memref_slice %arg3[%add3A_141] : memref<320000xi32, #tpu.memory_space<hbm>> -> memref<80xi32, #tpu.memory_space<hbm>>
            %dma_start3A_143 = tpu.memref_slice %arg3[%add3A_141] : memref<320000xi32, #tpu.memory_space<hbm>> -> memref<80xi32, #tpu.memory_space<hbm>>
            tpu.enqueue_dma source(%dma_start3A_143 : memref<80xi32, #tpu.memory_space<hbm>>) target(%arg9 : memref<80xi32, #tpu.memory_space<vmem>>) target_semaphore(%arg14 : memref<!tpu.dma_semaphore, #tpu.memory_space<semaphore_mem>>)
          } else {
          }
        } else {
        }
        %jit3A_97 = arith.constant 4 : i32
        %eq3A_98 = arith.constant 0 : i32
        %eq3A_99 = arith.cmpi eq, %jit3A_97, %eq3A_98 : i32
        %jit3A_100 = arith.constant 1 : i32
        %select_n3A_101 = arith.select %eq3A_99, %jit3A_100, %jit3A_97 : i32
        %rem3A_102 = arith.remsi %scan3A_38, %select_n3A_101 : i32
        %ne3A_103 = arith.constant 0 : i32
        %ne3A_104 = arith.cmpi ne, %rem3A_102, %ne3A_103 : i32
        %lt3A_105 = arith.constant 0 : i32
        %lt3A_106 = arith.cmpi slt, %rem3A_102, %lt3A_105 : i32
        %lt3A_107 = arith.constant 0 : i32
        %lt3A_108 = arith.cmpi slt, %select_n3A_101, %lt3A_107 : i32
        %ne3A_109 = arith.xori %lt3A_106, %lt3A_108 : i1
        %and3A_110 = arith.andi %ne3A_109, %ne3A_104 : i1
        %add3A_111 = arith.addi %rem3A_102, %select_n3A_101 : i32
        %select_n3A_112 = arith.select %and3A_110, %add3A_111, %rem3A_102 : i32
        %eq3A_113 = arith.constant 3 : i32
        %eq3A_114 = arith.cmpi eq, %select_n3A_112, %eq3A_113 : i32
        %convert_element_type3A_115 = arith.extui %eq3A_114 : i1 to i32
        %cond3A_116 = arith.constant 0 : i32
        %cond3A_117 = arith.cmpi ne, %convert_element_type3A_115, %cond3A_116 : i32
        scf.if %cond3A_117 {
          %mul3A_118 = arith.constant 80 : i32
          %mul3A_119 = arith.muli %scan3A_38, %mul3A_118 : i32
          %add3A_120 = arith.addi %mul3A_0, %mul3A_119 : i32
          %dma_wait3A_121 = tpu.memref_slice %arg3[%add3A_120] : memref<320000xi32, #tpu.memory_space<hbm>> -> memref<80xi32, #tpu.memory_space<hbm>>
          %dma_wait3A_122 = tpu.memref_slice %arg3[%add3A_120] : memref<320000xi32, #tpu.memory_space<hbm>> -> memref<80xi32, #tpu.memory_space<hbm>>
          tpu.wait_dma2 semaphore(%arg17 : memref<!tpu.dma_semaphore, #tpu.memory_space<semaphore_mem>>) src(%dma_wait3A_122 : memref<80xi32, #tpu.memory_space<hbm>>) dst(%arg12 : memref<80xi32, #tpu.memory_space<vmem>>)
          %dma_start3A_123 = arith.constant 0 : i32
          %dma_start3A_124 = arith.constant 0 : i32
          %dma_start3A_125 = tpu.memref_slice %arg8[%dma_start3A_123, %dma_start3A_124] : memref<10000x16xf32, #tpu.memory_space<vmem_shared>> -> memref<10000x16xf32, #tpu.memory_space<vmem_shared>>
          tpu.enqueue_indirect_dma source(%arg13 : memref<80x16xf32, #tpu.memory_space<vmem>>) target(%dma_start3A_125 : memref<10000x16xf32, #tpu.memory_space<vmem_shared>>) offsets(%arg12 : memref<80xi32, #tpu.memory_space<vmem>>) semaphore(%arg21 : memref<!tpu.dma_semaphore, #tpu.memory_space<semaphore_mem>>) {add = true}
          %ge3A = arith.constant 2 : i32
          %ge3A_126 = arith.cmpi sge, %scan3A_38, %ge3A : i32
          %convert_element_type3A_127 = arith.extui %ge3A_126 : i1 to i32
          %cond3A_128 = arith.constant 0 : i32
          %cond3A_129 = arith.cmpi ne, %convert_element_type3A_127, %cond3A_128 : i32
          scf.if %cond3A_129 {
            %dma_wait3A_137 = arith.constant 0 : i32
            %dma_wait3A_138 = arith.constant 0 : i32
            %dma_wait3A_139 = tpu.memref_slice %arg8[%dma_wait3A_137, %dma_wait3A_138] : memref<10000x16xf32, #tpu.memory_space<vmem_shared>> -> memref<10000x16xf32, #tpu.memory_space<vmem_shared>>
            tpu.wait_indirect_dma semaphore(%arg19 : memref<!tpu.dma_semaphore, #tpu.memory_space<semaphore_mem>>) src(%arg13 : memref<80x16xf32, #tpu.memory_space<vmem>>) dst(%dma_wait3A_139 : memref<10000x16xf32, #tpu.memory_space<vmem_shared>>)
          } else {
          }
          %add3A_130 = arith.constant 2 : i32
          %add3A_131 = arith.addi %scan3A_38, %add3A_130 : i32
          %lt3A_132 = arith.constant 250 : i32
          %lt3A_133 = arith.cmpi slt, %add3A_131, %lt3A_132 : i32
          %convert_element_type3A_134 = arith.extui %lt3A_133 : i1 to i32
          %cond3A_135 = arith.constant 0 : i32
          %cond3A_136 = arith.cmpi ne, %convert_element_type3A_134, %cond3A_135 : i32
          scf.if %cond3A_136 {
            %add3A_137 = arith.constant 2 : i32
            %add3A_138 = arith.addi %scan3A_38, %add3A_137 : i32
            %mul3A_139 = arith.constant 80 : i32
            %mul3A_140 = arith.muli %add3A_138, %mul3A_139 : i32
            %add3A_141 = arith.addi %mul3A_0, %mul3A_140 : i32
            %dma_start3A_142 = tpu.memref_slice %arg3[%add3A_141] : memref<320000xi32, #tpu.memory_space<hbm>> -> memref<80xi32, #tpu.memory_space<hbm>>
            %dma_start3A_143 = tpu.memref_slice %arg3[%add3A_141] : memref<320000xi32, #tpu.memory_space<hbm>> -> memref<80xi32, #tpu.memory_space<hbm>>
            tpu.enqueue_dma source(%dma_start3A_143 : memref<80xi32, #tpu.memory_space<hbm>>) target(%arg10 : memref<80xi32, #tpu.memory_space<vmem>>) target_semaphore(%arg15 : memref<!tpu.dma_semaphore, #tpu.memory_space<semaphore_mem>>)
          } else {
          }
        } else {
        }
      }
      %scan3A_22 = arith.constant 250 : i32
      %dma_wait3A = arith.constant 0 : i32
      %dma_wait3A_23 = arith.constant 0 : i32
      %dma_wait3A_24 = tpu.memref_slice %arg8[%dma_wait3A, %dma_wait3A_23] : memref<10000x16xf32, #tpu.memory_space<vmem_shared>> -> memref<10000x16xf32, #tpu.memory_space<vmem_shared>>
      tpu.wait_indirect_dma semaphore(%arg18 : memref<!tpu.dma_semaphore, #tpu.memory_space<semaphore_mem>>) src(%arg13 : memref<80x16xf32, #tpu.memory_space<vmem>>) dst(%dma_wait3A_24 : memref<10000x16xf32, #tpu.memory_space<vmem_shared>>)
      %dma_wait3A_25 = arith.constant 0 : i32
      %dma_wait3A_26 = arith.constant 0 : i32
      %dma_wait3A_27 = tpu.memref_slice %arg8[%dma_wait3A_25, %dma_wait3A_26] : memref<10000x16xf32, #tpu.memory_space<vmem_shared>> -> memref<10000x16xf32, #tpu.memory_space<vmem_shared>>
      tpu.wait_indirect_dma semaphore(%arg19 : memref<!tpu.dma_semaphore, #tpu.memory_space<semaphore_mem>>) src(%arg13 : memref<80x16xf32, #tpu.memory_space<vmem>>) dst(%dma_wait3A_27 : memref<10000x16xf32, #tpu.memory_space<vmem_shared>>)
      %barrier3A_28 = arith.constant 0 : index
      tpu.barrier barrier_id(%barrier3A_28)
      %lt3A = arith.constant 15 : i32
      %lt3A_29 = arith.cmpi slt, %arg1, %lt3A : i32
      %convert_element_type3A_30 = arith.extui %lt3A_29 : i1 to i32
      %cond3A_31 = arith.constant 0 : i32
      %cond3A_32 = arith.cmpi ne, %convert_element_type3A_30, %cond3A_31 : i32
      scf.if %cond3A_32 {
        %mul3A_38 = arith.constant 632 : i32
        %mul3A_39 = arith.muli %arg1, %mul3A_38 : i32
        "tpu.region"() ({
          %run_scoped3A = tpu.sem_alloc : memref<!tpu.dma_semaphore, #tpu.memory_space<semaphore_mem>>
          %dma_start3A_40 = arith.constant 0 : i32
          %dma_start3A_41 = tpu.memref_slice %arg7[%mul3A_39, %dma_start3A_40] : memref<10000x16xf32, #tpu.memory_space<hbm>> -> memref<632x16xf32, #tpu.memory_space<hbm>>
          %dma_start3A_42 = arith.constant 0 : i32
          %dma_start3A_43 = tpu.memref_slice %arg8[%mul3A_39, %dma_start3A_42] : memref<10000x16xf32, #tpu.memory_space<vmem_shared>> -> memref<632x16xf32, #tpu.memory_space<vmem_shared>>
          tpu.enqueue_dma source(%dma_start3A_43 : memref<632x16xf32, #tpu.memory_space<vmem_shared>>) target(%dma_start3A_41 : memref<632x16xf32, #tpu.memory_space<hbm>>) target_semaphore(%run_scoped3A : memref<!tpu.dma_semaphore, #tpu.memory_space<semaphore_mem>>)
          %dma_wait3A_44 = arith.constant 0 : i32
          %dma_wait3A_45 = tpu.memref_slice %arg7[%mul3A_39, %dma_wait3A_44] : memref<10000x16xf32, #tpu.memory_space<hbm>> -> memref<632x16xf32, #tpu.memory_space<hbm>>
          %dma_wait3A_46 = arith.constant 0 : i32
          %dma_wait3A_47 = tpu.memref_slice %arg8[%mul3A_39, %dma_wait3A_46] : memref<10000x16xf32, #tpu.memory_space<vmem_shared>> -> memref<632x16xf32, #tpu.memory_space<vmem_shared>>
          tpu.wait_dma2 semaphore(%run_scoped3A : memref<!tpu.dma_semaphore, #tpu.memory_space<semaphore_mem>>) src(%dma_wait3A_47 : memref<632x16xf32, #tpu.memory_space<vmem_shared>>) dst(%dma_wait3A_45 : memref<632x16xf32, #tpu.memory_space<hbm>>)
          tpu.yield
        }) : () -> ()
      } else {
      }
      %eq3A_33 = arith.constant 15 : i32
      %eq3A_34 = arith.cmpi eq, %arg1, %eq3A_33 : i32
      %convert_element_type3A_35 = arith.extui %eq3A_34 : i1 to i32
      %cond3A_36 = arith.constant 0 : i32
      %cond3A_37 = arith.cmpi ne, %convert_element_type3A_35, %cond3A_36 : i32
      scf.if %cond3A_37 {
        %mul3A_38 = arith.constant 632 : i32
        %mul3A_39 = arith.muli %arg1, %mul3A_38 : i32
        "tpu.region"() ({
          %run_scoped3A = tpu.sem_alloc : memref<!tpu.dma_semaphore, #tpu.memory_space<semaphore_mem>>
          %dma_start3A_40 = arith.constant 0 : i32
          %dma_start3A_41 = tpu.memref_slice %arg7[%mul3A_39, %dma_start3A_40] : memref<10000x16xf32, #tpu.memory_space<hbm>> -> memref<520x16xf32, #tpu.memory_space<hbm>>
          %dma_start3A_42 = arith.constant 0 : i32
          %dma_start3A_43 = tpu.memref_slice %arg8[%mul3A_39, %dma_start3A_42] : memref<10000x16xf32, #tpu.memory_space<vmem_shared>> -> memref<520x16xf32, #tpu.memory_space<vmem_shared>>
          tpu.enqueue_dma source(%dma_start3A_43 : memref<520x16xf32, #tpu.memory_space<vmem_shared>>) target(%dma_start3A_41 : memref<520x16xf32, #tpu.memory_space<hbm>>) target_semaphore(%run_scoped3A : memref<!tpu.dma_semaphore, #tpu.memory_space<semaphore_mem>>)
          %dma_wait3A_44 = arith.constant 0 : i32
          %dma_wait3A_45 = tpu.memref_slice %arg7[%mul3A_39, %dma_wait3A_44] : memref<10000x16xf32, #tpu.memory_space<hbm>> -> memref<520x16xf32, #tpu.memory_space<hbm>>
          %dma_wait3A_46 = arith.constant 0 : i32
          %dma_wait3A_47 = tpu.memref_slice %arg8[%mul3A_39, %dma_wait3A_46] : memref<10000x16xf32, #tpu.memory_space<vmem_shared>> -> memref<520x16xf32, #tpu.memory_space<vmem_shared>>
          tpu.wait_dma2 semaphore(%run_scoped3A : memref<!tpu.dma_semaphore, #tpu.memory_space<semaphore_mem>>) src(%dma_wait3A_47 : memref<520x16xf32, #tpu.memory_space<vmem_shared>>) dst(%dma_wait3A_45 : memref<520x16xf32, #tpu.memory_space<hbm>>)
          tpu.yield
        }) : () -> ()
      } else {
      }
    } else {
    }
    return
  }
}

module attributes {stable_mosaic.version = 14 : i64} {
  func.func @body(%arg0: i32, %arg1: memref<1000x128xf32, #tpu.memory_space<vmem>>, %arg2: memref<128x128xf32, #tpu.memory_space<vmem>>, %arg3: memref<1000x16xf32, #tpu.memory_space<vmem>>, %arg4: memref<1000x128xf32, #tpu.memory_space<vmem>>) attributes {dimension_semantics = [#tpu.dimension_semantics<arbitrary>], iteration_bounds = array<i64: 10>, scalar_prefetch = 0 : i64, scratch_operands = 0 : i64, tpu.core_type = #tpu.core_type<tc>, window_params = [{transform_indices = @transform_0, window_bounds = array<i64: 1000, 128>}, {pipeline_mode = #tpu.pipeline_mode<synchronous>, transform_indices = @transform_1, window_bounds = array<i64: 128, 128>}, {transform_indices = @transform_2, window_bounds = array<i64: 1000, 16>}, {transform_indices = @transform_3, window_bounds = array<i64: 1000, 128>}]} {
    %get3A = arith.constant 0 : index
    %get3A_0 = arith.constant 0 : index
    %get3A_1 = vector.load %arg1[%get3A, %get3A_0] : memref<1000x128xf32, #tpu.memory_space<vmem>>, vector<1000x128xf32>
    %get3A_2 = arith.constant 0 : index
    %get3A_3 = arith.constant 0 : index
    %get3A_4 = vector.load %arg2[%get3A_2, %get3A_3] : memref<128x128xf32, #tpu.memory_space<vmem>>, vector<128x128xf32>
    %dot_general3A = arith.constant dense<0.000000e+00> : vector<1000x128xf32>
    %dot_general3A_5 = tpu.matmul %get3A_1, %get3A_4, %dot_general3A {dimension_numbers = #tpu.dot_dimension_numbers<[1], [0], [0], [1], [0, 0, 1, 1], [], []>, transpose_lhs_hint = false} : vector<1000x128xf32>, vector<128x128xf32>, vector<1000x128xf32> -> vector<1000x128xf32>
    %get3A_6 = arith.constant 0 : index
    %get3A_7 = arith.constant 0 : index
    %get3A_8 = vector.load %arg3[%get3A_6, %get3A_7] : memref<1000x16xf32, #tpu.memory_space<vmem>>, vector<1000x16xf32>
    %slice3A = vector.extract_strided_slice %get3A_8 {offsets = [0, 0], sizes = [1000, 1], strides = [1, 1]} : vector<1000x16xf32> to vector<1000x1xf32>
    %squeeze3A = vector.shape_cast %slice3A : vector<1000x1xf32> to vector<1000xf32>
    %max3A = arith.constant 1.000000e+00 : f32
    %max3A_9 = vector.broadcast %max3A : f32 to vector<1000xf32>
    %max3A_10 = arith.maximumf %squeeze3A, %max3A_9 : vector<1000xf32>
    %rsqrt3A = math.rsqrt %max3A_10 : vector<1000xf32>
    %broadcast_in_dim3A = vector.shape_cast %rsqrt3A : vector<1000xf32> to vector<1000x1xf32>
    %mul3A = vector.broadcast %broadcast_in_dim3A : vector<1000x1xf32> to vector<1000x128xf32>
    %mul3A_11 = arith.mulf %dot_general3A_5, %mul3A : vector<1000x128xf32>
    %swap3A = arith.constant 0 : index
    %swap3A_12 = arith.constant 0 : index
    %swap3A_13 = vector.load %arg4[%swap3A, %swap3A_12] : memref<1000x128xf32, #tpu.memory_space<vmem>>, vector<1000x128xf32>
    tpu.vector_store %arg4[%swap3A, %swap3A_12], %mul3A_11 {strides = array<i32>} : memref<1000x128xf32, #tpu.memory_space<vmem>>, vector<1000x128xf32>,
    return
  }
  func.func @transform_0(%arg0: i32) -> (i32, i32) {
    %c0_i32 = arith.constant 0 : i32
    %c0_i32_0 = arith.constant 0 : i32
    return %arg0, %c0_i32 : i32, i32
  }
  func.func @transform_1(%arg0: i32) -> (i32, i32) {
    %c0_i32 = arith.constant 0 : i32
    %c0_i32_0 = arith.constant 0 : i32
    %c0_i32_1 = arith.constant 0 : i32
    return %c0_i32, %c0_i32_0 : i32, i32
  }
  func.func @transform_2(%arg0: i32) -> (i32, i32) {
    %c0_i32 = arith.constant 0 : i32
    %c0_i32_0 = arith.constant 0 : i32
    return %arg0, %c0_i32 : i32, i32
  }
  func.func @transform_3(%arg0: i32) -> (i32, i32) {
    %c0_i32 = arith.constant 0 : i32
    %c0_i32_0 = arith.constant 0 : i32
    return %arg0, %c0_i32 : i32, i32
  }
}

module attributes {stable_mosaic.version = 14 : i64} {
  func.func @body(%arg0: i32, %arg1: memref<2x1000x128xf32, #tpu.memory_space<vmem>>, %arg2: memref<1000x16xf32, #tpu.memory_space<vmem>>, %arg3: memref<1000x16xf32, #tpu.memory_space<vmem>>, %arg4: memref<1x128xf32, #tpu.memory_space<vmem>>, %arg5: memref<128x64xf32, #tpu.memory_space<vmem>>, %arg6: memref<1000x64xf32, #tpu.memory_space<vmem>>) attributes {dimension_semantics = [#tpu.dimension_semantics<arbitrary>], iteration_bounds = array<i64: 10>, scalar_prefetch = 0 : i64, scratch_operands = 0 : i64, tpu.core_type = #tpu.core_type<tc>, window_params = [{transform_indices = @transform_0, window_bounds = array<i64: 2, 1000, 128>}, {transform_indices = @transform_1, window_bounds = array<i64: 1000, 16>}, {transform_indices = @transform_2, window_bounds = array<i64: 1000, 16>}, {pipeline_mode = #tpu.pipeline_mode<synchronous>, transform_indices = @transform_3, window_bounds = array<i64: 1, 128>}, {pipeline_mode = #tpu.pipeline_mode<synchronous>, transform_indices = @transform_4, window_bounds = array<i64: 128, 64>}, {transform_indices = @transform_5, window_bounds = array<i64: 1000, 64>}]} {
    %get3A = arith.constant 0 : index
    %get3A_0 = arith.constant 0 : index
    %get3A_1 = arith.constant 0 : index
    %get3A_2 = vector.load %arg1[%get3A, %get3A_0, %get3A_1] : memref<2x1000x128xf32, #tpu.memory_space<vmem>>, vector<2x1000x128xf32>
    %slice3A = vector.extract_strided_slice %get3A_2 {offsets = [0, 0, 0], sizes = [1, 1000, 128], strides = [1, 1, 1]} : vector<2x1000x128xf32> to vector<1x1000x128xf32>
    %squeeze3A = vector.shape_cast %slice3A : vector<1x1000x128xf32> to vector<1000x128xf32>
    %slice3A_3 = vector.extract_strided_slice %get3A_2 {offsets = [1, 0, 0], sizes = [1, 1000, 128], strides = [1, 1, 1]} : vector<2x1000x128xf32> to vector<1x1000x128xf32>
    %squeeze3A_4 = vector.shape_cast %slice3A_3 : vector<1x1000x128xf32> to vector<1000x128xf32>
    %add3A = arith.addf %squeeze3A, %squeeze3A_4 : vector<1000x128xf32>
    %get3A_5 = arith.constant 0 : index
    %get3A_6 = arith.constant 0 : index
    %get3A_7 = vector.load %arg2[%get3A_5, %get3A_6] : memref<1000x16xf32, #tpu.memory_space<vmem>>, vector<1000x16xf32>
    %slice3A_8 = vector.extract_strided_slice %get3A_7 {offsets = [0, 0], sizes = [1000, 1], strides = [1, 1]} : vector<1000x16xf32> to vector<1000x1xf32>
    %squeeze3A_9 = vector.shape_cast %slice3A_8 : vector<1000x1xf32> to vector<1000xf32>
    %max3A = arith.constant 1.000000e+00 : f32
    %max3A_10 = vector.broadcast %max3A : f32 to vector<1000xf32>
    %max3A_11 = arith.maximumf %squeeze3A_9, %max3A_10 : vector<1000xf32>
    %rsqrt3A = math.rsqrt %max3A_11 : vector<1000xf32>
    %broadcast_in_dim3A = vector.shape_cast %rsqrt3A : vector<1000xf32> to vector<1000x1xf32>
    %mul3A = vector.broadcast %broadcast_in_dim3A : vector<1000x1xf32> to vector<1000x128xf32>
    %mul3A_12 = arith.mulf %add3A, %mul3A : vector<1000x128xf32>
    %get3A_13 = arith.constant 0 : index
    %get3A_14 = arith.constant 0 : index
    %get3A_15 = vector.load %arg4[%get3A_13, %get3A_14] : memref<1x128xf32, #tpu.memory_space<vmem>>, vector<1x128xf32>
    %add3A_16 = vector.broadcast %get3A_15 : vector<1x128xf32> to vector<1000x128xf32>
    %add3A_17 = arith.addf %mul3A_12, %add3A_16 : vector<1000x128xf32>
    %max3A_18 = arith.constant 0.000000e+00 : f32
    %max3A_19 = vector.broadcast %max3A_18 : f32 to vector<1000x128xf32>
    %max3A_20 = arith.maximumf %add3A_17, %max3A_19 : vector<1000x128xf32>
    %get3A_21 = arith.constant 0 : index
    %get3A_22 = arith.constant 0 : index
    %get3A_23 = vector.load %arg3[%get3A_21, %get3A_22] : memref<1000x16xf32, #tpu.memory_space<vmem>>, vector<1000x16xf32>
    %slice3A_24 = vector.extract_strided_slice %get3A_23 {offsets = [0, 0], sizes = [1000, 1], strides = [1, 1]} : vector<1000x16xf32> to vector<1000x1xf32>
    %squeeze3A_25 = vector.shape_cast %slice3A_24 : vector<1000x1xf32> to vector<1000xf32>
    %max3A_26 = arith.constant 1.000000e+00 : f32
    %max3A_27 = vector.broadcast %max3A_26 : f32 to vector<1000xf32>
    %max3A_28 = arith.maximumf %squeeze3A_25, %max3A_27 : vector<1000xf32>
    %rsqrt3A_29 = math.rsqrt %max3A_28 : vector<1000xf32>
    %broadcast_in_dim3A_30 = vector.shape_cast %rsqrt3A_29 : vector<1000xf32> to vector<1000x1xf32>
    %mul3A_31 = vector.broadcast %broadcast_in_dim3A_30 : vector<1000x1xf32> to vector<1000x128xf32>
    %mul3A_32 = arith.mulf %max3A_20, %mul3A_31 : vector<1000x128xf32>
    %get3A_33 = arith.constant 0 : index
    %get3A_34 = arith.constant 0 : index
    %get3A_35 = vector.load %arg5[%get3A_33, %get3A_34] : memref<128x64xf32, #tpu.memory_space<vmem>>, vector<128x64xf32>
    %dot_general3A = arith.constant dense<0.000000e+00> : vector<1000x64xf32>
    %dot_general3A_36 = tpu.matmul %mul3A_32, %get3A_35, %dot_general3A {dimension_numbers = #tpu.dot_dimension_numbers<[1], [0], [0], [1], [0, 0, 1, 1], [], []>, transpose_lhs_hint = false} : vector<1000x128xf32>, vector<128x64xf32>, vector<1000x64xf32> -> vector<1000x64xf32>
    %swap3A = arith.constant 0 : index
    %swap3A_37 = arith.constant 0 : index
    %swap3A_38 = vector.load %arg6[%swap3A, %swap3A_37] : memref<1000x64xf32, #tpu.memory_space<vmem>>, vector<1000x64xf32>
    tpu.vector_store %arg6[%swap3A, %swap3A_37], %dot_general3A_36 {strides = array<i32>} : memref<1000x64xf32, #tpu.memory_space<vmem>>, vector<1000x64xf32>,
    return
  }
  func.func @transform_0(%arg0: i32) -> (i32, i32, i32) {
    %c0_i32 = arith.constant 0 : i32
    %c0_i32_0 = arith.constant 0 : i32
    %c0_i32_1 = arith.constant 0 : i32
    return %c0_i32, %arg0, %c0_i32_0 : i32, i32, i32
  }
  func.func @transform_1(%arg0: i32) -> (i32, i32) {
    %c0_i32 = arith.constant 0 : i32
    %c0_i32_0 = arith.constant 0 : i32
    return %arg0, %c0_i32 : i32, i32
  }
  func.func @transform_2(%arg0: i32) -> (i32, i32) {
    %c0_i32 = arith.constant 0 : i32
    %c0_i32_0 = arith.constant 0 : i32
    return %arg0, %c0_i32 : i32, i32
  }
  func.func @transform_3(%arg0: i32) -> (i32, i32) {
    %c0_i32 = arith.constant 0 : i32
    %c0_i32_0 = arith.constant 0 : i32
    %c0_i32_1 = arith.constant 0 : i32
    return %c0_i32, %c0_i32_0 : i32, i32
  }
  func.func @transform_4(%arg0: i32) -> (i32, i32) {
    %c0_i32 = arith.constant 0 : i32
    %c0_i32_0 = arith.constant 0 : i32
    %c0_i32_1 = arith.constant 0 : i32
    return %c0_i32, %c0_i32_0 : i32, i32
  }
  func.func @transform_5(%arg0: i32) -> (i32, i32) {
    %c0_i32 = arith.constant 0 : i32
    %c0_i32_0 = arith.constant 0 : i32
    return %arg0, %c0_i32 : i32, i32
  }
}

module attributes {stable_mosaic.version = 14 : i64} {
  func.func @body(%arg0: i32, %arg1: memref<2x1000x64xf32, #tpu.memory_space<vmem>>, %arg2: memref<1000x16xf32, #tpu.memory_space<vmem>>, %arg3: memref<1x64xf32, #tpu.memory_space<vmem>>, %arg4: memref<1000x64xf32, #tpu.memory_space<vmem>>) attributes {dimension_semantics = [#tpu.dimension_semantics<arbitrary>], iteration_bounds = array<i64: 10>, scalar_prefetch = 0 : i64, scratch_operands = 0 : i64, tpu.core_type = #tpu.core_type<tc>, window_params = [{transform_indices = @transform_0, window_bounds = array<i64: 2, 1000, 64>}, {transform_indices = @transform_1, window_bounds = array<i64: 1000, 16>}, {pipeline_mode = #tpu.pipeline_mode<synchronous>, transform_indices = @transform_2, window_bounds = array<i64: 1, 64>}, {transform_indices = @transform_3, window_bounds = array<i64: 1000, 64>}]} {
    %get3A = arith.constant 0 : index
    %get3A_0 = arith.constant 0 : index
    %get3A_1 = arith.constant 0 : index
    %get3A_2 = vector.load %arg1[%get3A, %get3A_0, %get3A_1] : memref<2x1000x64xf32, #tpu.memory_space<vmem>>, vector<2x1000x64xf32>
    %slice3A = vector.extract_strided_slice %get3A_2 {offsets = [0, 0, 0], sizes = [1, 1000, 64], strides = [1, 1, 1]} : vector<2x1000x64xf32> to vector<1x1000x64xf32>
    %squeeze3A = vector.shape_cast %slice3A : vector<1x1000x64xf32> to vector<1000x64xf32>
    %slice3A_3 = vector.extract_strided_slice %get3A_2 {offsets = [1, 0, 0], sizes = [1, 1000, 64], strides = [1, 1, 1]} : vector<2x1000x64xf32> to vector<1x1000x64xf32>
    %squeeze3A_4 = vector.shape_cast %slice3A_3 : vector<1x1000x64xf32> to vector<1000x64xf32>
    %add3A = arith.addf %squeeze3A, %squeeze3A_4 : vector<1000x64xf32>
    %get3A_5 = arith.constant 0 : index
    %get3A_6 = arith.constant 0 : index
    %get3A_7 = vector.load %arg2[%get3A_5, %get3A_6] : memref<1000x16xf32, #tpu.memory_space<vmem>>, vector<1000x16xf32>
    %slice3A_8 = vector.extract_strided_slice %get3A_7 {offsets = [0, 0], sizes = [1000, 1], strides = [1, 1]} : vector<1000x16xf32> to vector<1000x1xf32>
    %squeeze3A_9 = vector.shape_cast %slice3A_8 : vector<1000x1xf32> to vector<1000xf32>
    %max3A = arith.constant 1.000000e+00 : f32
    %max3A_10 = vector.broadcast %max3A : f32 to vector<1000xf32>
    %max3A_11 = arith.maximumf %squeeze3A_9, %max3A_10 : vector<1000xf32>
    %rsqrt3A = math.rsqrt %max3A_11 : vector<1000xf32>
    %broadcast_in_dim3A = vector.shape_cast %rsqrt3A : vector<1000xf32> to vector<1000x1xf32>
    %mul3A = vector.broadcast %broadcast_in_dim3A : vector<1000x1xf32> to vector<1000x64xf32>
    %mul3A_12 = arith.mulf %add3A, %mul3A : vector<1000x64xf32>
    %get3A_13 = arith.constant 0 : index
    %get3A_14 = arith.constant 0 : index
    %get3A_15 = vector.load %arg3[%get3A_13, %get3A_14] : memref<1x64xf32, #tpu.memory_space<vmem>>, vector<1x64xf32>
    %add3A_16 = vector.broadcast %get3A_15 : vector<1x64xf32> to vector<1000x64xf32>
    %add3A_17 = arith.addf %mul3A_12, %add3A_16 : vector<1000x64xf32>
    %swap3A = arith.constant 0 : index
    %swap3A_18 = arith.constant 0 : index
    %swap3A_19 = vector.load %arg4[%swap3A, %swap3A_18] : memref<1000x64xf32, #tpu.memory_space<vmem>>, vector<1000x64xf32>
    tpu.vector_store %arg4[%swap3A, %swap3A_18], %add3A_17 {strides = array<i32>} : memref<1000x64xf32, #tpu.memory_space<vmem>>, vector<1000x64xf32>,
    return
  }
  func.func @transform_0(%arg0: i32) -> (i32, i32, i32) {
    %c0_i32 = arith.constant 0 : i32
    %c0_i32_0 = arith.constant 0 : i32
    %c0_i32_1 = arith.constant 0 : i32
    return %c0_i32, %arg0, %c0_i32_0 : i32, i32, i32
  }
  func.func @transform_1(%arg0: i32) -> (i32, i32) {
    %c0_i32 = arith.constant 0 : i32
    %c0_i32_0 = arith.constant 0 : i32
    return %arg0, %c0_i32 : i32, i32
  }
  func.func @transform_2(%arg0: i32) -> (i32, i32) {
    %c0_i32 = arith.constant 0 : i32
    %c0_i32_0 = arith.constant 0 : i32
    %c0_i32_1 = arith.constant 0 : i32
    return %c0_i32, %c0_i32_0 : i32, i32
  }
  func.func @transform_3(%arg0: i32) -> (i32, i32) {
    %c0_i32 = arith.constant 0 : i32
    %c0_i32_0 = arith.constant 0 : i32
    return %arg0, %c0_i32 : i32, i32
  }
}

</mosaic_0001>

<sc_bundles>
// kernel: kernel.11.cloned.1.call-start
scs
__scs_entry_jumppad:
0x0: {  	(pc) =	sbr.rel $0x88, $3  }
0x1: {  	(tag) =	ssettag $0x0;
	lr =	simm.s32 $0x1  }
0x2: {  	[smem:$0x3F9B] =	sst lr;
	_ =	strace $0xD0000000  }
0x3: {  	_ = 	snop  }
0x4: {  	_ = 	snop  }
0x5: {  	_ = 	snop  }
0x6: {  	_ = 	snop  }
0x7: {  	_ = 	snop  }
__scs_overlays_trampoline_lowered:
0x8: {  	[smem:$0x3FAA] =	sst s0  }
0x9: {  	[smem:$0x3FAB] =	sst s1  }
0xa: {  	[smem:$0x3FAC] =	sst s2  }
0xb: {  	[smem:$0x3FAD] =	sst s3  }
0xc: {  	[smem:$0x3FAE] =	sst s4  }
0xd: {  	[smem:$0x3FAF] =	sst s5  }
0xe: {  	[smem:$0x3FB0] =	sst s6  }
0xf: {  	[smem:$0x3FB1] =	sst s7  }
0x10: {  	[smem:$0x3FB2] =	sst s8  }
0x11: {  	[smem:$0x3FB3] =	sst s9;
	s0 =	simm.s32 @!p0 $0x0  }
0x12: {  	s1 =	sld [smem:$0x3F99];
	s0 =	simm.s32 @p0 $0x1  }
0x13: {  	[smem:$0x3FB4] =	sst s0;
	s0 =	simm.s32 @!p1 $0x0  }
0x14: {  	s2 =	sld [smem:$0x3F98];
	s0 =	simm.s32 @p1 $0x1  }
0x15: {  	[smem:$0x3FB5] =	sst s0;
	s0 =	simm.s32 @!p2 $0x0  }
0x16: {  	s3 =	sld [smem:$0x3FDB];
	s0 =	simm.s32 @p2 $0x1  }
0x17: {  	s4 =	simm.s32 $0x1BF5;
	[smem:$0x3FB7] =	sst s0  }
0x18: {  	s0 =	sld [smem:$0x3F9A];
	_ =	swait.ge [sflag:s4], $0x0  }
0x19: {  	s7 =	sld [smem:$0x3F9B]  }
0x1a: {  	s8 =	sadd.s32 $0xFFFFE003, lr  }
0x1b: {  	s9 =	sadd.s32 $0xFFFFFEF7, lr;
	s5 =	simm.s32 $0xFFFFFFFF;
	p2 =	slt.u32 s8, $0xFFFFF086  }
0x1c: {  	p1 =	slt.u32 s9, $0xF7A;
	s5 =	simm.s32 @!p2 $0x0  }
0x1d: {  	s5 =	simm.s32 @p1 $0x1;
	p0 =	seq.s32 s7, s2  }
0x1e: {  	s7 =	smul.u32 @!p0 $0xF7A, s2;
	p2 =	seq.s32 @!p0 s5, $0x0  }
0x1f: {  	s9 =	smul.u32 $0xF7A, s1;
	s8 =	simm.s32 @!p0 $0x1BF5;
	p2 =	por !p2, p0  }
0x20: {  	[sflag:s8] =	ssyncset.s32 @!p0 $0xFFFFF086;
	s6 =	sadd.s32 @!p0 s3, s7;
	s7 =	simm.s32 @!p0 $0x108  }
0x21: {  	s3 =	sadd.s32 s3, s9;
	s6 =	sadd.s32 @!p0 $0x88, s6;
	s7 =	simm.s32 @p2 $0x1082  }
0x22: {  	[simem:s7], [sflag:s8] =	dma.local @!p0 [hbm:s6], $0xF7A  }
0x23: {  	s9 =	sor.u32 $0xD0000000, s2;
	s6 =	simm.s32 $0x108;
	_ =	swait.ge @!p0 [sflag:s8], $0x0  }
0x24: {  	s3 =	sadd.s32 $0x88, s3;
	s6 =	simm.s32 @!p1 $0x1082;
	[sflag:s4] =	ssyncset.s32 $0xFFFFF086  }
0x25: {  	[simem:s6], [sflag:s4] =	dma.local [hbm:s3], $0xF7A  }
0x26: {  	[smem:$0x3F9B] =	sst s1;
	(tag) =	ssettag s2;
	_ =	strace s9  }
0x27: {  	s1 =	sld [smem:$0x3FAB]  }
0x28: {  	s2 =	sld [smem:$0x3FAC]  }
0x29: {  	s4 =	sld [smem:$0x3FAE]  }
0x2a: {  	p0 =	seq.s32 s5, $0x0;
	s5 =	sld [smem:$0x3FAF]  }
0x2b: {  	s6 =	sld [smem:$0x3FB0]  }
0x2c: {  	s7 =	sld [smem:$0x3FB1]  }
0x2d: {  	s3 =	simm.s32 $0x108;
	s8 =	sld [smem:$0x3FB2]  }
0x2e: {  	s3 =	simm.s32 @!p0 $0x1082;
	s9 =	sld [smem:$0x3FB3]  }
0x2f: {  	lr =	sadd.s32 s0, s3;
	s0 =	sld [smem:$0x3FAA]  }
0x30: {  	s3 =	sld [smem:$0x3FAD]  }
0x31: {  	[smem:$0x3FB6] =	sst s10  }
0x32: {  	s10 =	sld [smem:$0x3FB4];
	_ =	sdelay $0x3  }
0x33: {  	p0 =	seq.s32 s10, $0x1;
	s10 =	sld [smem:$0x3FB6];
	_ =	sdelay $0x3  }
0x34: {  	[smem:$0x3FB6] =	sst s10  }
0x35: {  	s10 =	sld [smem:$0x3FB5];
	_ =	sdelay $0x3  }
0x36: {  	p1 =	seq.s32 s10, $0x1;
	s10 =	sld [smem:$0x3FB6];
	_ =	sdelay $0x3  }
0x37: {  	[smem:$0x3FB6] =	sst s10  }
0x38: {  	s10 =	sld [smem:$0x3FB7]  }
0x39: {  	_ = 	snop;
	(pc) =	sbr.ind lr, $3  }
0x3a: {  	_ = 	snop  }
0x3b: {  	_ = 	snop  }
0x3c: {  	p2 =	seq.s32 s10, $0x1;
	s10 =	sld [smem:$0x3FB6]  }
0x3d: {  	_ =	shalt  }
0x3e: {  	_ =	shalt  }
0x3f: {  	_ =	shalt  }
0x40: {  	_ =	shalt  }
0x41: {  	_ =	shalt  }
0x42: {  	_ =	shalt  }
0x43: {  	_ =	shalt  }
0x44: {  	_ =	shalt  }
0x45: {  	_ =	shalt  }
0x46: {  	_ =	shalt  }
0x47: {  	_ =	shalt  }
0x48: {  	_ =	shalt  }
0x49: {  	_ =	shalt  }
0x4a: {  	_ =	shalt  }
0x4b: {  	_ =	shalt  }
0x4c: {  	_ =	shalt  }
0x4d: {  	_ =	shalt  }
0x4e: {  	_ =	shalt  }
0x4f: {  	_ =	shalt  }
0x50: {  	_ =	shalt  }
0x51: {  	_ =	shalt  }
0x52: {  	_ =	shalt  }
0x53: {  	_ =	shalt  }
0x54: {  	_ =	shalt  }
0x55: {  	_ =	shalt  }
0x56: {  	_ =	shalt  }
0x57: {  	_ =	shalt  }
0x58: {  	_ =	shalt  }
0x59: {  	_ =	shalt  }
0x5a: {  	_ =	shalt  }
0x5b: {  	_ =	shalt  }
0x5c: {  	_ =	shalt  }
0x5d: {  	_ =	shalt  }
0x5e: {  	_ =	shalt  }
0x5f: {  	_ =	shalt  }
0x60: {  	_ =	shalt  }
0x61: {  	_ =	shalt  }
0x62: {  	_ =	shalt  }
0x63: {  	_ =	shalt  }
0x64: {  	_ =	shalt  }
0x65: {  	_ =	shalt  }
0x66: {  	_ =	shalt  }
0x67: {  	_ =	shalt  }
0x68: {  	_ =	shalt  }
0x69: {  	_ =	shalt  }
0x6a: {  	_ =	shalt  }
0x6b: {  	_ =	shalt  }
0x6c: {  	_ =	shalt  }
0x6d: {  	_ =	shalt  }
0x6e: {  	_ =	shalt  }
0x6f: {  	_ =	shalt  }
0x70: {  	_ =	shalt  }
0x71: {  	_ =	shalt  }
0x72: {  	_ =	shalt  }
0x73: {  	_ =	shalt  }
0x74: {  	_ =	shalt  }
0x75: {  	_ =	shalt  }
0x76: {  	_ =	shalt  }
0x77: {  	_ =	shalt  }
0x78: {  	_ =	shalt  }
0x79: {  	_ =	shalt  }
0x7a: {  	_ =	shalt  }
0x7b: {  	_ =	shalt  }
0x7c: {  	_ =	shalt  }
0x7d: {  	_ =	shalt  }
0x7e: {  	_ =	shalt  }
0x7f: {  	_ =	shalt  }
0x80: {  	_ =	shalt  }
0x81: {  	_ =	shalt  }
0x82: {  	_ =	shalt  }
0x83: {  	_ =	shalt  }
0x84: {  	_ =	shalt  }
0x85: {  	_ =	shalt  }
0x86: {  	_ =	shalt  }
0x87: {  	_ =	shalt  }
.Lfunc_end0:
.L_simem_size_0:
called_computation.1_lowered:
.L_overlay_start_0:
0x88: {  	s2 =	sld [smem:$0x3FD9]  }
0x89: {  	s3 =	sld [smem:$0x3FFE];
	_ =	sdelay $0x1  }
0x8a: {  	s1 =	srdreg.scid  }
0x8b: {  	s0 =	sand.u32 $0x1, s1  }
0x8c: {  	s16 =	sshll.u32 s0, $0xA;
	s2 =	sadd.s32 s3, s2  }
0x8d: {  	s2 =	sadd.s32 s2, s16  }
0x8e: {  	[smem:$0x3FC2] =	sst s2  }
0x8f: {  	_ = 	snop  }
0x90: {  	(tm) =	ssettm $0x1  }
0x91: {  	s17 =	sld [smem:$0x3FFB];
	_ =	sdelay $0x3  }
0x92: {  	_ =	strace s17  }
0x93: {  	s2 =	sld [smem:$0x3FFC];
	_ =	sdelay $0x3  }
0x94: {  	_ =	strace s2  }
0x95: {  	s2 =	sld [smem:$0x3FFD];
	_ =	sdelay $0x3  }
0x96: {  	_ =	strace s2  }
0x97: {  	_ =	strace $0x8FFFFFFF  }
0x98: {  	s18 =	sld [smem:$0x3FDB];
	_ =	sdelay $0x1  }
0x99: {  	s19 =	simm.s32 $_scs_section_size  }
0x9a: {  	s4 =	simm.s32 $_size__tile_overlayer_lowered;
	s5 =	simm.s32 $_tile_overlayer_lowered  }
0x9b: {  	s22 =	simm.s32 $0x1BFF;
	s21 =	sshll.u32 s5, $0x1;
	s2 =	sadd.s32 s19, s18  }
0x9c: {  	s6 =	simm.s32 $0x0;
	s20 =	sshll.u32 s4, $0x1;
	s4 =	sadd.s32 s21, s2  }
0x9d: {  	[timem:s6], [sflag:s22] =	dma.local [hbm:s4], s20  }
0x9e: {  	_ =	swait.ge [sflag:s22], s20  }
0x9f: {  	s3 =	ssub.s32 $0x0, s20;
	[sflag:s22] =	ssyncset.done $0x0  }
0xa0: {  	[sflag:s22] =	ssyncadd.s32 s3;
	_ =	sdelay $0x1  }
0xa1: {  	s23 =	simm.s32 $0x1B8B  }
0xa2: {  	_ =	swait.ge [sflag:s23], $0x1  }
0xa3: {  	[sflag:s23] =	ssyncset.done $0x0  }
0xa4: {  	s25 =	simm.s32 $0x1B8E;
	s24 =	sld [smem:$0x3FFE];
	[sflag:s23] =	ssyncadd.s32 $0xFFFFFFFF  }
0xa5: {  	s26 =	simm.s32 $execute0_lowered;
	[smem:$0x3FD2] =	sst s25  }
0xa6: {  	s4 =	sshll.u32 s26, $0x1;
	_ =	strace $0x80000049;
	[dreg:$0x1] =	wrdreg $0xFFFFFFFF  }
0xa7: {  	s28 =	simm.s32 $_size_execute0_lowered;
	s2 =	sadd.s32 s2, s4;
	[dreg:$0x0] =	wrdreg $0x0  }
0xa8: {  	s4 =	sshll.u32 s28, $0x1;
	[dreg:$0x2] =	wrdreg s2  }
0xa9: {  	[dreg:$0x3] =	wrdreg s4  }
0xaa: {  	[dreg:$0x4] =	wrdreg $0xC0  }
0xab: {  	_ =	task [dreg:s6], $0x5FFFF  }
0xac: {  	[dreg:$0x1] =	wrdreg $0xFFFFFFFF  }
0xad: {  	[dreg:$0x0] =	wrdreg $0x60  }
0xae: {  	[dreg:$0x2] =	wrdreg s24  }
0xaf: {  	[dreg:$0x3] =	wrdreg $0x0  }
0xb0: {  	[dreg:$0x4] =	wrdreg $0x9  }
0xb1: {  	_ =	task.clear_ibuf [dreg:s6], $0x5FFFF;
	_ =	strace $0x90000049  }
0xb2: {  	s29 =	simm.s32 $0x9;
	_ =	strace $0x8000004B  }
0xb3: {  	_ =	swait.ge [sflag:s29], $0x1  }
0xb4: {  	[sflag:s29] =	ssyncadd.s32 $0xFFFFFFFF  }
0xb5: {  	_ =	strace $0x9000004B  }
0xb6: {  	_ =	sfence  }
0xb7: {  	s30 =	sld [smem:$0x0];
	_ =	sdelay $0x2  }
0xb8: {  	s31 =	sshll.u32 s1, $0xD;
	s1 =	sshrl.u32 s1, $0x2  }
0xb9: {  	s3 =	sand.u32 $0x4000, s31;
	s1 =	sadd.s32 s1, s30  }
0xba: {  	s0 =	sor.u32 s3, s0;
	s1 =	sshll.u32 s1, $0x11  }
0xbb: {  	s0 =	sor.u32 s1, s0  }
0xbc: {  	s0 =	sadd.s32 $0x8F2B, s0  }
0xbd: {  	[sflag:s0] =	ssyncadd.remote.s32 $0x1  }
0xbe: {  	_ =	sfence.sel $0xFFFF  }
0xbf: {  	[dreg:$0x0] =	wrdreg $0xFFFFFFFF;
	(pc) =	sbr.abs _section_cstart, $3  }
0xc0: {  	[dreg:$0x1] =	wrdreg $0xFFFFFFFF  }
0xc1: {  	_ =	task.clear_ibuf [dreg:s6], $0x2FFFF;
	_ =	strace $0x9FFFFFFF  }
0xc2: {  	(tm) =	ssettm $0x7FFFFFFF  }
0xc3: {  	_ =	shalt  }
tec
execute0_lowered:
.L_overlay_start_1:
0x0: {  	(tag) =	ssettag $0x1  }
0x1: {  	s0 =	rddreg [dreg:$0x0]  }
0x2: {  	s1 =	rddreg [dreg:$0x1]  }
0x3: {  	s3 =	srdreg.scid;
	s2 =	simm.s32 $0x0;
	s20 =	stileid.u32  }
0x4: {  	s30 =	simm.s32 $0x1;
	s31 =	simm.s32 $0x50;
	s28 =	simm.s32 $0x10  }
0x5: {  	s29 =	simm.s32 $0xD;
	s3 =	sand.u32 $0x1, s3;
	[smem:$0x7FF] =	sst s2  }
0x6: {  	s4 =	sadd.s32 $0x1FA00, s0;
	s6 =	sadd.s32 $0xBA00, s0;
	s17 =	sadd.s32 $0x1C00, s0  }
0x7: {  	s8 =	sadd.s32 $0x46C00, s0;
	s0 =	sadd.s32 $0x6DE00, s0;
	s15 =	smul.u32 $0x13C00, s20  }
0x8: {  	p0 =	sne.s32 s20, $0x0;
	p1 =	seq.s32 s20, $0xF;
	s5 =	sshll.u32 s3, $0x4  }
0x9: {  	_ =	strace $0x8000004A;
	s7 =	ssub.s32 $0x2, s3;
	s14 =	smul.u32 $0x138800, s3  }
0xa: {  	s3 =	smul.u32 $0x27100, s3;
	s5 =	sor.u32 s20, s5;
	s19 =	sshrl.u32 s7, $0x1  }
0xb: {  	[dreg:$0x3] =	wrdreg s8;
	s5 =	smul.u32 $0x2710, s5;
	s16 =	ssub.s32 s7, s19  }
0xc: {  	s18 =	sadd.s32 s15, s14;
	s19 =	smul.u32 $0x2710, s20;
	s25 =	sshrl.u32 s14, $0x3  }
0xd: {  	s20 =	simm.s32 $0x2;
	s24 =	sshrl.u32 s18, $0x3;
	s18 =	sadd.s32 $0x128400, s1  }
0xe: {  	s16 =	smax.u32 s16, $0x1;
	s5 =	sshrl.u32 s5, $0x3;
	s14 =	sadd.s32 s0, s24  }
0xf: {  	s0 =	sadd.s32 s0, s25;
	s3 =	sadd.s32 s19, s3;
	s19 =	simm.s32 $0x13880  }
0x10: {  	s24 =	sshrl.u32 @p1 s18, $0x3;
	s21 =	sadd.s32 s6, s5;
	s22 =	sadd.s32 s17, s5  }
0x11: {  	s9 =	sadd.s32 $0xA, s5;
	s11 =	sadd.s32 $0x14, s5;
	[dreg:$0x4] =	wrdreg s21  }
0x12: {  	s5 =	sadd.s32 $0x1E, s5;
	s26 =	sadd.s32 $0x140, s3;
	[dreg:$0x5] =	wrdreg s22  }
0x13: {  	s23 =	sadd.s32 s6, s9;
	s9 =	sadd.s32 s17, s9;
	s10 =	sadd.s32 s6, s11  }
.Ltmp0:
0x14: {  	s11 =	sadd.s32 s17, s11;
	s12 =	sadd.s32 s6, s5;
	(pc) =	sbr.rel .LBB2_1-.Ltmp0, $4  }
0x15: {  	s13 =	sadd.s32 s17, s5;
	s5 =	sadd.s32 s15, s1;
	s15 =	sadd.s32 $0x25080, s0  }
0x16: {  	s0 =	sshrl.u32 s26, $0x3;
	s21 =	simm.s32 $0x138D0;
	s26 =	simm.s32 $0xF  }
0x17: {  	[dreg:$0x6] =	wrdreg s23;
	s3 =	sadd.s32 s0, s17;
	s22 =	sadd.s32 s0, s6  }
0x18: {  	s25 =	sshrl.u32 @!p1 s5, $0x3;
	s23 =	simm.s32 $0xE;
	s0 =	simm.s32 $0x0  }
.LBB2_10:
0x19: {  	_ =	swait.ge [sflag:s23], $0x2800  }
0x1a: {  	[sflag:s23] =	ssyncset.done $0x0  }
0x1b: {  	[sflag:s23] =	ssyncadd.s32 $0xFFFFD800  }
0x1c: {  	_ =	swait.ge [sflag:s26], $0x2800  }
0x1d: {  	[sflag:s26] =	ssyncset.done $0x0  }
0x1e: {  	[sflag:s26] =	ssyncadd.s32 $0xFFFFD800  }
0x1f: {  	_ =	swait.ge [sflag:s28], $0x2800  }
0x20: {  	[sflag:s28] =	ssyncset.done $0x0  }
0x21: {  	[sflag:s28] =	ssyncadd.s32 $0xFFFFD800  }
0x22: {  	_ =	swait.ge [sflag:s29], $0x2800  }
0x23: {  	[sflag:s29] =	ssyncset.done $0x0  }
0x24: {  	[sflag:s29] =	ssyncadd.s32 $0xFFFFD800  }
0x25: {  	s5 =	simm.s32 @p1 $0x1FD1;
	[bflag:$0x0] =	sbarrier.arrive $0xFFFF  }
0x26: {  	[hbm:s15], [sflag:s5] =	dma.local @p1 [spmem:s24], $0x2080  }
0x27: {  	s5 =	simm.s32 @p1 $0x11  }
0x28: {  	s6 =	stileid.u32;
	_ =	swait.ge @p1 [sflag:s5], $0x2080  }
0x29: {  	s0 =	sadd.s32 $0x1, s0;
	s6 =	sshll.u32 @!p1 s6, $0x6;
	[sflag:s5] =	ssyncset.done @p1 $0x0  }
0x2a: {  	p2 =	sne.s32 s0, s16;
	[sflag:s5] =	ssyncadd.s32 @p1 $0xFFFFDF80;
	s5 =	sor.u32 @!p1 $0x1C11, s6  }
0x2b: {  	[hbm:s14], [sflag:s5] =	dma.local @!p1 [spmem:s25], $0x2780  }
.Ltmp1:
0x2c: {  	_ = 	snop;
	(pc) =	sbr.rel @!p2 .LBB2_11-.Ltmp1, $4  }
0x2d: {  	s5 =	simm.s32 @!p1 $0x11  }
0x2e: {  	_ =	swait.ge @!p1 [sflag:s5], $0x2780  }
0x2f: {  	[sflag:s5] =	ssyncset.done @!p1 $0x0  }
0x30: {  	[sflag:s5] =	ssyncadd.s32 @!p1 $0xFFFFD880  }
.LBB2_1:
0x31: {  	s5 =	sshrl.u32 @!p0 s1, $0x3;
	s6 =	simm.s32 @!p0 $0x1C11;
	s7 =	rddreg [dreg:$0x3]  }
0x32: {  	[spmem:s5], [sflag:s6] =	dma.local @!p0 [hbm:s7], $0x27100  }
0x33: {  	s5 =	simm.s32 @!p0 $0x11  }
0x34: {  	_ =	swait.ge @!p0 [sflag:s5], $0x27100  }
0x35: {  	[sflag:s5] =	ssyncset.done @!p0 $0x0  }
0x36: {  	s18 =	rddreg [dreg:$0x4];
	[sflag:s5] =	ssyncadd.s32 @!p0 $0xFFFD8F00  }
0x37: {  	[tilespmem:s19], [sflag:$0x1] =	stream.linear.gather [hbm4b:s18+s2], $0x50, $0x38;
	[tilespmem:$0x1DD80] =	vst v63  }
0x38: {  	s7 =	simm.s32 $0x13B00;
	s6 =	rddreg [dreg:$0x5]  }
0x39: {  	[tilespmem:s7], [sflag:$0x1] =	stream.linear.gather [hbm4b:s6+s2], $0x50, $0x38;
	[tilespmem:$0x1DD80] =	vst v63  }
0x3a: {  	s8 =	rddreg [dreg:$0x6]  }
0x3b: {  	[tilespmem:s21], [sflag:$0x2] =	stream.linear.gather [hbm4b:s8+s2], $0x50, $0x38;
	[tilespmem:$0x1DD80] =	vst v63  }
0x3c: {  	s17 =	simm.s32 $0x13B50  }
0x3d: {  	[tilespmem:s17], [sflag:$0x2] =	stream.linear.gather [hbm4b:s9+s2], $0x50, $0x38;
	[tilespmem:$0x1DD80] =	vst v63  }
0x3e: {  	s18 =	simm.s32 $0x13920  }
0x3f: {  	[tilespmem:s18], [sflag:$0x3] =	stream.linear.gather [hbm4b:s10+s2], $0x50, $0x38;
	[tilespmem:$0x1DD80] =	vst v63  }
0x40: {  	s6 =	simm.s32 $0x13BA0  }
0x41: {  	[tilespmem:s6], [sflag:$0x3] =	stream.linear.gather [hbm4b:s11+s2], $0x50, $0x38;
	[tilespmem:$0x1DD80] =	vst v63  }
0x42: {  	s7 =	simm.s32 $0x13970  }
0x43: {  	[tilespmem:s7], [sflag:$0x4] =	stream.linear.gather [hbm4b:s12+s2], $0x50, $0x38;
	[tilespmem:$0x1DD80] =	vst v63  }
0x44: {  	s8 =	simm.s32 $0x13BF0  }
0x45: {  	[tilespmem:s8], [sflag:$0x4] =	stream.linear.gather [hbm4b:s13+s2], $0x50, $0x38;
	[tilespmem:$0x1DD80] =	vst v63  }
0x46: {  	[bflag:$0x0] =	sbarrier.arrive $0xFFFF  }
0x47: {  	_ =	swait.ge [sflag:s30], $0x50  }
0x48: {  	[sflag:s30] =	ssyncset.done $0x0  }
0x49: {  	[sflag:s30] =	ssyncadd.s32 $0xFFFFFFB0  }
0x4a: {  	_ =	swait.ge [sflag:s30], $0x50  }
0x4b: {  	[sflag:s30] =	ssyncset.done $0x0  }
0x4c: {  	s17 =	simm.s32 $0x13D80;
	[sflag:s30] =	ssyncadd.s32 $0xFFFFFFB0  }
0x4d: {  	[tilespmem:s17], [sflag:$0x9] =	stream.indirect.gather [hbm4b:s4+s31], $0x80, s19, s31, $0xb8;
	[tilespmem:$0x1DD80] =	vst v63  }
0x4e: {  	_ =	swait.ge [sflag:s20], $0x50  }
0x4f: {  	[sflag:s20] =	ssyncset.done $0x0  }
0x50: {  	[sflag:s20] =	ssyncadd.s32 $0xFFFFFFB0  }
.Ltmp2:
0x51: {  	_ =	swait.ge [sflag:s20], $0x50;
	(pc) =	sbr.rel .LBB2_2-.Ltmp2, $4  }
0x52: {  	[sflag:s20] =	ssyncset.done $0x0  }
0x53: {  	s18 =	simm.s32 $0x16580;
	[sflag:s20] =	ssyncadd.s32 $0xFFFFFFB0  }
0x54: {  	[tilespmem:s18], [sflag:$0xA] =	stream.indirect.gather [hbm4b:s4+s31], $0x80, s21, s31, $0xb8;
	[tilespmem:$0x1DD80] =	vst v63  }
0x55: {  	s5 =	simm.s32 $0x0;
	s17 =	smov.u32 s3;
	s18 =	smov.u32 s22  }
.LBB2_8:
0x56: {  	p2 =	seq.s32 s6, $0x6  }
0x57: {  	s6 =	simm.s32 @p2 $0xB;
	p3 =	sgt.u32 @p2 s5, $0x7A  }
0x58: {  	s7 =	simm.s32 @p2 $0x13CE0;
	_ =	swait.ge @p2 [sflag:s6], $0x2800;
	p4 =	por p3, !p2  }
0x59: {  	s8 =	simm.s32 @p2 $0x18D80;
	[sflag:s6] =	ssyncset.done @p2 $0x0;
	p5 =	slt.u32 @!p4 s5, $0x2  }
0x5a: {  	[sflag:s6] =	ssyncadd.s32 @p2 $0xFFFFD800;
	s6 =	simm.s32 @p2 $0x50;
	p5 =	por @p2 p5, p3  }
0x5b: {  	[spmem:s1] =	stream.indirect.scatter.add.f32 @p2 [tilespmem:s8], [sflag:$0xF], $0x80, s7, s6, $0xb8;
	[tilespmem:$0x1DD80] =	vst v63  }
0x5c: {  	p5 =	por p5, !p2  }
0x5d: {  	s6 =	simm.s32 @!p5 $0xD  }
0x5e: {  	_ =	swait.ge @!p5 [sflag:s6], $0x2800  }
0x5f: {  	[sflag:s6] =	ssyncset.done @!p5 $0x0  }
0x60: {  	[sflag:s6] =	ssyncadd.s32 @!p5 $0xFFFFD800;
	s6 =	simm.s32 @!p4 $0x1  }
0x61: {  	_ =	swait.ge @!p4 [sflag:s6], $0x50  }
0x62: {  	[sflag:s6] =	ssyncset.done @!p4 $0x0  }
0x63: {  	[sflag:s6] =	ssyncadd.s32 @!p4 $0xFFFFFFB0  }
0x64: {  	_ =	swait.ge @!p4 [sflag:s6], $0x50  }
0x65: {  	s7 =	simm.s32 @!p4 $0x13880;
	[sflag:s6] =	ssyncset.done @!p4 $0x0  }
0x66: {  	s8 =	simm.s32 @!p4 $0x13D80;
	[sflag:s6] =	ssyncadd.s32 @!p4 $0xFFFFFFB0;
	s6 =	simm.s32 @!p4 $0x50  }
0x67: {  	[tilespmem:s8], [sflag:$0x9] =	stream.indirect.gather @!p4 [hbm4b:s4+s6], $0x80, s7, s6, $0xb8;
	[tilespmem:$0x1DD80] =	vst v63  }
0x68: {  	p4 =	sgt.u32 @!p4 s5, $0x78  }
0x69: {  	p3 =	por @p2 p4, p3  }
0x6a: {  	p3 =	por p3, !p2  }
0x6b: {  	s6 =	simm.s32 @!p3 $0x0;
	s7 =	simm.s32 @!p3 $0x13920  }
0x6c: {  	[tilespmem:s7], [sflag:$0x3] =	stream.linear.gather @!p3 [hbm4b:s18+s6], $0x50, $0x38;
	[tilespmem:$0x1DD80] =	vst v63  }
0x6d: {  	s7 =	simm.s32 @!p3 $0x13BA0  }
0x6e: {  	[tilespmem:s7], [sflag:$0x3] =	stream.linear.gather @!p3 [hbm4b:s17+s6], $0x50, $0x38;
	[tilespmem:$0x1DD80] =	vst v63  }
0x6f: {  	s6 =	simm.s32 @!p2 $0xC;
	p3 =	sgt.u32 @!p2 s5, $0x7A  }
0x70: {  	s8 =	simm.s32 @!p2 $0x1B580;
	_ =	swait.ge @!p2 [sflag:s6], $0x2800;
	p4 =	por p3, p2  }
0x71: {  	s7 =	simm.s32 @!p2 $0x13D30;
	[sflag:s6] =	ssyncset.done @!p2 $0x0;
	p5 =	slt.u32 @!p4 s5, $0x2  }
0x72: {  	[sflag:s6] =	ssyncadd.s32 @!p2 $0xFFFFD800;
	s6 =	simm.s32 @!p2 $0x50;
	p5 =	por @!p2 p5, p3  }
0x73: {  	[spmem:s1] =	stream.indirect.scatter.add.f32 @!p2 [tilespmem:s8], [sflag:$0x10], $0x80, s7, s6, $0xb8;
	[tilespmem:$0x1DD80] =	vst v63  }
0x74: {  	p5 =	por p5, p2  }
0x75: {  	s6 =	simm.s32 @!p5 $0xE  }
0x76: {  	_ =	swait.ge @!p5 [sflag:s6], $0x2800  }
0x77: {  	[sflag:s6] =	ssyncset.done @!p5 $0x0  }
0x78: {  	[sflag:s6] =	ssyncadd.s32 @!p5 $0xFFFFD800;
	s6 =	simm.s32 @!p4 $0x2  }
0x79: {  	_ =	swait.ge @!p4 [sflag:s6], $0x50  }
0x7a: {  	[sflag:s6] =	ssyncset.done @!p4 $0x0  }
0x7b: {  	[sflag:s6] =	ssyncadd.s32 @!p4 $0xFFFFFFB0  }
0x7c: {  	_ =	swait.ge @!p4 [sflag:s6], $0x50  }
0x7d: {  	s7 =	simm.s32 @!p4 $0x138D0;
	[sflag:s6] =	ssyncset.done @!p4 $0x0  }
0x7e: {  	s8 =	simm.s32 @!p4 $0x16580;
	[sflag:s6] =	ssyncadd.s32 @!p4 $0xFFFFFFB0;
	s6 =	simm.s32 @!p4 $0x50  }
0x7f: {  	[tilespmem:s8], [sflag:$0xA] =	stream.indirect.gather @!p4 [hbm4b:s4+s6], $0x80, s7, s6, $0xb8;
	[tilespmem:$0x1DD80] =	vst v63  }
0x80: {  	p4 =	sgt.u32 @!p4 s5, $0x78  }
0x81: {  	p3 =	por @!p2 p4, p3  }
0x82: {  	p2 =	por p3, p2  }
0x83: {  	s6 =	simm.s32 @!p2 $0x0;
	s7 =	simm.s32 @!p2 $0x13970  }
0x84: {  	[tilespmem:s7], [sflag:$0x4] =	stream.linear.gather @!p2 [hbm4b:s18+s6], $0x50, $0x38;
	[tilespmem:$0x1DD80] =	vst v63  }
0x85: {  	s7 =	simm.s32 @!p2 $0x13BF0  }
0x86: {  	[tilespmem:s7], [sflag:$0x4] =	stream.linear.gather @!p2 [hbm4b:s17+s6], $0x50, $0x38;
	[tilespmem:$0x1DD80] =	vst v63  }
.LBB2_9:
0x87: {  	s5 =	sadd.s32 $0x1, s5  }
0x88: {  	p2 =	sne.s32 s5, $0x7D  }
.Ltmp3:
0x89: {  	_ = 	snop;
	(pc) =	sbr.rel @!p2 .LBB2_10-.Ltmp3, $2  }
0x8a: {  	_ =	sdelay $0x2  }
0x8b: {  	s17 =	sadd.s32 $0xA, s17;
	s18 =	sadd.s32 $0xA, s18  }
.LBB2_2:
0x8c: {  	s6 =	sand.u32 $0x7, s5  }
0x8d: {  	p2 =	sgt.s32 s6, $0x3  }
.Ltmp4:
0x8e: {  	_ = 	snop;
	(pc) =	sbr.rel @p2 .LBB2_6-.Ltmp4, $1  }
0x8f: {  	_ =	sdelay $0x3  }
0x90: {  	p2 =	sgt.s32 s6, $0x1  }
.Ltmp5:
0x91: {  	_ = 	snop;
	(pc) =	sbr.rel @p2 .LBB2_5-.Ltmp5, $1  }
0x92: {  	_ =	sdelay $0x3  }
0x93: {  	p2 =	seq.s32 s6, $0x0  }
0x94: {  	s6 =	simm.s32 @p2 $0x9;
	p3 =	sgt.u32 @p2 s5, $0x7A  }
0x95: {  	s7 =	simm.s32 @p2 $0x13B00;
	_ =	swait.ge @p2 [sflag:s6], $0x2800;
	p4 =	por p3, !p2  }
0x96: {  	s8 =	simm.s32 @p2 $0x13D80;
	[sflag:s6] =	ssyncset.done @p2 $0x0;
	p5 =	slt.u32 @!p4 s5, $0x2  }
0x97: {  	[sflag:s6] =	ssyncadd.s32 @p2 $0xFFFFD800;
	s6 =	simm.s32 @p2 $0x50;
	p5 =	por @p2 p5, p3  }
0x98: {  	[spmem:s1] =	stream.indirect.scatter.add.f32 @p2 [tilespmem:s8], [sflag:$0xD], $0x80, s7, s6, $0xb8;
	[tilespmem:$0x1DD80] =	vst v63  }
0x99: {  	p5 =	por p5, !p2  }
0x9a: {  	s6 =	simm.s32 @!p5 $0xF  }
0x9b: {  	_ =	swait.ge @!p5 [sflag:s6], $0x2800  }
0x9c: {  	[sflag:s6] =	ssyncset.done @!p5 $0x0  }
0x9d: {  	[sflag:s6] =	ssyncadd.s32 @!p5 $0xFFFFD800;
	s6 =	simm.s32 @!p4 $0x3  }
0x9e: {  	_ =	swait.ge @!p4 [sflag:s6], $0x50  }
0x9f: {  	[sflag:s6] =	ssyncset.done @!p4 $0x0  }
0xa0: {  	[sflag:s6] =	ssyncadd.s32 @!p4 $0xFFFFFFB0  }
0xa1: {  	_ =	swait.ge @!p4 [sflag:s6], $0x50  }
0xa2: {  	s7 =	simm.s32 @!p4 $0x13920;
	[sflag:s6] =	ssyncset.done @!p4 $0x0  }
0xa3: {  	s8 =	simm.s32 @!p4 $0x18D80;
	[sflag:s6] =	ssyncadd.s32 @!p4 $0xFFFFFFB0;
	s6 =	simm.s32 @!p4 $0x50  }
0xa4: {  	[tilespmem:s8], [sflag:$0xB] =	stream.indirect.gather @!p4 [hbm4b:s4+s6], $0x80, s7, s6, $0xb8;
	[tilespmem:$0x1DD80] =	vst v63  }
0xa5: {  	p4 =	sgt.u32 @!p4 s5, $0x78  }
0xa6: {  	p3 =	por @p2 p4, p3  }
0xa7: {  	p3 =	por p3, !p2  }
0xa8: {  	s6 =	simm.s32 @!p3 $0x0;
	s7 =	simm.s32 @!p3 $0x139C0  }
0xa9: {  	[tilespmem:s7], [sflag:$0x5] =	stream.linear.gather @!p3 [hbm4b:s18+s6], $0x50, $0x38;
	[tilespmem:$0x1DD80] =	vst v63  }
0xaa: {  	s7 =	simm.s32 @!p3 $0x13C40  }
0xab: {  	[tilespmem:s7], [sflag:$0x5] =	stream.linear.gather @!p3 [hbm4b:s17+s6], $0x50, $0x38;
	[tilespmem:$0x1DD80] =	vst v63  }
0xac: {  	s6 =	simm.s32 @!p2 $0xA;
	p3 =	sgt.u32 @!p2 s5, $0x7A  }
0xad: {  	s8 =	simm.s32 @!p2 $0x16580;
	_ =	swait.ge @!p2 [sflag:s6], $0x2800;
	p4 =	por p3, p2  }
0xae: {  	s7 =	simm.s32 @!p2 $0x13B50;
	[sflag:s6] =	ssyncset.done @!p2 $0x0;
	p5 =	slt.u32 @!p4 s5, $0x2  }
0xaf: {  	[sflag:s6] =	ssyncadd.s32 @!p2 $0xFFFFD800;
	s6 =	simm.s32 @!p2 $0x50;
	p5 =	por @!p2 p5, p3  }
0xb0: {  	[spmem:s1] =	stream.indirect.scatter.add.f32 @!p2 [tilespmem:s8], [sflag:$0xE], $0x80, s7, s6, $0xb8;
	[tilespmem:$0x1DD80] =	vst v63  }
0xb1: {  	p5 =	por p5, p2  }
0xb2: {  	s6 =	simm.s32 @!p5 $0x10  }
0xb3: {  	_ =	swait.ge @!p5 [sflag:s6], $0x2800  }
0xb4: {  	[sflag:s6] =	ssyncset.done @!p5 $0x0  }
0xb5: {  	[sflag:s6] =	ssyncadd.s32 @!p5 $0xFFFFD800;
	s6 =	simm.s32 @!p4 $0x4  }
0xb6: {  	_ =	swait.ge @!p4 [sflag:s6], $0x50  }
0xb7: {  	[sflag:s6] =	ssyncset.done @!p4 $0x0  }
0xb8: {  	[sflag:s6] =	ssyncadd.s32 @!p4 $0xFFFFFFB0  }
0xb9: {  	_ =	swait.ge @!p4 [sflag:s6], $0x50  }
0xba: {  	s7 =	simm.s32 @!p4 $0x13970;
	[sflag:s6] =	ssyncset.done @!p4 $0x0  }
0xbb: {  	s8 =	simm.s32 @!p4 $0x1B580;
	[sflag:s6] =	ssyncadd.s32 @!p4 $0xFFFFFFB0;
	s6 =	simm.s32 @!p4 $0x50  }
0xbc: {  	[tilespmem:s8], [sflag:$0xC] =	stream.indirect.gather @!p4 [hbm4b:s4+s6], $0x80, s7, s6, $0xb8;
	[tilespmem:$0x1DD80] =	vst v63  }
0xbd: {  	p4 =	sgt.u32 @!p4 s5, $0x78  }
0xbe: {  	p3 =	por @!p2 p4, p3  }
.Ltmp6:
0xbf: {  	p2 =	por p3, p2;
	(pc) =	sbr.rel .LBB2_9-.Ltmp6, $4  }
0xc0: {  	s6 =	simm.s32 @!p2 $0x0;
	s7 =	simm.s32 @!p2 $0x13A10  }
0xc1: {  	[tilespmem:s7], [sflag:$0x6] =	stream.linear.gather @!p2 [hbm4b:s18+s6], $0x50, $0x38;
	[tilespmem:$0x1DD80] =	vst v63  }
0xc2: {  	s7 =	simm.s32 @!p2 $0x13C90  }
0xc3: {  	[tilespmem:s7], [sflag:$0x6] =	stream.linear.gather @!p2 [hbm4b:s17+s6], $0x50, $0x38;
	[tilespmem:$0x1DD80] =	vst v63  }
.LBB2_6:
0xc4: {  	p2 =	sgt.s32 s6, $0x5  }
.Ltmp7:
0xc5: {  	_ = 	snop;
	(pc) =	sbr.rel @p2 .LBB2_8-.Ltmp7, $1  }
0xc6: {  	_ =	sdelay $0x3  }
0xc7: {  	p2 =	seq.s32 s6, $0x4  }
0xc8: {  	s6 =	simm.s32 @p2 $0x9;
	p3 =	sgt.u32 @p2 s5, $0x7A  }
0xc9: {  	s7 =	simm.s32 @p2 $0x13C40;
	_ =	swait.ge @p2 [sflag:s6], $0x2800;
	p4 =	por p3, !p2  }
0xca: {  	s8 =	simm.s32 @p2 $0x13D80;
	[sflag:s6] =	ssyncset.done @p2 $0x0;
	p5 =	slt.u32 @!p4 s5, $0x2  }
0xcb: {  	[sflag:s6] =	ssyncadd.s32 @p2 $0xFFFFD800;
	s6 =	simm.s32 @p2 $0x50;
	p5 =	por @p2 p5, p3  }
0xcc: {  	[spmem:s1] =	stream.indirect.scatter.add.f32 @p2 [tilespmem:s8], [sflag:$0xD], $0x80, s7, s6, $0xb8;
	[tilespmem:$0x1DD80] =	vst v63  }
0xcd: {  	p5 =	por p5, !p2  }
0xce: {  	s6 =	simm.s32 @!p5 $0xF  }
0xcf: {  	_ =	swait.ge @!p5 [sflag:s6], $0x2800  }
0xd0: {  	[sflag:s6] =	ssyncset.done @!p5 $0x0  }
0xd1: {  	[sflag:s6] =	ssyncadd.s32 @!p5 $0xFFFFD800;
	s6 =	simm.s32 @!p4 $0x7  }
0xd2: {  	_ =	swait.ge @!p4 [sflag:s6], $0x50  }
0xd3: {  	[sflag:s6] =	ssyncset.done @!p4 $0x0  }
0xd4: {  	[sflag:s6] =	ssyncadd.s32 @!p4 $0xFFFFFFB0  }
0xd5: {  	_ =	swait.ge @!p4 [sflag:s6], $0x50  }
0xd6: {  	s7 =	simm.s32 @!p4 $0x13A60;
	[sflag:s6] =	ssyncset.done @!p4 $0x0  }
0xd7: {  	s8 =	simm.s32 @!p4 $0x18D80;
	[sflag:s6] =	ssyncadd.s32 @!p4 $0xFFFFFFB0;
	s6 =	simm.s32 @!p4 $0x50  }
0xd8: {  	[tilespmem:s8], [sflag:$0xB] =	stream.indirect.gather @!p4 [hbm4b:s4+s6], $0x80, s7, s6, $0xb8;
	[tilespmem:$0x1DD80] =	vst v63  }
0xd9: {  	p4 =	sgt.u32 @!p4 s5, $0x78  }
0xda: {  	p3 =	por @p2 p4, p3  }
0xdb: {  	p3 =	por p3, !p2  }
0xdc: {  	s6 =	simm.s32 @!p3 $0x0;
	s7 =	simm.s32 @!p3 $0x13880  }
0xdd: {  	[tilespmem:s7], [sflag:$0x1] =	stream.linear.gather @!p3 [hbm4b:s18+s6], $0x50, $0x38;
	[tilespmem:$0x1DD80] =	vst v63  }
0xde: {  	s7 =	simm.s32 @!p3 $0x13B00  }
0xdf: {  	[tilespmem:s7], [sflag:$0x1] =	stream.linear.gather @!p3 [hbm4b:s17+s6], $0x50, $0x38;
	[tilespmem:$0x1DD80] =	vst v63  }
0xe0: {  	s6 =	simm.s32 @!p2 $0xA;
	p3 =	sgt.u32 @!p2 s5, $0x7A  }
0xe1: {  	s8 =	simm.s32 @!p2 $0x16580;
	_ =	swait.ge @!p2 [sflag:s6], $0x2800;
	p4 =	por p3, p2  }
0xe2: {  	s7 =	simm.s32 @!p2 $0x13C90;
	[sflag:s6] =	ssyncset.done @!p2 $0x0;
	p5 =	slt.u32 @!p4 s5, $0x2  }
0xe3: {  	[sflag:s6] =	ssyncadd.s32 @!p2 $0xFFFFD800;
	s6 =	simm.s32 @!p2 $0x50;
	p5 =	por @!p2 p5, p3  }
0xe4: {  	[spmem:s1] =	stream.indirect.scatter.add.f32 @!p2 [tilespmem:s8], [sflag:$0xE], $0x80, s7, s6, $0xb8;
	[tilespmem:$0x1DD80] =	vst v63  }
0xe5: {  	p5 =	por p5, p2  }
0xe6: {  	s6 =	simm.s32 @!p5 $0x10  }
0xe7: {  	_ =	swait.ge @!p5 [sflag:s6], $0x2800  }
0xe8: {  	[sflag:s6] =	ssyncset.done @!p5 $0x0  }
0xe9: {  	[sflag:s6] =	ssyncadd.s32 @!p5 $0xFFFFD800;
	s6 =	simm.s32 @!p4 $0x8  }
0xea: {  	_ =	swait.ge @!p4 [sflag:s6], $0x50  }
0xeb: {  	[sflag:s6] =	ssyncset.done @!p4 $0x0  }
0xec: {  	[sflag:s6] =	ssyncadd.s32 @!p4 $0xFFFFFFB0  }
0xed: {  	_ =	swait.ge @!p4 [sflag:s6], $0x50  }
0xee: {  	s7 =	simm.s32 @!p4 $0x13AB0;
	[sflag:s6] =	ssyncset.done @!p4 $0x0  }
0xef: {  	s8 =	simm.s32 @!p4 $0x1B580;
	[sflag:s6] =	ssyncadd.s32 @!p4 $0xFFFFFFB0;
	s6 =	simm.s32 @!p4 $0x50  }
0xf0: {  	[tilespmem:s8], [sflag:$0xC] =	stream.indirect.gather @!p4 [hbm4b:s4+s6], $0x80, s7, s6, $0xb8;
	[tilespmem:$0x1DD80] =	vst v63  }
0xf1: {  	p4 =	sgt.u32 @!p4 s5, $0x78  }
0xf2: {  	p3 =	por @!p2 p4, p3  }
.Ltmp8:
0xf3: {  	p2 =	por p3, p2;
	(pc) =	sbr.rel .LBB2_9-.Ltmp8, $4  }
0xf4: {  	s6 =	simm.s32 @!p2 $0x0;
	s7 =	simm.s32 @!p2 $0x138D0  }
0xf5: {  	[tilespmem:s7], [sflag:$0x2] =	stream.linear.gather @!p2 [hbm4b:s18+s6], $0x50, $0x38;
	[tilespmem:$0x1DD80] =	vst v63  }
0xf6: {  	s7 =	simm.s32 @!p2 $0x13B50  }
0xf7: {  	[tilespmem:s7], [sflag:$0x2] =	stream.linear.gather @!p2 [hbm4b:s17+s6], $0x50, $0x38;
	[tilespmem:$0x1DD80] =	vst v63  }
.LBB2_5:
0xf8: {  	p2 =	seq.s32 s6, $0x2  }
0xf9: {  	s6 =	simm.s32 @p2 $0xB;
	p3 =	sgt.u32 @p2 s5, $0x7A  }
0xfa: {  	s7 =	simm.s32 @p2 $0x13BA0;
	_ =	swait.ge @p2 [sflag:s6], $0x2800;
	p4 =	por p3, !p2  }
0xfb: {  	s8 =	simm.s32 @p2 $0x18D80;
	[sflag:s6] =	ssyncset.done @p2 $0x0;
	p5 =	slt.u32 @!p4 s5, $0x2  }
0xfc: {  	[sflag:s6] =	ssyncadd.s32 @p2 $0xFFFFD800;
	s6 =	simm.s32 @p2 $0x50;
	p5 =	por @p2 p5, p3  }
0xfd: {  	[spmem:s1] =	stream.indirect.scatter.add.f32 @p2 [tilespmem:s8], [sflag:$0xF], $0x80, s7, s6, $0xb8;
	[tilespmem:$0x1DD80] =	vst v63  }
0xfe: {  	p5 =	por p5, !p2  }
0xff: {  	s6 =	simm.s32 @!p5 $0xD  }
0x100: {  	_ =	swait.ge @!p5 [sflag:s6], $0x2800  }
0x101: {  	[sflag:s6] =	ssyncset.done @!p5 $0x0  }
0x102: {  	[sflag:s6] =	ssyncadd.s32 @!p5 $0xFFFFD800;
	s6 =	simm.s32 @!p4 $0x5  }
0x103: {  	_ =	swait.ge @!p4 [sflag:s6], $0x50  }
0x104: {  	[sflag:s6] =	ssyncset.done @!p4 $0x0  }
0x105: {  	[sflag:s6] =	ssyncadd.s32 @!p4 $0xFFFFFFB0  }
0x106: {  	_ =	swait.ge @!p4 [sflag:s6], $0x50  }
0x107: {  	s7 =	simm.s32 @!p4 $0x139C0;
	[sflag:s6] =	ssyncset.done @!p4 $0x0  }
0x108: {  	s8 =	simm.s32 @!p4 $0x13D80;
	[sflag:s6] =	ssyncadd.s32 @!p4 $0xFFFFFFB0;
	s6 =	simm.s32 @!p4 $0x50  }
0x109: {  	[tilespmem:s8], [sflag:$0x9] =	stream.indirect.gather @!p4 [hbm4b:s4+s6], $0x80, s7, s6, $0xb8;
	[tilespmem:$0x1DD80] =	vst v63  }
0x10a: {  	p4 =	sgt.u32 @!p4 s5, $0x78  }
0x10b: {  	p3 =	por @p2 p4, p3  }
0x10c: {  	p3 =	por p3, !p2  }
0x10d: {  	s6 =	simm.s32 @!p3 $0x0;
	s7 =	simm.s32 @!p3 $0x13A60  }
0x10e: {  	[tilespmem:s7], [sflag:$0x7] =	stream.linear.gather @!p3 [hbm4b:s18+s6], $0x50, $0x38;
	[tilespmem:$0x1DD80] =	vst v63  }
0x10f: {  	s7 =	simm.s32 @!p3 $0x13CE0  }
0x110: {  	[tilespmem:s7], [sflag:$0x7] =	stream.linear.gather @!p3 [hbm4b:s17+s6], $0x50, $0x38;
	[tilespmem:$0x1DD80] =	vst v63  }
0x111: {  	s6 =	simm.s32 @!p2 $0xC;
	p3 =	sgt.u32 @!p2 s5, $0x7A  }
0x112: {  	s8 =	simm.s32 @!p2 $0x1B580;
	_ =	swait.ge @!p2 [sflag:s6], $0x2800;
	p4 =	por p3, p2  }
0x113: {  	s7 =	simm.s32 @!p2 $0x13BF0;
	[sflag:s6] =	ssyncset.done @!p2 $0x0;
	p5 =	slt.u32 @!p4 s5, $0x2  }
0x114: {  	[sflag:s6] =	ssyncadd.s32 @!p2 $0xFFFFD800;
	s6 =	simm.s32 @!p2 $0x50;
	p5 =	por @!p2 p5, p3  }
0x115: {  	[spmem:s1] =	stream.indirect.scatter.add.f32 @!p2 [tilespmem:s8], [sflag:$0x10], $0x80, s7, s6, $0xb8;
	[tilespmem:$0x1DD80] =	vst v63  }
0x116: {  	p5 =	por p5, p2  }
0x117: {  	s6 =	simm.s32 @!p5 $0xE  }
0x118: {  	_ =	swait.ge @!p5 [sflag:s6], $0x2800  }
0x119: {  	[sflag:s6] =	ssyncset.done @!p5 $0x0  }
0x11a: {  	[sflag:s6] =	ssyncadd.s32 @!p5 $0xFFFFD800;
	s6 =	simm.s32 @!p4 $0x6  }
0x11b: {  	_ =	swait.ge @!p4 [sflag:s6], $0x50  }
0x11c: {  	[sflag:s6] =	ssyncset.done @!p4 $0x0  }
0x11d: {  	[sflag:s6] =	ssyncadd.s32 @!p4 $0xFFFFFFB0  }
0x11e: {  	_ =	swait.ge @!p4 [sflag:s6], $0x50  }
0x11f: {  	s7 =	simm.s32 @!p4 $0x13A10;
	[sflag:s6] =	ssyncset.done @!p4 $0x0  }
0x120: {  	s8 =	simm.s32 @!p4 $0x16580;
	[sflag:s6] =	ssyncadd.s32 @!p4 $0xFFFFFFB0;
	s6 =	simm.s32 @!p4 $0x50  }
0x121: {  	[tilespmem:s8], [sflag:$0xA] =	stream.indirect.gather @!p4 [hbm4b:s4+s6], $0x80, s7, s6, $0xb8;
	[tilespmem:$0x1DD80] =	vst v63  }
0x122: {  	p4 =	sgt.u32 @!p4 s5, $0x78  }
0x123: {  	p3 =	por @!p2 p4, p3  }
.Ltmp9:
0x124: {  	p2 =	por p3, p2;
	(pc) =	sbr.rel .LBB2_9-.Ltmp9, $4  }
0x125: {  	s6 =	simm.s32 @!p2 $0x0;
	s7 =	simm.s32 @!p2 $0x13AB0  }
0x126: {  	[tilespmem:s7], [sflag:$0x8] =	stream.linear.gather @!p2 [hbm4b:s18+s6], $0x50, $0x38;
	[tilespmem:$0x1DD80] =	vst v63  }
0x127: {  	s7 =	simm.s32 @!p2 $0x13D30  }
0x128: {  	[tilespmem:s7], [sflag:$0x8] =	stream.linear.gather @!p2 [hbm4b:s17+s6], $0x50, $0x38;
	[tilespmem:$0x1DD80] =	vst v63  }
.LBB2_11:
0x129: {  	_ =	sfence.sel $0x180000  }
0x12a: {  	[bflag:$0x0] =	sbarrier.arrive $0xFFFF  }
0x12b: {  	_ =	strace $0x9000004A  }
0x12c: {  	[bflag:$0x2] =	sbarrier.arrive $0xFFFF  }
0x12d: {  	s0 =	rddreg [dreg:$0x2]  }
0x12e: {  	s0 =	sadd.s32 @!p0 $0x100000, s0  }
0x12f: {  	[sflag:s0] =	ssyncadd.tile.s32 @!p0 $0x1;
	_ =	shalt  }
.Lfunc_end2:
_tile_overlayer_lowered:
.L_overlay_start_2:
0x130: {  	(tag) =	ssettag $0x2  }
0x131: {  	s0 =	rddreg [dreg:$0x0];
	s2 =	stileid.u32  }
0x132: {  	s1 =	rddreg [dreg:$0x1];
	p0 =	sne.s32 s2, $0x0  }
0x133: {  	s3 =	rddreg [dreg:$0x2];
	[bflag:$0x3] =	sbarrier.arrive $0xFFFF;
	s2 =	simm.s32 @!p0 $0x1C11  }
0x134: {  	[timem:s3], [sflag:s2] =	dma.local @!p0 [hbm:s0], s1  }
0x135: {  	s0 =	simm.s32 @!p0 $0x11  }
0x136: {  	_ =	swait.ge @!p0 [sflag:s0], s1  }
0x137: {  	s1 =	ssub.s32 @!p0 $0x0, s1;
	[sflag:s0] =	ssyncset.done @!p0 $0x0  }
0x138: {  	[sflag:s0] =	ssyncadd.s32 @!p0 s1  }
0x139: {  	[bflag:$0x3] =	sbarrier.arrive $0xFFFF  }
0x13a: {  	_ =	shalt  }

// kernel: kernel.14.cloned.1.call-start
scs
__scs_entry_jumppad:
0x0: {  	(pc) =	sbr.rel $0x88, $3  }
0x1: {  	(tag) =	ssettag $0x0;
	lr =	simm.s32 $0x1  }
0x2: {  	[smem:$0x3F9B] =	sst lr;
	_ =	strace $0xD0000000  }
0x3: {  	_ = 	snop  }
0x4: {  	_ = 	snop  }
0x5: {  	_ = 	snop  }
0x6: {  	_ = 	snop  }
0x7: {  	_ = 	snop  }
__scs_overlays_trampoline_lowered:
0x8: {  	[smem:$0x3FAA] =	sst s0  }
0x9: {  	[smem:$0x3FAB] =	sst s1  }
0xa: {  	[smem:$0x3FAC] =	sst s2  }
0xb: {  	[smem:$0x3FAD] =	sst s3  }
0xc: {  	[smem:$0x3FAE] =	sst s4  }
0xd: {  	[smem:$0x3FAF] =	sst s5  }
0xe: {  	[smem:$0x3FB0] =	sst s6  }
0xf: {  	[smem:$0x3FB1] =	sst s7  }
0x10: {  	[smem:$0x3FB2] =	sst s8  }
0x11: {  	[smem:$0x3FB3] =	sst s9;
	s0 =	simm.s32 @!p0 $0x0  }
0x12: {  	s1 =	sld [smem:$0x3F99];
	s0 =	simm.s32 @p0 $0x1  }
0x13: {  	[smem:$0x3FB4] =	sst s0;
	s0 =	simm.s32 @!p1 $0x0  }
0x14: {  	s2 =	sld [smem:$0x3F98];
	s0 =	simm.s32 @p1 $0x1  }
0x15: {  	[smem:$0x3FB5] =	sst s0;
	s0 =	simm.s32 @!p2 $0x0  }
0x16: {  	s3 =	sld [smem:$0x3FDB];
	s0 =	simm.s32 @p2 $0x1  }
0x17: {  	s4 =	simm.s32 $0x1BF5;
	[smem:$0x3FB7] =	sst s0  }
0x18: {  	s0 =	sld [smem:$0x3F9A];
	_ =	swait.ge [sflag:s4], $0x0  }
0x19: {  	s7 =	sld [smem:$0x3F9B]  }
0x1a: {  	s8 =	sadd.s32 $0xFFFFE003, lr  }
0x1b: {  	s9 =	sadd.s32 $0xFFFFFEF7, lr;
	s5 =	simm.s32 $0xFFFFFFFF;
	p2 =	slt.u32 s8, $0xFFFFF086  }
0x1c: {  	p1 =	slt.u32 s9, $0xF7A;
	s5 =	simm.s32 @!p2 $0x0  }
0x1d: {  	s5 =	simm.s32 @p1 $0x1;
	p0 =	seq.s32 s7, s2  }
0x1e: {  	s7 =	smul.u32 @!p0 $0xF7A, s2;
	p2 =	seq.s32 @!p0 s5, $0x0  }
0x1f: {  	s9 =	smul.u32 $0xF7A, s1;
	s8 =	simm.s32 @!p0 $0x1BF5;
	p2 =	por !p2, p0  }
0x20: {  	[sflag:s8] =	ssyncset.s32 @!p0 $0xFFFFF086;
	s6 =	sadd.s32 @!p0 s3, s7;
	s7 =	simm.s32 @!p0 $0x108  }
0x21: {  	s3 =	sadd.s32 s3, s9;
	s6 =	sadd.s32 @!p0 $0x88, s6;
	s7 =	simm.s32 @p2 $0x1082  }
0x22: {  	[simem:s7], [sflag:s8] =	dma.local @!p0 [hbm:s6], $0xF7A  }
0x23: {  	s9 =	sor.u32 $0xD0000000, s2;
	s6 =	simm.s32 $0x108;
	_ =	swait.ge @!p0 [sflag:s8], $0x0  }
0x24: {  	s3 =	sadd.s32 $0x88, s3;
	s6 =	simm.s32 @!p1 $0x1082;
	[sflag:s4] =	ssyncset.s32 $0xFFFFF086  }
0x25: {  	[simem:s6], [sflag:s4] =	dma.local [hbm:s3], $0xF7A  }
0x26: {  	[smem:$0x3F9B] =	sst s1;
	(tag) =	ssettag s2;
	_ =	strace s9  }
0x27: {  	s1 =	sld [smem:$0x3FAB]  }
0x28: {  	s2 =	sld [smem:$0x3FAC]  }
0x29: {  	s4 =	sld [smem:$0x3FAE]  }
0x2a: {  	p0 =	seq.s32 s5, $0x0;
	s5 =	sld [smem:$0x3FAF]  }
0x2b: {  	s6 =	sld [smem:$0x3FB0]  }
0x2c: {  	s7 =	sld [smem:$0x3FB1]  }
0x2d: {  	s3 =	simm.s32 $0x108;
	s8 =	sld [smem:$0x3FB2]  }
0x2e: {  	s3 =	simm.s32 @!p0 $0x1082;
	s9 =	sld [smem:$0x3FB3]  }
0x2f: {  	lr =	sadd.s32 s0, s3;
	s0 =	sld [smem:$0x3FAA]  }
0x30: {  	s3 =	sld [smem:$0x3FAD]  }
0x31: {  	[smem:$0x3FB6] =	sst s10  }
0x32: {  	s10 =	sld [smem:$0x3FB4];
	_ =	sdelay $0x3  }
0x33: {  	p0 =	seq.s32 s10, $0x1;
	s10 =	sld [smem:$0x3FB6];
	_ =	sdelay $0x3  }
0x34: {  	[smem:$0x3FB6] =	sst s10  }
0x35: {  	s10 =	sld [smem:$0x3FB5];
	_ =	sdelay $0x3  }
0x36: {  	p1 =	seq.s32 s10, $0x1;
	s10 =	sld [smem:$0x3FB6];
	_ =	sdelay $0x3  }
0x37: {  	[smem:$0x3FB6] =	sst s10  }
0x38: {  	s10 =	sld [smem:$0x3FB7]  }
0x39: {  	_ = 	snop;
	(pc) =	sbr.ind lr, $3  }
0x3a: {  	_ = 	snop  }
0x3b: {  	_ = 	snop  }
0x3c: {  	p2 =	seq.s32 s10, $0x1;
	s10 =	sld [smem:$0x3FB6]  }
0x3d: {  	_ =	shalt  }
0x3e: {  	_ =	shalt  }
0x3f: {  	_ =	shalt  }
0x40: {  	_ =	shalt  }
0x41: {  	_ =	shalt  }
0x42: {  	_ =	shalt  }
0x43: {  	_ =	shalt  }
0x44: {  	_ =	shalt  }
0x45: {  	_ =	shalt  }
0x46: {  	_ =	shalt  }
0x47: {  	_ =	shalt  }
0x48: {  	_ =	shalt  }
0x49: {  	_ =	shalt  }
0x4a: {  	_ =	shalt  }
0x4b: {  	_ =	shalt  }
0x4c: {  	_ =	shalt  }
0x4d: {  	_ =	shalt  }
0x4e: {  	_ =	shalt  }
0x4f: {  	_ =	shalt  }
0x50: {  	_ =	shalt  }
0x51: {  	_ =	shalt  }
0x52: {  	_ =	shalt  }
0x53: {  	_ =	shalt  }
0x54: {  	_ =	shalt  }
0x55: {  	_ =	shalt  }
0x56: {  	_ =	shalt  }
0x57: {  	_ =	shalt  }
0x58: {  	_ =	shalt  }
0x59: {  	_ =	shalt  }
0x5a: {  	_ =	shalt  }
0x5b: {  	_ =	shalt  }
0x5c: {  	_ =	shalt  }
0x5d: {  	_ =	shalt  }
0x5e: {  	_ =	shalt  }
0x5f: {  	_ =	shalt  }
0x60: {  	_ =	shalt  }
0x61: {  	_ =	shalt  }
0x62: {  	_ =	shalt  }
0x63: {  	_ =	shalt  }
0x64: {  	_ =	shalt  }
0x65: {  	_ =	shalt  }
0x66: {  	_ =	shalt  }
0x67: {  	_ =	shalt  }
0x68: {  	_ =	shalt  }
0x69: {  	_ =	shalt  }
0x6a: {  	_ =	shalt  }
0x6b: {  	_ =	shalt  }
0x6c: {  	_ =	shalt  }
0x6d: {  	_ =	shalt  }
0x6e: {  	_ =	shalt  }
0x6f: {  	_ =	shalt  }
0x70: {  	_ =	shalt  }
0x71: {  	_ =	shalt  }
0x72: {  	_ =	shalt  }
0x73: {  	_ =	shalt  }
0x74: {  	_ =	shalt  }
0x75: {  	_ =	shalt  }
0x76: {  	_ =	shalt  }
0x77: {  	_ =	shalt  }
0x78: {  	_ =	shalt  }
0x79: {  	_ =	shalt  }
0x7a: {  	_ =	shalt  }
0x7b: {  	_ =	shalt  }
0x7c: {  	_ =	shalt  }
0x7d: {  	_ =	shalt  }
0x7e: {  	_ =	shalt  }
0x7f: {  	_ =	shalt  }
0x80: {  	_ =	shalt  }
0x81: {  	_ =	shalt  }
0x82: {  	_ =	shalt  }
0x83: {  	_ =	shalt  }
0x84: {  	_ =	shalt  }
0x85: {  	_ =	shalt  }
0x86: {  	_ =	shalt  }
0x87: {  	_ =	shalt  }
.Lfunc_end0:
.L_simem_size_0:
called_computation.2_lowered:
.L_overlay_start_0:
0x88: {  	s2 =	sld [smem:$0x3FD9]  }
0x89: {  	s3 =	sld [smem:$0x3FFE];
	_ =	sdelay $0x1  }
0x8a: {  	s1 =	srdreg.scid  }
0x8b: {  	s0 =	sand.u32 $0x1, s1  }
0x8c: {  	s17 =	sshll.u32 s0, $0xA;
	s2 =	sadd.s32 s3, s2  }
0x8d: {  	s2 =	sadd.s32 s2, s17  }
0x8e: {  	[smem:$0x3FC2] =	sst s2  }
0x8f: {  	_ = 	snop  }
0x90: {  	s2 =	sld [smem:$0x3FD0];
	(tm) =	ssettm $0x1  }
0x91: {  	s18 =	sld [smem:$0x3FFB];
	_ =	sdelay $0x3  }
0x92: {  	_ =	strace s18  }
0x93: {  	s3 =	sld [smem:$0x3FFC];
	_ =	sdelay $0x3  }
0x94: {  	_ =	strace s3  }
0x95: {  	s3 =	sld [smem:$0x3FFD];
	_ =	sdelay $0x3  }
0x96: {  	_ =	strace s3  }
0x97: {  	_ =	strace $0x8FFFFFFF  }
0x98: {  	s19 =	sld [smem:$0x3FDB];
	_ =	sdelay $0x1  }
0x99: {  	s4 =	simm.s32 $_scs_section_size  }
0x9a: {  	s5 =	simm.s32 $_size__tile_overlayer_lowered;
	s6 =	simm.s32 $_tile_overlayer_lowered  }
0x9b: {  	s22 =	simm.s32 $0x1BFF;
	s21 =	sshll.u32 s6, $0x1;
	s3 =	sadd.s32 s4, s19  }
0x9c: {  	s7 =	simm.s32 $0x0;
	s20 =	sshll.u32 s5, $0x1;
	s5 =	sadd.s32 s21, s3  }
0x9d: {  	[timem:s7], [sflag:s22] =	dma.local [hbm:s5], s20  }
0x9e: {  	_ =	swait.ge [sflag:s22], s20  }
0x9f: {  	s4 =	ssub.s32 $0x0, s20;
	[sflag:s22] =	ssyncset.done $0x0  }
0xa0: {  	[sflag:s22] =	ssyncadd.s32 s4;
	_ =	sdelay $0x1  }
0xa1: {  	s23 =	simm.s32 $0x1B8B  }
0xa2: {  	_ =	swait.ge [sflag:s23], $0x1  }
0xa3: {  	[sflag:s23] =	ssyncset.done $0x0  }
0xa4: {  	s25 =	simm.s32 $0x1B8E;
	s24 =	sld [smem:$0x3FFE];
	[sflag:s23] =	ssyncadd.s32 $0xFFFFFFFF  }
0xa5: {  	s26 =	simm.s32 $execute0_lowered;
	[smem:$0x3FD2] =	sst s25  }
0xa6: {  	s5 =	sshll.u32 s26, $0x1;
	_ =	strace $0x8000004C;
	[dreg:$0x1] =	wrdreg $0xFFFFFFFF  }
0xa7: {  	s28 =	simm.s32 $_size_execute0_lowered;
	s3 =	sadd.s32 s3, s5;
	[dreg:$0x0] =	wrdreg $0x0  }
0xa8: {  	s5 =	sshll.u32 s28, $0x1;
	[dreg:$0x2] =	wrdreg s3  }
0xa9: {  	[dreg:$0x3] =	wrdreg s5  }
0xaa: {  	[dreg:$0x4] =	wrdreg $0xC0  }
0xab: {  	_ =	task [dreg:s7], $0x5FFFF  }
0xac: {  	[dreg:$0x1] =	wrdreg $0xFFFFFFFF  }
0xad: {  	[dreg:$0x0] =	wrdreg $0x60  }
0xae: {  	[dreg:$0x2] =	wrdreg s2  }
0xaf: {  	[dreg:$0x3] =	wrdreg s24  }
0xb0: {  	[dreg:$0x4] =	wrdreg $0x0  }
0xb1: {  	[dreg:$0x5] =	wrdreg $0x9  }
0xb2: {  	_ =	task.clear_ibuf [dreg:s7], $0x6FFFF;
	_ =	strace $0x9000004C  }
0xb3: {  	s29 =	simm.s32 $0x9;
	_ =	strace $0x8000004E  }
0xb4: {  	_ =	swait.ge [sflag:s29], $0x1  }
0xb5: {  	[sflag:s29] =	ssyncadd.s32 $0xFFFFFFFF  }
0xb6: {  	_ =	strace $0x9000004E  }
0xb7: {  	_ =	sfence  }
0xb8: {  	s30 =	sld [smem:$0x0];
	_ =	sdelay $0x2  }
0xb9: {  	s31 =	sshll.u32 s1, $0xD;
	s1 =	sshrl.u32 s1, $0x2  }
0xba: {  	s3 =	sand.u32 $0x4000, s31;
	s1 =	sadd.s32 s1, s30  }
0xbb: {  	s0 =	sor.u32 s3, s0;
	s1 =	sshll.u32 s1, $0x11  }
0xbc: {  	s0 =	sor.u32 s1, s0  }
0xbd: {  	s0 =	sadd.s32 $0x8F2B, s0  }
0xbe: {  	[sflag:s0] =	ssyncadd.remote.s32 $0x1  }
0xbf: {  	_ =	sfence.sel $0xFFFF  }
0xc0: {  	[dreg:$0x0] =	wrdreg $0xFFFFFFFF;
	(pc) =	sbr.abs _section_cstart, $3  }
0xc1: {  	[dreg:$0x1] =	wrdreg $0xFFFFFFFF  }
0xc2: {  	_ =	task.clear_ibuf [dreg:s7], $0x2FFFF;
	_ =	strace $0x9FFFFFFF  }
0xc3: {  	(tm) =	ssettm $0x7FFFFFFF  }
tec
execute0_lowered:
.L_overlay_start_1:
0x0: {  	(tag) =	ssettag $0x1  }
0x1: {  	s1 =	rddreg [dreg:$0x0]  }
0x2: {  	s0 =	rddreg [dreg:$0x1]  }
0x3: {  	s2 =	rddreg [dreg:$0x2];
	s4 =	srdreg.scid;
	s3 =	simm.s32 $0x0  }
0x4: {  	s20 =	stileid.u32;
	s30 =	simm.s32 $0x1;
	s31 =	simm.s32 $0x50  }
0x5: {  	s28 =	simm.s32 $0x10;
	s29 =	simm.s32 $0xD;
	s4 =	sand.u32 $0x1, s4  }
0x6: {  	[smem:$0x7FF] =	sst s3;
	s6 =	sadd.s32 $0xBA00, s0;
	s17 =	sadd.s32 $0x1C00, s0  }
0x7: {  	s8 =	sadd.s32 $0x15800, s0;
	s0 =	sadd.s32 $0x29200, s0;
	s15 =	smul.u32 $0x9E00, s20  }
0x8: {  	p0 =	sne.s32 s20, $0x0;
	p1 =	seq.s32 s20, $0xF;
	s5 =	sshll.u32 s4, $0x4  }
0x9: {  	_ =	strace $0x8000004D;
	s7 =	ssub.s32 $0x2, s4;
	s14 =	smul.u32 $0x9C400, s4  }
0xa: {  	s4 =	smul.u32 $0x27100, s4;
	s5 =	sor.u32 s20, s5;
	s19 =	sshrl.u32 s7, $0x1  }
0xb: {  	[dreg:$0x4] =	wrdreg s8;
	s5 =	smul.u32 $0x2710, s5;
	s16 =	ssub.s32 s7, s19  }
0xc: {  	s18 =	sadd.s32 s15, s14;
	s19 =	smul.u32 $0x2710, s20;
	s25 =	sshrl.u32 s14, $0x3  }
0xd: {  	s20 =	simm.s32 $0x2;
	s24 =	sshrl.u32 s18, $0x3;
	s18 =	sadd.s32 $0x94200, s2  }
0xe: {  	s16 =	smax.u32 s16, $0x1;
	s5 =	sshrl.u32 s5, $0x3;
	s14 =	sadd.s32 s0, s24  }
0xf: {  	s0 =	sadd.s32 s0, s25;
	s4 =	sadd.s32 s19, s4;
	s19 =	simm.s32 $0x9C40  }
0x10: {  	s24 =	sshrl.u32 @p1 s18, $0x3;
	s21 =	sadd.s32 s6, s5;
	s22 =	sadd.s32 s17, s5  }
0x11: {  	s9 =	sadd.s32 $0xA, s5;
	s11 =	sadd.s32 $0x14, s5;
	[dreg:$0x5] =	wrdreg s21  }
0x12: {  	s5 =	sadd.s32 $0x1E, s5;
	s26 =	sadd.s32 $0x140, s4;
	[dreg:$0x6] =	wrdreg s22  }
0x13: {  	s23 =	sadd.s32 s6, s9;
	s9 =	sadd.s32 s17, s9;
	s10 =	sadd.s32 s6, s11  }
.Ltmp0:
0x14: {  	s11 =	sadd.s32 s17, s11;
	s12 =	sadd.s32 s6, s5;
	(pc) =	sbr.rel .LBB2_1-.Ltmp0, $4  }
0x15: {  	s13 =	sadd.s32 s17, s5;
	s5 =	sadd.s32 s15, s2;
	s15 =	sadd.s32 $0x12840, s0  }
0x16: {  	s0 =	sshrl.u32 s26, $0x3;
	s21 =	simm.s32 $0x9C90;
	s26 =	simm.s32 $0xF  }
0x17: {  	[dreg:$0x7] =	wrdreg s23;
	s4 =	sadd.s32 s0, s17;
	s22 =	sadd.s32 s0, s6  }
0x18: {  	s25 =	sshrl.u32 @!p1 s5, $0x3;
	s23 =	simm.s32 $0xE;
	s0 =	simm.s32 $0x0  }
.LBB2_10:
0x19: {  	_ =	swait.ge [sflag:s23], $0x1400  }
0x1a: {  	[sflag:s23] =	ssyncset.done $0x0  }
0x1b: {  	[sflag:s23] =	ssyncadd.s32 $0xFFFFEC00  }
0x1c: {  	_ =	swait.ge [sflag:s26], $0x1400  }
0x1d: {  	[sflag:s26] =	ssyncset.done $0x0  }
0x1e: {  	[sflag:s26] =	ssyncadd.s32 $0xFFFFEC00  }
0x1f: {  	_ =	swait.ge [sflag:s28], $0x1400  }
0x20: {  	[sflag:s28] =	ssyncset.done $0x0  }
0x21: {  	[sflag:s28] =	ssyncadd.s32 $0xFFFFEC00  }
0x22: {  	_ =	swait.ge [sflag:s29], $0x1400  }
0x23: {  	[sflag:s29] =	ssyncset.done $0x0  }
0x24: {  	[sflag:s29] =	ssyncadd.s32 $0xFFFFEC00  }
0x25: {  	s5 =	simm.s32 @p1 $0x1FD1;
	[bflag:$0x0] =	sbarrier.arrive $0xFFFF  }
0x26: {  	[hbm:s15], [sflag:s5] =	dma.local @p1 [spmem:s24], $0x1040  }
0x27: {  	s5 =	simm.s32 @p1 $0x11  }
0x28: {  	s6 =	stileid.u32;
	_ =	swait.ge @p1 [sflag:s5], $0x1040  }
0x29: {  	s0 =	sadd.s32 $0x1, s0;
	s6 =	sshll.u32 @!p1 s6, $0x6;
	[sflag:s5] =	ssyncset.done @p1 $0x0  }
0x2a: {  	p2 =	sne.s32 s0, s16;
	[sflag:s5] =	ssyncadd.s32 @p1 $0xFFFFEFC0;
	s5 =	sor.u32 @!p1 $0x1C11, s6  }
0x2b: {  	[hbm:s14], [sflag:s5] =	dma.local @!p1 [spmem:s25], $0x13C0  }
.Ltmp1:
0x2c: {  	_ = 	snop;
	(pc) =	sbr.rel @!p2 .LBB2_11-.Ltmp1, $4  }
0x2d: {  	s5 =	simm.s32 @!p1 $0x11  }
0x2e: {  	_ =	swait.ge @!p1 [sflag:s5], $0x13C0  }
0x2f: {  	[sflag:s5] =	ssyncset.done @!p1 $0x0  }
0x30: {  	[sflag:s5] =	ssyncadd.s32 @!p1 $0xFFFFEC40  }
.LBB2_1:
0x31: {  	s5 =	sshrl.u32 @!p0 s2, $0x3;
	s6 =	simm.s32 @!p0 $0x1C11;
	s7 =	rddreg [dreg:$0x4]  }
0x32: {  	[spmem:s5], [sflag:s6] =	dma.local @!p0 [hbm:s7], $0x13880  }
0x33: {  	s5 =	simm.s32 @!p0 $0x11  }
0x34: {  	_ =	swait.ge @!p0 [sflag:s5], $0x13880  }
0x35: {  	[sflag:s5] =	ssyncset.done @!p0 $0x0  }
0x36: {  	s18 =	rddreg [dreg:$0x5];
	[sflag:s5] =	ssyncadd.s32 @!p0 $0xFFFEC780  }
0x37: {  	[tilespmem:s19], [sflag:$0x1] =	stream.linear.gather [hbm4b:s18+s3], $0x50, $0x38;
	[tilespmem:$0xF140] =	vst v63  }
0x38: {  	s7 =	simm.s32 $0x9EC0;
	s6 =	rddreg [dreg:$0x6]  }
0x39: {  	[tilespmem:s7], [sflag:$0x1] =	stream.linear.gather [hbm4b:s6+s3], $0x50, $0x38;
	[tilespmem:$0xF140] =	vst v63  }
0x3a: {  	s8 =	rddreg [dreg:$0x7]  }
0x3b: {  	[tilespmem:s21], [sflag:$0x2] =	stream.linear.gather [hbm4b:s8+s3], $0x50, $0x38;
	[tilespmem:$0xF140] =	vst v63  }
0x3c: {  	s17 =	simm.s32 $0x9F10  }
0x3d: {  	[tilespmem:s17], [sflag:$0x2] =	stream.linear.gather [hbm4b:s9+s3], $0x50, $0x38;
	[tilespmem:$0xF140] =	vst v63  }
0x3e: {  	s18 =	simm.s32 $0x9CE0  }
0x3f: {  	[tilespmem:s18], [sflag:$0x3] =	stream.linear.gather [hbm4b:s10+s3], $0x50, $0x38;
	[tilespmem:$0xF140] =	vst v63  }
0x40: {  	s6 =	simm.s32 $0x9F60  }
0x41: {  	[tilespmem:s6], [sflag:$0x3] =	stream.linear.gather [hbm4b:s11+s3], $0x50, $0x38;
	[tilespmem:$0xF140] =	vst v63  }
0x42: {  	s7 =	simm.s32 $0x9D30  }
0x43: {  	[tilespmem:s7], [sflag:$0x4] =	stream.linear.gather [hbm4b:s12+s3], $0x50, $0x38;
	[tilespmem:$0xF140] =	vst v63  }
0x44: {  	s8 =	simm.s32 $0x9FB0  }
0x45: {  	[tilespmem:s8], [sflag:$0x4] =	stream.linear.gather [hbm4b:s13+s3], $0x50, $0x38;
	[tilespmem:$0xF140] =	vst v63  }
0x46: {  	[bflag:$0x0] =	sbarrier.arrive $0xFFFF  }
0x47: {  	_ =	swait.ge [sflag:s30], $0x50  }
0x48: {  	[sflag:s30] =	ssyncset.done $0x0  }
0x49: {  	[sflag:s30] =	ssyncadd.s32 $0xFFFFFFB0  }
0x4a: {  	_ =	swait.ge [sflag:s30], $0x50  }
0x4b: {  	[sflag:s30] =	ssyncset.done $0x0  }
0x4c: {  	s17 =	simm.s32 $0xA140;
	[sflag:s30] =	ssyncadd.s32 $0xFFFFFFB0  }
0x4d: {  	[tilespmem:s17], [sflag:$0x9] =	stream.indirect.gather [hbm4b:s1+s31], $0x40, s19, s31, $0xb8;
	[tilespmem:$0xF140] =	vst v63  }
0x4e: {  	_ =	swait.ge [sflag:s20], $0x50  }
0x4f: {  	[sflag:s20] =	ssyncset.done $0x0  }
0x50: {  	[sflag:s20] =	ssyncadd.s32 $0xFFFFFFB0  }
.Ltmp2:
0x51: {  	_ =	swait.ge [sflag:s20], $0x50;
	(pc) =	sbr.rel .LBB2_2-.Ltmp2, $4  }
0x52: {  	[sflag:s20] =	ssyncset.done $0x0  }
0x53: {  	s18 =	simm.s32 $0xB540;
	[sflag:s20] =	ssyncadd.s32 $0xFFFFFFB0  }
0x54: {  	[tilespmem:s18], [sflag:$0xA] =	stream.indirect.gather [hbm4b:s1+s31], $0x40, s21, s31, $0xb8;
	[tilespmem:$0xF140] =	vst v63  }
0x55: {  	s5 =	simm.s32 $0x0;
	s17 =	smov.u32 s4;
	s18 =	smov.u32 s22  }
.LBB2_8:
0x56: {  	p2 =	seq.s32 s6, $0x6  }
0x57: {  	s6 =	simm.s32 @p2 $0xB;
	p3 =	sgt.u32 @p2 s5, $0x7A  }
0x58: {  	s7 =	simm.s32 @p2 $0xA0A0;
	_ =	swait.ge @p2 [sflag:s6], $0x1400;
	p4 =	por p3, !p2  }
0x59: {  	s8 =	simm.s32 @p2 $0xC940;
	[sflag:s6] =	ssyncset.done @p2 $0x0;
	p5 =	slt.u32 @!p4 s5, $0x2  }
0x5a: {  	[sflag:s6] =	ssyncadd.s32 @p2 $0xFFFFEC00;
	s6 =	simm.s32 @p2 $0x50;
	p5 =	por @p2 p5, p3  }
0x5b: {  	[spmem:s2] =	stream.indirect.scatter.add.f32 @p2 [tilespmem:s8], [sflag:$0xF], $0x40, s7, s6, $0xb8;
	[tilespmem:$0xF140] =	vst v63  }
0x5c: {  	p5 =	por p5, !p2  }
0x5d: {  	s6 =	simm.s32 @!p5 $0xD  }
0x5e: {  	_ =	swait.ge @!p5 [sflag:s6], $0x1400  }
0x5f: {  	[sflag:s6] =	ssyncset.done @!p5 $0x0  }
0x60: {  	[sflag:s6] =	ssyncadd.s32 @!p5 $0xFFFFEC00;
	s6 =	simm.s32 @!p4 $0x1  }
0x61: {  	_ =	swait.ge @!p4 [sflag:s6], $0x50  }
0x62: {  	[sflag:s6] =	ssyncset.done @!p4 $0x0  }
0x63: {  	[sflag:s6] =	ssyncadd.s32 @!p4 $0xFFFFFFB0  }
0x64: {  	_ =	swait.ge @!p4 [sflag:s6], $0x50  }
0x65: {  	s7 =	simm.s32 @!p4 $0x9C40;
	[sflag:s6] =	ssyncset.done @!p4 $0x0  }
0x66: {  	s8 =	simm.s32 @!p4 $0xA140;
	[sflag:s6] =	ssyncadd.s32 @!p4 $0xFFFFFFB0;
	s6 =	simm.s32 @!p4 $0x50  }
0x67: {  	[tilespmem:s8], [sflag:$0x9] =	stream.indirect.gather @!p4 [hbm4b:s1+s6], $0x40, s7, s6, $0xb8;
	[tilespmem:$0xF140] =	vst v63  }
0x68: {  	p4 =	sgt.u32 @!p4 s5, $0x78  }
0x69: {  	p3 =	por @p2 p4, p3  }
0x6a: {  	p3 =	por p3, !p2  }
0x6b: {  	s6 =	simm.s32 @!p3 $0x0;
	s7 =	simm.s32 @!p3 $0x9CE0  }
0x6c: {  	[tilespmem:s7], [sflag:$0x3] =	stream.linear.gather @!p3 [hbm4b:s18+s6], $0x50, $0x38;
	[tilespmem:$0xF140] =	vst v63  }
0x6d: {  	s7 =	simm.s32 @!p3 $0x9F60  }
0x6e: {  	[tilespmem:s7], [sflag:$0x3] =	stream.linear.gather @!p3 [hbm4b:s17+s6], $0x50, $0x38;
	[tilespmem:$0xF140] =	vst v63  }
0x6f: {  	s6 =	simm.s32 @!p2 $0xC;
	p3 =	sgt.u32 @!p2 s5, $0x7A  }
0x70: {  	s8 =	simm.s32 @!p2 $0xDD40;
	_ =	swait.ge @!p2 [sflag:s6], $0x1400;
	p4 =	por p3, p2  }
0x71: {  	s7 =	simm.s32 @!p2 $0xA0F0;
	[sflag:s6] =	ssyncset.done @!p2 $0x0;
	p5 =	slt.u32 @!p4 s5, $0x2  }
0x72: {  	[sflag:s6] =	ssyncadd.s32 @!p2 $0xFFFFEC00;
	s6 =	simm.s32 @!p2 $0x50;
	p5 =	por @!p2 p5, p3  }
0x73: {  	[spmem:s2] =	stream.indirect.scatter.add.f32 @!p2 [tilespmem:s8], [sflag:$0x10], $0x40, s7, s6, $0xb8;
	[tilespmem:$0xF140] =	vst v63  }
0x74: {  	p5 =	por p5, p2  }
0x75: {  	s6 =	simm.s32 @!p5 $0xE  }
0x76: {  	_ =	swait.ge @!p5 [sflag:s6], $0x1400  }
0x77: {  	[sflag:s6] =	ssyncset.done @!p5 $0x0  }
0x78: {  	[sflag:s6] =	ssyncadd.s32 @!p5 $0xFFFFEC00;
	s6 =	simm.s32 @!p4 $0x2  }
0x79: {  	_ =	swait.ge @!p4 [sflag:s6], $0x50  }
0x7a: {  	[sflag:s6] =	ssyncset.done @!p4 $0x0  }
0x7b: {  	[sflag:s6] =	ssyncadd.s32 @!p4 $0xFFFFFFB0  }
0x7c: {  	_ =	swait.ge @!p4 [sflag:s6], $0x50  }
0x7d: {  	s7 =	simm.s32 @!p4 $0x9C90;
	[sflag:s6] =	ssyncset.done @!p4 $0x0  }
0x7e: {  	s8 =	simm.s32 @!p4 $0xB540;
	[sflag:s6] =	ssyncadd.s32 @!p4 $0xFFFFFFB0;
	s6 =	simm.s32 @!p4 $0x50  }
0x7f: {  	[tilespmem:s8], [sflag:$0xA] =	stream.indirect.gather @!p4 [hbm4b:s1+s6], $0x40, s7, s6, $0xb8;
	[tilespmem:$0xF140] =	vst v63  }
0x80: {  	p4 =	sgt.u32 @!p4 s5, $0x78  }
0x81: {  	p3 =	por @!p2 p4, p3  }
0x82: {  	p2 =	por p3, p2  }
0x83: {  	s6 =	simm.s32 @!p2 $0x0;
	s7 =	simm.s32 @!p2 $0x9D30  }
0x84: {  	[tilespmem:s7], [sflag:$0x4] =	stream.linear.gather @!p2 [hbm4b:s18+s6], $0x50, $0x38;
	[tilespmem:$0xF140] =	vst v63  }
0x85: {  	s7 =	simm.s32 @!p2 $0x9FB0  }
0x86: {  	[tilespmem:s7], [sflag:$0x4] =	stream.linear.gather @!p2 [hbm4b:s17+s6], $0x50, $0x38;
	[tilespmem:$0xF140] =	vst v63  }
.LBB2_9:
0x87: {  	s5 =	sadd.s32 $0x1, s5  }
0x88: {  	p2 =	sne.s32 s5, $0x7D  }
.Ltmp3:
0x89: {  	_ = 	snop;
	(pc) =	sbr.rel @!p2 .LBB2_10-.Ltmp3, $2  }
0x8a: {  	_ =	sdelay $0x2  }
0x8b: {  	s17 =	sadd.s32 $0xA, s17;
	s18 =	sadd.s32 $0xA, s18  }
.LBB2_2:
0x8c: {  	s6 =	sand.u32 $0x7, s5  }
0x8d: {  	p2 =	sgt.s32 s6, $0x3  }
.Ltmp4:
0x8e: {  	_ = 	snop;
	(pc) =	sbr.rel @p2 .LBB2_6-.Ltmp4, $1  }
0x8f: {  	_ =	sdelay $0x3  }
0x90: {  	p2 =	sgt.s32 s6, $0x1  }
.Ltmp5:
0x91: {  	_ = 	snop;
	(pc) =	sbr.rel @p2 .LBB2_5-.Ltmp5, $1  }
0x92: {  	_ =	sdelay $0x3  }
0x93: {  	p2 =	seq.s32 s6, $0x0  }
0x94: {  	s6 =	simm.s32 @p2 $0x9;
	p3 =	sgt.u32 @p2 s5, $0x7A  }
0x95: {  	s7 =	simm.s32 @p2 $0x9EC0;
	_ =	swait.ge @p2 [sflag:s6], $0x1400;
	p4 =	por p3, !p2  }
0x96: {  	s8 =	simm.s32 @p2 $0xA140;
	[sflag:s6] =	ssyncset.done @p2 $0x0;
	p5 =	slt.u32 @!p4 s5, $0x2  }
0x97: {  	[sflag:s6] =	ssyncadd.s32 @p2 $0xFFFFEC00;
	s6 =	simm.s32 @p2 $0x50;
	p5 =	por @p2 p5, p3  }
0x98: {  	[spmem:s2] =	stream.indirect.scatter.add.f32 @p2 [tilespmem:s8], [sflag:$0xD], $0x40, s7, s6, $0xb8;
	[tilespmem:$0xF140] =	vst v63  }
0x99: {  	p5 =	por p5, !p2  }
0x9a: {  	s6 =	simm.s32 @!p5 $0xF  }
0x9b: {  	_ =	swait.ge @!p5 [sflag:s6], $0x1400  }
0x9c: {  	[sflag:s6] =	ssyncset.done @!p5 $0x0  }
0x9d: {  	[sflag:s6] =	ssyncadd.s32 @!p5 $0xFFFFEC00;
	s6 =	simm.s32 @!p4 $0x3  }
0x9e: {  	_ =	swait.ge @!p4 [sflag:s6], $0x50  }
0x9f: {  	[sflag:s6] =	ssyncset.done @!p4 $0x0  }
0xa0: {  	[sflag:s6] =	ssyncadd.s32 @!p4 $0xFFFFFFB0  }
0xa1: {  	_ =	swait.ge @!p4 [sflag:s6], $0x50  }
0xa2: {  	s7 =	simm.s32 @!p4 $0x9CE0;
	[sflag:s6] =	ssyncset.done @!p4 $0x0  }
0xa3: {  	s8 =	simm.s32 @!p4 $0xC940;
	[sflag:s6] =	ssyncadd.s32 @!p4 $0xFFFFFFB0;
	s6 =	simm.s32 @!p4 $0x50  }
0xa4: {  	[tilespmem:s8], [sflag:$0xB] =	stream.indirect.gather @!p4 [hbm4b:s1+s6], $0x40, s7, s6, $0xb8;
	[tilespmem:$0xF140] =	vst v63  }
0xa5: {  	p4 =	sgt.u32 @!p4 s5, $0x78  }
0xa6: {  	p3 =	por @p2 p4, p3  }
0xa7: {  	p3 =	por p3, !p2  }
0xa8: {  	s6 =	simm.s32 @!p3 $0x0;
	s7 =	simm.s32 @!p3 $0x9D80  }
0xa9: {  	[tilespmem:s7], [sflag:$0x5] =	stream.linear.gather @!p3 [hbm4b:s18+s6], $0x50, $0x38;
	[tilespmem:$0xF140] =	vst v63  }
0xaa: {  	s7 =	simm.s32 @!p3 $0xA000  }
0xab: {  	[tilespmem:s7], [sflag:$0x5] =	stream.linear.gather @!p3 [hbm4b:s17+s6], $0x50, $0x38;
	[tilespmem:$0xF140] =	vst v63  }
0xac: {  	s6 =	simm.s32 @!p2 $0xA;
	p3 =	sgt.u32 @!p2 s5, $0x7A  }
0xad: {  	s8 =	simm.s32 @!p2 $0xB540;
	_ =	swait.ge @!p2 [sflag:s6], $0x1400;
	p4 =	por p3, p2  }
0xae: {  	s7 =	simm.s32 @!p2 $0x9F10;
	[sflag:s6] =	ssyncset.done @!p2 $0x0;
	p5 =	slt.u32 @!p4 s5, $0x2  }
0xaf: {  	[sflag:s6] =	ssyncadd.s32 @!p2 $0xFFFFEC00;
	s6 =	simm.s32 @!p2 $0x50;
	p5 =	por @!p2 p5, p3  }
0xb0: {  	[spmem:s2] =	stream.indirect.scatter.add.f32 @!p2 [tilespmem:s8], [sflag:$0xE], $0x40, s7, s6, $0xb8;
	[tilespmem:$0xF140] =	vst v63  }
0xb1: {  	p5 =	por p5, p2  }
0xb2: {  	s6 =	simm.s32 @!p5 $0x10  }
0xb3: {  	_ =	swait.ge @!p5 [sflag:s6], $0x1400  }
0xb4: {  	[sflag:s6] =	ssyncset.done @!p5 $0x0  }
0xb5: {  	[sflag:s6] =	ssyncadd.s32 @!p5 $0xFFFFEC00;
	s6 =	simm.s32 @!p4 $0x4  }
0xb6: {  	_ =	swait.ge @!p4 [sflag:s6], $0x50  }
0xb7: {  	[sflag:s6] =	ssyncset.done @!p4 $0x0  }
0xb8: {  	[sflag:s6] =	ssyncadd.s32 @!p4 $0xFFFFFFB0  }
0xb9: {  	_ =	swait.ge @!p4 [sflag:s6], $0x50  }
0xba: {  	s7 =	simm.s32 @!p4 $0x9D30;
	[sflag:s6] =	ssyncset.done @!p4 $0x0  }
0xbb: {  	s8 =	simm.s32 @!p4 $0xDD40;
	[sflag:s6] =	ssyncadd.s32 @!p4 $0xFFFFFFB0;
	s6 =	simm.s32 @!p4 $0x50  }
0xbc: {  	[tilespmem:s8], [sflag:$0xC] =	stream.indirect.gather @!p4 [hbm4b:s1+s6], $0x40, s7, s6, $0xb8;
	[tilespmem:$0xF140] =	vst v63  }
0xbd: {  	p4 =	sgt.u32 @!p4 s5, $0x78  }
0xbe: {  	p3 =	por @!p2 p4, p3  }
.Ltmp6:
0xbf: {  	p2 =	por p3, p2;
	(pc) =	sbr.rel .LBB2_9-.Ltmp6, $4  }
0xc0: {  	s6 =	simm.s32 @!p2 $0x0;
	s7 =	simm.s32 @!p2 $0x9DD0  }
0xc1: {  	[tilespmem:s7], [sflag:$0x6] =	stream.linear.gather @!p2 [hbm4b:s18+s6], $0x50, $0x38;
	[tilespmem:$0xF140] =	vst v63  }
0xc2: {  	s7 =	simm.s32 @!p2 $0xA050  }
0xc3: {  	[tilespmem:s7], [sflag:$0x6] =	stream.linear.gather @!p2 [hbm4b:s17+s6], $0x50, $0x38;
	[tilespmem:$0xF140] =	vst v63  }
.LBB2_6:
0xc4: {  	p2 =	sgt.s32 s6, $0x5  }
.Ltmp7:
0xc5: {  	_ = 	snop;
	(pc) =	sbr.rel @p2 .LBB2_8-.Ltmp7, $1  }
0xc6: {  	_ =	sdelay $0x3  }
0xc7: {  	p2 =	seq.s32 s6, $0x4  }
0xc8: {  	s6 =	simm.s32 @p2 $0x9;
	p3 =	sgt.u32 @p2 s5, $0x7A  }
0xc9: {  	s7 =	simm.s32 @p2 $0xA000;
	_ =	swait.ge @p2 [sflag:s6], $0x1400;
	p4 =	por p3, !p2  }
0xca: {  	s8 =	simm.s32 @p2 $0xA140;
	[sflag:s6] =	ssyncset.done @p2 $0x0;
	p5 =	slt.u32 @!p4 s5, $0x2  }
0xcb: {  	[sflag:s6] =	ssyncadd.s32 @p2 $0xFFFFEC00;
	s6 =	simm.s32 @p2 $0x50;
	p5 =	por @p2 p5, p3  }
0xcc: {  	[spmem:s2] =	stream.indirect.scatter.add.f32 @p2 [tilespmem:s8], [sflag:$0xD], $0x40, s7, s6, $0xb8;
	[tilespmem:$0xF140] =	vst v63  }
0xcd: {  	p5 =	por p5, !p2  }
0xce: {  	s6 =	simm.s32 @!p5 $0xF  }
0xcf: {  	_ =	swait.ge @!p5 [sflag:s6], $0x1400  }
0xd0: {  	[sflag:s6] =	ssyncset.done @!p5 $0x0  }
0xd1: {  	[sflag:s6] =	ssyncadd.s32 @!p5 $0xFFFFEC00;
	s6 =	simm.s32 @!p4 $0x7  }
0xd2: {  	_ =	swait.ge @!p4 [sflag:s6], $0x50  }
0xd3: {  	[sflag:s6] =	ssyncset.done @!p4 $0x0  }
0xd4: {  	[sflag:s6] =	ssyncadd.s32 @!p4 $0xFFFFFFB0  }
0xd5: {  	_ =	swait.ge @!p4 [sflag:s6], $0x50  }
0xd6: {  	s7 =	simm.s32 @!p4 $0x9E20;
	[sflag:s6] =	ssyncset.done @!p4 $0x0  }
0xd7: {  	s8 =	simm.s32 @!p4 $0xC940;
	[sflag:s6] =	ssyncadd.s32 @!p4 $0xFFFFFFB0;
	s6 =	simm.s32 @!p4 $0x50  }
0xd8: {  	[tilespmem:s8], [sflag:$0xB] =	stream.indirect.gather @!p4 [hbm4b:s1+s6], $0x40, s7, s6, $0xb8;
	[tilespmem:$0xF140] =	vst v63  }
0xd9: {  	p4 =	sgt.u32 @!p4 s5, $0x78  }
0xda: {  	p3 =	por @p2 p4, p3  }
0xdb: {  	p3 =	por p3, !p2  }
0xdc: {  	s6 =	simm.s32 @!p3 $0x0;
	s7 =	simm.s32 @!p3 $0x9C40  }
0xdd: {  	[tilespmem:s7], [sflag:$0x1] =	stream.linear.gather @!p3 [hbm4b:s18+s6], $0x50, $0x38;
	[tilespmem:$0xF140] =	vst v63  }
0xde: {  	s7 =	simm.s32 @!p3 $0x9EC0  }
0xdf: {  	[tilespmem:s7], [sflag:$0x1] =	stream.linear.gather @!p3 [hbm4b:s17+s6], $0x50, $0x38;
	[tilespmem:$0xF140] =	vst v63  }
0xe0: {  	s6 =	simm.s32 @!p2 $0xA;
	p3 =	sgt.u32 @!p2 s5, $0x7A  }
0xe1: {  	s8 =	simm.s32 @!p2 $0xB540;
	_ =	swait.ge @!p2 [sflag:s6], $0x1400;
	p4 =	por p3, p2  }
0xe2: {  	s7 =	simm.s32 @!p2 $0xA050;
	[sflag:s6] =	ssyncset.done @!p2 $0x0;
	p5 =	slt.u32 @!p4 s5, $0x2  }
0xe3: {  	[sflag:s6] =	ssyncadd.s32 @!p2 $0xFFFFEC00;
	s6 =	simm.s32 @!p2 $0x50;
	p5 =	por @!p2 p5, p3  }
0xe4: {  	[spmem:s2] =	stream.indirect.scatter.add.f32 @!p2 [tilespmem:s8], [sflag:$0xE], $0x40, s7, s6, $0xb8;
	[tilespmem:$0xF140] =	vst v63  }
0xe5: {  	p5 =	por p5, p2  }
0xe6: {  	s6 =	simm.s32 @!p5 $0x10  }
0xe7: {  	_ =	swait.ge @!p5 [sflag:s6], $0x1400  }
0xe8: {  	[sflag:s6] =	ssyncset.done @!p5 $0x0  }
0xe9: {  	[sflag:s6] =	ssyncadd.s32 @!p5 $0xFFFFEC00;
	s6 =	simm.s32 @!p4 $0x8  }
0xea: {  	_ =	swait.ge @!p4 [sflag:s6], $0x50  }
0xeb: {  	[sflag:s6] =	ssyncset.done @!p4 $0x0  }
0xec: {  	[sflag:s6] =	ssyncadd.s32 @!p4 $0xFFFFFFB0  }
0xed: {  	_ =	swait.ge @!p4 [sflag:s6], $0x50  }
0xee: {  	s7 =	simm.s32 @!p4 $0x9E70;
	[sflag:s6] =	ssyncset.done @!p4 $0x0  }
0xef: {  	s8 =	simm.s32 @!p4 $0xDD40;
	[sflag:s6] =	ssyncadd.s32 @!p4 $0xFFFFFFB0;
	s6 =	simm.s32 @!p4 $0x50  }
0xf0: {  	[tilespmem:s8], [sflag:$0xC] =	stream.indirect.gather @!p4 [hbm4b:s1+s6], $0x40, s7, s6, $0xb8;
	[tilespmem:$0xF140] =	vst v63  }
0xf1: {  	p4 =	sgt.u32 @!p4 s5, $0x78  }
0xf2: {  	p3 =	por @!p2 p4, p3  }
.Ltmp8:
0xf3: {  	p2 =	por p3, p2;
	(pc) =	sbr.rel .LBB2_9-.Ltmp8, $4  }
0xf4: {  	s6 =	simm.s32 @!p2 $0x0;
	s7 =	simm.s32 @!p2 $0x9C90  }
0xf5: {  	[tilespmem:s7], [sflag:$0x2] =	stream.linear.gather @!p2 [hbm4b:s18+s6], $0x50, $0x38;
	[tilespmem:$0xF140] =	vst v63  }
0xf6: {  	s7 =	simm.s32 @!p2 $0x9F10  }
0xf7: {  	[tilespmem:s7], [sflag:$0x2] =	stream.linear.gather @!p2 [hbm4b:s17+s6], $0x50, $0x38;
	[tilespmem:$0xF140] =	vst v63  }
.LBB2_5:
0xf8: {  	p2 =	seq.s32 s6, $0x2  }
0xf9: {  	s6 =	simm.s32 @p2 $0xB;
	p3 =	sgt.u32 @p2 s5, $0x7A  }
0xfa: {  	s7 =	simm.s32 @p2 $0x9F60;
	_ =	swait.ge @p2 [sflag:s6], $0x1400;
	p4 =	por p3, !p2  }
0xfb: {  	s8 =	simm.s32 @p2 $0xC940;
	[sflag:s6] =	ssyncset.done @p2 $0x0;
	p5 =	slt.u32 @!p4 s5, $0x2  }
0xfc: {  	[sflag:s6] =	ssyncadd.s32 @p2 $0xFFFFEC00;
	s6 =	simm.s32 @p2 $0x50;
	p5 =	por @p2 p5, p3  }
0xfd: {  	[spmem:s2] =	stream.indirect.scatter.add.f32 @p2 [tilespmem:s8], [sflag:$0xF], $0x40, s7, s6, $0xb8;
	[tilespmem:$0xF140] =	vst v63  }
0xfe: {  	p5 =	por p5, !p2  }
0xff: {  	s6 =	simm.s32 @!p5 $0xD  }
0x100: {  	_ =	swait.ge @!p5 [sflag:s6], $0x1400  }
0x101: {  	[sflag:s6] =	ssyncset.done @!p5 $0x0  }
0x102: {  	[sflag:s6] =	ssyncadd.s32 @!p5 $0xFFFFEC00;
	s6 =	simm.s32 @!p4 $0x5  }
0x103: {  	_ =	swait.ge @!p4 [sflag:s6], $0x50  }
0x104: {  	[sflag:s6] =	ssyncset.done @!p4 $0x0  }
0x105: {  	[sflag:s6] =	ssyncadd.s32 @!p4 $0xFFFFFFB0  }
0x106: {  	_ =	swait.ge @!p4 [sflag:s6], $0x50  }
0x107: {  	s7 =	simm.s32 @!p4 $0x9D80;
	[sflag:s6] =	ssyncset.done @!p4 $0x0  }
0x108: {  	s8 =	simm.s32 @!p4 $0xA140;
	[sflag:s6] =	ssyncadd.s32 @!p4 $0xFFFFFFB0;
	s6 =	simm.s32 @!p4 $0x50  }
0x109: {  	[tilespmem:s8], [sflag:$0x9] =	stream.indirect.gather @!p4 [hbm4b:s1+s6], $0x40, s7, s6, $0xb8;
	[tilespmem:$0xF140] =	vst v63  }
0x10a: {  	p4 =	sgt.u32 @!p4 s5, $0x78  }
0x10b: {  	p3 =	por @p2 p4, p3  }
0x10c: {  	p3 =	por p3, !p2  }
0x10d: {  	s6 =	simm.s32 @!p3 $0x0;
	s7 =	simm.s32 @!p3 $0x9E20  }
0x10e: {  	[tilespmem:s7], [sflag:$0x7] =	stream.linear.gather @!p3 [hbm4b:s18+s6], $0x50, $0x38;
	[tilespmem:$0xF140] =	vst v63  }
0x10f: {  	s7 =	simm.s32 @!p3 $0xA0A0  }
0x110: {  	[tilespmem:s7], [sflag:$0x7] =	stream.linear.gather @!p3 [hbm4b:s17+s6], $0x50, $0x38;
	[tilespmem:$0xF140] =	vst v63  }
0x111: {  	s6 =	simm.s32 @!p2 $0xC;
	p3 =	sgt.u32 @!p2 s5, $0x7A  }
0x112: {  	s8 =	simm.s32 @!p2 $0xDD40;
	_ =	swait.ge @!p2 [sflag:s6], $0x1400;
	p4 =	por p3, p2  }
0x113: {  	s7 =	simm.s32 @!p2 $0x9FB0;
	[sflag:s6] =	ssyncset.done @!p2 $0x0;
	p5 =	slt.u32 @!p4 s5, $0x2  }
0x114: {  	[sflag:s6] =	ssyncadd.s32 @!p2 $0xFFFFEC00;
	s6 =	simm.s32 @!p2 $0x50;
	p5 =	por @!p2 p5, p3  }
0x115: {  	[spmem:s2] =	stream.indirect.scatter.add.f32 @!p2 [tilespmem:s8], [sflag:$0x10], $0x40, s7, s6, $0xb8;
	[tilespmem:$0xF140] =	vst v63  }
0x116: {  	p5 =	por p5, p2  }
0x117: {  	s6 =	simm.s32 @!p5 $0xE  }
0x118: {  	_ =	swait.ge @!p5 [sflag:s6], $0x1400  }
0x119: {  	[sflag:s6] =	ssyncset.done @!p5 $0x0  }
0x11a: {  	[sflag:s6] =	ssyncadd.s32 @!p5 $0xFFFFEC00;
	s6 =	simm.s32 @!p4 $0x6  }
0x11b: {  	_ =	swait.ge @!p4 [sflag:s6], $0x50  }
0x11c: {  	[sflag:s6] =	ssyncset.done @!p4 $0x0  }
0x11d: {  	[sflag:s6] =	ssyncadd.s32 @!p4 $0xFFFFFFB0  }
0x11e: {  	_ =	swait.ge @!p4 [sflag:s6], $0x50  }
0x11f: {  	s7 =	simm.s32 @!p4 $0x9DD0;
	[sflag:s6] =	ssyncset.done @!p4 $0x0  }
0x120: {  	s8 =	simm.s32 @!p4 $0xB540;
	[sflag:s6] =	ssyncadd.s32 @!p4 $0xFFFFFFB0;
	s6 =	simm.s32 @!p4 $0x50  }
0x121: {  	[tilespmem:s8], [sflag:$0xA] =	stream.indirect.gather @!p4 [hbm4b:s1+s6], $0x40, s7, s6, $0xb8;
	[tilespmem:$0xF140] =	vst v63  }
0x122: {  	p4 =	sgt.u32 @!p4 s5, $0x78  }
0x123: {  	p3 =	por @!p2 p4, p3  }
.Ltmp9:
0x124: {  	p2 =	por p3, p2;
	(pc) =	sbr.rel .LBB2_9-.Ltmp9, $4  }
0x125: {  	s6 =	simm.s32 @!p2 $0x0;
	s7 =	simm.s32 @!p2 $0x9E70  }
0x126: {  	[tilespmem:s7], [sflag:$0x8] =	stream.linear.gather @!p2 [hbm4b:s18+s6], $0x50, $0x38;
	[tilespmem:$0xF140] =	vst v63  }
0x127: {  	s7 =	simm.s32 @!p2 $0xA0F0  }
0x128: {  	[tilespmem:s7], [sflag:$0x8] =	stream.linear.gather @!p2 [hbm4b:s17+s6], $0x50, $0x38;
	[tilespmem:$0xF140] =	vst v63  }
.LBB2_11:
0x129: {  	_ =	sfence.sel $0x180000  }
0x12a: {  	[bflag:$0x0] =	sbarrier.arrive $0xFFFF  }
0x12b: {  	_ =	strace $0x9000004D  }
0x12c: {  	[bflag:$0x2] =	sbarrier.arrive $0xFFFF  }
0x12d: {  	s0 =	rddreg [dreg:$0x3]  }
0x12e: {  	s0 =	sadd.s32 @!p0 $0x100000, s0  }
0x12f: {  	[sflag:s0] =	ssyncadd.tile.s32 @!p0 $0x1;
	_ =	shalt  }
.Lfunc_end2:
_tile_overlayer_lowered:
.L_overlay_start_2:
0x130: {  	(tag) =	ssettag $0x2  }
0x131: {  	s0 =	rddreg [dreg:$0x0];
	s2 =	stileid.u32  }
0x132: {  	s1 =	rddreg [dreg:$0x1];
	p0 =	sne.s32 s2, $0x0  }
0x133: {  	s3 =	rddreg [dreg:$0x2];
	[bflag:$0x3] =	sbarrier.arrive $0xFFFF;
	s2 =	simm.s32 @!p0 $0x1C11  }
0x134: {  	[timem:s3], [sflag:s2] =	dma.local @!p0 [hbm:s0], s1  }
0x135: {  	s0 =	simm.s32 @!p0 $0x11  }
0x136: {  	_ =	swait.ge @!p0 [sflag:s0], s1  }
0x137: {  	s1 =	ssub.s32 @!p0 $0x0, s1;
	[sflag:s0] =	ssyncset.done @!p0 $0x0  }
0x138: {  	[sflag:s0] =	ssyncadd.s32 @!p0 s1  }
0x139: {  	[bflag:$0x3] =	sbarrier.arrive $0xFFFF  }
0x13a: {  	_ =	shalt  }

// kernel: kernel.8.cloned.1.call-start
scs
__scs_entry_jumppad:
0x0: {  	(pc) =	sbr.rel $0x88, $3  }
0x1: {  	(tag) =	ssettag $0x0;
	lr =	simm.s32 $0x1  }
0x2: {  	[smem:$0x3F9B] =	sst lr;
	_ =	strace $0xD0000000  }
0x3: {  	_ = 	snop  }
0x4: {  	_ = 	snop  }
0x5: {  	_ = 	snop  }
0x6: {  	_ = 	snop  }
0x7: {  	_ = 	snop  }
__scs_overlays_trampoline_lowered:
0x8: {  	[smem:$0x3FAA] =	sst s0  }
0x9: {  	[smem:$0x3FAB] =	sst s1  }
0xa: {  	[smem:$0x3FAC] =	sst s2  }
0xb: {  	[smem:$0x3FAD] =	sst s3  }
0xc: {  	[smem:$0x3FAE] =	sst s4  }
0xd: {  	[smem:$0x3FAF] =	sst s5  }
0xe: {  	[smem:$0x3FB0] =	sst s6  }
0xf: {  	[smem:$0x3FB1] =	sst s7  }
0x10: {  	[smem:$0x3FB2] =	sst s8  }
0x11: {  	[smem:$0x3FB3] =	sst s9;
	s0 =	simm.s32 @!p0 $0x0  }
0x12: {  	s1 =	sld [smem:$0x3F99];
	s0 =	simm.s32 @p0 $0x1  }
0x13: {  	[smem:$0x3FB4] =	sst s0;
	s0 =	simm.s32 @!p1 $0x0  }
0x14: {  	s2 =	sld [smem:$0x3F98];
	s0 =	simm.s32 @p1 $0x1  }
0x15: {  	[smem:$0x3FB5] =	sst s0;
	s0 =	simm.s32 @!p2 $0x0  }
0x16: {  	s3 =	sld [smem:$0x3FDB];
	s0 =	simm.s32 @p2 $0x1  }
0x17: {  	s4 =	simm.s32 $0x1BF5;
	[smem:$0x3FB7] =	sst s0  }
0x18: {  	s0 =	sld [smem:$0x3F9A];
	_ =	swait.ge [sflag:s4], $0x0  }
0x19: {  	s7 =	sld [smem:$0x3F9B]  }
0x1a: {  	s8 =	sadd.s32 $0xFFFFE003, lr  }
0x1b: {  	s9 =	sadd.s32 $0xFFFFFEF7, lr;
	s5 =	simm.s32 $0xFFFFFFFF;
	p2 =	slt.u32 s8, $0xFFFFF086  }
0x1c: {  	p1 =	slt.u32 s9, $0xF7A;
	s5 =	simm.s32 @!p2 $0x0  }
0x1d: {  	s5 =	simm.s32 @p1 $0x1;
	p0 =	seq.s32 s7, s2  }
0x1e: {  	s7 =	smul.u32 @!p0 $0xF7A, s2;
	p2 =	seq.s32 @!p0 s5, $0x0  }
0x1f: {  	s9 =	smul.u32 $0xF7A, s1;
	s8 =	simm.s32 @!p0 $0x1BF5;
	p2 =	por !p2, p0  }
0x20: {  	[sflag:s8] =	ssyncset.s32 @!p0 $0xFFFFF086;
	s6 =	sadd.s32 @!p0 s3, s7;
	s7 =	simm.s32 @!p0 $0x108  }
0x21: {  	s3 =	sadd.s32 s3, s9;
	s6 =	sadd.s32 @!p0 $0x88, s6;
	s7 =	simm.s32 @p2 $0x1082  }
0x22: {  	[simem:s7], [sflag:s8] =	dma.local @!p0 [hbm:s6], $0xF7A  }
0x23: {  	s9 =	sor.u32 $0xD0000000, s2;
	s6 =	simm.s32 $0x108;
	_ =	swait.ge @!p0 [sflag:s8], $0x0  }
0x24: {  	s3 =	sadd.s32 $0x88, s3;
	s6 =	simm.s32 @!p1 $0x1082;
	[sflag:s4] =	ssyncset.s32 $0xFFFFF086  }
0x25: {  	[simem:s6], [sflag:s4] =	dma.local [hbm:s3], $0xF7A  }
0x26: {  	[smem:$0x3F9B] =	sst s1;
	(tag) =	ssettag s2;
	_ =	strace s9  }
0x27: {  	s1 =	sld [smem:$0x3FAB]  }
0x28: {  	s2 =	sld [smem:$0x3FAC]  }
0x29: {  	s4 =	sld [smem:$0x3FAE]  }
0x2a: {  	p0 =	seq.s32 s5, $0x0;
	s5 =	sld [smem:$0x3FAF]  }
0x2b: {  	s6 =	sld [smem:$0x3FB0]  }
0x2c: {  	s7 =	sld [smem:$0x3FB1]  }
0x2d: {  	s3 =	simm.s32 $0x108;
	s8 =	sld [smem:$0x3FB2]  }
0x2e: {  	s3 =	simm.s32 @!p0 $0x1082;
	s9 =	sld [smem:$0x3FB3]  }
0x2f: {  	lr =	sadd.s32 s0, s3;
	s0 =	sld [smem:$0x3FAA]  }
0x30: {  	s3 =	sld [smem:$0x3FAD]  }
0x31: {  	[smem:$0x3FB6] =	sst s10  }
0x32: {  	s10 =	sld [smem:$0x3FB4];
	_ =	sdelay $0x3  }
0x33: {  	p0 =	seq.s32 s10, $0x1;
	s10 =	sld [smem:$0x3FB6];
	_ =	sdelay $0x3  }
0x34: {  	[smem:$0x3FB6] =	sst s10  }
0x35: {  	s10 =	sld [smem:$0x3FB5];
	_ =	sdelay $0x3  }
0x36: {  	p1 =	seq.s32 s10, $0x1;
	s10 =	sld [smem:$0x3FB6];
	_ =	sdelay $0x3  }
0x37: {  	[smem:$0x3FB6] =	sst s10  }
0x38: {  	s10 =	sld [smem:$0x3FB7]  }
0x39: {  	_ = 	snop;
	(pc) =	sbr.ind lr, $3  }
0x3a: {  	_ = 	snop  }
0x3b: {  	_ = 	snop  }
0x3c: {  	p2 =	seq.s32 s10, $0x1;
	s10 =	sld [smem:$0x3FB6]  }
0x3d: {  	_ =	shalt  }
0x3e: {  	_ =	shalt  }
0x3f: {  	_ =	shalt  }
0x40: {  	_ =	shalt  }
0x41: {  	_ =	shalt  }
0x42: {  	_ =	shalt  }
0x43: {  	_ =	shalt  }
0x44: {  	_ =	shalt  }
0x45: {  	_ =	shalt  }
0x46: {  	_ =	shalt  }
0x47: {  	_ =	shalt  }
0x48: {  	_ =	shalt  }
0x49: {  	_ =	shalt  }
0x4a: {  	_ =	shalt  }
0x4b: {  	_ =	shalt  }
0x4c: {  	_ =	shalt  }
0x4d: {  	_ =	shalt  }
0x4e: {  	_ =	shalt  }
0x4f: {  	_ =	shalt  }
0x50: {  	_ =	shalt  }
0x51: {  	_ =	shalt  }
0x52: {  	_ =	shalt  }
0x53: {  	_ =	shalt  }
0x54: {  	_ =	shalt  }
0x55: {  	_ =	shalt  }
0x56: {  	_ =	shalt  }
0x57: {  	_ =	shalt  }
0x58: {  	_ =	shalt  }
0x59: {  	_ =	shalt  }
0x5a: {  	_ =	shalt  }
0x5b: {  	_ =	shalt  }
0x5c: {  	_ =	shalt  }
0x5d: {  	_ =	shalt  }
0x5e: {  	_ =	shalt  }
0x5f: {  	_ =	shalt  }
0x60: {  	_ =	shalt  }
0x61: {  	_ =	shalt  }
0x62: {  	_ =	shalt  }
0x63: {  	_ =	shalt  }
0x64: {  	_ =	shalt  }
0x65: {  	_ =	shalt  }
0x66: {  	_ =	shalt  }
0x67: {  	_ =	shalt  }
0x68: {  	_ =	shalt  }
0x69: {  	_ =	shalt  }
0x6a: {  	_ =	shalt  }
0x6b: {  	_ =	shalt  }
0x6c: {  	_ =	shalt  }
0x6d: {  	_ =	shalt  }
0x6e: {  	_ =	shalt  }
0x6f: {  	_ =	shalt  }
0x70: {  	_ =	shalt  }
0x71: {  	_ =	shalt  }
0x72: {  	_ =	shalt  }
0x73: {  	_ =	shalt  }
0x74: {  	_ =	shalt  }
0x75: {  	_ =	shalt  }
0x76: {  	_ =	shalt  }
0x77: {  	_ =	shalt  }
0x78: {  	_ =	shalt  }
0x79: {  	_ =	shalt  }
0x7a: {  	_ =	shalt  }
0x7b: {  	_ =	shalt  }
0x7c: {  	_ =	shalt  }
0x7d: {  	_ =	shalt  }
0x7e: {  	_ =	shalt  }
0x7f: {  	_ =	shalt  }
0x80: {  	_ =	shalt  }
0x81: {  	_ =	shalt  }
0x82: {  	_ =	shalt  }
0x83: {  	_ =	shalt  }
0x84: {  	_ =	shalt  }
0x85: {  	_ =	shalt  }
0x86: {  	_ =	shalt  }
0x87: {  	_ =	shalt  }
.Lfunc_end0:
.L_simem_size_0:
called_computation_lowered:
.L_overlay_start_0:
0x88: {  	s2 =	sld [smem:$0x3FD9]  }
0x89: {  	s3 =	sld [smem:$0x3FFE];
	_ =	sdelay $0x1  }
0x8a: {  	s1 =	srdreg.scid  }
0x8b: {  	s0 =	sand.u32 $0x1, s1  }
0x8c: {  	s17 =	sshll.u32 s0, $0xA;
	s2 =	sadd.s32 s3, s2  }
0x8d: {  	s2 =	sadd.s32 s2, s17  }
0x8e: {  	[smem:$0x3FC2] =	sst s2  }
0x8f: {  	_ = 	snop  }
0x90: {  	s2 =	sld [smem:$0x3FD0];
	(tm) =	ssettm $0x1  }
0x91: {  	s18 =	sld [smem:$0x3FFB];
	_ =	sdelay $0x3  }
0x92: {  	_ =	strace s18  }
0x93: {  	s3 =	sld [smem:$0x3FFC];
	_ =	sdelay $0x3  }
0x94: {  	_ =	strace s3  }
0x95: {  	s3 =	sld [smem:$0x3FFD];
	_ =	sdelay $0x3  }
0x96: {  	_ =	strace s3  }
0x97: {  	_ =	strace $0x8FFFFFFF  }
0x98: {  	s19 =	sld [smem:$0x3FDB];
	_ =	sdelay $0x1  }
0x99: {  	s4 =	simm.s32 $_scs_section_size  }
0x9a: {  	s5 =	simm.s32 $_size__tile_overlayer_lowered;
	s6 =	simm.s32 $_tile_overlayer_lowered  }
0x9b: {  	s22 =	simm.s32 $0x1BFF;
	s21 =	sshll.u32 s6, $0x1;
	s3 =	sadd.s32 s4, s19  }
0x9c: {  	s7 =	simm.s32 $0x0;
	s20 =	sshll.u32 s5, $0x1;
	s5 =	sadd.s32 s21, s3  }
0x9d: {  	[timem:s7], [sflag:s22] =	dma.local [hbm:s5], s20  }
0x9e: {  	_ =	swait.ge [sflag:s22], s20  }
0x9f: {  	s4 =	ssub.s32 $0x0, s20;
	[sflag:s22] =	ssyncset.done $0x0  }
0xa0: {  	[sflag:s22] =	ssyncadd.s32 s4;
	_ =	sdelay $0x1  }
0xa1: {  	s23 =	simm.s32 $0x1B8B  }
0xa2: {  	_ =	swait.ge [sflag:s23], $0x1  }
0xa3: {  	[sflag:s23] =	ssyncset.done $0x0  }
0xa4: {  	s25 =	simm.s32 $0x1B8E;
	s24 =	sld [smem:$0x3FFE];
	[sflag:s23] =	ssyncadd.s32 $0xFFFFFFFF  }
0xa5: {  	s26 =	simm.s32 $execute0_lowered;
	[smem:$0x3FD2] =	sst s25  }
0xa6: {  	s5 =	sshll.u32 s26, $0x1;
	_ =	strace $0x80000046;
	[dreg:$0x1] =	wrdreg $0xFFFFFFFF  }
0xa7: {  	s28 =	simm.s32 $_size_execute0_lowered;
	s3 =	sadd.s32 s3, s5;
	[dreg:$0x0] =	wrdreg $0x0  }
0xa8: {  	s5 =	sshll.u32 s28, $0x1;
	[dreg:$0x2] =	wrdreg s3  }
0xa9: {  	[dreg:$0x3] =	wrdreg s5  }
0xaa: {  	[dreg:$0x4] =	wrdreg $0xC0  }
0xab: {  	_ =	task [dreg:s7], $0x5FFFF  }
0xac: {  	[dreg:$0x1] =	wrdreg $0xFFFFFFFF  }
0xad: {  	[dreg:$0x0] =	wrdreg $0x60  }
0xae: {  	[dreg:$0x2] =	wrdreg s24  }
0xaf: {  	[dreg:$0x3] =	wrdreg s2  }
0xb0: {  	[dreg:$0x4] =	wrdreg $0x0  }
0xb1: {  	[dreg:$0x5] =	wrdreg $0x9  }
0xb2: {  	_ =	task.clear_ibuf [dreg:s7], $0x6FFFF;
	_ =	strace $0x90000046  }
0xb3: {  	s29 =	simm.s32 $0x9;
	_ =	strace $0x80000048  }
0xb4: {  	_ =	swait.ge [sflag:s29], $0x1  }
0xb5: {  	[sflag:s29] =	ssyncadd.s32 $0xFFFFFFFF  }
0xb6: {  	_ =	strace $0x90000048  }
0xb7: {  	_ =	sfence  }
0xb8: {  	s30 =	sld [smem:$0x0];
	_ =	sdelay $0x2  }
0xb9: {  	s31 =	sshll.u32 s1, $0xD;
	s1 =	sshrl.u32 s1, $0x2  }
0xba: {  	s3 =	sand.u32 $0x4000, s31;
	s1 =	sadd.s32 s1, s30  }
0xbb: {  	s0 =	sor.u32 s3, s0;
	s1 =	sshll.u32 s1, $0x11  }
0xbc: {  	s0 =	sor.u32 s1, s0  }
0xbd: {  	s0 =	sadd.s32 $0x8F2B, s0  }
0xbe: {  	[sflag:s0] =	ssyncadd.remote.s32 $0x1  }
0xbf: {  	_ =	sfence.sel $0xFFFF  }
0xc0: {  	[dreg:$0x0] =	wrdreg $0xFFFFFFFF;
	(pc) =	sbr.abs _section_cstart, $3  }
0xc1: {  	[dreg:$0x1] =	wrdreg $0xFFFFFFFF  }
0xc2: {  	_ =	task.clear_ibuf [dreg:s7], $0x2FFFF;
	_ =	strace $0x9FFFFFFF  }
0xc3: {  	(tm) =	ssettm $0x7FFFFFFF  }
tec
execute0_lowered:
.L_overlay_start_1:
0x0: {  	(tag) =	ssettag $0x1  }
0x1: {  	s0 =	rddreg [dreg:$0x0]  }
0x2: {  	s2 =	rddreg [dreg:$0x2];
	s3 =	simm.s32 $0x0  }
0x3: {  	s4 =	stileid.u32;
	s5 =	srdreg.scid;
	s28 =	simm.s32 $0x2800  }
0x4: {  	s29 =	simm.s32 $0x5;
	s30 =	simm.s32 $0x6;
	s31 =	simm.s32 $0x3  }
0x5: {  	[smem:$0x7FF] =	sst s3;
	s1 =	smul.u32 $0x2780, s4;
	s6 =	sadd.s32 $0xBA00, s0  }
0x6: {  	s7 =	sand.u32 $0x1, s5;
	s8 =	smul.u32 $0x4E20, s4;
	s10 =	sadd.s32 $0x1C00, s0  }
0x7: {  	s5 =	sadd.s32 $0x15800, s0;
	s22 =	sadd.s32 $0x1A410, s0;
	s24 =	smul.u32 $0x9C4, s4  }
0x8: {  	s15 =	sadd.s32 $0x1F410, s0;
	p1 =	sne.s32 s4, $0x0;
	p2 =	seq.s32 s4, $0xF  }
0x9: {  	_ =	strace $0x80000047;
	s9 =	ssub.s32 $0x2, s7;
	p0 =	seq.s32 s7, $0x1  }
0xa: {  	[dreg:$0x7] =	wrdreg s22;
	s22 =	simm.s32 $0x2760;
	s11 =	sshrl.u32 s1, $0x3  }
0xb: {  	s12 =	sshrl.u32 s9, $0x1;
	s8 =	sshrl.u32 s8, $0x3;
	s26 =	sadd.s32 s24, s6  }
0xc: {  	s13 =	sadd.s32 s11, s0;
	s12 =	ssub.s32 s9, s12;
	s14 =	sadd.s32 $0xA, s8  }
0xd: {  	s19 =	sadd.s32 s6, s8;
	s9 =	sadd.s32 s1, s2;
	s11 =	sadd.s32 $0x25080, s2  }
0xe: {  	s23 =	sadd.s32 s10, s8;
	s1 =	sadd.s32 s24, s10;
	s24 =	simm.s32 $0x50  }
0xf: {  	s0 =	simm.s32 $0x4;
	[dreg:$0x4] =	wrdreg s19;
	s20 =	sadd.s32 s6, s14  }
0x10: {  	s21 =	sadd.s32 $0x15A00, s13;
	[dreg:$0x8] =	wrdreg s23;
	s25 =	sadd.s32 s10, s14  }
.Ltmp0:
0x11: {  	s14 =	sadd.s32 $0x1AA00, s13;
	s16 =	smax.u32 s12, $0x1;
	(pc) =	sbr.rel .LBB2_1-.Ltmp0, $4  }
0x12: {  	s12 =	sadd.s32 $0x14, s26;
	s18 =	sadd.s32 $0x14, s1;
	[dreg:$0x5] =	wrdreg s20  }
0x13: {  	s19 =	simm.s32 $0x2850;
	s23 =	simm.s32 $0x1;
	[dreg:$0x6] =	wrdreg s21  }
0x14: {  	s26 =	simm.s32 $0x2;
	s1 =	simm.s32 $0x0;
	[dreg:$0x9] =	wrdreg s25  }
0x15: {  	s20 =	simm.s32 $0x9;
	s21 =	simm.s32 $0x2710;
	s25 =	simm.s32 $0x27B0  }
.LBB2_27:
0x16: {  	_ =	swait.ge [sflag:s29], $0x500  }
0x17: {  	[sflag:s29] =	ssyncset.done $0x0  }
0x18: {  	[sflag:s29] =	ssyncadd.s32 $0xFFFFFB00  }
0x19: {  	_ =	swait.ge [sflag:s30], $0x500  }
0x1a: {  	[sflag:s30] =	ssyncset.done $0x0  }
0x1b: {  	[sflag:s30] =	ssyncadd.s32 $0xFFFFFB00  }
0x1c: {  	s10 =	simm.s32 @p2 $0x1FC9;
	[bflag:$0x0] =	sbarrier.arrive $0xFFFF  }
0x1d: {  	[hbm:s15], [sflag:s10] =	dma.local @p2 [spmem:s8], $0x410  }
0x1e: {  	s8 =	simm.s32 @p2 $0x9  }
0x1f: {  	_ =	swait.ge @p2 [sflag:s8], $0x410  }
0x20: {  	[sflag:s8] =	ssyncset.done @p2 $0x0  }
0x21: {  	[sflag:s8] =	ssyncadd.s32 @p2 $0xFFFFFBF0  }
0x22: {  	[hbm:s14], [sflag:s7] =	dma.local @!p2 [spmem:s6], $0x4F0  }
0x23: {  	s6 =	simm.s32 @!p2 $0x9  }
0x24: {  	_ =	swait.ge @!p2 [sflag:s6], $0x4F0  }
0x25: {  	[sflag:s6] =	ssyncset.done @!p2 $0x0  }
0x26: {  	[sflag:s6] =	ssyncadd.s32 @!p2 $0xFFFFFB10  }
.LBB2_28:
0x27: {  	s1 =	sadd.s32 $0x1, s1  }
0x28: {  	p3 =	sne.s32 s1, s16  }
.Ltmp1:
0x29: {  	_ = 	snop;
	(pc) =	sbr.rel @!p3 .LBB2_29-.Ltmp1, $1  }
0x2a: {  	_ =	sdelay $0x3  }
.LBB2_1:
0x2b: {  	[tilespmem:s19], [sflag:$0x9] =	stream.linear.gather [hbm4b:s5+s3], $0x500, $0x38;
	[tilespmem:$0x2D50] =	vst v63  }
0x2c: {  	_ =	swait.ge [sflag:s20], $0x500  }
0x2d: {  	[sflag:s20] =	ssyncset.done $0x0  }
0x2e: {  	[sflag:s20] =	ssyncadd.s32 $0xFFFFFB00  }
0x2f: {  	s6 =	sshrl.u32 @!p1 s2, $0x3;
	s7 =	simm.s32 @!p1 $0x1C09;
	s8 =	rddreg [dreg:$0x1]  }
0x30: {  	[spmem:s6], [sflag:s7] =	dma.local @!p1 [hbm:s8], $0x4E20  }
.Ltmp2:
0x31: {  	_ = 	snop;
	(pc) =	sbr.rel @!p0 .LBB2_2-.Ltmp2, $4  }
0x32: {  	s6 =	simm.s32 @!p1 $0x9  }
0x33: {  	s10 =	simm.s32 $0x0;
	_ =	swait.ge @!p1 [sflag:s6], $0x4E20  }
0x34: {  	s7 =	sshll.u32 @!p2 s4, $0x6;
	s8 =	sshrl.u32 @p2 s11, $0x3;
	[sflag:s6] =	ssyncset.done @!p1 $0x0  }
0x35: {  	s7 =	sor.u32 @!p2 $0x1C09, s7;
	[sflag:s6] =	ssyncadd.s32 @!p1 $0xFFFFB1E0;
	s6 =	sshrl.u32 @!p2 s9, $0x3  }
0x36: {  	s13 =	rddreg [dreg:$0x8]  }
0x37: {  	[tilespmem:s21], [sflag:$0x1] =	stream.linear.gather [hbm4b:s13+s10], $0x50, $0x38;
	[tilespmem:$0x2D50] =	vst v63  }
.Ltmp3:
0x38: {  	_ = 	snop;
	(pc) =	sbr.rel .LBB2_16-.Ltmp3, $4  }
0x39: {  	s17 =	rddreg [dreg:$0x9]  }
0x3a: {  	[tilespmem:s22], [sflag:$0x2] =	stream.linear.gather [hbm4b:s17+s10], $0x50, $0x38;
	[tilespmem:$0x2D50] =	vst v63  }
0x3b: {  	[bflag:$0x0] =	sbarrier.arrive $0xFFFF  }
0x3c: {  	s17 =	smov.u32 s18  }
.LBB2_25:
0x3d: {  	_ =	swait.ge [sflag:s0], $0x50  }
0x3e: {  	[sflag:s0] =	ssyncset.done $0x0  }
0x3f: {  	s13 =	simm.s32 @!p3 $0x6;
	[sflag:s0] =	ssyncadd.s32 $0xFFFFFFB0  }
0x40: {  	[spmem:s2] =	stream.indirect.scatter.add.f32 [tilespmem:s19], [sflag:$0x8], $0x10, s28, s24, $0xb8;
	[tilespmem:$0x2D50] =	vst v63  }
0x41: {  	_ =	swait.ge @!p3 [sflag:s13], $0x500  }
0x42: {  	[sflag:s13] =	ssyncset.done @!p3 $0x0  }
0x43: {  	p4 =	por p3, !p4;
	[sflag:s13] =	ssyncadd.s32 @!p3 $0xFFFFFB00  }
0x44: {  	[tilespmem:s22], [sflag:$0x2] =	stream.linear.gather @p4 [hbm4b:s17+s3], $0x50, $0x38;
	[tilespmem:$0x2D50] =	vst v63  }
.LBB2_26:
0x45: {  	s10 =	sadd.s32 $0x1, s10  }
0x46: {  	p3 =	sne.s32 s10, $0xFA  }
.Ltmp4:
0x47: {  	_ = 	snop;
	(pc) =	sbr.rel @!p3 .LBB2_27-.Ltmp4, $2  }
0x48: {  	_ =	sdelay $0x2  }
0x49: {  	s17 =	sadd.s32 $0xA, s17  }
.LBB2_16:
0x4a: {  	s13 =	sand.u32 $0x3, s10  }
0x4b: {  	p3 =	sgt.s32 s13, $0x1  }
.Ltmp5:
0x4c: {  	_ = 	snop;
	(pc) =	sbr.rel @p3 .LBB2_24-.Ltmp5, $1  }
0x4d: {  	_ =	sdelay $0x3  }
0x4e: {  	p3 =	seq.s32 s13, $0x0  }
.Ltmp6:
0x4f: {  	_ = 	snop;
	(pc) =	sbr.rel @!p3 .LBB2_20-.Ltmp6, $1  }
0x50: {  	_ =	sdelay $0x3  }
0x51: {  	p3 =	slt.u32 s10, $0x2  }
0x52: {  	_ =	swait.ge [sflag:s23], $0x50;
	p4 =	sgt.u32 @!p3 s10, $0xF7  }
0x53: {  	[sflag:s23] =	ssyncset.done $0x0;
	p4 =	por p3, !p4  }
.Ltmp7:
0x54: {  	s13 =	simm.s32 @!p3 $0x7;
	[sflag:s23] =	ssyncadd.s32 $0xFFFFFFB0;
	(pc) =	sbr.rel @!p4 .LBB2_26-.Ltmp7, $4  }
0x55: {  	[spmem:s2] =	stream.indirect.scatter.add.f32 [tilespmem:s19], [sflag:$0x5], $0x10, s21, s24, $0xb8;
	[tilespmem:$0x2D50] =	vst v63  }
0x56: {  	_ =	swait.ge @!p3 [sflag:s13], $0x500  }
0x57: {  	[sflag:s13] =	ssyncset.done @!p3 $0x0  }
0x58: {  	[sflag:s13] =	ssyncadd.s32 @!p3 $0xFFFFFB00  }
.Ltmp8:
0x59: {  	(pc) =	sbr.rel .LBB2_26-.Ltmp8, $2  }
0x5a: {  	_ =	sdelay $0x2  }
0x5b: {  	[tilespmem:s25], [sflag:$0x3] =	stream.linear.gather [hbm4b:s17+s3], $0x50, $0x38;
	[tilespmem:$0x2D50] =	vst v63  }
.LBB2_24:
0x5c: {  	p5 =	seq.s32 s13, $0x2  }
.Ltmp9:
0x5d: {  	_ = 	snop;
	(pc) =	sbr.rel @!p5 .LBB2_25-.Ltmp9, $3  }
0x5e: {  	_ =	sdelay $0x1  }
0x5f: {  	p3 =	slt.u32 s10, $0x2  }
0x60: {  	p4 =	sgt.u32 @!p3 s10, $0xF7  }
0x61: {  	_ =	swait.ge [sflag:s31], $0x50  }
0x62: {  	p4 =	por p3, !p4;
	[sflag:s31] =	ssyncset.done $0x0  }
.Ltmp10:
0x63: {  	s13 =	simm.s32 @!p3 $0x5;
	[sflag:s31] =	ssyncadd.s32 $0xFFFFFFB0;
	(pc) =	sbr.rel @!p4 .LBB2_26-.Ltmp10, $4  }
0x64: {  	[spmem:s2] =	stream.indirect.scatter.add.f32 [tilespmem:s19], [sflag:$0x7], $0x10, s25, s24, $0xb8;
	[tilespmem:$0x2D50] =	vst v63  }
0x65: {  	_ =	swait.ge @!p3 [sflag:s13], $0x500  }
0x66: {  	[sflag:s13] =	ssyncset.done @!p3 $0x0  }
0x67: {  	[sflag:s13] =	ssyncadd.s32 @!p3 $0xFFFFFB00  }
.Ltmp11:
0x68: {  	(pc) =	sbr.rel .LBB2_26-.Ltmp11, $2  }
0x69: {  	_ =	sdelay $0x2  }
0x6a: {  	[tilespmem:s21], [sflag:$0x1] =	stream.linear.gather [hbm4b:s17+s3], $0x50, $0x38;
	[tilespmem:$0x2D50] =	vst v63  }
.LBB2_20:
0x6b: {  	p3 =	slt.u32 s10, $0x2  }
0x6c: {  	_ =	swait.ge [sflag:s26], $0x50;
	p4 =	sgt.u32 @!p3 s10, $0xF7  }
0x6d: {  	[sflag:s26] =	ssyncset.done $0x0;
	p4 =	por p3, !p4  }
.Ltmp12:
0x6e: {  	s13 =	simm.s32 @!p3 $0x8;
	[sflag:s26] =	ssyncadd.s32 $0xFFFFFFB0;
	(pc) =	sbr.rel @!p4 .LBB2_26-.Ltmp12, $4  }
0x6f: {  	[spmem:s2] =	stream.indirect.scatter.add.f32 [tilespmem:s19], [sflag:$0x6], $0x10, s22, s24, $0xb8;
	[tilespmem:$0x2D50] =	vst v63  }
0x70: {  	_ =	swait.ge @!p3 [sflag:s13], $0x500  }
0x71: {  	[sflag:s13] =	ssyncset.done @!p3 $0x0  }
0x72: {  	[sflag:s13] =	ssyncadd.s32 @!p3 $0xFFFFFB00  }
.Ltmp13:
0x73: {  	(pc) =	sbr.rel .LBB2_26-.Ltmp13, $2  }
0x74: {  	_ =	sdelay $0x2  }
0x75: {  	[tilespmem:s28], [sflag:$0x4] =	stream.linear.gather [hbm4b:s17+s3], $0x50, $0x38;
	[tilespmem:$0x2D50] =	vst v63  }
.LBB2_2:
0x76: {  	s13 =	rddreg [dreg:$0x4]  }
0x77: {  	[tilespmem:s21], [sflag:$0x1] =	stream.linear.gather [hbm4b:s13+s10], $0x50, $0x38;
	[tilespmem:$0x2D50] =	vst v63  }
.Ltmp14:
0x78: {  	_ = 	snop;
	(pc) =	sbr.rel .LBB2_3-.Ltmp14, $4  }
0x79: {  	s17 =	rddreg [dreg:$0x5]  }
0x7a: {  	[tilespmem:s22], [sflag:$0x2] =	stream.linear.gather [hbm4b:s17+s10], $0x50, $0x38;
	[tilespmem:$0x2D50] =	vst v63  }
0x7b: {  	[bflag:$0x0] =	sbarrier.arrive $0xFFFF  }
0x7c: {  	s17 =	smov.u32 s12  }
.LBB2_12:
0x7d: {  	_ =	swait.ge [sflag:s0], $0x50  }
0x7e: {  	[sflag:s0] =	ssyncset.done $0x0  }
0x7f: {  	s13 =	simm.s32 @!p3 $0x6;
	[sflag:s0] =	ssyncadd.s32 $0xFFFFFFB0  }
0x80: {  	[spmem:s2] =	stream.indirect.scatter.add.f32 [tilespmem:s19], [sflag:$0x8], $0x10, s28, s24, $0xb8;
	[tilespmem:$0x2D50] =	vst v63  }
0x81: {  	_ =	swait.ge @!p3 [sflag:s13], $0x500  }
0x82: {  	[sflag:s13] =	ssyncset.done @!p3 $0x0  }
0x83: {  	p4 =	por p3, !p4;
	[sflag:s13] =	ssyncadd.s32 @!p3 $0xFFFFFB00  }
0x84: {  	[tilespmem:s22], [sflag:$0x2] =	stream.linear.gather @p4 [hbm4b:s17+s3], $0x50, $0x38;
	[tilespmem:$0x2D50] =	vst v63  }
.LBB2_13:
0x85: {  	s10 =	sadd.s32 $0x1, s10  }
0x86: {  	p3 =	sne.s32 s10, $0xFA  }
.Ltmp15:
0x87: {  	_ = 	snop;
	(pc) =	sbr.rel @!p3 .LBB2_14-.Ltmp15, $2  }
0x88: {  	_ =	sdelay $0x2  }
0x89: {  	s17 =	sadd.s32 $0xA, s17  }
.LBB2_3:
0x8a: {  	s13 =	sand.u32 $0x3, s10  }
0x8b: {  	p3 =	sgt.s32 s13, $0x1  }
.Ltmp16:
0x8c: {  	_ = 	snop;
	(pc) =	sbr.rel @p3 .LBB2_11-.Ltmp16, $1  }
0x8d: {  	_ =	sdelay $0x3  }
0x8e: {  	p3 =	seq.s32 s13, $0x0  }
.Ltmp17:
0x8f: {  	_ = 	snop;
	(pc) =	sbr.rel @!p3 .LBB2_7-.Ltmp17, $1  }
0x90: {  	_ =	sdelay $0x3  }
0x91: {  	p3 =	slt.u32 s10, $0x2  }
0x92: {  	_ =	swait.ge [sflag:s23], $0x50;
	p4 =	sgt.u32 @!p3 s10, $0xF7  }
0x93: {  	[sflag:s23] =	ssyncset.done $0x0;
	p4 =	por p3, !p4  }
.Ltmp18:
0x94: {  	s13 =	simm.s32 @!p3 $0x7;
	[sflag:s23] =	ssyncadd.s32 $0xFFFFFFB0;
	(pc) =	sbr.rel @!p4 .LBB2_13-.Ltmp18, $4  }
0x95: {  	[spmem:s2] =	stream.indirect.scatter.add.f32 [tilespmem:s19], [sflag:$0x5], $0x10, s21, s24, $0xb8;
	[tilespmem:$0x2D50] =	vst v63  }
0x96: {  	_ =	swait.ge @!p3 [sflag:s13], $0x500  }
0x97: {  	[sflag:s13] =	ssyncset.done @!p3 $0x0  }
0x98: {  	[sflag:s13] =	ssyncadd.s32 @!p3 $0xFFFFFB00  }
.Ltmp19:
0x99: {  	(pc) =	sbr.rel .LBB2_13-.Ltmp19, $2  }
0x9a: {  	_ =	sdelay $0x2  }
0x9b: {  	[tilespmem:s25], [sflag:$0x3] =	stream.linear.gather [hbm4b:s17+s3], $0x50, $0x38;
	[tilespmem:$0x2D50] =	vst v63  }
.LBB2_11:
0x9c: {  	p5 =	seq.s32 s13, $0x2  }
.Ltmp20:
0x9d: {  	_ = 	snop;
	(pc) =	sbr.rel @!p5 .LBB2_12-.Ltmp20, $3  }
0x9e: {  	_ =	sdelay $0x1  }
0x9f: {  	p3 =	slt.u32 s10, $0x2  }
0xa0: {  	p4 =	sgt.u32 @!p3 s10, $0xF7  }
0xa1: {  	_ =	swait.ge [sflag:s31], $0x50  }
0xa2: {  	p4 =	por p3, !p4;
	[sflag:s31] =	ssyncset.done $0x0  }
.Ltmp21:
0xa3: {  	s13 =	simm.s32 @!p3 $0x5;
	[sflag:s31] =	ssyncadd.s32 $0xFFFFFFB0;
	(pc) =	sbr.rel @!p4 .LBB2_13-.Ltmp21, $4  }
0xa4: {  	[spmem:s2] =	stream.indirect.scatter.add.f32 [tilespmem:s19], [sflag:$0x7], $0x10, s25, s24, $0xb8;
	[tilespmem:$0x2D50] =	vst v63  }
0xa5: {  	_ =	swait.ge @!p3 [sflag:s13], $0x500  }
0xa6: {  	[sflag:s13] =	ssyncset.done @!p3 $0x0  }
0xa7: {  	[sflag:s13] =	ssyncadd.s32 @!p3 $0xFFFFFB00  }
.Ltmp22:
0xa8: {  	(pc) =	sbr.rel .LBB2_13-.Ltmp22, $2  }
0xa9: {  	_ =	sdelay $0x2  }
0xaa: {  	[tilespmem:s21], [sflag:$0x1] =	stream.linear.gather [hbm4b:s17+s3], $0x50, $0x38;
	[tilespmem:$0x2D50] =	vst v63  }
.LBB2_7:
0xab: {  	p3 =	slt.u32 s10, $0x2  }
0xac: {  	_ =	swait.ge [sflag:s26], $0x50;
	p4 =	sgt.u32 @!p3 s10, $0xF7  }
0xad: {  	[sflag:s26] =	ssyncset.done $0x0;
	p4 =	por p3, !p4  }
.Ltmp23:
0xae: {  	s13 =	simm.s32 @!p3 $0x8;
	[sflag:s26] =	ssyncadd.s32 $0xFFFFFFB0;
	(pc) =	sbr.rel @!p4 .LBB2_13-.Ltmp23, $4  }
0xaf: {  	[spmem:s2] =	stream.indirect.scatter.add.f32 [tilespmem:s19], [sflag:$0x6], $0x10, s22, s24, $0xb8;
	[tilespmem:$0x2D50] =	vst v63  }
0xb0: {  	_ =	swait.ge @!p3 [sflag:s13], $0x500  }
0xb1: {  	[sflag:s13] =	ssyncset.done @!p3 $0x0  }
0xb2: {  	[sflag:s13] =	ssyncadd.s32 @!p3 $0xFFFFFB00  }
.Ltmp24:
0xb3: {  	(pc) =	sbr.rel .LBB2_13-.Ltmp24, $2  }
0xb4: {  	_ =	sdelay $0x2  }
0xb5: {  	[tilespmem:s28], [sflag:$0x4] =	stream.linear.gather [hbm4b:s17+s3], $0x50, $0x38;
	[tilespmem:$0x2D50] =	vst v63  }
.LBB2_14:
0xb6: {  	_ =	swait.ge [sflag:s29], $0x500  }
0xb7: {  	[sflag:s29] =	ssyncset.done $0x0  }
0xb8: {  	[sflag:s29] =	ssyncadd.s32 $0xFFFFFB00  }
0xb9: {  	_ =	swait.ge [sflag:s30], $0x500  }
0xba: {  	[sflag:s30] =	ssyncset.done $0x0  }
0xbb: {  	[sflag:s30] =	ssyncadd.s32 $0xFFFFFB00  }
0xbc: {  	[bflag:$0x0] =	sbarrier.arrive $0xFFFF  }
0xbd: {  	s10 =	simm.s32 @p2 $0x1FC9;
	s13 =	rddreg [dreg:$0x7]  }
0xbe: {  	[hbm:s13], [sflag:s10] =	dma.local @p2 [spmem:s8], $0x410  }
0xbf: {  	s8 =	simm.s32 @p2 $0x9  }
0xc0: {  	_ =	swait.ge @p2 [sflag:s8], $0x410  }
0xc1: {  	[sflag:s8] =	ssyncset.done @p2 $0x0  }
0xc2: {  	[sflag:s8] =	ssyncadd.s32 @p2 $0xFFFFFBF0;
	s8 =	rddreg [dreg:$0x6]  }
0xc3: {  	[hbm:s8], [sflag:s7] =	dma.local @!p2 [spmem:s6], $0x4F0  }
.Ltmp25:
0xc4: {  	_ = 	snop;
	(pc) =	sbr.rel .LBB2_28-.Ltmp25, $4  }
0xc5: {  	s6 =	simm.s32 @!p2 $0x9  }
0xc6: {  	_ =	swait.ge @!p2 [sflag:s6], $0x4F0  }
0xc7: {  	[sflag:s6] =	ssyncset.done @!p2 $0x0  }
0xc8: {  	[sflag:s6] =	ssyncadd.s32 @!p2 $0xFFFFFB10  }
.LBB2_29:
0xc9: {  	_ =	sfence.sel $0x180000  }
0xca: {  	[bflag:$0x0] =	sbarrier.arrive $0xFFFF  }
0xcb: {  	_ =	strace $0x90000047  }
0xcc: {  	[bflag:$0x2] =	sbarrier.arrive $0xFFFF  }
0xcd: {  	s0 =	rddreg [dreg:$0x3]  }
0xce: {  	s0 =	sadd.s32 @!p1 $0x100000, s0  }
0xcf: {  	[sflag:s0] =	ssyncadd.tile.s32 @!p1 $0x1;
	_ =	shalt  }
.Lfunc_end2:
_tile_overlayer_lowered:
.L_overlay_start_2:
0xd0: {  	(tag) =	ssettag $0x2  }
0xd1: {  	s0 =	rddreg [dreg:$0x0];
	s2 =	stileid.u32  }
0xd2: {  	s1 =	rddreg [dreg:$0x1];
	p0 =	sne.s32 s2, $0x0  }
0xd3: {  	s3 =	rddreg [dreg:$0x2];
	[bflag:$0x3] =	sbarrier.arrive $0xFFFF;
	s2 =	simm.s32 @!p0 $0x1C09  }
0xd4: {  	[timem:s3], [sflag:s2] =	dma.local @!p0 [hbm:s0], s1  }
0xd5: {  	s0 =	simm.s32 @!p0 $0x9  }
0xd6: {  	_ =	swait.ge @!p0 [sflag:s0], s1  }
0xd7: {  	s1 =	ssub.s32 @!p0 $0x0, s1;
	[sflag:s0] =	ssyncset.done @!p0 $0x0  }
0xd8: {  	[sflag:s0] =	ssyncadd.s32 @!p0 s1  }
0xd9: {  	[bflag:$0x3] =	sbarrier.arrive $0xFFFF  }
0xda: {  	_ =	shalt  }

</sc_bundles>
